<compile_context>
chip_gen: v7x
topology: tpu7x:2x2x1
jax: 0.10.2.dev20260603
libtpu: 0.0.44.dev20260713+nightly
codegen_flags: <defaults>
</compile_context>

<pallas_src>
import functools

import jax
import jax.numpy as jnp
from jax import lax
from jax.experimental import pallas as pl
from jax.experimental.pallas import tpu as pltpu
from jax.experimental.pallas import tpu_sc as plsc

F32 = jnp.float32



def _tc_pre_body(h2_ref, w1_ref, ats_ref, atd_ref, xp_ref, as_ref, ad_ref):
    x1 = jnp.dot(h2_ref[...], w1_ref[...], preferred_element_type=F32)
    as_ref[...] = jnp.sum(x1 * ats_ref[...], axis=1, keepdims=True)
    ad_ref[...] = jnp.sum(x1 * atd_ref[...], axis=1, keepdims=True)
    xp_ref[...] = jnp.stack([x1[:, :128], x1[:, 128:]], axis=0)


def _tc_pre(h2, W1, att_src1, att_dst1, n, blk):
    grid = n // blk
    return pl.pallas_call(
        _tc_pre_body,
        grid=(grid,),
        in_specs=[
            pl.BlockSpec((blk, 128), lambda i: (i, 0)),
            pl.BlockSpec((128, 256), lambda i: (0, 0)),
            pl.BlockSpec((1, 256), lambda i: (0, 0)),
            pl.BlockSpec((1, 256), lambda i: (0, 0)),
        ],
        out_specs=[
            pl.BlockSpec((2, blk, 128), lambda i: (0, i, 0)),
            pl.BlockSpec((blk, 1), lambda i: (i, 0)),
            pl.BlockSpec((blk, 1), lambda i: (i, 0)),
        ],
        out_shape=[
            jax.ShapeDtypeStruct((2, n, 128), F32),
            jax.ShapeDtypeStruct((n, 1), F32),
            jax.ShapeDtypeStruct((n, 1), F32),
        ],
    )(h2, W1, att_src1.reshape(1, 256), att_dst1.reshape(1, 256))


def _tc_mm_body(w2_ref, m_ref):
    m_ref[...] = lax.dot_general(
        w2_ref[...], w2_ref[...], (((1,), (1,)), ((), ())),
        preferred_element_type=F32)


def _tc_mm(W2):
    return pl.pallas_call(
        _tc_mm_body,
        out_shape=jax.ShapeDtypeStruct((256, 256), F32),
    )(W2)


def _elu(x):
    return jnp.where(x > 0, x, jnp.exp(jnp.minimum(x, 0.0)) - 1.0)


def _tc_mid_body(lo_ref, hi_ref, s_ref, w2_ref, m_ref, h2n_ref, x3_ref):
    acc = jnp.concatenate([lo_ref[...], hi_ref[...]], axis=1)
    s = lax.dot_general(s_ref[...], jnp.full((32, 1), 0.5, F32),
                        (((1,), (0,)), ((), ())), preferred_element_type=F32)
    h1 = _elu(acc / (s + 1e-16))
    h2n_ref[...] = jnp.dot(h1, w2_ref[...], preferred_element_type=F32)
    x3 = jnp.dot(h1, m_ref[...], preferred_element_type=F32)
    x3_ref[...] = jnp.stack([x3[:, :128], x3[:, 128:]], axis=0)


def _tc_mid(out1p, s16, W2, M, n, blk):
    grid = n // blk
    nb = n // blk
    return pl.pallas_call(
        _tc_mid_body,
        grid=(grid,),
        in_specs=[
            pl.BlockSpec((blk, 128), lambda i: (i, 0)),
            pl.BlockSpec((blk, 128), lambda i, _nb=nb: (i + _nb, 0)),
            pl.BlockSpec((blk, 32), lambda i: (i, 0)),
            pl.BlockSpec((256, 128), lambda i: (0, 0)),
            pl.BlockSpec((256, 256), lambda i: (0, 0)),
        ],
        out_specs=[
            pl.BlockSpec((blk, 128), lambda i: (i, 0)),
            pl.BlockSpec((2, blk, 128), lambda i: (0, i, 0)),
        ],
        out_shape=[
            jax.ShapeDtypeStruct((n, 128), F32),
            jax.ShapeDtypeStruct((2, n, 128), F32),
        ],
    )(out1p, out1p, s16, W2, M)


def _tc_post_body(lo_ref, hi_ref, s_ref, w4_ref, h4_ref):
    acc = jnp.concatenate([lo_ref[...], hi_ref[...]], axis=1)
    s = lax.dot_general(s_ref[...], jnp.full((32, 1), 0.5, F32),
                        (((1,), (0,)), ((), ())), preferred_element_type=F32)
    h3 = _elu(acc / (s + 1e-16))
    h4_ref[...] = jnp.dot(h3, w4_ref[...], preferred_element_type=F32)


def _tc_post(out3p, s16, W4, n, blk):
    grid = n // blk
    nb = n // blk
    return pl.pallas_call(
        _tc_post_body,
        grid=(grid,),
        in_specs=[
            pl.BlockSpec((blk, 128), lambda i: (i, 0)),
            pl.BlockSpec((blk, 128), lambda i, _nb=nb: (i + _nb, 0)),
            pl.BlockSpec((blk, 32), lambda i: (i, 0)),
            pl.BlockSpec((256, 512), lambda i: (0, 0)),
        ],
        out_specs=pl.BlockSpec((blk, 512), lambda i: (i, 0)),
        out_shape=jax.ShapeDtypeStruct((n, 512), F32),
    )(out3p, out3p, s16, W4)



_NC = 2
_NS = 16
_CH = 80


def _make_spmm(n, e, with_s):
    ch = _CH
    ept = e // _NS
    nchunks = ept // ch
    zr = n // 10
    assert e % _NS == 0 and ept % ch == 0
    assert n % 80 == 0 and zr % 8 == 0

    mesh = plsc.VectorSubcoreMesh(core_axis_name="c", subcore_axis_name="s")

    out_types = [jax.ShapeDtypeStruct((2 * n, 128), F32)]
    scratch = [
        pltpu.VMEM_SHARED((n, 128), F32),
        pltpu.VMEM((n,), F32),
        pltpu.VMEM((n,), F32),
        pltpu.VMEM((ch,), jnp.int32),
        pltpu.VMEM((ch,), jnp.int32),
        pltpu.VMEM((ch,), jnp.int32),
        pltpu.VMEM((ch, 128), F32),
        pltpu.VMEM((ch,), F32),
        pltpu.VMEM((40, 128), F32),
        pltpu.SemaphoreType.DMA,
    ]
    if with_s:
        out_types.append(jax.ShapeDtypeStruct((2 * _NS, n), F32))
        scratch += [
            pltpu.VMEM((n,), F32),
        ]

    @functools.partial(
        pl.kernel, mesh=mesh, out_type=out_types, scratch_types=scratch,
        compiler_params=pltpu.CompilerParams(needs_layout_passes=False))
    def spmm(xp, srch, dsth, asrch, adsth, *refs):
        if with_s:
            (outp, s_out, acc, asrc, adst, isrc, idst, ig, rows, ev, zbuf,
             sem, s_part) = refs
        else:
            outp, acc, asrc, adst, isrc, idst, ig, rows, ev, zbuf, sem = refs
        c = lax.axis_index("c")
        t = lax.axis_index("s")
        zero16 = jnp.zeros((16,), F32)

        def _zrow(i, _):
            for f in range(8):
                zbuf[i, pl.ds(f * 16, 16)] = zero16
            return 0
        lax.fori_loop(0, 40, _zrow, 0)
        if with_s:
            def _zs(i, _):
                s_part[pl.ds(i * 16, 16)] = zero16
                return 0
            lax.fori_loop(0, n // 16, _zs, 0)

        @pl.when(t < 10)
        def _zero_acc():
            for j in range(zr // 40):
                pltpu.sync_copy(zbuf, acc.at[pl.ds(t * zr + j * 40, 40)])

        pltpu.sync_copy(asrch, asrc)
        pltpu.sync_copy(adsth, adst)
        plsc.subcore_barrier()

        lane = lax.broadcasted_iota(jnp.int32, (16,), 0)
        base0 = t * ept

        def chunk_body(k, _):
            base = base0 + k * ch
            pltpu.sync_copy(srch.at[pl.ds(base, ch)], isrc)
            pltpu.sync_copy(dsth.at[pl.ds(base, ch)], idst)

            def grp(g, _):
                sv = isrc[pl.ds(g * 16, 16)]
                dv = idst[pl.ds(g * 16, 16)]
                al = (plsc.load_gather(asrc, [sv])
                      + plsc.load_gather(adst, [dv]))
                al = jnp.where(al >= 0, al, 0.2 * al)
                evv = jnp.exp(al)
                ev[pl.ds(g * 16, 16)] = evv
                ig[pl.ds(g * 16, 16)] = sv + c * n
                if with_s:
                    plsc.addupdate_scatter(s_part, [dv], evv)
                return 0
            lax.fori_loop(0, ch // 16, grp, 0)

            pltpu.async_copy(xp.at[ig], rows, sem).wait()

            def scale(g, _):
                evg = ev[pl.ds(g * 16, 16)]
                for j in range(16):
                    ek = evg[j]
                    kk = g * 16 + j
                    for f in range(8):
                        rows[kk, pl.ds(f * 16, 16)] = (
                            rows[kk, pl.ds(f * 16, 16)] * ek)
                return 0
            lax.fori_loop(0, ch // 16, scale, 0)

            pltpu.sync_copy(rows, acc.at[idst], add=True)
            return 0
        lax.fori_loop(0, nchunks, chunk_body, 0)

        plsc.subcore_barrier()

        @pl.when(t < 10)
        def _flush_acc():
            pltpu.sync_copy(acc.at[pl.ds(t * zr, zr)],
                            outp.at[pl.ds(c * n + t * zr, zr)])
        if with_s:
            pltpu.sync_copy(s_part, s_out.at[c * _NS + t])
    return spmm



def kernel(h2, edge_index, W1, att_src1, att_dst1, W2, W4):
    n = h2.shape[0]
    e = edge_index.shape[1]
    blk = 1000
    src = edge_index[0]
    dst = edge_index[1]

    xp3, a_src, a_dst = _tc_pre(h2, W1, att_src1, att_dst1, n, blk)
    M = _tc_mm(W2)

    asrc = a_src.reshape(n)
    adst = a_dst.reshape(n)

    spmm_s = _make_spmm(n, e, with_s=True)
    spmm = _make_spmm(n, e, with_s=False)

    out1p, s_parts = spmm_s(xp3.reshape(2 * n, 128), src, dst, asrc, adst)
    s16 = s_parts.T
    h2n, x3p3 = _tc_mid(out1p, s16, W2, M, n, blk)
    out3p = spmm(x3p3.reshape(2 * n, 128), src, dst, asrc, adst)
    if isinstance(out3p, (list, tuple)):
        out3p = out3p[0]
    h4 = _tc_post(out3p, s16, W4, n, blk)
    return (h2n, h4)

# --- scband reference (transcript-rebuilt; emitter-appended) ---
"""Pipeline reference for scband-stacame-decoder-77644418777394 (READ-ONLY COPY).

The authoritative reference and input builder live on the scoring server;
editing this copy changes nothing except your own understanding.
"""

import jax, jax.numpy as jnp
import numpy as np

N = 10000
E = 320000
IN_DIM, HID, OUT_DIM = 512, 256, 128


def setup_inputs(seed: int = 0) -> dict:
    key = jax.random.key(seed)
    ks = jax.random.split(key, 8)
    h2 = jax.random.normal(ks[0], (N, OUT_DIM), dtype=jnp.float32)
    edge_index = jax.random.randint(ks[1], (2, E), 0, N, dtype=jnp.int32)
    s = 0.05
    W1 = jax.random.normal(ks[2], (OUT_DIM, HID), dtype=jnp.float32) * s
    att_src1 = jax.random.normal(ks[3], (HID,), dtype=jnp.float32) * s
    att_dst1 = jax.random.normal(ks[4], (HID,), dtype=jnp.float32) * s
    W2 = jax.random.normal(ks[5], (HID, OUT_DIM), dtype=jnp.float32) * s
    W4 = jax.random.normal(ks[6], (HID, IN_DIM), dtype=jnp.float32) * s
    return {"h2": h2, "edge_index": edge_index, "W1": W1, "att_src1": att_src1, "att_dst1": att_dst1, "W2": W2, "W4": W4}


def _leaky_relu(x, ns=0.2):
    return jnp.where(x >= 0, x, ns * x)


def _edge_softmax(alpha, dst, num_nodes):
    # PyG-style softmax grouped by destination node
    m = jax.ops.segment_max(alpha, dst, num_segments=num_nodes)
    m = jnp.where(jnp.isfinite(m), m, 0.0)
    e = jnp.exp(alpha - m[dst])
    s = jax.ops.segment_sum(e, dst, num_segments=num_nodes)
    return e / (s[dst] + 1e-16)


def _gat_propagate(x, src, dst, alpha_src, alpha_dst, num_nodes):
    # message: x_j * softmax(leaky_relu(alpha_src[j] + alpha_dst[i])) aggregated at i
    a = _leaky_relu(alpha_src[src] + alpha_dst[dst])
    a = _edge_softmax(a, dst, num_nodes)
    msg = x[src] * a[:, None]
    return jax.ops.segment_sum(msg, dst, num_segments=num_nodes)


def reference(h2, edge_index, W1, att_src1, att_dst1, W2, W4):
    src = edge_index[0]
    dst = edge_index[1]
    n = h2.shape[0]
    # conv1: GAT with attention (heads=1, concat=False, no self loops, no bias)
    x1 = h2 @ W1
    a_src = x1 @ att_src1
    a_dst = x1 @ att_dst1
    out1 = _gat_propagate(x1, src, dst, a_src, a_dst, n)
    h1 = jax.nn.elu(out1)
    # conv2 with attention=False: returns only the linear transform (mean over 1 head)
    h2n = h1 @ W2
    # conv3: lin tied to conv2 transpose, attention tied to conv1's alphas
    x3 = h2n @ W2.T
    out3 = _gat_propagate(x3, src, dst, a_src, a_dst, n)
    h3 = jax.nn.elu(out3)
    # conv4 with attention=False: linear only
    h4 = h3 @ W4
    return (h2n, h4)

if __name__ == "__main__":
    import jax
    _d = setup_inputs()
    print(jax.jit(kernel)(*tuple(_d.values())))

</pallas_src>

<mosaic_0001>
#map = affine_map<(d0, d1) -> (0, 0)>
#map1 = affine_map<(d0, d1) -> (0)>
module attributes {stable_mosaic.version = 14 : i64} {
  func.func @spmm(%arg0: i32, %arg1: i32, %arg2: memref<20000x128xf32, #tpu.memory_space<hbm>>, %arg3: memref<320000xi32, #tpu.memory_space<hbm>>, %arg4: memref<320000xi32, #tpu.memory_space<hbm>>, %arg5: memref<10000xf32, #tpu.memory_space<hbm>>, %arg6: memref<10000xf32, #tpu.memory_space<hbm>>, %arg7: memref<20000x128xf32, #tpu.memory_space<hbm>>, %arg8: memref<32x10000xf32, #tpu.memory_space<hbm>>, %arg9: memref<10000x128xf32, #tpu.memory_space<vmem_shared>>, %arg10: memref<10000xf32, #tpu.memory_space<vmem>>, %arg11: memref<10000xf32, #tpu.memory_space<vmem>>, %arg12: memref<80xi32, #tpu.memory_space<vmem>>, %arg13: memref<80xi32, #tpu.memory_space<vmem>>, %arg14: memref<80xi32, #tpu.memory_space<vmem>>, %arg15: memref<80x128xf32, #tpu.memory_space<vmem>>, %arg16: memref<80xf32, #tpu.memory_space<vmem>>, %arg17: memref<40x128xf32, #tpu.memory_space<vmem>>, %arg18: memref<!tpu.dma_semaphore, #tpu.memory_space<semaphore_mem>>, %arg19: memref<10000xf32, #tpu.memory_space<vmem>>) attributes {dimension_semantics = [#tpu.dimension_semantics<core_parallel>, #tpu.dimension_semantics<subcore_parallel>], iteration_bounds = array<i64: 2, 16>, scalar_prefetch = 0 : i64, scratch_operands = 11 : i64, tpu.core_type = #tpu.core_type<sc_vector_subcore>, window_params = [{transform_indices = #map}, {transform_indices = #map1}, {transform_indices = #map1}, {transform_indices = #map1}, {transform_indices = #map1}, {transform_indices = #map}, {transform_indices = #map}]} {
    %broadcast_in_dim3A = arith.constant 0.000000e+00 : f32
    %broadcast_in_dim3A_0 = vector.broadcast %broadcast_in_dim3A : f32 to vector<16xf32>
    %scan3A = arith.constant 0 : i32
    %scan3A_1 = arith.constant 0 : i32
    %scan3A_2 = arith.constant 40 : i32
    %scan3A_3 = arith.addi %scan3A_1, %scan3A_2 : i32
    %scan3A_4 = arith.constant 1 : i32
    %scan3A_5 = scf.for %scan3A_32 = %scan3A_1 to %scan3A_3 step %scan3A_4 iter_args(%scan3A_33 = %scan3A) -> (i32)  : i32 {
      %swap3A = arith.index_cast %scan3A_32 : i32 to index
      %swap3A_34 = arith.constant 0 : index
      %swap3A_35 = tpu.vector_load %arg17[%swap3A, %swap3A_34] {strides = array<i32>} : memref<40x128xf32, #tpu.memory_space<vmem>>, vector<16xf32>,
      tpu.vector_store %arg17[%swap3A, %swap3A_34], %broadcast_in_dim3A_0 {strides = array<i32>} : memref<40x128xf32, #tpu.memory_space<vmem>>, vector<16xf32>,
      %swap3A_36 = arith.index_cast %scan3A_32 : i32 to index
      %swap3A_37 = arith.constant 16 : index
      %swap3A_38 = tpu.vector_load %arg17[%swap3A_36, %swap3A_37] {strides = array<i32>} : memref<40x128xf32, #tpu.memory_space<vmem>>, vector<16xf32>,
      tpu.vector_store %arg17[%swap3A_36, %swap3A_37], %broadcast_in_dim3A_0 {strides = array<i32>} : memref<40x128xf32, #tpu.memory_space<vmem>>, vector<16xf32>,
      %swap3A_39 = arith.index_cast %scan3A_32 : i32 to index
      %swap3A_40 = arith.constant 32 : index
      %swap3A_41 = tpu.vector_load %arg17[%swap3A_39, %swap3A_40] {strides = array<i32>} : memref<40x128xf32, #tpu.memory_space<vmem>>, vector<16xf32>,
      tpu.vector_store %arg17[%swap3A_39, %swap3A_40], %broadcast_in_dim3A_0 {strides = array<i32>} : memref<40x128xf32, #tpu.memory_space<vmem>>, vector<16xf32>,
      %swap3A_42 = arith.index_cast %scan3A_32 : i32 to index
      %swap3A_43 = arith.constant 48 : index
      %swap3A_44 = tpu.vector_load %arg17[%swap3A_42, %swap3A_43] {strides = array<i32>} : memref<40x128xf32, #tpu.memory_space<vmem>>, vector<16xf32>,
      tpu.vector_store %arg17[%swap3A_42, %swap3A_43], %broadcast_in_dim3A_0 {strides = array<i32>} : memref<40x128xf32, #tpu.memory_space<vmem>>, vector<16xf32>,
      %swap3A_45 = arith.index_cast %scan3A_32 : i32 to index
      %swap3A_46 = arith.constant 64 : index
      %swap3A_47 = tpu.vector_load %arg17[%swap3A_45, %swap3A_46] {strides = array<i32>} : memref<40x128xf32, #tpu.memory_space<vmem>>, vector<16xf32>,
      tpu.vector_store %arg17[%swap3A_45, %swap3A_46], %broadcast_in_dim3A_0 {strides = array<i32>} : memref<40x128xf32, #tpu.memory_space<vmem>>, vector<16xf32>,
      %swap3A_48 = arith.index_cast %scan3A_32 : i32 to index
      %swap3A_49 = arith.constant 80 : index
      %swap3A_50 = tpu.vector_load %arg17[%swap3A_48, %swap3A_49] {strides = array<i32>} : memref<40x128xf32, #tpu.memory_space<vmem>>, vector<16xf32>,
      tpu.vector_store %arg17[%swap3A_48, %swap3A_49], %broadcast_in_dim3A_0 {strides = array<i32>} : memref<40x128xf32, #tpu.memory_space<vmem>>, vector<16xf32>,
      %swap3A_51 = arith.index_cast %scan3A_32 : i32 to index
      %swap3A_52 = arith.constant 96 : index
      %swap3A_53 = tpu.vector_load %arg17[%swap3A_51, %swap3A_52] {strides = array<i32>} : memref<40x128xf32, #tpu.memory_space<vmem>>, vector<16xf32>,
      tpu.vector_store %arg17[%swap3A_51, %swap3A_52], %broadcast_in_dim3A_0 {strides = array<i32>} : memref<40x128xf32, #tpu.memory_space<vmem>>, vector<16xf32>,
      %swap3A_54 = arith.index_cast %scan3A_32 : i32 to index
      %swap3A_55 = arith.constant 112 : index
      %swap3A_56 = tpu.vector_load %arg17[%swap3A_54, %swap3A_55] {strides = array<i32>} : memref<40x128xf32, #tpu.memory_space<vmem>>, vector<16xf32>,
      tpu.vector_store %arg17[%swap3A_54, %swap3A_55], %broadcast_in_dim3A_0 {strides = array<i32>} : memref<40x128xf32, #tpu.memory_space<vmem>>, vector<16xf32>,
      %scan3A_57 = arith.constant 0 : i32
      scf.yield %scan3A_57 : i32
    }
    %scan3A_6 = arith.constant 40 : i32
    %scan3A_7 = arith.constant 0 : i32
    %scan3A_8 = arith.constant 0 : i32
    %scan3A_9 = arith.constant 625 : i32
    %scan3A_10 = arith.addi %scan3A_8, %scan3A_9 : i32
    %scan3A_11 = arith.constant 1 : i32
    %scan3A_12 = scf.for %scan3A_32 = %scan3A_8 to %scan3A_10 step %scan3A_11 iter_args(%scan3A_33 = %scan3A_7) -> (i32)  : i32 {
      %mul3A_34 = arith.constant 16 : i32
      %mul3A_35 = arith.muli %scan3A_32, %mul3A_34 : i32
      %swap3A = arith.index_cast %mul3A_35 : i32 to index
      %swap3A_36 = tpu.vector_load %arg19[%swap3A] {strides = array<i32>} : memref<10000xf32, #tpu.memory_space<vmem>>, vector<16xf32>,
      tpu.vector_store %arg19[%swap3A], %broadcast_in_dim3A_0 {strides = array<i32>} : memref<10000xf32, #tpu.memory_space<vmem>>, vector<16xf32>,
      %scan3A_37 = arith.constant 0 : i32
      scf.yield %scan3A_37 : i32
    }
    %scan3A_13 = arith.constant 625 : i32
    %lt3A = arith.constant 10 : i32
    %lt3A_14 = arith.cmpi slt, %arg1, %lt3A : i32
    %convert_element_type3A = arith.extui %lt3A_14 : i1 to i32
    %cond3A = arith.constant 0 : i32
    %cond3A_15 = arith.cmpi ne, %convert_element_type3A, %cond3A : i32
    scf.if %cond3A_15 {
      %mul3A_32 = arith.constant 1000 : i32
      %mul3A_33 = arith.muli %arg1, %mul3A_32 : i32
      %add3A_34 = arith.constant 0 : i32
      %add3A_35 = arith.addi %mul3A_33, %add3A_34 : i32
      "tpu.region"() ({
        %run_scoped3A = tpu.sem_alloc : memref<!tpu.dma_semaphore, #tpu.memory_space<semaphore_mem>>
        %dma_start3A = arith.constant 0 : i32
        %dma_start3A_132 = tpu.memref_slice %arg9[%add3A_35, %dma_start3A] : memref<10000x128xf32, #tpu.memory_space<vmem_shared>> -> memref<40x128xf32, #tpu.memory_space<vmem_shared>>
        %dma_start3A_133 = arith.constant 0 : i32
        %dma_start3A_134 = tpu.memref_slice %arg9[%add3A_35, %dma_start3A_133] : memref<10000x128xf32, #tpu.memory_space<vmem_shared>> -> memref<40x128xf32, #tpu.memory_space<vmem_shared>>
        tpu.enqueue_dma source(%arg17 : memref<40x128xf32, #tpu.memory_space<vmem>>) target(%dma_start3A_134 : memref<40x128xf32, #tpu.memory_space<vmem_shared>>) target_semaphore(%run_scoped3A : memref<!tpu.dma_semaphore, #tpu.memory_space<semaphore_mem>>)
        %dma_wait3A = arith.constant 0 : i32
        %dma_wait3A_135 = tpu.memref_slice %arg9[%add3A_35, %dma_wait3A] : memref<10000x128xf32, #tpu.memory_space<vmem_shared>> -> memref<40x128xf32, #tpu.memory_space<vmem_shared>>
        %dma_wait3A_136 = arith.constant 0 : i32
        %dma_wait3A_137 = tpu.memref_slice %arg9[%add3A_35, %dma_wait3A_136] : memref<10000x128xf32, #tpu.memory_space<vmem_shared>> -> memref<40x128xf32, #tpu.memory_space<vmem_shared>>
        tpu.wait_dma2 semaphore(%run_scoped3A : memref<!tpu.dma_semaphore, #tpu.memory_space<semaphore_mem>>) src(%arg17 : memref<40x128xf32, #tpu.memory_space<vmem>>) dst(%dma_wait3A_137 : memref<40x128xf32, #tpu.memory_space<vmem_shared>>)
        tpu.yield
      }) : () -> ()
      %mul3A_36 = arith.constant 1000 : i32
      %mul3A_37 = arith.muli %arg1, %mul3A_36 : i32
      %add3A_38 = arith.constant 40 : i32
      %add3A_39 = arith.addi %mul3A_37, %add3A_38 : i32
      "tpu.region"() ({
        %run_scoped3A = tpu.sem_alloc : memref<!tpu.dma_semaphore, #tpu.memory_space<semaphore_mem>>
        %dma_start3A = arith.constant 0 : i32
        %dma_start3A_132 = tpu.memref_slice %arg9[%add3A_39, %dma_start3A] : memref<10000x128xf32, #tpu.memory_space<vmem_shared>> -> memref<40x128xf32, #tpu.memory_space<vmem_shared>>
        %dma_start3A_133 = arith.constant 0 : i32
        %dma_start3A_134 = tpu.memref_slice %arg9[%add3A_39, %dma_start3A_133] : memref<10000x128xf32, #tpu.memory_space<vmem_shared>> -> memref<40x128xf32, #tpu.memory_space<vmem_shared>>
        tpu.enqueue_dma source(%arg17 : memref<40x128xf32, #tpu.memory_space<vmem>>) target(%dma_start3A_134 : memref<40x128xf32, #tpu.memory_space<vmem_shared>>) target_semaphore(%run_scoped3A : memref<!tpu.dma_semaphore, #tpu.memory_space<semaphore_mem>>)
        %dma_wait3A = arith.constant 0 : i32
        %dma_wait3A_135 = tpu.memref_slice %arg9[%add3A_39, %dma_wait3A] : memref<10000x128xf32, #tpu.memory_space<vmem_shared>> -> memref<40x128xf32, #tpu.memory_space<vmem_shared>>
        %dma_wait3A_136 = arith.constant 0 : i32
        %dma_wait3A_137 = tpu.memref_slice %arg9[%add3A_39, %dma_wait3A_136] : memref<10000x128xf32, #tpu.memory_space<vmem_shared>> -> memref<40x128xf32, #tpu.memory_space<vmem_shared>>
        tpu.wait_dma2 semaphore(%run_scoped3A : memref<!tpu.dma_semaphore, #tpu.memory_space<semaphore_mem>>) src(%arg17 : memref<40x128xf32, #tpu.memory_space<vmem>>) dst(%dma_wait3A_137 : memref<40x128xf32, #tpu.memory_space<vmem_shared>>)
        tpu.yield
      }) : () -> ()
      %mul3A_40 = arith.constant 1000 : i32
      %mul3A_41 = arith.muli %arg1, %mul3A_40 : i32
      %add3A_42 = arith.constant 80 : i32
      %add3A_43 = arith.addi %mul3A_41, %add3A_42 : i32
      "tpu.region"() ({
        %run_scoped3A = tpu.sem_alloc : memref<!tpu.dma_semaphore, #tpu.memory_space<semaphore_mem>>
        %dma_start3A = arith.constant 0 : i32
        %dma_start3A_132 = tpu.memref_slice %arg9[%add3A_43, %dma_start3A] : memref<10000x128xf32, #tpu.memory_space<vmem_shared>> -> memref<40x128xf32, #tpu.memory_space<vmem_shared>>
        %dma_start3A_133 = arith.constant 0 : i32
        %dma_start3A_134 = tpu.memref_slice %arg9[%add3A_43, %dma_start3A_133] : memref<10000x128xf32, #tpu.memory_space<vmem_shared>> -> memref<40x128xf32, #tpu.memory_space<vmem_shared>>
        tpu.enqueue_dma source(%arg17 : memref<40x128xf32, #tpu.memory_space<vmem>>) target(%dma_start3A_134 : memref<40x128xf32, #tpu.memory_space<vmem_shared>>) target_semaphore(%run_scoped3A : memref<!tpu.dma_semaphore, #tpu.memory_space<semaphore_mem>>)
        %dma_wait3A = arith.constant 0 : i32
        %dma_wait3A_135 = tpu.memref_slice %arg9[%add3A_43, %dma_wait3A] : memref<10000x128xf32, #tpu.memory_space<vmem_shared>> -> memref<40x128xf32, #tpu.memory_space<vmem_shared>>
        %dma_wait3A_136 = arith.constant 0 : i32
        %dma_wait3A_137 = tpu.memref_slice %arg9[%add3A_43, %dma_wait3A_136] : memref<10000x128xf32, #tpu.memory_space<vmem_shared>> -> memref<40x128xf32, #tpu.memory_space<vmem_shared>>
        tpu.wait_dma2 semaphore(%run_scoped3A : memref<!tpu.dma_semaphore, #tpu.memory_space<semaphore_mem>>) src(%arg17 : memref<40x128xf32, #tpu.memory_space<vmem>>) dst(%dma_wait3A_137 : memref<40x128xf32, #tpu.memory_space<vmem_shared>>)
        tpu.yield
      }) : () -> ()
      %mul3A_44 = arith.constant 1000 : i32
      %mul3A_45 = arith.muli %arg1, %mul3A_44 : i32
      %add3A_46 = arith.constant 120 : i32
      %add3A_47 = arith.addi %mul3A_45, %add3A_46 : i32
      "tpu.region"() ({
        %run_scoped3A = tpu.sem_alloc : memref<!tpu.dma_semaphore, #tpu.memory_space<semaphore_mem>>
        %dma_start3A = arith.constant 0 : i32
        %dma_start3A_132 = tpu.memref_slice %arg9[%add3A_47, %dma_start3A] : memref<10000x128xf32, #tpu.memory_space<vmem_shared>> -> memref<40x128xf32, #tpu.memory_space<vmem_shared>>
        %dma_start3A_133 = arith.constant 0 : i32
        %dma_start3A_134 = tpu.memref_slice %arg9[%add3A_47, %dma_start3A_133] : memref<10000x128xf32, #tpu.memory_space<vmem_shared>> -> memref<40x128xf32, #tpu.memory_space<vmem_shared>>
        tpu.enqueue_dma source(%arg17 : memref<40x128xf32, #tpu.memory_space<vmem>>) target(%dma_start3A_134 : memref<40x128xf32, #tpu.memory_space<vmem_shared>>) target_semaphore(%run_scoped3A : memref<!tpu.dma_semaphore, #tpu.memory_space<semaphore_mem>>)
        %dma_wait3A = arith.constant 0 : i32
        %dma_wait3A_135 = tpu.memref_slice %arg9[%add3A_47, %dma_wait3A] : memref<10000x128xf32, #tpu.memory_space<vmem_shared>> -> memref<40x128xf32, #tpu.memory_space<vmem_shared>>
        %dma_wait3A_136 = arith.constant 0 : i32
        %dma_wait3A_137 = tpu.memref_slice %arg9[%add3A_47, %dma_wait3A_136] : memref<10000x128xf32, #tpu.memory_space<vmem_shared>> -> memref<40x128xf32, #tpu.memory_space<vmem_shared>>
        tpu.wait_dma2 semaphore(%run_scoped3A : memref<!tpu.dma_semaphore, #tpu.memory_space<semaphore_mem>>) src(%arg17 : memref<40x128xf32, #tpu.memory_space<vmem>>) dst(%dma_wait3A_137 : memref<40x128xf32, #tpu.memory_space<vmem_shared>>)
        tpu.yield
      }) : () -> ()
      %mul3A_48 = arith.constant 1000 : i32
      %mul3A_49 = arith.muli %arg1, %mul3A_48 : i32
      %add3A_50 = arith.constant 160 : i32
      %add3A_51 = arith.addi %mul3A_49, %add3A_50 : i32
      "tpu.region"() ({
        %run_scoped3A = tpu.sem_alloc : memref<!tpu.dma_semaphore, #tpu.memory_space<semaphore_mem>>
        %dma_start3A = arith.constant 0 : i32
        %dma_start3A_132 = tpu.memref_slice %arg9[%add3A_51, %dma_start3A] : memref<10000x128xf32, #tpu.memory_space<vmem_shared>> -> memref<40x128xf32, #tpu.memory_space<vmem_shared>>
        %dma_start3A_133 = arith.constant 0 : i32
        %dma_start3A_134 = tpu.memref_slice %arg9[%add3A_51, %dma_start3A_133] : memref<10000x128xf32, #tpu.memory_space<vmem_shared>> -> memref<40x128xf32, #tpu.memory_space<vmem_shared>>
        tpu.enqueue_dma source(%arg17 : memref<40x128xf32, #tpu.memory_space<vmem>>) target(%dma_start3A_134 : memref<40x128xf32, #tpu.memory_space<vmem_shared>>) target_semaphore(%run_scoped3A : memref<!tpu.dma_semaphore, #tpu.memory_space<semaphore_mem>>)
        %dma_wait3A = arith.constant 0 : i32
        %dma_wait3A_135 = tpu.memref_slice %arg9[%add3A_51, %dma_wait3A] : memref<10000x128xf32, #tpu.memory_space<vmem_shared>> -> memref<40x128xf32, #tpu.memory_space<vmem_shared>>
        %dma_wait3A_136 = arith.constant 0 : i32
        %dma_wait3A_137 = tpu.memref_slice %arg9[%add3A_51, %dma_wait3A_136] : memref<10000x128xf32, #tpu.memory_space<vmem_shared>> -> memref<40x128xf32, #tpu.memory_space<vmem_shared>>
        tpu.wait_dma2 semaphore(%run_scoped3A : memref<!tpu.dma_semaphore, #tpu.memory_space<semaphore_mem>>) src(%arg17 : memref<40x128xf32, #tpu.memory_space<vmem>>) dst(%dma_wait3A_137 : memref<40x128xf32, #tpu.memory_space<vmem_shared>>)
        tpu.yield
      }) : () -> ()
      %mul3A_52 = arith.constant 1000 : i32
      %mul3A_53 = arith.muli %arg1, %mul3A_52 : i32
      %add3A_54 = arith.constant 200 : i32
      %add3A_55 = arith.addi %mul3A_53, %add3A_54 : i32
      "tpu.region"() ({
        %run_scoped3A = tpu.sem_alloc : memref<!tpu.dma_semaphore, #tpu.memory_space<semaphore_mem>>
        %dma_start3A = arith.constant 0 : i32
        %dma_start3A_132 = tpu.memref_slice %arg9[%add3A_55, %dma_start3A] : memref<10000x128xf32, #tpu.memory_space<vmem_shared>> -> memref<40x128xf32, #tpu.memory_space<vmem_shared>>
        %dma_start3A_133 = arith.constant 0 : i32
        %dma_start3A_134 = tpu.memref_slice %arg9[%add3A_55, %dma_start3A_133] : memref<10000x128xf32, #tpu.memory_space<vmem_shared>> -> memref<40x128xf32, #tpu.memory_space<vmem_shared>>
        tpu.enqueue_dma source(%arg17 : memref<40x128xf32, #tpu.memory_space<vmem>>) target(%dma_start3A_134 : memref<40x128xf32, #tpu.memory_space<vmem_shared>>) target_semaphore(%run_scoped3A : memref<!tpu.dma_semaphore, #tpu.memory_space<semaphore_mem>>)
        %dma_wait3A = arith.constant 0 : i32
        %dma_wait3A_135 = tpu.memref_slice %arg9[%add3A_55, %dma_wait3A] : memref<10000x128xf32, #tpu.memory_space<vmem_shared>> -> memref<40x128xf32, #tpu.memory_space<vmem_shared>>
        %dma_wait3A_136 = arith.constant 0 : i32
        %dma_wait3A_137 = tpu.memref_slice %arg9[%add3A_55, %dma_wait3A_136] : memref<10000x128xf32, #tpu.memory_space<vmem_shared>> -> memref<40x128xf32, #tpu.memory_space<vmem_shared>>
        tpu.wait_dma2 semaphore(%run_scoped3A : memref<!tpu.dma_semaphore, #tpu.memory_space<semaphore_mem>>) src(%arg17 : memref<40x128xf32, #tpu.memory_space<vmem>>) dst(%dma_wait3A_137 : memref<40x128xf32, #tpu.memory_space<vmem_shared>>)
        tpu.yield
      }) : () -> ()
      %mul3A_56 = arith.constant 1000 : i32
      %mul3A_57 = arith.muli %arg1, %mul3A_56 : i32
      %add3A_58 = arith.constant 240 : i32
      %add3A_59 = arith.addi %mul3A_57, %add3A_58 : i32
      "tpu.region"() ({
        %run_scoped3A = tpu.sem_alloc : memref<!tpu.dma_semaphore, #tpu.memory_space<semaphore_mem>>
        %dma_start3A = arith.constant 0 : i32
        %dma_start3A_132 = tpu.memref_slice %arg9[%add3A_59, %dma_start3A] : memref<10000x128xf32, #tpu.memory_space<vmem_shared>> -> memref<40x128xf32, #tpu.memory_space<vmem_shared>>
        %dma_start3A_133 = arith.constant 0 : i32
        %dma_start3A_134 = tpu.memref_slice %arg9[%add3A_59, %dma_start3A_133] : memref<10000x128xf32, #tpu.memory_space<vmem_shared>> -> memref<40x128xf32, #tpu.memory_space<vmem_shared>>
        tpu.enqueue_dma source(%arg17 : memref<40x128xf32, #tpu.memory_space<vmem>>) target(%dma_start3A_134 : memref<40x128xf32, #tpu.memory_space<vmem_shared>>) target_semaphore(%run_scoped3A : memref<!tpu.dma_semaphore, #tpu.memory_space<semaphore_mem>>)
        %dma_wait3A = arith.constant 0 : i32
        %dma_wait3A_135 = tpu.memref_slice %arg9[%add3A_59, %dma_wait3A] : memref<10000x128xf32, #tpu.memory_space<vmem_shared>> -> memref<40x128xf32, #tpu.memory_space<vmem_shared>>
        %dma_wait3A_136 = arith.constant 0 : i32
        %dma_wait3A_137 = tpu.memref_slice %arg9[%add3A_59, %dma_wait3A_136] : memref<10000x128xf32, #tpu.memory_space<vmem_shared>> -> memref<40x128xf32, #tpu.memory_space<vmem_shared>>
        tpu.wait_dma2 semaphore(%run_scoped3A : memref<!tpu.dma_semaphore, #tpu.memory_space<semaphore_mem>>) src(%arg17 : memref<40x128xf32, #tpu.memory_space<vmem>>) dst(%dma_wait3A_137 : memref<40x128xf32, #tpu.memory_space<vmem_shared>>)
        tpu.yield
      }) : () -> ()
      %mul3A_60 = arith.constant 1000 : i32
      %mul3A_61 = arith.muli %arg1, %mul3A_60 : i32
      %add3A_62 = arith.constant 280 : i32
      %add3A_63 = arith.addi %mul3A_61, %add3A_62 : i32
      "tpu.region"() ({
        %run_scoped3A = tpu.sem_alloc : memref<!tpu.dma_semaphore, #tpu.memory_space<semaphore_mem>>
        %dma_start3A = arith.constant 0 : i32
        %dma_start3A_132 = tpu.memref_slice %arg9[%add3A_63, %dma_start3A] : memref<10000x128xf32, #tpu.memory_space<vmem_shared>> -> memref<40x128xf32, #tpu.memory_space<vmem_shared>>
        %dma_start3A_133 = arith.constant 0 : i32
        %dma_start3A_134 = tpu.memref_slice %arg9[%add3A_63, %dma_start3A_133] : memref<10000x128xf32, #tpu.memory_space<vmem_shared>> -> memref<40x128xf32, #tpu.memory_space<vmem_shared>>
        tpu.enqueue_dma source(%arg17 : memref<40x128xf32, #tpu.memory_space<vmem>>) target(%dma_start3A_134 : memref<40x128xf32, #tpu.memory_space<vmem_shared>>) target_semaphore(%run_scoped3A : memref<!tpu.dma_semaphore, #tpu.memory_space<semaphore_mem>>)
        %dma_wait3A = arith.constant 0 : i32
        %dma_wait3A_135 = tpu.memref_slice %arg9[%add3A_63, %dma_wait3A] : memref<10000x128xf32, #tpu.memory_space<vmem_shared>> -> memref<40x128xf32, #tpu.memory_space<vmem_shared>>
        %dma_wait3A_136 = arith.constant 0 : i32
        %dma_wait3A_137 = tpu.memref_slice %arg9[%add3A_63, %dma_wait3A_136] : memref<10000x128xf32, #tpu.memory_space<vmem_shared>> -> memref<40x128xf32, #tpu.memory_space<vmem_shared>>
        tpu.wait_dma2 semaphore(%run_scoped3A : memref<!tpu.dma_semaphore, #tpu.memory_space<semaphore_mem>>) src(%arg17 : memref<40x128xf32, #tpu.memory_space<vmem>>) dst(%dma_wait3A_137 : memref<40x128xf32, #tpu.memory_space<vmem_shared>>)
        tpu.yield
      }) : () -> ()
      %mul3A_64 = arith.constant 1000 : i32
      %mul3A_65 = arith.muli %arg1, %mul3A_64 : i32
      %add3A_66 = arith.constant 320 : i32
      %add3A_67 = arith.addi %mul3A_65, %add3A_66 : i32
      "tpu.region"() ({
        %run_scoped3A = tpu.sem_alloc : memref<!tpu.dma_semaphore, #tpu.memory_space<semaphore_mem>>
        %dma_start3A = arith.constant 0 : i32
        %dma_start3A_132 = tpu.memref_slice %arg9[%add3A_67, %dma_start3A] : memref<10000x128xf32, #tpu.memory_space<vmem_shared>> -> memref<40x128xf32, #tpu.memory_space<vmem_shared>>
        %dma_start3A_133 = arith.constant 0 : i32
        %dma_start3A_134 = tpu.memref_slice %arg9[%add3A_67, %dma_start3A_133] : memref<10000x128xf32, #tpu.memory_space<vmem_shared>> -> memref<40x128xf32, #tpu.memory_space<vmem_shared>>
        tpu.enqueue_dma source(%arg17 : memref<40x128xf32, #tpu.memory_space<vmem>>) target(%dma_start3A_134 : memref<40x128xf32, #tpu.memory_space<vmem_shared>>) target_semaphore(%run_scoped3A : memref<!tpu.dma_semaphore, #tpu.memory_space<semaphore_mem>>)
        %dma_wait3A = arith.constant 0 : i32
        %dma_wait3A_135 = tpu.memref_slice %arg9[%add3A_67, %dma_wait3A] : memref<10000x128xf32, #tpu.memory_space<vmem_shared>> -> memref<40x128xf32, #tpu.memory_space<vmem_shared>>
        %dma_wait3A_136 = arith.constant 0 : i32
        %dma_wait3A_137 = tpu.memref_slice %arg9[%add3A_67, %dma_wait3A_136] : memref<10000x128xf32, #tpu.memory_space<vmem_shared>> -> memref<40x128xf32, #tpu.memory_space<vmem_shared>>
        tpu.wait_dma2 semaphore(%run_scoped3A : memref<!tpu.dma_semaphore, #tpu.memory_space<semaphore_mem>>) src(%arg17 : memref<40x128xf32, #tpu.memory_space<vmem>>) dst(%dma_wait3A_137 : memref<40x128xf32, #tpu.memory_space<vmem_shared>>)
        tpu.yield
      }) : () -> ()
      %mul3A_68 = arith.constant 1000 : i32
      %mul3A_69 = arith.muli %arg1, %mul3A_68 : i32
      %add3A_70 = arith.constant 360 : i32
      %add3A_71 = arith.addi %mul3A_69, %add3A_70 : i32
      "tpu.region"() ({
        %run_scoped3A = tpu.sem_alloc : memref<!tpu.dma_semaphore, #tpu.memory_space<semaphore_mem>>
        %dma_start3A = arith.constant 0 : i32
        %dma_start3A_132 = tpu.memref_slice %arg9[%add3A_71, %dma_start3A] : memref<10000x128xf32, #tpu.memory_space<vmem_shared>> -> memref<40x128xf32, #tpu.memory_space<vmem_shared>>
        %dma_start3A_133 = arith.constant 0 : i32
        %dma_start3A_134 = tpu.memref_slice %arg9[%add3A_71, %dma_start3A_133] : memref<10000x128xf32, #tpu.memory_space<vmem_shared>> -> memref<40x128xf32, #tpu.memory_space<vmem_shared>>
        tpu.enqueue_dma source(%arg17 : memref<40x128xf32, #tpu.memory_space<vmem>>) target(%dma_start3A_134 : memref<40x128xf32, #tpu.memory_space<vmem_shared>>) target_semaphore(%run_scoped3A : memref<!tpu.dma_semaphore, #tpu.memory_space<semaphore_mem>>)
        %dma_wait3A = arith.constant 0 : i32
        %dma_wait3A_135 = tpu.memref_slice %arg9[%add3A_71, %dma_wait3A] : memref<10000x128xf32, #tpu.memory_space<vmem_shared>> -> memref<40x128xf32, #tpu.memory_space<vmem_shared>>
        %dma_wait3A_136 = arith.constant 0 : i32
        %dma_wait3A_137 = tpu.memref_slice %arg9[%add3A_71, %dma_wait3A_136] : memref<10000x128xf32, #tpu.memory_space<vmem_shared>> -> memref<40x128xf32, #tpu.memory_space<vmem_shared>>
        tpu.wait_dma2 semaphore(%run_scoped3A : memref<!tpu.dma_semaphore, #tpu.memory_space<semaphore_mem>>) src(%arg17 : memref<40x128xf32, #tpu.memory_space<vmem>>) dst(%dma_wait3A_137 : memref<40x128xf32, #tpu.memory_space<vmem_shared>>)
        tpu.yield
      }) : () -> ()
      %mul3A_72 = arith.constant 1000 : i32
      %mul3A_73 = arith.muli %arg1, %mul3A_72 : i32
      %add3A_74 = arith.constant 400 : i32
      %add3A_75 = arith.addi %mul3A_73, %add3A_74 : i32
      "tpu.region"() ({
        %run_scoped3A = tpu.sem_alloc : memref<!tpu.dma_semaphore, #tpu.memory_space<semaphore_mem>>
        %dma_start3A = arith.constant 0 : i32
        %dma_start3A_132 = tpu.memref_slice %arg9[%add3A_75, %dma_start3A] : memref<10000x128xf32, #tpu.memory_space<vmem_shared>> -> memref<40x128xf32, #tpu.memory_space<vmem_shared>>
        %dma_start3A_133 = arith.constant 0 : i32
        %dma_start3A_134 = tpu.memref_slice %arg9[%add3A_75, %dma_start3A_133] : memref<10000x128xf32, #tpu.memory_space<vmem_shared>> -> memref<40x128xf32, #tpu.memory_space<vmem_shared>>
        tpu.enqueue_dma source(%arg17 : memref<40x128xf32, #tpu.memory_space<vmem>>) target(%dma_start3A_134 : memref<40x128xf32, #tpu.memory_space<vmem_shared>>) target_semaphore(%run_scoped3A : memref<!tpu.dma_semaphore, #tpu.memory_space<semaphore_mem>>)
        %dma_wait3A = arith.constant 0 : i32
        %dma_wait3A_135 = tpu.memref_slice %arg9[%add3A_75, %dma_wait3A] : memref<10000x128xf32, #tpu.memory_space<vmem_shared>> -> memref<40x128xf32, #tpu.memory_space<vmem_shared>>
        %dma_wait3A_136 = arith.constant 0 : i32
        %dma_wait3A_137 = tpu.memref_slice %arg9[%add3A_75, %dma_wait3A_136] : memref<10000x128xf32, #tpu.memory_space<vmem_shared>> -> memref<40x128xf32, #tpu.memory_space<vmem_shared>>
        tpu.wait_dma2 semaphore(%run_scoped3A : memref<!tpu.dma_semaphore, #tpu.memory_space<semaphore_mem>>) src(%arg17 : memref<40x128xf32, #tpu.memory_space<vmem>>) dst(%dma_wait3A_137 : memref<40x128xf32, #tpu.memory_space<vmem_shared>>)
        tpu.yield
      }) : () -> ()
      %mul3A_76 = arith.constant 1000 : i32
      %mul3A_77 = arith.muli %arg1, %mul3A_76 : i32
      %add3A_78 = arith.constant 440 : i32
      %add3A_79 = arith.addi %mul3A_77, %add3A_78 : i32
      "tpu.region"() ({
        %run_scoped3A = tpu.sem_alloc : memref<!tpu.dma_semaphore, #tpu.memory_space<semaphore_mem>>
        %dma_start3A = arith.constant 0 : i32
        %dma_start3A_132 = tpu.memref_slice %arg9[%add3A_79, %dma_start3A] : memref<10000x128xf32, #tpu.memory_space<vmem_shared>> -> memref<40x128xf32, #tpu.memory_space<vmem_shared>>
        %dma_start3A_133 = arith.constant 0 : i32
        %dma_start3A_134 = tpu.memref_slice %arg9[%add3A_79, %dma_start3A_133] : memref<10000x128xf32, #tpu.memory_space<vmem_shared>> -> memref<40x128xf32, #tpu.memory_space<vmem_shared>>
        tpu.enqueue_dma source(%arg17 : memref<40x128xf32, #tpu.memory_space<vmem>>) target(%dma_start3A_134 : memref<40x128xf32, #tpu.memory_space<vmem_shared>>) target_semaphore(%run_scoped3A : memref<!tpu.dma_semaphore, #tpu.memory_space<semaphore_mem>>)
        %dma_wait3A = arith.constant 0 : i32
        %dma_wait3A_135 = tpu.memref_slice %arg9[%add3A_79, %dma_wait3A] : memref<10000x128xf32, #tpu.memory_space<vmem_shared>> -> memref<40x128xf32, #tpu.memory_space<vmem_shared>>
        %dma_wait3A_136 = arith.constant 0 : i32
        %dma_wait3A_137 = tpu.memref_slice %arg9[%add3A_79, %dma_wait3A_136] : memref<10000x128xf32, #tpu.memory_space<vmem_shared>> -> memref<40x128xf32, #tpu.memory_space<vmem_shared>>
        tpu.wait_dma2 semaphore(%run_scoped3A : memref<!tpu.dma_semaphore, #tpu.memory_space<semaphore_mem>>) src(%arg17 : memref<40x128xf32, #tpu.memory_space<vmem>>) dst(%dma_wait3A_137 : memref<40x128xf32, #tpu.memory_space<vmem_shared>>)
        tpu.yield
      }) : () -> ()
      %mul3A_80 = arith.constant 1000 : i32
      %mul3A_81 = arith.muli %arg1, %mul3A_80 : i32
      %add3A_82 = arith.constant 480 : i32
      %add3A_83 = arith.addi %mul3A_81, %add3A_82 : i32
      "tpu.region"() ({
        %run_scoped3A = tpu.sem_alloc : memref<!tpu.dma_semaphore, #tpu.memory_space<semaphore_mem>>
        %dma_start3A = arith.constant 0 : i32
        %dma_start3A_132 = tpu.memref_slice %arg9[%add3A_83, %dma_start3A] : memref<10000x128xf32, #tpu.memory_space<vmem_shared>> -> memref<40x128xf32, #tpu.memory_space<vmem_shared>>
        %dma_start3A_133 = arith.constant 0 : i32
        %dma_start3A_134 = tpu.memref_slice %arg9[%add3A_83, %dma_start3A_133] : memref<10000x128xf32, #tpu.memory_space<vmem_shared>> -> memref<40x128xf32, #tpu.memory_space<vmem_shared>>
        tpu.enqueue_dma source(%arg17 : memref<40x128xf32, #tpu.memory_space<vmem>>) target(%dma_start3A_134 : memref<40x128xf32, #tpu.memory_space<vmem_shared>>) target_semaphore(%run_scoped3A : memref<!tpu.dma_semaphore, #tpu.memory_space<semaphore_mem>>)
        %dma_wait3A = arith.constant 0 : i32
        %dma_wait3A_135 = tpu.memref_slice %arg9[%add3A_83, %dma_wait3A] : memref<10000x128xf32, #tpu.memory_space<vmem_shared>> -> memref<40x128xf32, #tpu.memory_space<vmem_shared>>
        %dma_wait3A_136 = arith.constant 0 : i32
        %dma_wait3A_137 = tpu.memref_slice %arg9[%add3A_83, %dma_wait3A_136] : memref<10000x128xf32, #tpu.memory_space<vmem_shared>> -> memref<40x128xf32, #tpu.memory_space<vmem_shared>>
        tpu.wait_dma2 semaphore(%run_scoped3A : memref<!tpu.dma_semaphore, #tpu.memory_space<semaphore_mem>>) src(%arg17 : memref<40x128xf32, #tpu.memory_space<vmem>>) dst(%dma_wait3A_137 : memref<40x128xf32, #tpu.memory_space<vmem_shared>>)
        tpu.yield
      }) : () -> ()
      %mul3A_84 = arith.constant 1000 : i32
      %mul3A_85 = arith.muli %arg1, %mul3A_84 : i32
      %add3A_86 = arith.constant 520 : i32
      %add3A_87 = arith.addi %mul3A_85, %add3A_86 : i32
      "tpu.region"() ({
        %run_scoped3A = tpu.sem_alloc : memref<!tpu.dma_semaphore, #tpu.memory_space<semaphore_mem>>
        %dma_start3A = arith.constant 0 : i32
        %dma_start3A_132 = tpu.memref_slice %arg9[%add3A_87, %dma_start3A] : memref<10000x128xf32, #tpu.memory_space<vmem_shared>> -> memref<40x128xf32, #tpu.memory_space<vmem_shared>>
        %dma_start3A_133 = arith.constant 0 : i32
        %dma_start3A_134 = tpu.memref_slice %arg9[%add3A_87, %dma_start3A_133] : memref<10000x128xf32, #tpu.memory_space<vmem_shared>> -> memref<40x128xf32, #tpu.memory_space<vmem_shared>>
        tpu.enqueue_dma source(%arg17 : memref<40x128xf32, #tpu.memory_space<vmem>>) target(%dma_start3A_134 : memref<40x128xf32, #tpu.memory_space<vmem_shared>>) target_semaphore(%run_scoped3A : memref<!tpu.dma_semaphore, #tpu.memory_space<semaphore_mem>>)
        %dma_wait3A = arith.constant 0 : i32
        %dma_wait3A_135 = tpu.memref_slice %arg9[%add3A_87, %dma_wait3A] : memref<10000x128xf32, #tpu.memory_space<vmem_shared>> -> memref<40x128xf32, #tpu.memory_space<vmem_shared>>
        %dma_wait3A_136 = arith.constant 0 : i32
        %dma_wait3A_137 = tpu.memref_slice %arg9[%add3A_87, %dma_wait3A_136] : memref<10000x128xf32, #tpu.memory_space<vmem_shared>> -> memref<40x128xf32, #tpu.memory_space<vmem_shared>>
        tpu.wait_dma2 semaphore(%run_scoped3A : memref<!tpu.dma_semaphore, #tpu.memory_space<semaphore_mem>>) src(%arg17 : memref<40x128xf32, #tpu.memory_space<vmem>>) dst(%dma_wait3A_137 : memref<40x128xf32, #tpu.memory_space<vmem_shared>>)
        tpu.yield
      }) : () -> ()
      %mul3A_88 = arith.constant 1000 : i32
      %mul3A_89 = arith.muli %arg1, %mul3A_88 : i32
      %add3A_90 = arith.constant 560 : i32
      %add3A_91 = arith.addi %mul3A_89, %add3A_90 : i32
      "tpu.region"() ({
        %run_scoped3A = tpu.sem_alloc : memref<!tpu.dma_semaphore, #tpu.memory_space<semaphore_mem>>
        %dma_start3A = arith.constant 0 : i32
        %dma_start3A_132 = tpu.memref_slice %arg9[%add3A_91, %dma_start3A] : memref<10000x128xf32, #tpu.memory_space<vmem_shared>> -> memref<40x128xf32, #tpu.memory_space<vmem_shared>>
        %dma_start3A_133 = arith.constant 0 : i32
        %dma_start3A_134 = tpu.memref_slice %arg9[%add3A_91, %dma_start3A_133] : memref<10000x128xf32, #tpu.memory_space<vmem_shared>> -> memref<40x128xf32, #tpu.memory_space<vmem_shared>>
        tpu.enqueue_dma source(%arg17 : memref<40x128xf32, #tpu.memory_space<vmem>>) target(%dma_start3A_134 : memref<40x128xf32, #tpu.memory_space<vmem_shared>>) target_semaphore(%run_scoped3A : memref<!tpu.dma_semaphore, #tpu.memory_space<semaphore_mem>>)
        %dma_wait3A = arith.constant 0 : i32
        %dma_wait3A_135 = tpu.memref_slice %arg9[%add3A_91, %dma_wait3A] : memref<10000x128xf32, #tpu.memory_space<vmem_shared>> -> memref<40x128xf32, #tpu.memory_space<vmem_shared>>
        %dma_wait3A_136 = arith.constant 0 : i32
        %dma_wait3A_137 = tpu.memref_slice %arg9[%add3A_91, %dma_wait3A_136] : memref<10000x128xf32, #tpu.memory_space<vmem_shared>> -> memref<40x128xf32, #tpu.memory_space<vmem_shared>>
        tpu.wait_dma2 semaphore(%run_scoped3A : memref<!tpu.dma_semaphore, #tpu.memory_space<semaphore_mem>>) src(%arg17 : memref<40x128xf32, #tpu.memory_space<vmem>>) dst(%dma_wait3A_137 : memref<40x128xf32, #tpu.memory_space<vmem_shared>>)
        tpu.yield
      }) : () -> ()
      %mul3A_92 = arith.constant 1000 : i32
      %mul3A_93 = arith.muli %arg1, %mul3A_92 : i32
      %add3A_94 = arith.constant 600 : i32
      %add3A_95 = arith.addi %mul3A_93, %add3A_94 : i32
      "tpu.region"() ({
        %run_scoped3A = tpu.sem_alloc : memref<!tpu.dma_semaphore, #tpu.memory_space<semaphore_mem>>
        %dma_start3A = arith.constant 0 : i32
        %dma_start3A_132 = tpu.memref_slice %arg9[%add3A_95, %dma_start3A] : memref<10000x128xf32, #tpu.memory_space<vmem_shared>> -> memref<40x128xf32, #tpu.memory_space<vmem_shared>>
        %dma_start3A_133 = arith.constant 0 : i32
        %dma_start3A_134 = tpu.memref_slice %arg9[%add3A_95, %dma_start3A_133] : memref<10000x128xf32, #tpu.memory_space<vmem_shared>> -> memref<40x128xf32, #tpu.memory_space<vmem_shared>>
        tpu.enqueue_dma source(%arg17 : memref<40x128xf32, #tpu.memory_space<vmem>>) target(%dma_start3A_134 : memref<40x128xf32, #tpu.memory_space<vmem_shared>>) target_semaphore(%run_scoped3A : memref<!tpu.dma_semaphore, #tpu.memory_space<semaphore_mem>>)
        %dma_wait3A = arith.constant 0 : i32
        %dma_wait3A_135 = tpu.memref_slice %arg9[%add3A_95, %dma_wait3A] : memref<10000x128xf32, #tpu.memory_space<vmem_shared>> -> memref<40x128xf32, #tpu.memory_space<vmem_shared>>
        %dma_wait3A_136 = arith.constant 0 : i32
        %dma_wait3A_137 = tpu.memref_slice %arg9[%add3A_95, %dma_wait3A_136] : memref<10000x128xf32, #tpu.memory_space<vmem_shared>> -> memref<40x128xf32, #tpu.memory_space<vmem_shared>>
        tpu.wait_dma2 semaphore(%run_scoped3A : memref<!tpu.dma_semaphore, #tpu.memory_space<semaphore_mem>>) src(%arg17 : memref<40x128xf32, #tpu.memory_space<vmem>>) dst(%dma_wait3A_137 : memref<40x128xf32, #tpu.memory_space<vmem_shared>>)
        tpu.yield
      }) : () -> ()
      %mul3A_96 = arith.constant 1000 : i32
      %mul3A_97 = arith.muli %arg1, %mul3A_96 : i32
      %add3A_98 = arith.constant 640 : i32
      %add3A_99 = arith.addi %mul3A_97, %add3A_98 : i32
      "tpu.region"() ({
        %run_scoped3A = tpu.sem_alloc : memref<!tpu.dma_semaphore, #tpu.memory_space<semaphore_mem>>
        %dma_start3A = arith.constant 0 : i32
        %dma_start3A_132 = tpu.memref_slice %arg9[%add3A_99, %dma_start3A] : memref<10000x128xf32, #tpu.memory_space<vmem_shared>> -> memref<40x128xf32, #tpu.memory_space<vmem_shared>>
        %dma_start3A_133 = arith.constant 0 : i32
        %dma_start3A_134 = tpu.memref_slice %arg9[%add3A_99, %dma_start3A_133] : memref<10000x128xf32, #tpu.memory_space<vmem_shared>> -> memref<40x128xf32, #tpu.memory_space<vmem_shared>>
        tpu.enqueue_dma source(%arg17 : memref<40x128xf32, #tpu.memory_space<vmem>>) target(%dma_start3A_134 : memref<40x128xf32, #tpu.memory_space<vmem_shared>>) target_semaphore(%run_scoped3A : memref<!tpu.dma_semaphore, #tpu.memory_space<semaphore_mem>>)
        %dma_wait3A = arith.constant 0 : i32
        %dma_wait3A_135 = tpu.memref_slice %arg9[%add3A_99, %dma_wait3A] : memref<10000x128xf32, #tpu.memory_space<vmem_shared>> -> memref<40x128xf32, #tpu.memory_space<vmem_shared>>
        %dma_wait3A_136 = arith.constant 0 : i32
        %dma_wait3A_137 = tpu.memref_slice %arg9[%add3A_99, %dma_wait3A_136] : memref<10000x128xf32, #tpu.memory_space<vmem_shared>> -> memref<40x128xf32, #tpu.memory_space<vmem_shared>>
        tpu.wait_dma2 semaphore(%run_scoped3A : memref<!tpu.dma_semaphore, #tpu.memory_space<semaphore_mem>>) src(%arg17 : memref<40x128xf32, #tpu.memory_space<vmem>>) dst(%dma_wait3A_137 : memref<40x128xf32, #tpu.memory_space<vmem_shared>>)
        tpu.yield
      }) : () -> ()
      %mul3A_100 = arith.constant 1000 : i32
      %mul3A_101 = arith.muli %arg1, %mul3A_100 : i32
      %add3A_102 = arith.constant 680 : i32
      %add3A_103 = arith.addi %mul3A_101, %add3A_102 : i32
      "tpu.region"() ({
        %run_scoped3A = tpu.sem_alloc : memref<!tpu.dma_semaphore, #tpu.memory_space<semaphore_mem>>
        %dma_start3A = arith.constant 0 : i32
        %dma_start3A_132 = tpu.memref_slice %arg9[%add3A_103, %dma_start3A] : memref<10000x128xf32, #tpu.memory_space<vmem_shared>> -> memref<40x128xf32, #tpu.memory_space<vmem_shared>>
        %dma_start3A_133 = arith.constant 0 : i32
        %dma_start3A_134 = tpu.memref_slice %arg9[%add3A_103, %dma_start3A_133] : memref<10000x128xf32, #tpu.memory_space<vmem_shared>> -> memref<40x128xf32, #tpu.memory_space<vmem_shared>>
        tpu.enqueue_dma source(%arg17 : memref<40x128xf32, #tpu.memory_space<vmem>>) target(%dma_start3A_134 : memref<40x128xf32, #tpu.memory_space<vmem_shared>>) target_semaphore(%run_scoped3A : memref<!tpu.dma_semaphore, #tpu.memory_space<semaphore_mem>>)
        %dma_wait3A = arith.constant 0 : i32
        %dma_wait3A_135 = tpu.memref_slice %arg9[%add3A_103, %dma_wait3A] : memref<10000x128xf32, #tpu.memory_space<vmem_shared>> -> memref<40x128xf32, #tpu.memory_space<vmem_shared>>
        %dma_wait3A_136 = arith.constant 0 : i32
        %dma_wait3A_137 = tpu.memref_slice %arg9[%add3A_103, %dma_wait3A_136] : memref<10000x128xf32, #tpu.memory_space<vmem_shared>> -> memref<40x128xf32, #tpu.memory_space<vmem_shared>>
        tpu.wait_dma2 semaphore(%run_scoped3A : memref<!tpu.dma_semaphore, #tpu.memory_space<semaphore_mem>>) src(%arg17 : memref<40x128xf32, #tpu.memory_space<vmem>>) dst(%dma_wait3A_137 : memref<40x128xf32, #tpu.memory_space<vmem_shared>>)
        tpu.yield
      }) : () -> ()
      %mul3A_104 = arith.constant 1000 : i32
      %mul3A_105 = arith.muli %arg1, %mul3A_104 : i32
      %add3A_106 = arith.constant 720 : i32
      %add3A_107 = arith.addi %mul3A_105, %add3A_106 : i32
      "tpu.region"() ({
        %run_scoped3A = tpu.sem_alloc : memref<!tpu.dma_semaphore, #tpu.memory_space<semaphore_mem>>
        %dma_start3A = arith.constant 0 : i32
        %dma_start3A_132 = tpu.memref_slice %arg9[%add3A_107, %dma_start3A] : memref<10000x128xf32, #tpu.memory_space<vmem_shared>> -> memref<40x128xf32, #tpu.memory_space<vmem_shared>>
        %dma_start3A_133 = arith.constant 0 : i32
        %dma_start3A_134 = tpu.memref_slice %arg9[%add3A_107, %dma_start3A_133] : memref<10000x128xf32, #tpu.memory_space<vmem_shared>> -> memref<40x128xf32, #tpu.memory_space<vmem_shared>>
        tpu.enqueue_dma source(%arg17 : memref<40x128xf32, #tpu.memory_space<vmem>>) target(%dma_start3A_134 : memref<40x128xf32, #tpu.memory_space<vmem_shared>>) target_semaphore(%run_scoped3A : memref<!tpu.dma_semaphore, #tpu.memory_space<semaphore_mem>>)
        %dma_wait3A = arith.constant 0 : i32
        %dma_wait3A_135 = tpu.memref_slice %arg9[%add3A_107, %dma_wait3A] : memref<10000x128xf32, #tpu.memory_space<vmem_shared>> -> memref<40x128xf32, #tpu.memory_space<vmem_shared>>
        %dma_wait3A_136 = arith.constant 0 : i32
        %dma_wait3A_137 = tpu.memref_slice %arg9[%add3A_107, %dma_wait3A_136] : memref<10000x128xf32, #tpu.memory_space<vmem_shared>> -> memref<40x128xf32, #tpu.memory_space<vmem_shared>>
        tpu.wait_dma2 semaphore(%run_scoped3A : memref<!tpu.dma_semaphore, #tpu.memory_space<semaphore_mem>>) src(%arg17 : memref<40x128xf32, #tpu.memory_space<vmem>>) dst(%dma_wait3A_137 : memref<40x128xf32, #tpu.memory_space<vmem_shared>>)
        tpu.yield
      }) : () -> ()
      %mul3A_108 = arith.constant 1000 : i32
      %mul3A_109 = arith.muli %arg1, %mul3A_108 : i32
      %add3A_110 = arith.constant 760 : i32
      %add3A_111 = arith.addi %mul3A_109, %add3A_110 : i32
      "tpu.region"() ({
        %run_scoped3A = tpu.sem_alloc : memref<!tpu.dma_semaphore, #tpu.memory_space<semaphore_mem>>
        %dma_start3A = arith.constant 0 : i32
        %dma_start3A_132 = tpu.memref_slice %arg9[%add3A_111, %dma_start3A] : memref<10000x128xf32, #tpu.memory_space<vmem_shared>> -> memref<40x128xf32, #tpu.memory_space<vmem_shared>>
        %dma_start3A_133 = arith.constant 0 : i32
        %dma_start3A_134 = tpu.memref_slice %arg9[%add3A_111, %dma_start3A_133] : memref<10000x128xf32, #tpu.memory_space<vmem_shared>> -> memref<40x128xf32, #tpu.memory_space<vmem_shared>>
        tpu.enqueue_dma source(%arg17 : memref<40x128xf32, #tpu.memory_space<vmem>>) target(%dma_start3A_134 : memref<40x128xf32, #tpu.memory_space<vmem_shared>>) target_semaphore(%run_scoped3A : memref<!tpu.dma_semaphore, #tpu.memory_space<semaphore_mem>>)
        %dma_wait3A = arith.constant 0 : i32
        %dma_wait3A_135 = tpu.memref_slice %arg9[%add3A_111, %dma_wait3A] : memref<10000x128xf32, #tpu.memory_space<vmem_shared>> -> memref<40x128xf32, #tpu.memory_space<vmem_shared>>
        %dma_wait3A_136 = arith.constant 0 : i32
        %dma_wait3A_137 = tpu.memref_slice %arg9[%add3A_111, %dma_wait3A_136] : memref<10000x128xf32, #tpu.memory_space<vmem_shared>> -> memref<40x128xf32, #tpu.memory_space<vmem_shared>>
        tpu.wait_dma2 semaphore(%run_scoped3A : memref<!tpu.dma_semaphore, #tpu.memory_space<semaphore_mem>>) src(%arg17 : memref<40x128xf32, #tpu.memory_space<vmem>>) dst(%dma_wait3A_137 : memref<40x128xf32, #tpu.memory_space<vmem_shared>>)
        tpu.yield
      }) : () -> ()
      %mul3A_112 = arith.constant 1000 : i32
      %mul3A_113 = arith.muli %arg1, %mul3A_112 : i32
      %add3A_114 = arith.constant 800 : i32
      %add3A_115 = arith.addi %mul3A_113, %add3A_114 : i32
      "tpu.region"() ({
        %run_scoped3A = tpu.sem_alloc : memref<!tpu.dma_semaphore, #tpu.memory_space<semaphore_mem>>
        %dma_start3A = arith.constant 0 : i32
        %dma_start3A_132 = tpu.memref_slice %arg9[%add3A_115, %dma_start3A] : memref<10000x128xf32, #tpu.memory_space<vmem_shared>> -> memref<40x128xf32, #tpu.memory_space<vmem_shared>>
        %dma_start3A_133 = arith.constant 0 : i32
        %dma_start3A_134 = tpu.memref_slice %arg9[%add3A_115, %dma_start3A_133] : memref<10000x128xf32, #tpu.memory_space<vmem_shared>> -> memref<40x128xf32, #tpu.memory_space<vmem_shared>>
        tpu.enqueue_dma source(%arg17 : memref<40x128xf32, #tpu.memory_space<vmem>>) target(%dma_start3A_134 : memref<40x128xf32, #tpu.memory_space<vmem_shared>>) target_semaphore(%run_scoped3A : memref<!tpu.dma_semaphore, #tpu.memory_space<semaphore_mem>>)
        %dma_wait3A = arith.constant 0 : i32
        %dma_wait3A_135 = tpu.memref_slice %arg9[%add3A_115, %dma_wait3A] : memref<10000x128xf32, #tpu.memory_space<vmem_shared>> -> memref<40x128xf32, #tpu.memory_space<vmem_shared>>
        %dma_wait3A_136 = arith.constant 0 : i32
        %dma_wait3A_137 = tpu.memref_slice %arg9[%add3A_115, %dma_wait3A_136] : memref<10000x128xf32, #tpu.memory_space<vmem_shared>> -> memref<40x128xf32, #tpu.memory_space<vmem_shared>>
        tpu.wait_dma2 semaphore(%run_scoped3A : memref<!tpu.dma_semaphore, #tpu.memory_space<semaphore_mem>>) src(%arg17 : memref<40x128xf32, #tpu.memory_space<vmem>>) dst(%dma_wait3A_137 : memref<40x128xf32, #tpu.memory_space<vmem_shared>>)
        tpu.yield
      }) : () -> ()
      %mul3A_116 = arith.constant 1000 : i32
      %mul3A_117 = arith.muli %arg1, %mul3A_116 : i32
      %add3A_118 = arith.constant 840 : i32
      %add3A_119 = arith.addi %mul3A_117, %add3A_118 : i32
      "tpu.region"() ({
        %run_scoped3A = tpu.sem_alloc : memref<!tpu.dma_semaphore, #tpu.memory_space<semaphore_mem>>
        %dma_start3A = arith.constant 0 : i32
        %dma_start3A_132 = tpu.memref_slice %arg9[%add3A_119, %dma_start3A] : memref<10000x128xf32, #tpu.memory_space<vmem_shared>> -> memref<40x128xf32, #tpu.memory_space<vmem_shared>>
        %dma_start3A_133 = arith.constant 0 : i32
        %dma_start3A_134 = tpu.memref_slice %arg9[%add3A_119, %dma_start3A_133] : memref<10000x128xf32, #tpu.memory_space<vmem_shared>> -> memref<40x128xf32, #tpu.memory_space<vmem_shared>>
        tpu.enqueue_dma source(%arg17 : memref<40x128xf32, #tpu.memory_space<vmem>>) target(%dma_start3A_134 : memref<40x128xf32, #tpu.memory_space<vmem_shared>>) target_semaphore(%run_scoped3A : memref<!tpu.dma_semaphore, #tpu.memory_space<semaphore_mem>>)
        %dma_wait3A = arith.constant 0 : i32
        %dma_wait3A_135 = tpu.memref_slice %arg9[%add3A_119, %dma_wait3A] : memref<10000x128xf32, #tpu.memory_space<vmem_shared>> -> memref<40x128xf32, #tpu.memory_space<vmem_shared>>
        %dma_wait3A_136 = arith.constant 0 : i32
        %dma_wait3A_137 = tpu.memref_slice %arg9[%add3A_119, %dma_wait3A_136] : memref<10000x128xf32, #tpu.memory_space<vmem_shared>> -> memref<40x128xf32, #tpu.memory_space<vmem_shared>>
        tpu.wait_dma2 semaphore(%run_scoped3A : memref<!tpu.dma_semaphore, #tpu.memory_space<semaphore_mem>>) src(%arg17 : memref<40x128xf32, #tpu.memory_space<vmem>>) dst(%dma_wait3A_137 : memref<40x128xf32, #tpu.memory_space<vmem_shared>>)
        tpu.yield
      }) : () -> ()
      %mul3A_120 = arith.constant 1000 : i32
      %mul3A_121 = arith.muli %arg1, %mul3A_120 : i32
      %add3A_122 = arith.constant 880 : i32
      %add3A_123 = arith.addi %mul3A_121, %add3A_122 : i32
      "tpu.region"() ({
        %run_scoped3A = tpu.sem_alloc : memref<!tpu.dma_semaphore, #tpu.memory_space<semaphore_mem>>
        %dma_start3A = arith.constant 0 : i32
        %dma_start3A_132 = tpu.memref_slice %arg9[%add3A_123, %dma_start3A] : memref<10000x128xf32, #tpu.memory_space<vmem_shared>> -> memref<40x128xf32, #tpu.memory_space<vmem_shared>>
        %dma_start3A_133 = arith.constant 0 : i32
        %dma_start3A_134 = tpu.memref_slice %arg9[%add3A_123, %dma_start3A_133] : memref<10000x128xf32, #tpu.memory_space<vmem_shared>> -> memref<40x128xf32, #tpu.memory_space<vmem_shared>>
        tpu.enqueue_dma source(%arg17 : memref<40x128xf32, #tpu.memory_space<vmem>>) target(%dma_start3A_134 : memref<40x128xf32, #tpu.memory_space<vmem_shared>>) target_semaphore(%run_scoped3A : memref<!tpu.dma_semaphore, #tpu.memory_space<semaphore_mem>>)
        %dma_wait3A = arith.constant 0 : i32
        %dma_wait3A_135 = tpu.memref_slice %arg9[%add3A_123, %dma_wait3A] : memref<10000x128xf32, #tpu.memory_space<vmem_shared>> -> memref<40x128xf32, #tpu.memory_space<vmem_shared>>
        %dma_wait3A_136 = arith.constant 0 : i32
        %dma_wait3A_137 = tpu.memref_slice %arg9[%add3A_123, %dma_wait3A_136] : memref<10000x128xf32, #tpu.memory_space<vmem_shared>> -> memref<40x128xf32, #tpu.memory_space<vmem_shared>>
        tpu.wait_dma2 semaphore(%run_scoped3A : memref<!tpu.dma_semaphore, #tpu.memory_space<semaphore_mem>>) src(%arg17 : memref<40x128xf32, #tpu.memory_space<vmem>>) dst(%dma_wait3A_137 : memref<40x128xf32, #tpu.memory_space<vmem_shared>>)
        tpu.yield
      }) : () -> ()
      %mul3A_124 = arith.constant 1000 : i32
      %mul3A_125 = arith.muli %arg1, %mul3A_124 : i32
      %add3A_126 = arith.constant 920 : i32
      %add3A_127 = arith.addi %mul3A_125, %add3A_126 : i32
      "tpu.region"() ({
        %run_scoped3A = tpu.sem_alloc : memref<!tpu.dma_semaphore, #tpu.memory_space<semaphore_mem>>
        %dma_start3A = arith.constant 0 : i32
        %dma_start3A_132 = tpu.memref_slice %arg9[%add3A_127, %dma_start3A] : memref<10000x128xf32, #tpu.memory_space<vmem_shared>> -> memref<40x128xf32, #tpu.memory_space<vmem_shared>>
        %dma_start3A_133 = arith.constant 0 : i32
        %dma_start3A_134 = tpu.memref_slice %arg9[%add3A_127, %dma_start3A_133] : memref<10000x128xf32, #tpu.memory_space<vmem_shared>> -> memref<40x128xf32, #tpu.memory_space<vmem_shared>>
        tpu.enqueue_dma source(%arg17 : memref<40x128xf32, #tpu.memory_space<vmem>>) target(%dma_start3A_134 : memref<40x128xf32, #tpu.memory_space<vmem_shared>>) target_semaphore(%run_scoped3A : memref<!tpu.dma_semaphore, #tpu.memory_space<semaphore_mem>>)
        %dma_wait3A = arith.constant 0 : i32
        %dma_wait3A_135 = tpu.memref_slice %arg9[%add3A_127, %dma_wait3A] : memref<10000x128xf32, #tpu.memory_space<vmem_shared>> -> memref<40x128xf32, #tpu.memory_space<vmem_shared>>
        %dma_wait3A_136 = arith.constant 0 : i32
        %dma_wait3A_137 = tpu.memref_slice %arg9[%add3A_127, %dma_wait3A_136] : memref<10000x128xf32, #tpu.memory_space<vmem_shared>> -> memref<40x128xf32, #tpu.memory_space<vmem_shared>>
        tpu.wait_dma2 semaphore(%run_scoped3A : memref<!tpu.dma_semaphore, #tpu.memory_space<semaphore_mem>>) src(%arg17 : memref<40x128xf32, #tpu.memory_space<vmem>>) dst(%dma_wait3A_137 : memref<40x128xf32, #tpu.memory_space<vmem_shared>>)
        tpu.yield
      }) : () -> ()
      %mul3A_128 = arith.constant 1000 : i32
      %mul3A_129 = arith.muli %arg1, %mul3A_128 : i32
      %add3A_130 = arith.constant 960 : i32
      %add3A_131 = arith.addi %mul3A_129, %add3A_130 : i32
      "tpu.region"() ({
        %run_scoped3A = tpu.sem_alloc : memref<!tpu.dma_semaphore, #tpu.memory_space<semaphore_mem>>
        %dma_start3A = arith.constant 0 : i32
        %dma_start3A_132 = tpu.memref_slice %arg9[%add3A_131, %dma_start3A] : memref<10000x128xf32, #tpu.memory_space<vmem_shared>> -> memref<40x128xf32, #tpu.memory_space<vmem_shared>>
        %dma_start3A_133 = arith.constant 0 : i32
        %dma_start3A_134 = tpu.memref_slice %arg9[%add3A_131, %dma_start3A_133] : memref<10000x128xf32, #tpu.memory_space<vmem_shared>> -> memref<40x128xf32, #tpu.memory_space<vmem_shared>>
        tpu.enqueue_dma source(%arg17 : memref<40x128xf32, #tpu.memory_space<vmem>>) target(%dma_start3A_134 : memref<40x128xf32, #tpu.memory_space<vmem_shared>>) target_semaphore(%run_scoped3A : memref<!tpu.dma_semaphore, #tpu.memory_space<semaphore_mem>>)
        %dma_wait3A = arith.constant 0 : i32
        %dma_wait3A_135 = tpu.memref_slice %arg9[%add3A_131, %dma_wait3A] : memref<10000x128xf32, #tpu.memory_space<vmem_shared>> -> memref<40x128xf32, #tpu.memory_space<vmem_shared>>
        %dma_wait3A_136 = arith.constant 0 : i32
        %dma_wait3A_137 = tpu.memref_slice %arg9[%add3A_131, %dma_wait3A_136] : memref<10000x128xf32, #tpu.memory_space<vmem_shared>> -> memref<40x128xf32, #tpu.memory_space<vmem_shared>>
        tpu.wait_dma2 semaphore(%run_scoped3A : memref<!tpu.dma_semaphore, #tpu.memory_space<semaphore_mem>>) src(%arg17 : memref<40x128xf32, #tpu.memory_space<vmem>>) dst(%dma_wait3A_137 : memref<40x128xf32, #tpu.memory_space<vmem_shared>>)
        tpu.yield
      }) : () -> ()
    } else {
    }
    "tpu.region"() ({
      %run_scoped3A = tpu.sem_alloc : memref<!tpu.dma_semaphore, #tpu.memory_space<semaphore_mem>>
      tpu.enqueue_dma source(%arg5 : memref<10000xf32, #tpu.memory_space<hbm>>) target(%arg10 : memref<10000xf32, #tpu.memory_space<vmem>>) target_semaphore(%run_scoped3A : memref<!tpu.dma_semaphore, #tpu.memory_space<semaphore_mem>>)
      tpu.wait_dma2 semaphore(%run_scoped3A : memref<!tpu.dma_semaphore, #tpu.memory_space<semaphore_mem>>) src(%arg5 : memref<10000xf32, #tpu.memory_space<hbm>>) dst(%arg10 : memref<10000xf32, #tpu.memory_space<vmem>>)
      tpu.yield
    }) : () -> ()
    "tpu.region"() ({
      %run_scoped3A = tpu.sem_alloc : memref<!tpu.dma_semaphore, #tpu.memory_space<semaphore_mem>>
      tpu.enqueue_dma source(%arg6 : memref<10000xf32, #tpu.memory_space<hbm>>) target(%arg11 : memref<10000xf32, #tpu.memory_space<vmem>>) target_semaphore(%run_scoped3A : memref<!tpu.dma_semaphore, #tpu.memory_space<semaphore_mem>>)
      tpu.wait_dma2 semaphore(%run_scoped3A : memref<!tpu.dma_semaphore, #tpu.memory_space<semaphore_mem>>) src(%arg6 : memref<10000xf32, #tpu.memory_space<hbm>>) dst(%arg11 : memref<10000xf32, #tpu.memory_space<vmem>>)
      tpu.yield
    }) : () -> ()
    %barrier3A = arith.constant 0 : index
    tpu.barrier barrier_id(%barrier3A)
    %iota3A = tpu.iota {dimensions = array<i32: 0>} : vector<16xi32>
    %mul3A = arith.constant 20000 : i32
    %mul3A_16 = arith.muli %arg1, %mul3A : i32
    %scan3A_17 = arith.constant 0 : i32
    %scan3A_18 = arith.constant 0 : i32
    %scan3A_19 = arith.constant 250 : i32
    %scan3A_20 = arith.addi %scan3A_18, %scan3A_19 : i32
    %scan3A_21 = arith.constant 1 : i32
    %scan3A_22 = scf.for %scan3A_32 = %scan3A_18 to %scan3A_20 step %scan3A_21 iter_args(%scan3A_33 = %scan3A_17) -> (i32)  : i32 {
      %mul3A_34 = arith.constant 80 : i32
      %mul3A_35 = arith.muli %scan3A_32, %mul3A_34 : i32
      %add3A_36 = arith.addi %mul3A_16, %mul3A_35 : i32
      "tpu.region"() ({
        %run_scoped3A = tpu.sem_alloc : memref<!tpu.dma_semaphore, #tpu.memory_space<semaphore_mem>>
        %dma_start3A_56 = tpu.memref_slice %arg3[%add3A_36] : memref<320000xi32, #tpu.memory_space<hbm>> -> memref<80xi32, #tpu.memory_space<hbm>>
        %dma_start3A_57 = tpu.memref_slice %arg3[%add3A_36] : memref<320000xi32, #tpu.memory_space<hbm>> -> memref<80xi32, #tpu.memory_space<hbm>>
        tpu.enqueue_dma source(%dma_start3A_57 : memref<80xi32, #tpu.memory_space<hbm>>) target(%arg12 : memref<80xi32, #tpu.memory_space<vmem>>) target_semaphore(%run_scoped3A : memref<!tpu.dma_semaphore, #tpu.memory_space<semaphore_mem>>)
        %dma_wait3A_58 = tpu.memref_slice %arg3[%add3A_36] : memref<320000xi32, #tpu.memory_space<hbm>> -> memref<80xi32, #tpu.memory_space<hbm>>
        %dma_wait3A_59 = tpu.memref_slice %arg3[%add3A_36] : memref<320000xi32, #tpu.memory_space<hbm>> -> memref<80xi32, #tpu.memory_space<hbm>>
        tpu.wait_dma2 semaphore(%run_scoped3A : memref<!tpu.dma_semaphore, #tpu.memory_space<semaphore_mem>>) src(%dma_wait3A_59 : memref<80xi32, #tpu.memory_space<hbm>>) dst(%arg12 : memref<80xi32, #tpu.memory_space<vmem>>)
        tpu.yield
      }) : () -> ()
      "tpu.region"() ({
        %run_scoped3A = tpu.sem_alloc : memref<!tpu.dma_semaphore, #tpu.memory_space<semaphore_mem>>
        %dma_start3A_56 = tpu.memref_slice %arg4[%add3A_36] : memref<320000xi32, #tpu.memory_space<hbm>> -> memref<80xi32, #tpu.memory_space<hbm>>
        %dma_start3A_57 = tpu.memref_slice %arg4[%add3A_36] : memref<320000xi32, #tpu.memory_space<hbm>> -> memref<80xi32, #tpu.memory_space<hbm>>
        tpu.enqueue_dma source(%dma_start3A_57 : memref<80xi32, #tpu.memory_space<hbm>>) target(%arg13 : memref<80xi32, #tpu.memory_space<vmem>>) target_semaphore(%run_scoped3A : memref<!tpu.dma_semaphore, #tpu.memory_space<semaphore_mem>>)
        %dma_wait3A_58 = tpu.memref_slice %arg4[%add3A_36] : memref<320000xi32, #tpu.memory_space<hbm>> -> memref<80xi32, #tpu.memory_space<hbm>>
        %dma_wait3A_59 = tpu.memref_slice %arg4[%add3A_36] : memref<320000xi32, #tpu.memory_space<hbm>> -> memref<80xi32, #tpu.memory_space<hbm>>
        tpu.wait_dma2 semaphore(%run_scoped3A : memref<!tpu.dma_semaphore, #tpu.memory_space<semaphore_mem>>) src(%dma_wait3A_59 : memref<80xi32, #tpu.memory_space<hbm>>) dst(%arg13 : memref<80xi32, #tpu.memory_space<vmem>>)
        tpu.yield
      }) : () -> ()
      %scan3A_37 = arith.constant 0 : i32
      %scan3A_38 = arith.constant 0 : i32
      %scan3A_39 = arith.constant 5 : i32
      %scan3A_40 = arith.addi %scan3A_38, %scan3A_39 : i32
      %scan3A_41 = arith.constant 1 : i32
      %scan3A_42 = scf.for %scan3A_56 = %scan3A_38 to %scan3A_40 step %scan3A_41 iter_args(%scan3A_57 = %scan3A_37) -> (i32)  : i32 {
        %mul3A_58 = arith.constant 16 : i32
        %mul3A_59 = arith.muli %scan3A_56, %mul3A_58 : i32
        %get3A = arith.index_cast %mul3A_59 : i32 to index
        %get3A_60 = tpu.vector_load %arg12[%get3A] {strides = array<i32>} : memref<80xi32, #tpu.memory_space<vmem>>, vector<16xi32>,
        %mul3A_61 = arith.constant 16 : i32
        %mul3A_62 = arith.muli %scan3A_56, %mul3A_61 : i32
        %get3A_63 = arith.index_cast %mul3A_62 : i32 to index
        %get3A_64 = tpu.vector_load %arg13[%get3A_63] {strides = array<i32>} : memref<80xi32, #tpu.memory_space<vmem>>, vector<16xi32>,
        %gather3A = tpu.vector_load_idx %arg10[%get3A_60] : memref<10000xf32, #tpu.memory_space<vmem>>[vector<16xi32>], vector<16xf32>,
        %gather3A_65 = tpu.vector_load_idx %arg11[%get3A_64] : memref<10000xf32, #tpu.memory_space<vmem>>[vector<16xi32>], vector<16xf32>,
        %add3A_66 = arith.addf %gather3A, %gather3A_65 : vector<16xf32>
        %ge3A = arith.constant 0.000000e+00 : f32
        %ge3A_67 = vector.broadcast %ge3A : f32 to vector<16xf32>
        %ge3A_68 = arith.cmpf oge, %add3A_66, %ge3A_67 : vector<16xf32>
        %mul3A_69 = arith.constant 2.000000e-01 : f32
        %mul3A_70 = vector.broadcast %mul3A_69 : f32 to vector<16xf32>
        %mul3A_71 = arith.mulf %mul3A_70, %add3A_66 : vector<16xf32>
        %select_n3A = arith.select %ge3A_68, %add3A_66, %mul3A_71 : vector<16xi1>, vector<16xf32>
        %exp3A = math.exp %select_n3A : vector<16xf32>
        %mul3A_72 = arith.constant 16 : i32
        %mul3A_73 = arith.muli %scan3A_56, %mul3A_72 : i32
        %swap3A = arith.index_cast %mul3A_73 : i32 to index
        %swap3A_74 = tpu.vector_load %arg16[%swap3A] {strides = array<i32>} : memref<80xf32, #tpu.memory_space<vmem>>, vector<16xf32>,
        tpu.vector_store %arg16[%swap3A], %exp3A {strides = array<i32>} : memref<80xf32, #tpu.memory_space<vmem>>, vector<16xf32>,
        %mul3A_75 = arith.constant 10000 : i32
        %mul3A_76 = arith.muli %arg0, %mul3A_75 : i32
        %add3A_77 = vector.broadcast %mul3A_76 : i32 to vector<16xi32>
        %add3A_78 = arith.addi %get3A_60, %add3A_77 : vector<16xi32>
        %mul3A_79 = arith.constant 16 : i32
        %mul3A_80 = arith.muli %scan3A_56, %mul3A_79 : i32
        %swap3A_81 = arith.index_cast %mul3A_80 : i32 to index
        %swap3A_82 = tpu.vector_load %arg14[%swap3A_81] {strides = array<i32>} : memref<80xi32, #tpu.memory_space<vmem>>, vector<16xi32>,
        tpu.vector_store %arg14[%swap3A_81], %add3A_78 {strides = array<i32>} : memref<80xi32, #tpu.memory_space<vmem>>, vector<16xi32>,
        tpu.vector_store_idx %arg19[%get3A_64], %exp3A {add = true} : memref<10000xf32, #tpu.memory_space<vmem>>[vector<16xi32>], vector<16xf32>,
        %scan3A_83 = arith.constant 0 : i32
        scf.yield %scan3A_83 : i32
      }
      %scan3A_43 = arith.constant 5 : i32
      %dma_start3A = arith.constant 0 : i32
      %dma_start3A_44 = arith.constant 0 : i32
      %dma_start3A_45 = tpu.memref_slice %arg2[%dma_start3A, %dma_start3A_44] : memref<20000x128xf32, #tpu.memory_space<hbm>> -> memref<20000x128xf32, #tpu.memory_space<hbm>>
      tpu.enqueue_indirect_dma source(%dma_start3A_45 : memref<20000x128xf32, #tpu.memory_space<hbm>>) target(%arg15 : memref<80x128xf32, #tpu.memory_space<vmem>>) offsets(%arg14 : memref<80xi32, #tpu.memory_space<vmem>>) semaphore(%arg18 : memref<!tpu.dma_semaphore, #tpu.memory_space<semaphore_mem>>)
      %dma_wait3A = arith.constant 0 : i32
      %dma_wait3A_46 = arith.constant 0 : i32
      %dma_wait3A_47 = tpu.memref_slice %arg2[%dma_wait3A, %dma_wait3A_46] : memref<20000x128xf32, #tpu.memory_space<hbm>> -> memref<20000x128xf32, #tpu.memory_space<hbm>>
      tpu.wait_indirect_dma semaphore(%arg18 : memref<!tpu.dma_semaphore, #tpu.memory_space<semaphore_mem>>) src(%dma_wait3A_47 : memref<20000x128xf32, #tpu.memory_space<hbm>>) dst(%arg15 : memref<80x128xf32, #tpu.memory_space<vmem>>)
      %scan3A_48 = arith.constant 0 : i32
      %scan3A_49 = arith.constant 0 : i32
      %scan3A_50 = arith.constant 5 : i32
      %scan3A_51 = arith.addi %scan3A_49, %scan3A_50 : i32
      %scan3A_52 = arith.constant 1 : i32
      %scan3A_53 = scf.for %scan3A_56 = %scan3A_49 to %scan3A_51 step %scan3A_52 iter_args(%scan3A_57 = %scan3A_48) -> (i32)  : i32 {
        %mul3A_58 = arith.constant 16 : i32
        %mul3A_59 = arith.muli %scan3A_56, %mul3A_58 : i32
        %get3A = arith.index_cast %mul3A_59 : i32 to index
        %get3A_60 = tpu.vector_load %arg16[%get3A] {strides = array<i32>} : memref<80xf32, #tpu.memory_space<vmem>>, vector<16xf32>,
        %slice3A = vector.extract_strided_slice %get3A_60 {offsets = [0], sizes = [1], strides = [1]} : vector<16xf32> to vector<1xf32>
        %squeeze3A = vector.extract %slice3A[0] : f32 from vector<1xf32>
        %mul3A_61 = arith.constant 16 : i32
        %mul3A_62 = arith.muli %scan3A_56, %mul3A_61 : i32
        %add3A_63 = arith.constant 0 : i32
        %add3A_64 = arith.addi %mul3A_62, %add3A_63 : i32
        %get3A_65 = arith.index_cast %add3A_64 : i32 to index
        %get3A_66 = arith.constant 0 : index
        %get3A_67 = tpu.vector_load %arg15[%get3A_65, %get3A_66] {strides = array<i32>} : memref<80x128xf32, #tpu.memory_space<vmem>>, vector<16xf32>,
        %mul3A_68 = vector.broadcast %squeeze3A : f32 to vector<16xf32>
        %mul3A_69 = arith.mulf %get3A_67, %mul3A_68 : vector<16xf32>
        %swap3A = arith.index_cast %add3A_64 : i32 to index
        %swap3A_70 = arith.constant 0 : index
        %swap3A_71 = tpu.vector_load %arg15[%swap3A, %swap3A_70] {strides = array<i32>} : memref<80x128xf32, #tpu.memory_space<vmem>>, vector<16xf32>,
        tpu.vector_store %arg15[%swap3A, %swap3A_70], %mul3A_69 {strides = array<i32>} : memref<80x128xf32, #tpu.memory_space<vmem>>, vector<16xf32>,
        %get3A_72 = arith.index_cast %add3A_64 : i32 to index
        %get3A_73 = arith.constant 16 : index
        %get3A_74 = tpu.vector_load %arg15[%get3A_72, %get3A_73] {strides = array<i32>} : memref<80x128xf32, #tpu.memory_space<vmem>>, vector<16xf32>,
        %mul3A_75 = vector.broadcast %squeeze3A : f32 to vector<16xf32>
        %mul3A_76 = arith.mulf %get3A_74, %mul3A_75 : vector<16xf32>
        %swap3A_77 = arith.index_cast %add3A_64 : i32 to index
        %swap3A_78 = arith.constant 16 : index
        %swap3A_79 = tpu.vector_load %arg15[%swap3A_77, %swap3A_78] {strides = array<i32>} : memref<80x128xf32, #tpu.memory_space<vmem>>, vector<16xf32>,
        tpu.vector_store %arg15[%swap3A_77, %swap3A_78], %mul3A_76 {strides = array<i32>} : memref<80x128xf32, #tpu.memory_space<vmem>>, vector<16xf32>,
        %get3A_80 = arith.index_cast %add3A_64 : i32 to index
        %get3A_81 = arith.constant 32 : index
        %get3A_82 = tpu.vector_load %arg15[%get3A_80, %get3A_81] {strides = array<i32>} : memref<80x128xf32, #tpu.memory_space<vmem>>, vector<16xf32>,
        %mul3A_83 = vector.broadcast %squeeze3A : f32 to vector<16xf32>
        %mul3A_84 = arith.mulf %get3A_82, %mul3A_83 : vector<16xf32>
        %swap3A_85 = arith.index_cast %add3A_64 : i32 to index
        %swap3A_86 = arith.constant 32 : index
        %swap3A_87 = tpu.vector_load %arg15[%swap3A_85, %swap3A_86] {strides = array<i32>} : memref<80x128xf32, #tpu.memory_space<vmem>>, vector<16xf32>,
        tpu.vector_store %arg15[%swap3A_85, %swap3A_86], %mul3A_84 {strides = array<i32>} : memref<80x128xf32, #tpu.memory_space<vmem>>, vector<16xf32>,
        %get3A_88 = arith.index_cast %add3A_64 : i32 to index
        %get3A_89 = arith.constant 48 : index
        %get3A_90 = tpu.vector_load %arg15[%get3A_88, %get3A_89] {strides = array<i32>} : memref<80x128xf32, #tpu.memory_space<vmem>>, vector<16xf32>,
        %mul3A_91 = vector.broadcast %squeeze3A : f32 to vector<16xf32>
        %mul3A_92 = arith.mulf %get3A_90, %mul3A_91 : vector<16xf32>
        %swap3A_93 = arith.index_cast %add3A_64 : i32 to index
        %swap3A_94 = arith.constant 48 : index
        %swap3A_95 = tpu.vector_load %arg15[%swap3A_93, %swap3A_94] {strides = array<i32>} : memref<80x128xf32, #tpu.memory_space<vmem>>, vector<16xf32>,
        tpu.vector_store %arg15[%swap3A_93, %swap3A_94], %mul3A_92 {strides = array<i32>} : memref<80x128xf32, #tpu.memory_space<vmem>>, vector<16xf32>,
        %get3A_96 = arith.index_cast %add3A_64 : i32 to index
        %get3A_97 = arith.constant 64 : index
        %get3A_98 = tpu.vector_load %arg15[%get3A_96, %get3A_97] {strides = array<i32>} : memref<80x128xf32, #tpu.memory_space<vmem>>, vector<16xf32>,
        %mul3A_99 = vector.broadcast %squeeze3A : f32 to vector<16xf32>
        %mul3A_100 = arith.mulf %get3A_98, %mul3A_99 : vector<16xf32>
        %swap3A_101 = arith.index_cast %add3A_64 : i32 to index
        %swap3A_102 = arith.constant 64 : index
        %swap3A_103 = tpu.vector_load %arg15[%swap3A_101, %swap3A_102] {strides = array<i32>} : memref<80x128xf32, #tpu.memory_space<vmem>>, vector<16xf32>,
        tpu.vector_store %arg15[%swap3A_101, %swap3A_102], %mul3A_100 {strides = array<i32>} : memref<80x128xf32, #tpu.memory_space<vmem>>, vector<16xf32>,
        %get3A_104 = arith.index_cast %add3A_64 : i32 to index
        %get3A_105 = arith.constant 80 : index
        %get3A_106 = tpu.vector_load %arg15[%get3A_104, %get3A_105] {strides = array<i32>} : memref<80x128xf32, #tpu.memory_space<vmem>>, vector<16xf32>,
        %mul3A_107 = vector.broadcast %squeeze3A : f32 to vector<16xf32>
        %mul3A_108 = arith.mulf %get3A_106, %mul3A_107 : vector<16xf32>
        %swap3A_109 = arith.index_cast %add3A_64 : i32 to index
        %swap3A_110 = arith.constant 80 : index
        %swap3A_111 = tpu.vector_load %arg15[%swap3A_109, %swap3A_110] {strides = array<i32>} : memref<80x128xf32, #tpu.memory_space<vmem>>, vector<16xf32>,
        tpu.vector_store %arg15[%swap3A_109, %swap3A_110], %mul3A_108 {strides = array<i32>} : memref<80x128xf32, #tpu.memory_space<vmem>>, vector<16xf32>,
        %get3A_112 = arith.index_cast %add3A_64 : i32 to index
        %get3A_113 = arith.constant 96 : index
        %get3A_114 = tpu.vector_load %arg15[%get3A_112, %get3A_113] {strides = array<i32>} : memref<80x128xf32, #tpu.memory_space<vmem>>, vector<16xf32>,
        %mul3A_115 = vector.broadcast %squeeze3A : f32 to vector<16xf32>
        %mul3A_116 = arith.mulf %get3A_114, %mul3A_115 : vector<16xf32>
        %swap3A_117 = arith.index_cast %add3A_64 : i32 to index
        %swap3A_118 = arith.constant 96 : index
        %swap3A_119 = tpu.vector_load %arg15[%swap3A_117, %swap3A_118] {strides = array<i32>} : memref<80x128xf32, #tpu.memory_space<vmem>>, vector<16xf32>,
        tpu.vector_store %arg15[%swap3A_117, %swap3A_118], %mul3A_116 {strides = array<i32>} : memref<80x128xf32, #tpu.memory_space<vmem>>, vector<16xf32>,
        %get3A_120 = arith.index_cast %add3A_64 : i32 to index
        %get3A_121 = arith.constant 112 : index
        %get3A_122 = tpu.vector_load %arg15[%get3A_120, %get3A_121] {strides = array<i32>} : memref<80x128xf32, #tpu.memory_space<vmem>>, vector<16xf32>,
        %mul3A_123 = vector.broadcast %squeeze3A : f32 to vector<16xf32>
        %mul3A_124 = arith.mulf %get3A_122, %mul3A_123 : vector<16xf32>
        %swap3A_125 = arith.index_cast %add3A_64 : i32 to index
        %swap3A_126 = arith.constant 112 : index
        %swap3A_127 = tpu.vector_load %arg15[%swap3A_125, %swap3A_126] {strides = array<i32>} : memref<80x128xf32, #tpu.memory_space<vmem>>, vector<16xf32>,
        tpu.vector_store %arg15[%swap3A_125, %swap3A_126], %mul3A_124 {strides = array<i32>} : memref<80x128xf32, #tpu.memory_space<vmem>>, vector<16xf32>,
        %slice3A_128 = vector.extract_strided_slice %get3A_60 {offsets = [1], sizes = [1], strides = [1]} : vector<16xf32> to vector<1xf32>
        %squeeze3A_129 = vector.extract %slice3A_128[0] : f32 from vector<1xf32>
        %mul3A_130 = arith.constant 16 : i32
        %mul3A_131 = arith.muli %scan3A_56, %mul3A_130 : i32
        %add3A_132 = arith.constant 1 : i32
        %add3A_133 = arith.addi %mul3A_131, %add3A_132 : i32
        %get3A_134 = arith.index_cast %add3A_133 : i32 to index
        %get3A_135 = arith.constant 0 : index
        %get3A_136 = tpu.vector_load %arg15[%get3A_134, %get3A_135] {strides = array<i32>} : memref<80x128xf32, #tpu.memory_space<vmem>>, vector<16xf32>,
        %mul3A_137 = vector.broadcast %squeeze3A_129 : f32 to vector<16xf32>
        %mul3A_138 = arith.mulf %get3A_136, %mul3A_137 : vector<16xf32>
        %swap3A_139 = arith.index_cast %add3A_133 : i32 to index
        %swap3A_140 = arith.constant 0 : index
        %swap3A_141 = tpu.vector_load %arg15[%swap3A_139, %swap3A_140] {strides = array<i32>} : memref<80x128xf32, #tpu.memory_space<vmem>>, vector<16xf32>,
        tpu.vector_store %arg15[%swap3A_139, %swap3A_140], %mul3A_138 {strides = array<i32>} : memref<80x128xf32, #tpu.memory_space<vmem>>, vector<16xf32>,
        %get3A_142 = arith.index_cast %add3A_133 : i32 to index
        %get3A_143 = arith.constant 16 : index
        %get3A_144 = tpu.vector_load %arg15[%get3A_142, %get3A_143] {strides = array<i32>} : memref<80x128xf32, #tpu.memory_space<vmem>>, vector<16xf32>,
        %mul3A_145 = vector.broadcast %squeeze3A_129 : f32 to vector<16xf32>
        %mul3A_146 = arith.mulf %get3A_144, %mul3A_145 : vector<16xf32>
        %swap3A_147 = arith.index_cast %add3A_133 : i32 to index
        %swap3A_148 = arith.constant 16 : index
        %swap3A_149 = tpu.vector_load %arg15[%swap3A_147, %swap3A_148] {strides = array<i32>} : memref<80x128xf32, #tpu.memory_space<vmem>>, vector<16xf32>,
        tpu.vector_store %arg15[%swap3A_147, %swap3A_148], %mul3A_146 {strides = array<i32>} : memref<80x128xf32, #tpu.memory_space<vmem>>, vector<16xf32>,
        %get3A_150 = arith.index_cast %add3A_133 : i32 to index
        %get3A_151 = arith.constant 32 : index
        %get3A_152 = tpu.vector_load %arg15[%get3A_150, %get3A_151] {strides = array<i32>} : memref<80x128xf32, #tpu.memory_space<vmem>>, vector<16xf32>,
        %mul3A_153 = vector.broadcast %squeeze3A_129 : f32 to vector<16xf32>
        %mul3A_154 = arith.mulf %get3A_152, %mul3A_153 : vector<16xf32>
        %swap3A_155 = arith.index_cast %add3A_133 : i32 to index
        %swap3A_156 = arith.constant 32 : index
        %swap3A_157 = tpu.vector_load %arg15[%swap3A_155, %swap3A_156] {strides = array<i32>} : memref<80x128xf32, #tpu.memory_space<vmem>>, vector<16xf32>,
        tpu.vector_store %arg15[%swap3A_155, %swap3A_156], %mul3A_154 {strides = array<i32>} : memref<80x128xf32, #tpu.memory_space<vmem>>, vector<16xf32>,
        %get3A_158 = arith.index_cast %add3A_133 : i32 to index
        %get3A_159 = arith.constant 48 : index
        %get3A_160 = tpu.vector_load %arg15[%get3A_158, %get3A_159] {strides = array<i32>} : memref<80x128xf32, #tpu.memory_space<vmem>>, vector<16xf32>,
        %mul3A_161 = vector.broadcast %squeeze3A_129 : f32 to vector<16xf32>
        %mul3A_162 = arith.mulf %get3A_160, %mul3A_161 : vector<16xf32>
        %swap3A_163 = arith.index_cast %add3A_133 : i32 to index
        %swap3A_164 = arith.constant 48 : index
        %swap3A_165 = tpu.vector_load %arg15[%swap3A_163, %swap3A_164] {strides = array<i32>} : memref<80x128xf32, #tpu.memory_space<vmem>>, vector<16xf32>,
        tpu.vector_store %arg15[%swap3A_163, %swap3A_164], %mul3A_162 {strides = array<i32>} : memref<80x128xf32, #tpu.memory_space<vmem>>, vector<16xf32>,
        %get3A_166 = arith.index_cast %add3A_133 : i32 to index
        %get3A_167 = arith.constant 64 : index
        %get3A_168 = tpu.vector_load %arg15[%get3A_166, %get3A_167] {strides = array<i32>} : memref<80x128xf32, #tpu.memory_space<vmem>>, vector<16xf32>,
        %mul3A_169 = vector.broadcast %squeeze3A_129 : f32 to vector<16xf32>
        %mul3A_170 = arith.mulf %get3A_168, %mul3A_169 : vector<16xf32>
        %swap3A_171 = arith.index_cast %add3A_133 : i32 to index
        %swap3A_172 = arith.constant 64 : index
        %swap3A_173 = tpu.vector_load %arg15[%swap3A_171, %swap3A_172] {strides = array<i32>} : memref<80x128xf32, #tpu.memory_space<vmem>>, vector<16xf32>,
        tpu.vector_store %arg15[%swap3A_171, %swap3A_172], %mul3A_170 {strides = array<i32>} : memref<80x128xf32, #tpu.memory_space<vmem>>, vector<16xf32>,
        %get3A_174 = arith.index_cast %add3A_133 : i32 to index
        %get3A_175 = arith.constant 80 : index
        %get3A_176 = tpu.vector_load %arg15[%get3A_174, %get3A_175] {strides = array<i32>} : memref<80x128xf32, #tpu.memory_space<vmem>>, vector<16xf32>,
        %mul3A_177 = vector.broadcast %squeeze3A_129 : f32 to vector<16xf32>
        %mul3A_178 = arith.mulf %get3A_176, %mul3A_177 : vector<16xf32>
        %swap3A_179 = arith.index_cast %add3A_133 : i32 to index
        %swap3A_180 = arith.constant 80 : index
        %swap3A_181 = tpu.vector_load %arg15[%swap3A_179, %swap3A_180] {strides = array<i32>} : memref<80x128xf32, #tpu.memory_space<vmem>>, vector<16xf32>,
        tpu.vector_store %arg15[%swap3A_179, %swap3A_180], %mul3A_178 {strides = array<i32>} : memref<80x128xf32, #tpu.memory_space<vmem>>, vector<16xf32>,
        %get3A_182 = arith.index_cast %add3A_133 : i32 to index
        %get3A_183 = arith.constant 96 : index
        %get3A_184 = tpu.vector_load %arg15[%get3A_182, %get3A_183] {strides = array<i32>} : memref<80x128xf32, #tpu.memory_space<vmem>>, vector<16xf32>,
        %mul3A_185 = vector.broadcast %squeeze3A_129 : f32 to vector<16xf32>
        %mul3A_186 = arith.mulf %get3A_184, %mul3A_185 : vector<16xf32>
        %swap3A_187 = arith.index_cast %add3A_133 : i32 to index
        %swap3A_188 = arith.constant 96 : index
        %swap3A_189 = tpu.vector_load %arg15[%swap3A_187, %swap3A_188] {strides = array<i32>} : memref<80x128xf32, #tpu.memory_space<vmem>>, vector<16xf32>,
        tpu.vector_store %arg15[%swap3A_187, %swap3A_188], %mul3A_186 {strides = array<i32>} : memref<80x128xf32, #tpu.memory_space<vmem>>, vector<16xf32>,
        %get3A_190 = arith.index_cast %add3A_133 : i32 to index
        %get3A_191 = arith.constant 112 : index
        %get3A_192 = tpu.vector_load %arg15[%get3A_190, %get3A_191] {strides = array<i32>} : memref<80x128xf32, #tpu.memory_space<vmem>>, vector<16xf32>,
        %mul3A_193 = vector.broadcast %squeeze3A_129 : f32 to vector<16xf32>
        %mul3A_194 = arith.mulf %get3A_192, %mul3A_193 : vector<16xf32>
        %swap3A_195 = arith.index_cast %add3A_133 : i32 to index
        %swap3A_196 = arith.constant 112 : index
        %swap3A_197 = tpu.vector_load %arg15[%swap3A_195, %swap3A_196] {strides = array<i32>} : memref<80x128xf32, #tpu.memory_space<vmem>>, vector<16xf32>,
        tpu.vector_store %arg15[%swap3A_195, %swap3A_196], %mul3A_194 {strides = array<i32>} : memref<80x128xf32, #tpu.memory_space<vmem>>, vector<16xf32>,
        %slice3A_198 = vector.extract_strided_slice %get3A_60 {offsets = [2], sizes = [1], strides = [1]} : vector<16xf32> to vector<1xf32>
        %squeeze3A_199 = vector.extract %slice3A_198[0] : f32 from vector<1xf32>
        %mul3A_200 = arith.constant 16 : i32
        %mul3A_201 = arith.muli %scan3A_56, %mul3A_200 : i32
        %add3A_202 = arith.constant 2 : i32
        %add3A_203 = arith.addi %mul3A_201, %add3A_202 : i32
        %get3A_204 = arith.index_cast %add3A_203 : i32 to index
        %get3A_205 = arith.constant 0 : index
        %get3A_206 = tpu.vector_load %arg15[%get3A_204, %get3A_205] {strides = array<i32>} : memref<80x128xf32, #tpu.memory_space<vmem>>, vector<16xf32>,
        %mul3A_207 = vector.broadcast %squeeze3A_199 : f32 to vector<16xf32>
        %mul3A_208 = arith.mulf %get3A_206, %mul3A_207 : vector<16xf32>
        %swap3A_209 = arith.index_cast %add3A_203 : i32 to index
        %swap3A_210 = arith.constant 0 : index
        %swap3A_211 = tpu.vector_load %arg15[%swap3A_209, %swap3A_210] {strides = array<i32>} : memref<80x128xf32, #tpu.memory_space<vmem>>, vector<16xf32>,
        tpu.vector_store %arg15[%swap3A_209, %swap3A_210], %mul3A_208 {strides = array<i32>} : memref<80x128xf32, #tpu.memory_space<vmem>>, vector<16xf32>,
        %get3A_212 = arith.index_cast %add3A_203 : i32 to index
        %get3A_213 = arith.constant 16 : index
        %get3A_214 = tpu.vector_load %arg15[%get3A_212, %get3A_213] {strides = array<i32>} : memref<80x128xf32, #tpu.memory_space<vmem>>, vector<16xf32>,
        %mul3A_215 = vector.broadcast %squeeze3A_199 : f32 to vector<16xf32>
        %mul3A_216 = arith.mulf %get3A_214, %mul3A_215 : vector<16xf32>
        %swap3A_217 = arith.index_cast %add3A_203 : i32 to index
        %swap3A_218 = arith.constant 16 : index
        %swap3A_219 = tpu.vector_load %arg15[%swap3A_217, %swap3A_218] {strides = array<i32>} : memref<80x128xf32, #tpu.memory_space<vmem>>, vector<16xf32>,
        tpu.vector_store %arg15[%swap3A_217, %swap3A_218], %mul3A_216 {strides = array<i32>} : memref<80x128xf32, #tpu.memory_space<vmem>>, vector<16xf32>,
        %get3A_220 = arith.index_cast %add3A_203 : i32 to index
        %get3A_221 = arith.constant 32 : index
        %get3A_222 = tpu.vector_load %arg15[%get3A_220, %get3A_221] {strides = array<i32>} : memref<80x128xf32, #tpu.memory_space<vmem>>, vector<16xf32>,
        %mul3A_223 = vector.broadcast %squeeze3A_199 : f32 to vector<16xf32>
        %mul3A_224 = arith.mulf %get3A_222, %mul3A_223 : vector<16xf32>
        %swap3A_225 = arith.index_cast %add3A_203 : i32 to index
        %swap3A_226 = arith.constant 32 : index
        %swap3A_227 = tpu.vector_load %arg15[%swap3A_225, %swap3A_226] {strides = array<i32>} : memref<80x128xf32, #tpu.memory_space<vmem>>, vector<16xf32>,
        tpu.vector_store %arg15[%swap3A_225, %swap3A_226], %mul3A_224 {strides = array<i32>} : memref<80x128xf32, #tpu.memory_space<vmem>>, vector<16xf32>,
        %get3A_228 = arith.index_cast %add3A_203 : i32 to index
        %get3A_229 = arith.constant 48 : index
        %get3A_230 = tpu.vector_load %arg15[%get3A_228, %get3A_229] {strides = array<i32>} : memref<80x128xf32, #tpu.memory_space<vmem>>, vector<16xf32>,
        %mul3A_231 = vector.broadcast %squeeze3A_199 : f32 to vector<16xf32>
        %mul3A_232 = arith.mulf %get3A_230, %mul3A_231 : vector<16xf32>
        %swap3A_233 = arith.index_cast %add3A_203 : i32 to index
        %swap3A_234 = arith.constant 48 : index
        %swap3A_235 = tpu.vector_load %arg15[%swap3A_233, %swap3A_234] {strides = array<i32>} : memref<80x128xf32, #tpu.memory_space<vmem>>, vector<16xf32>,
        tpu.vector_store %arg15[%swap3A_233, %swap3A_234], %mul3A_232 {strides = array<i32>} : memref<80x128xf32, #tpu.memory_space<vmem>>, vector<16xf32>,
        %get3A_236 = arith.index_cast %add3A_203 : i32 to index
        %get3A_237 = arith.constant 64 : index
        %get3A_238 = tpu.vector_load %arg15[%get3A_236, %get3A_237] {strides = array<i32>} : memref<80x128xf32, #tpu.memory_space<vmem>>, vector<16xf32>,
        %mul3A_239 = vector.broadcast %squeeze3A_199 : f32 to vector<16xf32>
        %mul3A_240 = arith.mulf %get3A_238, %mul3A_239 : vector<16xf32>
        %swap3A_241 = arith.index_cast %add3A_203 : i32 to index
        %swap3A_242 = arith.constant 64 : index
        %swap3A_243 = tpu.vector_load %arg15[%swap3A_241, %swap3A_242] {strides = array<i32>} : memref<80x128xf32, #tpu.memory_space<vmem>>, vector<16xf32>,
        tpu.vector_store %arg15[%swap3A_241, %swap3A_242], %mul3A_240 {strides = array<i32>} : memref<80x128xf32, #tpu.memory_space<vmem>>, vector<16xf32>,
        %get3A_244 = arith.index_cast %add3A_203 : i32 to index
        %get3A_245 = arith.constant 80 : index
        %get3A_246 = tpu.vector_load %arg15[%get3A_244, %get3A_245] {strides = array<i32>} : memref<80x128xf32, #tpu.memory_space<vmem>>, vector<16xf32>,
        %mul3A_247 = vector.broadcast %squeeze3A_199 : f32 to vector<16xf32>
        %mul3A_248 = arith.mulf %get3A_246, %mul3A_247 : vector<16xf32>
        %swap3A_249 = arith.index_cast %add3A_203 : i32 to index
        %swap3A_250 = arith.constant 80 : index
        %swap3A_251 = tpu.vector_load %arg15[%swap3A_249, %swap3A_250] {strides = array<i32>} : memref<80x128xf32, #tpu.memory_space<vmem>>, vector<16xf32>,
        tpu.vector_store %arg15[%swap3A_249, %swap3A_250], %mul3A_248 {strides = array<i32>} : memref<80x128xf32, #tpu.memory_space<vmem>>, vector<16xf32>,
        %get3A_252 = arith.index_cast %add3A_203 : i32 to index
        %get3A_253 = arith.constant 96 : index
        %get3A_254 = tpu.vector_load %arg15[%get3A_252, %get3A_253] {strides = array<i32>} : memref<80x128xf32, #tpu.memory_space<vmem>>, vector<16xf32>,
        %mul3A_255 = vector.broadcast %squeeze3A_199 : f32 to vector<16xf32>
        %mul3A_256 = arith.mulf %get3A_254, %mul3A_255 : vector<16xf32>
        %swap3A_257 = arith.index_cast %add3A_203 : i32 to index
        %swap3A_258 = arith.constant 96 : index
        %swap3A_259 = tpu.vector_load %arg15[%swap3A_257, %swap3A_258] {strides = array<i32>} : memref<80x128xf32, #tpu.memory_space<vmem>>, vector<16xf32>,
        tpu.vector_store %arg15[%swap3A_257, %swap3A_258], %mul3A_256 {strides = array<i32>} : memref<80x128xf32, #tpu.memory_space<vmem>>, vector<16xf32>,
        %get3A_260 = arith.index_cast %add3A_203 : i32 to index
        %get3A_261 = arith.constant 112 : index
        %get3A_262 = tpu.vector_load %arg15[%get3A_260, %get3A_261] {strides = array<i32>} : memref<80x128xf32, #tpu.memory_space<vmem>>, vector<16xf32>,
        %mul3A_263 = vector.broadcast %squeeze3A_199 : f32 to vector<16xf32>
        %mul3A_264 = arith.mulf %get3A_262, %mul3A_263 : vector<16xf32>
        %swap3A_265 = arith.index_cast %add3A_203 : i32 to index
        %swap3A_266 = arith.constant 112 : index
        %swap3A_267 = tpu.vector_load %arg15[%swap3A_265, %swap3A_266] {strides = array<i32>} : memref<80x128xf32, #tpu.memory_space<vmem>>, vector<16xf32>,
        tpu.vector_store %arg15[%swap3A_265, %swap3A_266], %mul3A_264 {strides = array<i32>} : memref<80x128xf32, #tpu.memory_space<vmem>>, vector<16xf32>,
        %slice3A_268 = vector.extract_strided_slice %get3A_60 {offsets = [3], sizes = [1], strides = [1]} : vector<16xf32> to vector<1xf32>
        %squeeze3A_269 = vector.extract %slice3A_268[0] : f32 from vector<1xf32>
        %mul3A_270 = arith.constant 16 : i32
        %mul3A_271 = arith.muli %scan3A_56, %mul3A_270 : i32
        %add3A_272 = arith.constant 3 : i32
        %add3A_273 = arith.addi %mul3A_271, %add3A_272 : i32
        %get3A_274 = arith.index_cast %add3A_273 : i32 to index
        %get3A_275 = arith.constant 0 : index
        %get3A_276 = tpu.vector_load %arg15[%get3A_274, %get3A_275] {strides = array<i32>} : memref<80x128xf32, #tpu.memory_space<vmem>>, vector<16xf32>,
        %mul3A_277 = vector.broadcast %squeeze3A_269 : f32 to vector<16xf32>
        %mul3A_278 = arith.mulf %get3A_276, %mul3A_277 : vector<16xf32>
        %swap3A_279 = arith.index_cast %add3A_273 : i32 to index
        %swap3A_280 = arith.constant 0 : index
        %swap3A_281 = tpu.vector_load %arg15[%swap3A_279, %swap3A_280] {strides = array<i32>} : memref<80x128xf32, #tpu.memory_space<vmem>>, vector<16xf32>,
        tpu.vector_store %arg15[%swap3A_279, %swap3A_280], %mul3A_278 {strides = array<i32>} : memref<80x128xf32, #tpu.memory_space<vmem>>, vector<16xf32>,
        %get3A_282 = arith.index_cast %add3A_273 : i32 to index
        %get3A_283 = arith.constant 16 : index
        %get3A_284 = tpu.vector_load %arg15[%get3A_282, %get3A_283] {strides = array<i32>} : memref<80x128xf32, #tpu.memory_space<vmem>>, vector<16xf32>,
        %mul3A_285 = vector.broadcast %squeeze3A_269 : f32 to vector<16xf32>
        %mul3A_286 = arith.mulf %get3A_284, %mul3A_285 : vector<16xf32>
        %swap3A_287 = arith.index_cast %add3A_273 : i32 to index
        %swap3A_288 = arith.constant 16 : index
        %swap3A_289 = tpu.vector_load %arg15[%swap3A_287, %swap3A_288] {strides = array<i32>} : memref<80x128xf32, #tpu.memory_space<vmem>>, vector<16xf32>,
        tpu.vector_store %arg15[%swap3A_287, %swap3A_288], %mul3A_286 {strides = array<i32>} : memref<80x128xf32, #tpu.memory_space<vmem>>, vector<16xf32>,
        %get3A_290 = arith.index_cast %add3A_273 : i32 to index
        %get3A_291 = arith.constant 32 : index
        %get3A_292 = tpu.vector_load %arg15[%get3A_290, %get3A_291] {strides = array<i32>} : memref<80x128xf32, #tpu.memory_space<vmem>>, vector<16xf32>,
        %mul3A_293 = vector.broadcast %squeeze3A_269 : f32 to vector<16xf32>
        %mul3A_294 = arith.mulf %get3A_292, %mul3A_293 : vector<16xf32>
        %swap3A_295 = arith.index_cast %add3A_273 : i32 to index
        %swap3A_296 = arith.constant 32 : index
        %swap3A_297 = tpu.vector_load %arg15[%swap3A_295, %swap3A_296] {strides = array<i32>} : memref<80x128xf32, #tpu.memory_space<vmem>>, vector<16xf32>,
        tpu.vector_store %arg15[%swap3A_295, %swap3A_296], %mul3A_294 {strides = array<i32>} : memref<80x128xf32, #tpu.memory_space<vmem>>, vector<16xf32>,
        %get3A_298 = arith.index_cast %add3A_273 : i32 to index
        %get3A_299 = arith.constant 48 : index
        %get3A_300 = tpu.vector_load %arg15[%get3A_298, %get3A_299] {strides = array<i32>} : memref<80x128xf32, #tpu.memory_space<vmem>>, vector<16xf32>,
        %mul3A_301 = vector.broadcast %squeeze3A_269 : f32 to vector<16xf32>
        %mul3A_302 = arith.mulf %get3A_300, %mul3A_301 : vector<16xf32>
        %swap3A_303 = arith.index_cast %add3A_273 : i32 to index
        %swap3A_304 = arith.constant 48 : index
        %swap3A_305 = tpu.vector_load %arg15[%swap3A_303, %swap3A_304] {strides = array<i32>} : memref<80x128xf32, #tpu.memory_space<vmem>>, vector<16xf32>,
        tpu.vector_store %arg15[%swap3A_303, %swap3A_304], %mul3A_302 {strides = array<i32>} : memref<80x128xf32, #tpu.memory_space<vmem>>, vector<16xf32>,
        %get3A_306 = arith.index_cast %add3A_273 : i32 to index
        %get3A_307 = arith.constant 64 : index
        %get3A_308 = tpu.vector_load %arg15[%get3A_306, %get3A_307] {strides = array<i32>} : memref<80x128xf32, #tpu.memory_space<vmem>>, vector<16xf32>,
        %mul3A_309 = vector.broadcast %squeeze3A_269 : f32 to vector<16xf32>
        %mul3A_310 = arith.mulf %get3A_308, %mul3A_309 : vector<16xf32>
        %swap3A_311 = arith.index_cast %add3A_273 : i32 to index
        %swap3A_312 = arith.constant 64 : index
        %swap3A_313 = tpu.vector_load %arg15[%swap3A_311, %swap3A_312] {strides = array<i32>} : memref<80x128xf32, #tpu.memory_space<vmem>>, vector<16xf32>,
        tpu.vector_store %arg15[%swap3A_311, %swap3A_312], %mul3A_310 {strides = array<i32>} : memref<80x128xf32, #tpu.memory_space<vmem>>, vector<16xf32>,
        %get3A_314 = arith.index_cast %add3A_273 : i32 to index
        %get3A_315 = arith.constant 80 : index
        %get3A_316 = tpu.vector_load %arg15[%get3A_314, %get3A_315] {strides = array<i32>} : memref<80x128xf32, #tpu.memory_space<vmem>>, vector<16xf32>,
        %mul3A_317 = vector.broadcast %squeeze3A_269 : f32 to vector<16xf32>
        %mul3A_318 = arith.mulf %get3A_316, %mul3A_317 : vector<16xf32>
        %swap3A_319 = arith.index_cast %add3A_273 : i32 to index
        %swap3A_320 = arith.constant 80 : index
        %swap3A_321 = tpu.vector_load %arg15[%swap3A_319, %swap3A_320] {strides = array<i32>} : memref<80x128xf32, #tpu.memory_space<vmem>>, vector<16xf32>,
        tpu.vector_store %arg15[%swap3A_319, %swap3A_320], %mul3A_318 {strides = array<i32>} : memref<80x128xf32, #tpu.memory_space<vmem>>, vector<16xf32>,
        %get3A_322 = arith.index_cast %add3A_273 : i32 to index
        %get3A_323 = arith.constant 96 : index
        %get3A_324 = tpu.vector_load %arg15[%get3A_322, %get3A_323] {strides = array<i32>} : memref<80x128xf32, #tpu.memory_space<vmem>>, vector<16xf32>,
        %mul3A_325 = vector.broadcast %squeeze3A_269 : f32 to vector<16xf32>
        %mul3A_326 = arith.mulf %get3A_324, %mul3A_325 : vector<16xf32>
        %swap3A_327 = arith.index_cast %add3A_273 : i32 to index
        %swap3A_328 = arith.constant 96 : index
        %swap3A_329 = tpu.vector_load %arg15[%swap3A_327, %swap3A_328] {strides = array<i32>} : memref<80x128xf32, #tpu.memory_space<vmem>>, vector<16xf32>,
        tpu.vector_store %arg15[%swap3A_327, %swap3A_328], %mul3A_326 {strides = array<i32>} : memref<80x128xf32, #tpu.memory_space<vmem>>, vector<16xf32>,
        %get3A_330 = arith.index_cast %add3A_273 : i32 to index
        %get3A_331 = arith.constant 112 : index
        %get3A_332 = tpu.vector_load %arg15[%get3A_330, %get3A_331] {strides = array<i32>} : memref<80x128xf32, #tpu.memory_space<vmem>>, vector<16xf32>,
        %mul3A_333 = vector.broadcast %squeeze3A_269 : f32 to vector<16xf32>
        %mul3A_334 = arith.mulf %get3A_332, %mul3A_333 : vector<16xf32>
        %swap3A_335 = arith.index_cast %add3A_273 : i32 to index
        %swap3A_336 = arith.constant 112 : index
        %swap3A_337 = tpu.vector_load %arg15[%swap3A_335, %swap3A_336] {strides = array<i32>} : memref<80x128xf32, #tpu.memory_space<vmem>>, vector<16xf32>,
        tpu.vector_store %arg15[%swap3A_335, %swap3A_336], %mul3A_334 {strides = array<i32>} : memref<80x128xf32, #tpu.memory_space<vmem>>, vector<16xf32>,
        %slice3A_338 = vector.extract_strided_slice %get3A_60 {offsets = [4], sizes = [1], strides = [1]} : vector<16xf32> to vector<1xf32>
        %squeeze3A_339 = vector.extract %slice3A_338[0] : f32 from vector<1xf32>
        %mul3A_340 = arith.constant 16 : i32
        %mul3A_341 = arith.muli %scan3A_56, %mul3A_340 : i32
        %add3A_342 = arith.constant 4 : i32
        %add3A_343 = arith.addi %mul3A_341, %add3A_342 : i32
        %get3A_344 = arith.index_cast %add3A_343 : i32 to index
        %get3A_345 = arith.constant 0 : index
        %get3A_346 = tpu.vector_load %arg15[%get3A_344, %get3A_345] {strides = array<i32>} : memref<80x128xf32, #tpu.memory_space<vmem>>, vector<16xf32>,
        %mul3A_347 = vector.broadcast %squeeze3A_339 : f32 to vector<16xf32>
        %mul3A_348 = arith.mulf %get3A_346, %mul3A_347 : vector<16xf32>
        %swap3A_349 = arith.index_cast %add3A_343 : i32 to index
        %swap3A_350 = arith.constant 0 : index
        %swap3A_351 = tpu.vector_load %arg15[%swap3A_349, %swap3A_350] {strides = array<i32>} : memref<80x128xf32, #tpu.memory_space<vmem>>, vector<16xf32>,
        tpu.vector_store %arg15[%swap3A_349, %swap3A_350], %mul3A_348 {strides = array<i32>} : memref<80x128xf32, #tpu.memory_space<vmem>>, vector<16xf32>,
        %get3A_352 = arith.index_cast %add3A_343 : i32 to index
        %get3A_353 = arith.constant 16 : index
        %get3A_354 = tpu.vector_load %arg15[%get3A_352, %get3A_353] {strides = array<i32>} : memref<80x128xf32, #tpu.memory_space<vmem>>, vector<16xf32>,
        %mul3A_355 = vector.broadcast %squeeze3A_339 : f32 to vector<16xf32>
        %mul3A_356 = arith.mulf %get3A_354, %mul3A_355 : vector<16xf32>
        %swap3A_357 = arith.index_cast %add3A_343 : i32 to index
        %swap3A_358 = arith.constant 16 : index
        %swap3A_359 = tpu.vector_load %arg15[%swap3A_357, %swap3A_358] {strides = array<i32>} : memref<80x128xf32, #tpu.memory_space<vmem>>, vector<16xf32>,
        tpu.vector_store %arg15[%swap3A_357, %swap3A_358], %mul3A_356 {strides = array<i32>} : memref<80x128xf32, #tpu.memory_space<vmem>>, vector<16xf32>,
        %get3A_360 = arith.index_cast %add3A_343 : i32 to index
        %get3A_361 = arith.constant 32 : index
        %get3A_362 = tpu.vector_load %arg15[%get3A_360, %get3A_361] {strides = array<i32>} : memref<80x128xf32, #tpu.memory_space<vmem>>, vector<16xf32>,
        %mul3A_363 = vector.broadcast %squeeze3A_339 : f32 to vector<16xf32>
        %mul3A_364 = arith.mulf %get3A_362, %mul3A_363 : vector<16xf32>
        %swap3A_365 = arith.index_cast %add3A_343 : i32 to index
        %swap3A_366 = arith.constant 32 : index
        %swap3A_367 = tpu.vector_load %arg15[%swap3A_365, %swap3A_366] {strides = array<i32>} : memref<80x128xf32, #tpu.memory_space<vmem>>, vector<16xf32>,
        tpu.vector_store %arg15[%swap3A_365, %swap3A_366], %mul3A_364 {strides = array<i32>} : memref<80x128xf32, #tpu.memory_space<vmem>>, vector<16xf32>,
        %get3A_368 = arith.index_cast %add3A_343 : i32 to index
        %get3A_369 = arith.constant 48 : index
        %get3A_370 = tpu.vector_load %arg15[%get3A_368, %get3A_369] {strides = array<i32>} : memref<80x128xf32, #tpu.memory_space<vmem>>, vector<16xf32>,
        %mul3A_371 = vector.broadcast %squeeze3A_339 : f32 to vector<16xf32>
        %mul3A_372 = arith.mulf %get3A_370, %mul3A_371 : vector<16xf32>
        %swap3A_373 = arith.index_cast %add3A_343 : i32 to index
        %swap3A_374 = arith.constant 48 : index
        %swap3A_375 = tpu.vector_load %arg15[%swap3A_373, %swap3A_374] {strides = array<i32>} : memref<80x128xf32, #tpu.memory_space<vmem>>, vector<16xf32>,
        tpu.vector_store %arg15[%swap3A_373, %swap3A_374], %mul3A_372 {strides = array<i32>} : memref<80x128xf32, #tpu.memory_space<vmem>>, vector<16xf32>,
        %get3A_376 = arith.index_cast %add3A_343 : i32 to index
        %get3A_377 = arith.constant 64 : index
        %get3A_378 = tpu.vector_load %arg15[%get3A_376, %get3A_377] {strides = array<i32>} : memref<80x128xf32, #tpu.memory_space<vmem>>, vector<16xf32>,
        %mul3A_379 = vector.broadcast %squeeze3A_339 : f32 to vector<16xf32>
        %mul3A_380 = arith.mulf %get3A_378, %mul3A_379 : vector<16xf32>
        %swap3A_381 = arith.index_cast %add3A_343 : i32 to index
        %swap3A_382 = arith.constant 64 : index
        %swap3A_383 = tpu.vector_load %arg15[%swap3A_381, %swap3A_382] {strides = array<i32>} : memref<80x128xf32, #tpu.memory_space<vmem>>, vector<16xf32>,
        tpu.vector_store %arg15[%swap3A_381, %swap3A_382], %mul3A_380 {strides = array<i32>} : memref<80x128xf32, #tpu.memory_space<vmem>>, vector<16xf32>,
        %get3A_384 = arith.index_cast %add3A_343 : i32 to index
        %get3A_385 = arith.constant 80 : index
        %get3A_386 = tpu.vector_load %arg15[%get3A_384, %get3A_385] {strides = array<i32>} : memref<80x128xf32, #tpu.memory_space<vmem>>, vector<16xf32>,
        %mul3A_387 = vector.broadcast %squeeze3A_339 : f32 to vector<16xf32>
        %mul3A_388 = arith.mulf %get3A_386, %mul3A_387 : vector<16xf32>
        %swap3A_389 = arith.index_cast %add3A_343 : i32 to index
        %swap3A_390 = arith.constant 80 : index
        %swap3A_391 = tpu.vector_load %arg15[%swap3A_389, %swap3A_390] {strides = array<i32>} : memref<80x128xf32, #tpu.memory_space<vmem>>, vector<16xf32>,
        tpu.vector_store %arg15[%swap3A_389, %swap3A_390], %mul3A_388 {strides = array<i32>} : memref<80x128xf32, #tpu.memory_space<vmem>>, vector<16xf32>,
        %get3A_392 = arith.index_cast %add3A_343 : i32 to index
        %get3A_393 = arith.constant 96 : index
        %get3A_394 = tpu.vector_load %arg15[%get3A_392, %get3A_393] {strides = array<i32>} : memref<80x128xf32, #tpu.memory_space<vmem>>, vector<16xf32>,
        %mul3A_395 = vector.broadcast %squeeze3A_339 : f32 to vector<16xf32>
        %mul3A_396 = arith.mulf %get3A_394, %mul3A_395 : vector<16xf32>
        %swap3A_397 = arith.index_cast %add3A_343 : i32 to index
        %swap3A_398 = arith.constant 96 : index
        %swap3A_399 = tpu.vector_load %arg15[%swap3A_397, %swap3A_398] {strides = array<i32>} : memref<80x128xf32, #tpu.memory_space<vmem>>, vector<16xf32>,
        tpu.vector_store %arg15[%swap3A_397, %swap3A_398], %mul3A_396 {strides = array<i32>} : memref<80x128xf32, #tpu.memory_space<vmem>>, vector<16xf32>,
        %get3A_400 = arith.index_cast %add3A_343 : i32 to index
        %get3A_401 = arith.constant 112 : index
        %get3A_402 = tpu.vector_load %arg15[%get3A_400, %get3A_401] {strides = array<i32>} : memref<80x128xf32, #tpu.memory_space<vmem>>, vector<16xf32>,
        %mul3A_403 = vector.broadcast %squeeze3A_339 : f32 to vector<16xf32>
        %mul3A_404 = arith.mulf %get3A_402, %mul3A_403 : vector<16xf32>
        %swap3A_405 = arith.index_cast %add3A_343 : i32 to index
        %swap3A_406 = arith.constant 112 : index
        %swap3A_407 = tpu.vector_load %arg15[%swap3A_405, %swap3A_406] {strides = array<i32>} : memref<80x128xf32, #tpu.memory_space<vmem>>, vector<16xf32>,
        tpu.vector_store %arg15[%swap3A_405, %swap3A_406], %mul3A_404 {strides = array<i32>} : memref<80x128xf32, #tpu.memory_space<vmem>>, vector<16xf32>,
        %slice3A_408 = vector.extract_strided_slice %get3A_60 {offsets = [5], sizes = [1], strides = [1]} : vector<16xf32> to vector<1xf32>
        %squeeze3A_409 = vector.extract %slice3A_408[0] : f32 from vector<1xf32>
        %mul3A_410 = arith.constant 16 : i32
        %mul3A_411 = arith.muli %scan3A_56, %mul3A_410 : i32
        %add3A_412 = arith.constant 5 : i32
        %add3A_413 = arith.addi %mul3A_411, %add3A_412 : i32
        %get3A_414 = arith.index_cast %add3A_413 : i32 to index
        %get3A_415 = arith.constant 0 : index
        %get3A_416 = tpu.vector_load %arg15[%get3A_414, %get3A_415] {strides = array<i32>} : memref<80x128xf32, #tpu.memory_space<vmem>>, vector<16xf32>,
        %mul3A_417 = vector.broadcast %squeeze3A_409 : f32 to vector<16xf32>
        %mul3A_418 = arith.mulf %get3A_416, %mul3A_417 : vector<16xf32>
        %swap3A_419 = arith.index_cast %add3A_413 : i32 to index
        %swap3A_420 = arith.constant 0 : index
        %swap3A_421 = tpu.vector_load %arg15[%swap3A_419, %swap3A_420] {strides = array<i32>} : memref<80x128xf32, #tpu.memory_space<vmem>>, vector<16xf32>,
        tpu.vector_store %arg15[%swap3A_419, %swap3A_420], %mul3A_418 {strides = array<i32>} : memref<80x128xf32, #tpu.memory_space<vmem>>, vector<16xf32>,
        %get3A_422 = arith.index_cast %add3A_413 : i32 to index
        %get3A_423 = arith.constant 16 : index
        %get3A_424 = tpu.vector_load %arg15[%get3A_422, %get3A_423] {strides = array<i32>} : memref<80x128xf32, #tpu.memory_space<vmem>>, vector<16xf32>,
        %mul3A_425 = vector.broadcast %squeeze3A_409 : f32 to vector<16xf32>
        %mul3A_426 = arith.mulf %get3A_424, %mul3A_425 : vector<16xf32>
        %swap3A_427 = arith.index_cast %add3A_413 : i32 to index
        %swap3A_428 = arith.constant 16 : index
        %swap3A_429 = tpu.vector_load %arg15[%swap3A_427, %swap3A_428] {strides = array<i32>} : memref<80x128xf32, #tpu.memory_space<vmem>>, vector<16xf32>,
        tpu.vector_store %arg15[%swap3A_427, %swap3A_428], %mul3A_426 {strides = array<i32>} : memref<80x128xf32, #tpu.memory_space<vmem>>, vector<16xf32>,
        %get3A_430 = arith.index_cast %add3A_413 : i32 to index
        %get3A_431 = arith.constant 32 : index
        %get3A_432 = tpu.vector_load %arg15[%get3A_430, %get3A_431] {strides = array<i32>} : memref<80x128xf32, #tpu.memory_space<vmem>>, vector<16xf32>,
        %mul3A_433 = vector.broadcast %squeeze3A_409 : f32 to vector<16xf32>
        %mul3A_434 = arith.mulf %get3A_432, %mul3A_433 : vector<16xf32>
        %swap3A_435 = arith.index_cast %add3A_413 : i32 to index
        %swap3A_436 = arith.constant 32 : index
        %swap3A_437 = tpu.vector_load %arg15[%swap3A_435, %swap3A_436] {strides = array<i32>} : memref<80x128xf32, #tpu.memory_space<vmem>>, vector<16xf32>,
        tpu.vector_store %arg15[%swap3A_435, %swap3A_436], %mul3A_434 {strides = array<i32>} : memref<80x128xf32, #tpu.memory_space<vmem>>, vector<16xf32>,
        %get3A_438 = arith.index_cast %add3A_413 : i32 to index
        %get3A_439 = arith.constant 48 : index
        %get3A_440 = tpu.vector_load %arg15[%get3A_438, %get3A_439] {strides = array<i32>} : memref<80x128xf32, #tpu.memory_space<vmem>>, vector<16xf32>,
        %mul3A_441 = vector.broadcast %squeeze3A_409 : f32 to vector<16xf32>
        %mul3A_442 = arith.mulf %get3A_440, %mul3A_441 : vector<16xf32>
        %swap3A_443 = arith.index_cast %add3A_413 : i32 to index
        %swap3A_444 = arith.constant 48 : index
        %swap3A_445 = tpu.vector_load %arg15[%swap3A_443, %swap3A_444] {strides = array<i32>} : memref<80x128xf32, #tpu.memory_space<vmem>>, vector<16xf32>,
        tpu.vector_store %arg15[%swap3A_443, %swap3A_444], %mul3A_442 {strides = array<i32>} : memref<80x128xf32, #tpu.memory_space<vmem>>, vector<16xf32>,
        %get3A_446 = arith.index_cast %add3A_413 : i32 to index
        %get3A_447 = arith.constant 64 : index
        %get3A_448 = tpu.vector_load %arg15[%get3A_446, %get3A_447] {strides = array<i32>} : memref<80x128xf32, #tpu.memory_space<vmem>>, vector<16xf32>,
        %mul3A_449 = vector.broadcast %squeeze3A_409 : f32 to vector<16xf32>
        %mul3A_450 = arith.mulf %get3A_448, %mul3A_449 : vector<16xf32>
        %swap3A_451 = arith.index_cast %add3A_413 : i32 to index
        %swap3A_452 = arith.constant 64 : index
        %swap3A_453 = tpu.vector_load %arg15[%swap3A_451, %swap3A_452] {strides = array<i32>} : memref<80x128xf32, #tpu.memory_space<vmem>>, vector<16xf32>,
        tpu.vector_store %arg15[%swap3A_451, %swap3A_452], %mul3A_450 {strides = array<i32>} : memref<80x128xf32, #tpu.memory_space<vmem>>, vector<16xf32>,
        %get3A_454 = arith.index_cast %add3A_413 : i32 to index
        %get3A_455 = arith.constant 80 : index
        %get3A_456 = tpu.vector_load %arg15[%get3A_454, %get3A_455] {strides = array<i32>} : memref<80x128xf32, #tpu.memory_space<vmem>>, vector<16xf32>,
        %mul3A_457 = vector.broadcast %squeeze3A_409 : f32 to vector<16xf32>
        %mul3A_458 = arith.mulf %get3A_456, %mul3A_457 : vector<16xf32>
        %swap3A_459 = arith.index_cast %add3A_413 : i32 to index
        %swap3A_460 = arith.constant 80 : index
        %swap3A_461 = tpu.vector_load %arg15[%swap3A_459, %swap3A_460] {strides = array<i32>} : memref<80x128xf32, #tpu.memory_space<vmem>>, vector<16xf32>,
        tpu.vector_store %arg15[%swap3A_459, %swap3A_460], %mul3A_458 {strides = array<i32>} : memref<80x128xf32, #tpu.memory_space<vmem>>, vector<16xf32>,
        %get3A_462 = arith.index_cast %add3A_413 : i32 to index
        %get3A_463 = arith.constant 96 : index
        %get3A_464 = tpu.vector_load %arg15[%get3A_462, %get3A_463] {strides = array<i32>} : memref<80x128xf32, #tpu.memory_space<vmem>>, vector<16xf32>,
        %mul3A_465 = vector.broadcast %squeeze3A_409 : f32 to vector<16xf32>
        %mul3A_466 = arith.mulf %get3A_464, %mul3A_465 : vector<16xf32>
        %swap3A_467 = arith.index_cast %add3A_413 : i32 to index
        %swap3A_468 = arith.constant 96 : index
        %swap3A_469 = tpu.vector_load %arg15[%swap3A_467, %swap3A_468] {strides = array<i32>} : memref<80x128xf32, #tpu.memory_space<vmem>>, vector<16xf32>,
        tpu.vector_store %arg15[%swap3A_467, %swap3A_468], %mul3A_466 {strides = array<i32>} : memref<80x128xf32, #tpu.memory_space<vmem>>, vector<16xf32>,
        %get3A_470 = arith.index_cast %add3A_413 : i32 to index
        %get3A_471 = arith.constant 112 : index
        %get3A_472 = tpu.vector_load %arg15[%get3A_470, %get3A_471] {strides = array<i32>} : memref<80x128xf32, #tpu.memory_space<vmem>>, vector<16xf32>,
        %mul3A_473 = vector.broadcast %squeeze3A_409 : f32 to vector<16xf32>
        %mul3A_474 = arith.mulf %get3A_472, %mul3A_473 : vector<16xf32>
        %swap3A_475 = arith.index_cast %add3A_413 : i32 to index
        %swap3A_476 = arith.constant 112 : index
        %swap3A_477 = tpu.vector_load %arg15[%swap3A_475, %swap3A_476] {strides = array<i32>} : memref<80x128xf32, #tpu.memory_space<vmem>>, vector<16xf32>,
        tpu.vector_store %arg15[%swap3A_475, %swap3A_476], %mul3A_474 {strides = array<i32>} : memref<80x128xf32, #tpu.memory_space<vmem>>, vector<16xf32>,
        %slice3A_478 = vector.extract_strided_slice %get3A_60 {offsets = [6], sizes = [1], strides = [1]} : vector<16xf32> to vector<1xf32>
        %squeeze3A_479 = vector.extract %slice3A_478[0] : f32 from vector<1xf32>
        %mul3A_480 = arith.constant 16 : i32
        %mul3A_481 = arith.muli %scan3A_56, %mul3A_480 : i32
        %add3A_482 = arith.constant 6 : i32
        %add3A_483 = arith.addi %mul3A_481, %add3A_482 : i32
        %get3A_484 = arith.index_cast %add3A_483 : i32 to index
        %get3A_485 = arith.constant 0 : index
        %get3A_486 = tpu.vector_load %arg15[%get3A_484, %get3A_485] {strides = array<i32>} : memref<80x128xf32, #tpu.memory_space<vmem>>, vector<16xf32>,
        %mul3A_487 = vector.broadcast %squeeze3A_479 : f32 to vector<16xf32>
        %mul3A_488 = arith.mulf %get3A_486, %mul3A_487 : vector<16xf32>
        %swap3A_489 = arith.index_cast %add3A_483 : i32 to index
        %swap3A_490 = arith.constant 0 : index
        %swap3A_491 = tpu.vector_load %arg15[%swap3A_489, %swap3A_490] {strides = array<i32>} : memref<80x128xf32, #tpu.memory_space<vmem>>, vector<16xf32>,
        tpu.vector_store %arg15[%swap3A_489, %swap3A_490], %mul3A_488 {strides = array<i32>} : memref<80x128xf32, #tpu.memory_space<vmem>>, vector<16xf32>,
        %get3A_492 = arith.index_cast %add3A_483 : i32 to index
        %get3A_493 = arith.constant 16 : index
        %get3A_494 = tpu.vector_load %arg15[%get3A_492, %get3A_493] {strides = array<i32>} : memref<80x128xf32, #tpu.memory_space<vmem>>, vector<16xf32>,
        %mul3A_495 = vector.broadcast %squeeze3A_479 : f32 to vector<16xf32>
        %mul3A_496 = arith.mulf %get3A_494, %mul3A_495 : vector<16xf32>
        %swap3A_497 = arith.index_cast %add3A_483 : i32 to index
        %swap3A_498 = arith.constant 16 : index
        %swap3A_499 = tpu.vector_load %arg15[%swap3A_497, %swap3A_498] {strides = array<i32>} : memref<80x128xf32, #tpu.memory_space<vmem>>, vector<16xf32>,
        tpu.vector_store %arg15[%swap3A_497, %swap3A_498], %mul3A_496 {strides = array<i32>} : memref<80x128xf32, #tpu.memory_space<vmem>>, vector<16xf32>,
        %get3A_500 = arith.index_cast %add3A_483 : i32 to index
        %get3A_501 = arith.constant 32 : index
        %get3A_502 = tpu.vector_load %arg15[%get3A_500, %get3A_501] {strides = array<i32>} : memref<80x128xf32, #tpu.memory_space<vmem>>, vector<16xf32>,
        %mul3A_503 = vector.broadcast %squeeze3A_479 : f32 to vector<16xf32>
        %mul3A_504 = arith.mulf %get3A_502, %mul3A_503 : vector<16xf32>
        %swap3A_505 = arith.index_cast %add3A_483 : i32 to index
        %swap3A_506 = arith.constant 32 : index
        %swap3A_507 = tpu.vector_load %arg15[%swap3A_505, %swap3A_506] {strides = array<i32>} : memref<80x128xf32, #tpu.memory_space<vmem>>, vector<16xf32>,
        tpu.vector_store %arg15[%swap3A_505, %swap3A_506], %mul3A_504 {strides = array<i32>} : memref<80x128xf32, #tpu.memory_space<vmem>>, vector<16xf32>,
        %get3A_508 = arith.index_cast %add3A_483 : i32 to index
        %get3A_509 = arith.constant 48 : index
        %get3A_510 = tpu.vector_load %arg15[%get3A_508, %get3A_509] {strides = array<i32>} : memref<80x128xf32, #tpu.memory_space<vmem>>, vector<16xf32>,
        %mul3A_511 = vector.broadcast %squeeze3A_479 : f32 to vector<16xf32>
        %mul3A_512 = arith.mulf %get3A_510, %mul3A_511 : vector<16xf32>
        %swap3A_513 = arith.index_cast %add3A_483 : i32 to index
        %swap3A_514 = arith.constant 48 : index
        %swap3A_515 = tpu.vector_load %arg15[%swap3A_513, %swap3A_514] {strides = array<i32>} : memref<80x128xf32, #tpu.memory_space<vmem>>, vector<16xf32>,
        tpu.vector_store %arg15[%swap3A_513, %swap3A_514], %mul3A_512 {strides = array<i32>} : memref<80x128xf32, #tpu.memory_space<vmem>>, vector<16xf32>,
        %get3A_516 = arith.index_cast %add3A_483 : i32 to index
        %get3A_517 = arith.constant 64 : index
        %get3A_518 = tpu.vector_load %arg15[%get3A_516, %get3A_517] {strides = array<i32>} : memref<80x128xf32, #tpu.memory_space<vmem>>, vector<16xf32>,
        %mul3A_519 = vector.broadcast %squeeze3A_479 : f32 to vector<16xf32>
        %mul3A_520 = arith.mulf %get3A_518, %mul3A_519 : vector<16xf32>
        %swap3A_521 = arith.index_cast %add3A_483 : i32 to index
        %swap3A_522 = arith.constant 64 : index
        %swap3A_523 = tpu.vector_load %arg15[%swap3A_521, %swap3A_522] {strides = array<i32>} : memref<80x128xf32, #tpu.memory_space<vmem>>, vector<16xf32>,
        tpu.vector_store %arg15[%swap3A_521, %swap3A_522], %mul3A_520 {strides = array<i32>} : memref<80x128xf32, #tpu.memory_space<vmem>>, vector<16xf32>,
        %get3A_524 = arith.index_cast %add3A_483 : i32 to index
        %get3A_525 = arith.constant 80 : index
        %get3A_526 = tpu.vector_load %arg15[%get3A_524, %get3A_525] {strides = array<i32>} : memref<80x128xf32, #tpu.memory_space<vmem>>, vector<16xf32>,
        %mul3A_527 = vector.broadcast %squeeze3A_479 : f32 to vector<16xf32>
        %mul3A_528 = arith.mulf %get3A_526, %mul3A_527 : vector<16xf32>
        %swap3A_529 = arith.index_cast %add3A_483 : i32 to index
        %swap3A_530 = arith.constant 80 : index
        %swap3A_531 = tpu.vector_load %arg15[%swap3A_529, %swap3A_530] {strides = array<i32>} : memref<80x128xf32, #tpu.memory_space<vmem>>, vector<16xf32>,
        tpu.vector_store %arg15[%swap3A_529, %swap3A_530], %mul3A_528 {strides = array<i32>} : memref<80x128xf32, #tpu.memory_space<vmem>>, vector<16xf32>,
        %get3A_532 = arith.index_cast %add3A_483 : i32 to index
        %get3A_533 = arith.constant 96 : index
        %get3A_534 = tpu.vector_load %arg15[%get3A_532, %get3A_533] {strides = array<i32>} : memref<80x128xf32, #tpu.memory_space<vmem>>, vector<16xf32>,
        %mul3A_535 = vector.broadcast %squeeze3A_479 : f32 to vector<16xf32>
        %mul3A_536 = arith.mulf %get3A_534, %mul3A_535 : vector<16xf32>
        %swap3A_537 = arith.index_cast %add3A_483 : i32 to index
        %swap3A_538 = arith.constant 96 : index
        %swap3A_539 = tpu.vector_load %arg15[%swap3A_537, %swap3A_538] {strides = array<i32>} : memref<80x128xf32, #tpu.memory_space<vmem>>, vector<16xf32>,
        tpu.vector_store %arg15[%swap3A_537, %swap3A_538], %mul3A_536 {strides = array<i32>} : memref<80x128xf32, #tpu.memory_space<vmem>>, vector<16xf32>,
        %get3A_540 = arith.index_cast %add3A_483 : i32 to index
        %get3A_541 = arith.constant 112 : index
        %get3A_542 = tpu.vector_load %arg15[%get3A_540, %get3A_541] {strides = array<i32>} : memref<80x128xf32, #tpu.memory_space<vmem>>, vector<16xf32>,
        %mul3A_543 = vector.broadcast %squeeze3A_479 : f32 to vector<16xf32>
        %mul3A_544 = arith.mulf %get3A_542, %mul3A_543 : vector<16xf32>
        %swap3A_545 = arith.index_cast %add3A_483 : i32 to index
        %swap3A_546 = arith.constant 112 : index
        %swap3A_547 = tpu.vector_load %arg15[%swap3A_545, %swap3A_546] {strides = array<i32>} : memref<80x128xf32, #tpu.memory_space<vmem>>, vector<16xf32>,
        tpu.vector_store %arg15[%swap3A_545, %swap3A_546], %mul3A_544 {strides = array<i32>} : memref<80x128xf32, #tpu.memory_space<vmem>>, vector<16xf32>,
        %slice3A_548 = vector.extract_strided_slice %get3A_60 {offsets = [7], sizes = [1], strides = [1]} : vector<16xf32> to vector<1xf32>
        %squeeze3A_549 = vector.extract %slice3A_548[0] : f32 from vector<1xf32>
        %mul3A_550 = arith.constant 16 : i32
        %mul3A_551 = arith.muli %scan3A_56, %mul3A_550 : i32
        %add3A_552 = arith.constant 7 : i32
        %add3A_553 = arith.addi %mul3A_551, %add3A_552 : i32
        %get3A_554 = arith.index_cast %add3A_553 : i32 to index
        %get3A_555 = arith.constant 0 : index
        %get3A_556 = tpu.vector_load %arg15[%get3A_554, %get3A_555] {strides = array<i32>} : memref<80x128xf32, #tpu.memory_space<vmem>>, vector<16xf32>,
        %mul3A_557 = vector.broadcast %squeeze3A_549 : f32 to vector<16xf32>
        %mul3A_558 = arith.mulf %get3A_556, %mul3A_557 : vector<16xf32>
        %swap3A_559 = arith.index_cast %add3A_553 : i32 to index
        %swap3A_560 = arith.constant 0 : index
        %swap3A_561 = tpu.vector_load %arg15[%swap3A_559, %swap3A_560] {strides = array<i32>} : memref<80x128xf32, #tpu.memory_space<vmem>>, vector<16xf32>,
        tpu.vector_store %arg15[%swap3A_559, %swap3A_560], %mul3A_558 {strides = array<i32>} : memref<80x128xf32, #tpu.memory_space<vmem>>, vector<16xf32>,
        %get3A_562 = arith.index_cast %add3A_553 : i32 to index
        %get3A_563 = arith.constant 16 : index
        %get3A_564 = tpu.vector_load %arg15[%get3A_562, %get3A_563] {strides = array<i32>} : memref<80x128xf32, #tpu.memory_space<vmem>>, vector<16xf32>,
        %mul3A_565 = vector.broadcast %squeeze3A_549 : f32 to vector<16xf32>
        %mul3A_566 = arith.mulf %get3A_564, %mul3A_565 : vector<16xf32>
        %swap3A_567 = arith.index_cast %add3A_553 : i32 to index
        %swap3A_568 = arith.constant 16 : index
        %swap3A_569 = tpu.vector_load %arg15[%swap3A_567, %swap3A_568] {strides = array<i32>} : memref<80x128xf32, #tpu.memory_space<vmem>>, vector<16xf32>,
        tpu.vector_store %arg15[%swap3A_567, %swap3A_568], %mul3A_566 {strides = array<i32>} : memref<80x128xf32, #tpu.memory_space<vmem>>, vector<16xf32>,
        %get3A_570 = arith.index_cast %add3A_553 : i32 to index
        %get3A_571 = arith.constant 32 : index
        %get3A_572 = tpu.vector_load %arg15[%get3A_570, %get3A_571] {strides = array<i32>} : memref<80x128xf32, #tpu.memory_space<vmem>>, vector<16xf32>,
        %mul3A_573 = vector.broadcast %squeeze3A_549 : f32 to vector<16xf32>
        %mul3A_574 = arith.mulf %get3A_572, %mul3A_573 : vector<16xf32>
        %swap3A_575 = arith.index_cast %add3A_553 : i32 to index
        %swap3A_576 = arith.constant 32 : index
        %swap3A_577 = tpu.vector_load %arg15[%swap3A_575, %swap3A_576] {strides = array<i32>} : memref<80x128xf32, #tpu.memory_space<vmem>>, vector<16xf32>,
        tpu.vector_store %arg15[%swap3A_575, %swap3A_576], %mul3A_574 {strides = array<i32>} : memref<80x128xf32, #tpu.memory_space<vmem>>, vector<16xf32>,
        %get3A_578 = arith.index_cast %add3A_553 : i32 to index
        %get3A_579 = arith.constant 48 : index
        %get3A_580 = tpu.vector_load %arg15[%get3A_578, %get3A_579] {strides = array<i32>} : memref<80x128xf32, #tpu.memory_space<vmem>>, vector<16xf32>,
        %mul3A_581 = vector.broadcast %squeeze3A_549 : f32 to vector<16xf32>
        %mul3A_582 = arith.mulf %get3A_580, %mul3A_581 : vector<16xf32>
        %swap3A_583 = arith.index_cast %add3A_553 : i32 to index
        %swap3A_584 = arith.constant 48 : index
        %swap3A_585 = tpu.vector_load %arg15[%swap3A_583, %swap3A_584] {strides = array<i32>} : memref<80x128xf32, #tpu.memory_space<vmem>>, vector<16xf32>,
        tpu.vector_store %arg15[%swap3A_583, %swap3A_584], %mul3A_582 {strides = array<i32>} : memref<80x128xf32, #tpu.memory_space<vmem>>, vector<16xf32>,
        %get3A_586 = arith.index_cast %add3A_553 : i32 to index
        %get3A_587 = arith.constant 64 : index
        %get3A_588 = tpu.vector_load %arg15[%get3A_586, %get3A_587] {strides = array<i32>} : memref<80x128xf32, #tpu.memory_space<vmem>>, vector<16xf32>,
        %mul3A_589 = vector.broadcast %squeeze3A_549 : f32 to vector<16xf32>
        %mul3A_590 = arith.mulf %get3A_588, %mul3A_589 : vector<16xf32>
        %swap3A_591 = arith.index_cast %add3A_553 : i32 to index
        %swap3A_592 = arith.constant 64 : index
        %swap3A_593 = tpu.vector_load %arg15[%swap3A_591, %swap3A_592] {strides = array<i32>} : memref<80x128xf32, #tpu.memory_space<vmem>>, vector<16xf32>,
        tpu.vector_store %arg15[%swap3A_591, %swap3A_592], %mul3A_590 {strides = array<i32>} : memref<80x128xf32, #tpu.memory_space<vmem>>, vector<16xf32>,
        %get3A_594 = arith.index_cast %add3A_553 : i32 to index
        %get3A_595 = arith.constant 80 : index
        %get3A_596 = tpu.vector_load %arg15[%get3A_594, %get3A_595] {strides = array<i32>} : memref<80x128xf32, #tpu.memory_space<vmem>>, vector<16xf32>,
        %mul3A_597 = vector.broadcast %squeeze3A_549 : f32 to vector<16xf32>
        %mul3A_598 = arith.mulf %get3A_596, %mul3A_597 : vector<16xf32>
        %swap3A_599 = arith.index_cast %add3A_553 : i32 to index
        %swap3A_600 = arith.constant 80 : index
        %swap3A_601 = tpu.vector_load %arg15[%swap3A_599, %swap3A_600] {strides = array<i32>} : memref<80x128xf32, #tpu.memory_space<vmem>>, vector<16xf32>,
        tpu.vector_store %arg15[%swap3A_599, %swap3A_600], %mul3A_598 {strides = array<i32>} : memref<80x128xf32, #tpu.memory_space<vmem>>, vector<16xf32>,
        %get3A_602 = arith.index_cast %add3A_553 : i32 to index
        %get3A_603 = arith.constant 96 : index
        %get3A_604 = tpu.vector_load %arg15[%get3A_602, %get3A_603] {strides = array<i32>} : memref<80x128xf32, #tpu.memory_space<vmem>>, vector<16xf32>,
        %mul3A_605 = vector.broadcast %squeeze3A_549 : f32 to vector<16xf32>
        %mul3A_606 = arith.mulf %get3A_604, %mul3A_605 : vector<16xf32>
        %swap3A_607 = arith.index_cast %add3A_553 : i32 to index
        %swap3A_608 = arith.constant 96 : index
        %swap3A_609 = tpu.vector_load %arg15[%swap3A_607, %swap3A_608] {strides = array<i32>} : memref<80x128xf32, #tpu.memory_space<vmem>>, vector<16xf32>,
        tpu.vector_store %arg15[%swap3A_607, %swap3A_608], %mul3A_606 {strides = array<i32>} : memref<80x128xf32, #tpu.memory_space<vmem>>, vector<16xf32>,
        %get3A_610 = arith.index_cast %add3A_553 : i32 to index
        %get3A_611 = arith.constant 112 : index
        %get3A_612 = tpu.vector_load %arg15[%get3A_610, %get3A_611] {strides = array<i32>} : memref<80x128xf32, #tpu.memory_space<vmem>>, vector<16xf32>,
        %mul3A_613 = vector.broadcast %squeeze3A_549 : f32 to vector<16xf32>
        %mul3A_614 = arith.mulf %get3A_612, %mul3A_613 : vector<16xf32>
        %swap3A_615 = arith.index_cast %add3A_553 : i32 to index
        %swap3A_616 = arith.constant 112 : index
        %swap3A_617 = tpu.vector_load %arg15[%swap3A_615, %swap3A_616] {strides = array<i32>} : memref<80x128xf32, #tpu.memory_space<vmem>>, vector<16xf32>,
        tpu.vector_store %arg15[%swap3A_615, %swap3A_616], %mul3A_614 {strides = array<i32>} : memref<80x128xf32, #tpu.memory_space<vmem>>, vector<16xf32>,
        %slice3A_618 = vector.extract_strided_slice %get3A_60 {offsets = [8], sizes = [1], strides = [1]} : vector<16xf32> to vector<1xf32>
        %squeeze3A_619 = vector.extract %slice3A_618[0] : f32 from vector<1xf32>
        %mul3A_620 = arith.constant 16 : i32
        %mul3A_621 = arith.muli %scan3A_56, %mul3A_620 : i32
        %add3A_622 = arith.constant 8 : i32
        %add3A_623 = arith.addi %mul3A_621, %add3A_622 : i32
        %get3A_624 = arith.index_cast %add3A_623 : i32 to index
        %get3A_625 = arith.constant 0 : index
        %get3A_626 = tpu.vector_load %arg15[%get3A_624, %get3A_625] {strides = array<i32>} : memref<80x128xf32, #tpu.memory_space<vmem>>, vector<16xf32>,
        %mul3A_627 = vector.broadcast %squeeze3A_619 : f32 to vector<16xf32>
        %mul3A_628 = arith.mulf %get3A_626, %mul3A_627 : vector<16xf32>
        %swap3A_629 = arith.index_cast %add3A_623 : i32 to index
        %swap3A_630 = arith.constant 0 : index
        %swap3A_631 = tpu.vector_load %arg15[%swap3A_629, %swap3A_630] {strides = array<i32>} : memref<80x128xf32, #tpu.memory_space<vmem>>, vector<16xf32>,
        tpu.vector_store %arg15[%swap3A_629, %swap3A_630], %mul3A_628 {strides = array<i32>} : memref<80x128xf32, #tpu.memory_space<vmem>>, vector<16xf32>,
        %get3A_632 = arith.index_cast %add3A_623 : i32 to index
        %get3A_633 = arith.constant 16 : index
        %get3A_634 = tpu.vector_load %arg15[%get3A_632, %get3A_633] {strides = array<i32>} : memref<80x128xf32, #tpu.memory_space<vmem>>, vector<16xf32>,
        %mul3A_635 = vector.broadcast %squeeze3A_619 : f32 to vector<16xf32>
        %mul3A_636 = arith.mulf %get3A_634, %mul3A_635 : vector<16xf32>
        %swap3A_637 = arith.index_cast %add3A_623 : i32 to index
        %swap3A_638 = arith.constant 16 : index
        %swap3A_639 = tpu.vector_load %arg15[%swap3A_637, %swap3A_638] {strides = array<i32>} : memref<80x128xf32, #tpu.memory_space<vmem>>, vector<16xf32>,
        tpu.vector_store %arg15[%swap3A_637, %swap3A_638], %mul3A_636 {strides = array<i32>} : memref<80x128xf32, #tpu.memory_space<vmem>>, vector<16xf32>,
        %get3A_640 = arith.index_cast %add3A_623 : i32 to index
        %get3A_641 = arith.constant 32 : index
        %get3A_642 = tpu.vector_load %arg15[%get3A_640, %get3A_641] {strides = array<i32>} : memref<80x128xf32, #tpu.memory_space<vmem>>, vector<16xf32>,
        %mul3A_643 = vector.broadcast %squeeze3A_619 : f32 to vector<16xf32>
        %mul3A_644 = arith.mulf %get3A_642, %mul3A_643 : vector<16xf32>
        %swap3A_645 = arith.index_cast %add3A_623 : i32 to index
        %swap3A_646 = arith.constant 32 : index
        %swap3A_647 = tpu.vector_load %arg15[%swap3A_645, %swap3A_646] {strides = array<i32>} : memref<80x128xf32, #tpu.memory_space<vmem>>, vector<16xf32>,
        tpu.vector_store %arg15[%swap3A_645, %swap3A_646], %mul3A_644 {strides = array<i32>} : memref<80x128xf32, #tpu.memory_space<vmem>>, vector<16xf32>,
        %get3A_648 = arith.index_cast %add3A_623 : i32 to index
        %get3A_649 = arith.constant 48 : index
        %get3A_650 = tpu.vector_load %arg15[%get3A_648, %get3A_649] {strides = array<i32>} : memref<80x128xf32, #tpu.memory_space<vmem>>, vector<16xf32>,
        %mul3A_651 = vector.broadcast %squeeze3A_619 : f32 to vector<16xf32>
        %mul3A_652 = arith.mulf %get3A_650, %mul3A_651 : vector<16xf32>
        %swap3A_653 = arith.index_cast %add3A_623 : i32 to index
        %swap3A_654 = arith.constant 48 : index
        %swap3A_655 = tpu.vector_load %arg15[%swap3A_653, %swap3A_654] {strides = array<i32>} : memref<80x128xf32, #tpu.memory_space<vmem>>, vector<16xf32>,
        tpu.vector_store %arg15[%swap3A_653, %swap3A_654], %mul3A_652 {strides = array<i32>} : memref<80x128xf32, #tpu.memory_space<vmem>>, vector<16xf32>,
        %get3A_656 = arith.index_cast %add3A_623 : i32 to index
        %get3A_657 = arith.constant 64 : index
        %get3A_658 = tpu.vector_load %arg15[%get3A_656, %get3A_657] {strides = array<i32>} : memref<80x128xf32, #tpu.memory_space<vmem>>, vector<16xf32>,
        %mul3A_659 = vector.broadcast %squeeze3A_619 : f32 to vector<16xf32>
        %mul3A_660 = arith.mulf %get3A_658, %mul3A_659 : vector<16xf32>
        %swap3A_661 = arith.index_cast %add3A_623 : i32 to index
        %swap3A_662 = arith.constant 64 : index
        %swap3A_663 = tpu.vector_load %arg15[%swap3A_661, %swap3A_662] {strides = array<i32>} : memref<80x128xf32, #tpu.memory_space<vmem>>, vector<16xf32>,
        tpu.vector_store %arg15[%swap3A_661, %swap3A_662], %mul3A_660 {strides = array<i32>} : memref<80x128xf32, #tpu.memory_space<vmem>>, vector<16xf32>,
        %get3A_664 = arith.index_cast %add3A_623 : i32 to index
        %get3A_665 = arith.constant 80 : index
        %get3A_666 = tpu.vector_load %arg15[%get3A_664, %get3A_665] {strides = array<i32>} : memref<80x128xf32, #tpu.memory_space<vmem>>, vector<16xf32>,
        %mul3A_667 = vector.broadcast %squeeze3A_619 : f32 to vector<16xf32>
        %mul3A_668 = arith.mulf %get3A_666, %mul3A_667 : vector<16xf32>
        %swap3A_669 = arith.index_cast %add3A_623 : i32 to index
        %swap3A_670 = arith.constant 80 : index
        %swap3A_671 = tpu.vector_load %arg15[%swap3A_669, %swap3A_670] {strides = array<i32>} : memref<80x128xf32, #tpu.memory_space<vmem>>, vector<16xf32>,
        tpu.vector_store %arg15[%swap3A_669, %swap3A_670], %mul3A_668 {strides = array<i32>} : memref<80x128xf32, #tpu.memory_space<vmem>>, vector<16xf32>,
        %get3A_672 = arith.index_cast %add3A_623 : i32 to index
        %get3A_673 = arith.constant 96 : index
        %get3A_674 = tpu.vector_load %arg15[%get3A_672, %get3A_673] {strides = array<i32>} : memref<80x128xf32, #tpu.memory_space<vmem>>, vector<16xf32>,
        %mul3A_675 = vector.broadcast %squeeze3A_619 : f32 to vector<16xf32>
        %mul3A_676 = arith.mulf %get3A_674, %mul3A_675 : vector<16xf32>
        %swap3A_677 = arith.index_cast %add3A_623 : i32 to index
        %swap3A_678 = arith.constant 96 : index
        %swap3A_679 = tpu.vector_load %arg15[%swap3A_677, %swap3A_678] {strides = array<i32>} : memref<80x128xf32, #tpu.memory_space<vmem>>, vector<16xf32>,
        tpu.vector_store %arg15[%swap3A_677, %swap3A_678], %mul3A_676 {strides = array<i32>} : memref<80x128xf32, #tpu.memory_space<vmem>>, vector<16xf32>,
        %get3A_680 = arith.index_cast %add3A_623 : i32 to index
        %get3A_681 = arith.constant 112 : index
        %get3A_682 = tpu.vector_load %arg15[%get3A_680, %get3A_681] {strides = array<i32>} : memref<80x128xf32, #tpu.memory_space<vmem>>, vector<16xf32>,
        %mul3A_683 = vector.broadcast %squeeze3A_619 : f32 to vector<16xf32>
        %mul3A_684 = arith.mulf %get3A_682, %mul3A_683 : vector<16xf32>
        %swap3A_685 = arith.index_cast %add3A_623 : i32 to index
        %swap3A_686 = arith.constant 112 : index
        %swap3A_687 = tpu.vector_load %arg15[%swap3A_685, %swap3A_686] {strides = array<i32>} : memref<80x128xf32, #tpu.memory_space<vmem>>, vector<16xf32>,
        tpu.vector_store %arg15[%swap3A_685, %swap3A_686], %mul3A_684 {strides = array<i32>} : memref<80x128xf32, #tpu.memory_space<vmem>>, vector<16xf32>,
        %slice3A_688 = vector.extract_strided_slice %get3A_60 {offsets = [9], sizes = [1], strides = [1]} : vector<16xf32> to vector<1xf32>
        %squeeze3A_689 = vector.extract %slice3A_688[0] : f32 from vector<1xf32>
        %mul3A_690 = arith.constant 16 : i32
        %mul3A_691 = arith.muli %scan3A_56, %mul3A_690 : i32
        %add3A_692 = arith.constant 9 : i32
        %add3A_693 = arith.addi %mul3A_691, %add3A_692 : i32
        %get3A_694 = arith.index_cast %add3A_693 : i32 to index
        %get3A_695 = arith.constant 0 : index
        %get3A_696 = tpu.vector_load %arg15[%get3A_694, %get3A_695] {strides = array<i32>} : memref<80x128xf32, #tpu.memory_space<vmem>>, vector<16xf32>,
        %mul3A_697 = vector.broadcast %squeeze3A_689 : f32 to vector<16xf32>
        %mul3A_698 = arith.mulf %get3A_696, %mul3A_697 : vector<16xf32>
        %swap3A_699 = arith.index_cast %add3A_693 : i32 to index
        %swap3A_700 = arith.constant 0 : index
        %swap3A_701 = tpu.vector_load %arg15[%swap3A_699, %swap3A_700] {strides = array<i32>} : memref<80x128xf32, #tpu.memory_space<vmem>>, vector<16xf32>,
        tpu.vector_store %arg15[%swap3A_699, %swap3A_700], %mul3A_698 {strides = array<i32>} : memref<80x128xf32, #tpu.memory_space<vmem>>, vector<16xf32>,
        %get3A_702 = arith.index_cast %add3A_693 : i32 to index
        %get3A_703 = arith.constant 16 : index
        %get3A_704 = tpu.vector_load %arg15[%get3A_702, %get3A_703] {strides = array<i32>} : memref<80x128xf32, #tpu.memory_space<vmem>>, vector<16xf32>,
        %mul3A_705 = vector.broadcast %squeeze3A_689 : f32 to vector<16xf32>
        %mul3A_706 = arith.mulf %get3A_704, %mul3A_705 : vector<16xf32>
        %swap3A_707 = arith.index_cast %add3A_693 : i32 to index
        %swap3A_708 = arith.constant 16 : index
        %swap3A_709 = tpu.vector_load %arg15[%swap3A_707, %swap3A_708] {strides = array<i32>} : memref<80x128xf32, #tpu.memory_space<vmem>>, vector<16xf32>,
        tpu.vector_store %arg15[%swap3A_707, %swap3A_708], %mul3A_706 {strides = array<i32>} : memref<80x128xf32, #tpu.memory_space<vmem>>, vector<16xf32>,
        %get3A_710 = arith.index_cast %add3A_693 : i32 to index
        %get3A_711 = arith.constant 32 : index
        %get3A_712 = tpu.vector_load %arg15[%get3A_710, %get3A_711] {strides = array<i32>} : memref<80x128xf32, #tpu.memory_space<vmem>>, vector<16xf32>,
        %mul3A_713 = vector.broadcast %squeeze3A_689 : f32 to vector<16xf32>
        %mul3A_714 = arith.mulf %get3A_712, %mul3A_713 : vector<16xf32>
        %swap3A_715 = arith.index_cast %add3A_693 : i32 to index
        %swap3A_716 = arith.constant 32 : index
        %swap3A_717 = tpu.vector_load %arg15[%swap3A_715, %swap3A_716] {strides = array<i32>} : memref<80x128xf32, #tpu.memory_space<vmem>>, vector<16xf32>,
        tpu.vector_store %arg15[%swap3A_715, %swap3A_716], %mul3A_714 {strides = array<i32>} : memref<80x128xf32, #tpu.memory_space<vmem>>, vector<16xf32>,
        %get3A_718 = arith.index_cast %add3A_693 : i32 to index
        %get3A_719 = arith.constant 48 : index
        %get3A_720 = tpu.vector_load %arg15[%get3A_718, %get3A_719] {strides = array<i32>} : memref<80x128xf32, #tpu.memory_space<vmem>>, vector<16xf32>,
        %mul3A_721 = vector.broadcast %squeeze3A_689 : f32 to vector<16xf32>
        %mul3A_722 = arith.mulf %get3A_720, %mul3A_721 : vector<16xf32>
        %swap3A_723 = arith.index_cast %add3A_693 : i32 to index
        %swap3A_724 = arith.constant 48 : index
        %swap3A_725 = tpu.vector_load %arg15[%swap3A_723, %swap3A_724] {strides = array<i32>} : memref<80x128xf32, #tpu.memory_space<vmem>>, vector<16xf32>,
        tpu.vector_store %arg15[%swap3A_723, %swap3A_724], %mul3A_722 {strides = array<i32>} : memref<80x128xf32, #tpu.memory_space<vmem>>, vector<16xf32>,
        %get3A_726 = arith.index_cast %add3A_693 : i32 to index
        %get3A_727 = arith.constant 64 : index
        %get3A_728 = tpu.vector_load %arg15[%get3A_726, %get3A_727] {strides = array<i32>} : memref<80x128xf32, #tpu.memory_space<vmem>>, vector<16xf32>,
        %mul3A_729 = vector.broadcast %squeeze3A_689 : f32 to vector<16xf32>
        %mul3A_730 = arith.mulf %get3A_728, %mul3A_729 : vector<16xf32>
        %swap3A_731 = arith.index_cast %add3A_693 : i32 to index
        %swap3A_732 = arith.constant 64 : index
        %swap3A_733 = tpu.vector_load %arg15[%swap3A_731, %swap3A_732] {strides = array<i32>} : memref<80x128xf32, #tpu.memory_space<vmem>>, vector<16xf32>,
        tpu.vector_store %arg15[%swap3A_731, %swap3A_732], %mul3A_730 {strides = array<i32>} : memref<80x128xf32, #tpu.memory_space<vmem>>, vector<16xf32>,
        %get3A_734 = arith.index_cast %add3A_693 : i32 to index
        %get3A_735 = arith.constant 80 : index
        %get3A_736 = tpu.vector_load %arg15[%get3A_734, %get3A_735] {strides = array<i32>} : memref<80x128xf32, #tpu.memory_space<vmem>>, vector<16xf32>,
        %mul3A_737 = vector.broadcast %squeeze3A_689 : f32 to vector<16xf32>
        %mul3A_738 = arith.mulf %get3A_736, %mul3A_737 : vector<16xf32>
        %swap3A_739 = arith.index_cast %add3A_693 : i32 to index
        %swap3A_740 = arith.constant 80 : index
        %swap3A_741 = tpu.vector_load %arg15[%swap3A_739, %swap3A_740] {strides = array<i32>} : memref<80x128xf32, #tpu.memory_space<vmem>>, vector<16xf32>,
        tpu.vector_store %arg15[%swap3A_739, %swap3A_740], %mul3A_738 {strides = array<i32>} : memref<80x128xf32, #tpu.memory_space<vmem>>, vector<16xf32>,
        %get3A_742 = arith.index_cast %add3A_693 : i32 to index
        %get3A_743 = arith.constant 96 : index
        %get3A_744 = tpu.vector_load %arg15[%get3A_742, %get3A_743] {strides = array<i32>} : memref<80x128xf32, #tpu.memory_space<vmem>>, vector<16xf32>,
        %mul3A_745 = vector.broadcast %squeeze3A_689 : f32 to vector<16xf32>
        %mul3A_746 = arith.mulf %get3A_744, %mul3A_745 : vector<16xf32>
        %swap3A_747 = arith.index_cast %add3A_693 : i32 to index
        %swap3A_748 = arith.constant 96 : index
        %swap3A_749 = tpu.vector_load %arg15[%swap3A_747, %swap3A_748] {strides = array<i32>} : memref<80x128xf32, #tpu.memory_space<vmem>>, vector<16xf32>,
        tpu.vector_store %arg15[%swap3A_747, %swap3A_748], %mul3A_746 {strides = array<i32>} : memref<80x128xf32, #tpu.memory_space<vmem>>, vector<16xf32>,
        %get3A_750 = arith.index_cast %add3A_693 : i32 to index
        %get3A_751 = arith.constant 112 : index
        %get3A_752 = tpu.vector_load %arg15[%get3A_750, %get3A_751] {strides = array<i32>} : memref<80x128xf32, #tpu.memory_space<vmem>>, vector<16xf32>,
        %mul3A_753 = vector.broadcast %squeeze3A_689 : f32 to vector<16xf32>
        %mul3A_754 = arith.mulf %get3A_752, %mul3A_753 : vector<16xf32>
        %swap3A_755 = arith.index_cast %add3A_693 : i32 to index
        %swap3A_756 = arith.constant 112 : index
        %swap3A_757 = tpu.vector_load %arg15[%swap3A_755, %swap3A_756] {strides = array<i32>} : memref<80x128xf32, #tpu.memory_space<vmem>>, vector<16xf32>,
        tpu.vector_store %arg15[%swap3A_755, %swap3A_756], %mul3A_754 {strides = array<i32>} : memref<80x128xf32, #tpu.memory_space<vmem>>, vector<16xf32>,
        %slice3A_758 = vector.extract_strided_slice %get3A_60 {offsets = [10], sizes = [1], strides = [1]} : vector<16xf32> to vector<1xf32>
        %squeeze3A_759 = vector.extract %slice3A_758[0] : f32 from vector<1xf32>
        %mul3A_760 = arith.constant 16 : i32
        %mul3A_761 = arith.muli %scan3A_56, %mul3A_760 : i32
        %add3A_762 = arith.constant 10 : i32
        %add3A_763 = arith.addi %mul3A_761, %add3A_762 : i32
        %get3A_764 = arith.index_cast %add3A_763 : i32 to index
        %get3A_765 = arith.constant 0 : index
        %get3A_766 = tpu.vector_load %arg15[%get3A_764, %get3A_765] {strides = array<i32>} : memref<80x128xf32, #tpu.memory_space<vmem>>, vector<16xf32>,
        %mul3A_767 = vector.broadcast %squeeze3A_759 : f32 to vector<16xf32>
        %mul3A_768 = arith.mulf %get3A_766, %mul3A_767 : vector<16xf32>
        %swap3A_769 = arith.index_cast %add3A_763 : i32 to index
        %swap3A_770 = arith.constant 0 : index
        %swap3A_771 = tpu.vector_load %arg15[%swap3A_769, %swap3A_770] {strides = array<i32>} : memref<80x128xf32, #tpu.memory_space<vmem>>, vector<16xf32>,
        tpu.vector_store %arg15[%swap3A_769, %swap3A_770], %mul3A_768 {strides = array<i32>} : memref<80x128xf32, #tpu.memory_space<vmem>>, vector<16xf32>,
        %get3A_772 = arith.index_cast %add3A_763 : i32 to index
        %get3A_773 = arith.constant 16 : index
        %get3A_774 = tpu.vector_load %arg15[%get3A_772, %get3A_773] {strides = array<i32>} : memref<80x128xf32, #tpu.memory_space<vmem>>, vector<16xf32>,
        %mul3A_775 = vector.broadcast %squeeze3A_759 : f32 to vector<16xf32>
        %mul3A_776 = arith.mulf %get3A_774, %mul3A_775 : vector<16xf32>
        %swap3A_777 = arith.index_cast %add3A_763 : i32 to index
        %swap3A_778 = arith.constant 16 : index
        %swap3A_779 = tpu.vector_load %arg15[%swap3A_777, %swap3A_778] {strides = array<i32>} : memref<80x128xf32, #tpu.memory_space<vmem>>, vector<16xf32>,
        tpu.vector_store %arg15[%swap3A_777, %swap3A_778], %mul3A_776 {strides = array<i32>} : memref<80x128xf32, #tpu.memory_space<vmem>>, vector<16xf32>,
        %get3A_780 = arith.index_cast %add3A_763 : i32 to index
        %get3A_781 = arith.constant 32 : index
        %get3A_782 = tpu.vector_load %arg15[%get3A_780, %get3A_781] {strides = array<i32>} : memref<80x128xf32, #tpu.memory_space<vmem>>, vector<16xf32>,
        %mul3A_783 = vector.broadcast %squeeze3A_759 : f32 to vector<16xf32>
        %mul3A_784 = arith.mulf %get3A_782, %mul3A_783 : vector<16xf32>
        %swap3A_785 = arith.index_cast %add3A_763 : i32 to index
        %swap3A_786 = arith.constant 32 : index
        %swap3A_787 = tpu.vector_load %arg15[%swap3A_785, %swap3A_786] {strides = array<i32>} : memref<80x128xf32, #tpu.memory_space<vmem>>, vector<16xf32>,
        tpu.vector_store %arg15[%swap3A_785, %swap3A_786], %mul3A_784 {strides = array<i32>} : memref<80x128xf32, #tpu.memory_space<vmem>>, vector<16xf32>,
        %get3A_788 = arith.index_cast %add3A_763 : i32 to index
        %get3A_789 = arith.constant 48 : index
        %get3A_790 = tpu.vector_load %arg15[%get3A_788, %get3A_789] {strides = array<i32>} : memref<80x128xf32, #tpu.memory_space<vmem>>, vector<16xf32>,
        %mul3A_791 = vector.broadcast %squeeze3A_759 : f32 to vector<16xf32>
        %mul3A_792 = arith.mulf %get3A_790, %mul3A_791 : vector<16xf32>
        %swap3A_793 = arith.index_cast %add3A_763 : i32 to index
        %swap3A_794 = arith.constant 48 : index
        %swap3A_795 = tpu.vector_load %arg15[%swap3A_793, %swap3A_794] {strides = array<i32>} : memref<80x128xf32, #tpu.memory_space<vmem>>, vector<16xf32>,
        tpu.vector_store %arg15[%swap3A_793, %swap3A_794], %mul3A_792 {strides = array<i32>} : memref<80x128xf32, #tpu.memory_space<vmem>>, vector<16xf32>,
        %get3A_796 = arith.index_cast %add3A_763 : i32 to index
        %get3A_797 = arith.constant 64 : index
        %get3A_798 = tpu.vector_load %arg15[%get3A_796, %get3A_797] {strides = array<i32>} : memref<80x128xf32, #tpu.memory_space<vmem>>, vector<16xf32>,
        %mul3A_799 = vector.broadcast %squeeze3A_759 : f32 to vector<16xf32>
        %mul3A_800 = arith.mulf %get3A_798, %mul3A_799 : vector<16xf32>
        %swap3A_801 = arith.index_cast %add3A_763 : i32 to index
        %swap3A_802 = arith.constant 64 : index
        %swap3A_803 = tpu.vector_load %arg15[%swap3A_801, %swap3A_802] {strides = array<i32>} : memref<80x128xf32, #tpu.memory_space<vmem>>, vector<16xf32>,
        tpu.vector_store %arg15[%swap3A_801, %swap3A_802], %mul3A_800 {strides = array<i32>} : memref<80x128xf32, #tpu.memory_space<vmem>>, vector<16xf32>,
        %get3A_804 = arith.index_cast %add3A_763 : i32 to index
        %get3A_805 = arith.constant 80 : index
        %get3A_806 = tpu.vector_load %arg15[%get3A_804, %get3A_805] {strides = array<i32>} : memref<80x128xf32, #tpu.memory_space<vmem>>, vector<16xf32>,
        %mul3A_807 = vector.broadcast %squeeze3A_759 : f32 to vector<16xf32>
        %mul3A_808 = arith.mulf %get3A_806, %mul3A_807 : vector<16xf32>
        %swap3A_809 = arith.index_cast %add3A_763 : i32 to index
        %swap3A_810 = arith.constant 80 : index
        %swap3A_811 = tpu.vector_load %arg15[%swap3A_809, %swap3A_810] {strides = array<i32>} : memref<80x128xf32, #tpu.memory_space<vmem>>, vector<16xf32>,
        tpu.vector_store %arg15[%swap3A_809, %swap3A_810], %mul3A_808 {strides = array<i32>} : memref<80x128xf32, #tpu.memory_space<vmem>>, vector<16xf32>,
        %get3A_812 = arith.index_cast %add3A_763 : i32 to index
        %get3A_813 = arith.constant 96 : index
        %get3A_814 = tpu.vector_load %arg15[%get3A_812, %get3A_813] {strides = array<i32>} : memref<80x128xf32, #tpu.memory_space<vmem>>, vector<16xf32>,
        %mul3A_815 = vector.broadcast %squeeze3A_759 : f32 to vector<16xf32>
        %mul3A_816 = arith.mulf %get3A_814, %mul3A_815 : vector<16xf32>
        %swap3A_817 = arith.index_cast %add3A_763 : i32 to index
        %swap3A_818 = arith.constant 96 : index
        %swap3A_819 = tpu.vector_load %arg15[%swap3A_817, %swap3A_818] {strides = array<i32>} : memref<80x128xf32, #tpu.memory_space<vmem>>, vector<16xf32>,
        tpu.vector_store %arg15[%swap3A_817, %swap3A_818], %mul3A_816 {strides = array<i32>} : memref<80x128xf32, #tpu.memory_space<vmem>>, vector<16xf32>,
        %get3A_820 = arith.index_cast %add3A_763 : i32 to index
        %get3A_821 = arith.constant 112 : index
        %get3A_822 = tpu.vector_load %arg15[%get3A_820, %get3A_821] {strides = array<i32>} : memref<80x128xf32, #tpu.memory_space<vmem>>, vector<16xf32>,
        %mul3A_823 = vector.broadcast %squeeze3A_759 : f32 to vector<16xf32>
        %mul3A_824 = arith.mulf %get3A_822, %mul3A_823 : vector<16xf32>
        %swap3A_825 = arith.index_cast %add3A_763 : i32 to index
        %swap3A_826 = arith.constant 112 : index
        %swap3A_827 = tpu.vector_load %arg15[%swap3A_825, %swap3A_826] {strides = array<i32>} : memref<80x128xf32, #tpu.memory_space<vmem>>, vector<16xf32>,
        tpu.vector_store %arg15[%swap3A_825, %swap3A_826], %mul3A_824 {strides = array<i32>} : memref<80x128xf32, #tpu.memory_space<vmem>>, vector<16xf32>,
        %slice3A_828 = vector.extract_strided_slice %get3A_60 {offsets = [11], sizes = [1], strides = [1]} : vector<16xf32> to vector<1xf32>
        %squeeze3A_829 = vector.extract %slice3A_828[0] : f32 from vector<1xf32>
        %mul3A_830 = arith.constant 16 : i32
        %mul3A_831 = arith.muli %scan3A_56, %mul3A_830 : i32
        %add3A_832 = arith.constant 11 : i32
        %add3A_833 = arith.addi %mul3A_831, %add3A_832 : i32
        %get3A_834 = arith.index_cast %add3A_833 : i32 to index
        %get3A_835 = arith.constant 0 : index
        %get3A_836 = tpu.vector_load %arg15[%get3A_834, %get3A_835] {strides = array<i32>} : memref<80x128xf32, #tpu.memory_space<vmem>>, vector<16xf32>,
        %mul3A_837 = vector.broadcast %squeeze3A_829 : f32 to vector<16xf32>
        %mul3A_838 = arith.mulf %get3A_836, %mul3A_837 : vector<16xf32>
        %swap3A_839 = arith.index_cast %add3A_833 : i32 to index
        %swap3A_840 = arith.constant 0 : index
        %swap3A_841 = tpu.vector_load %arg15[%swap3A_839, %swap3A_840] {strides = array<i32>} : memref<80x128xf32, #tpu.memory_space<vmem>>, vector<16xf32>,
        tpu.vector_store %arg15[%swap3A_839, %swap3A_840], %mul3A_838 {strides = array<i32>} : memref<80x128xf32, #tpu.memory_space<vmem>>, vector<16xf32>,
        %get3A_842 = arith.index_cast %add3A_833 : i32 to index
        %get3A_843 = arith.constant 16 : index
        %get3A_844 = tpu.vector_load %arg15[%get3A_842, %get3A_843] {strides = array<i32>} : memref<80x128xf32, #tpu.memory_space<vmem>>, vector<16xf32>,
        %mul3A_845 = vector.broadcast %squeeze3A_829 : f32 to vector<16xf32>
        %mul3A_846 = arith.mulf %get3A_844, %mul3A_845 : vector<16xf32>
        %swap3A_847 = arith.index_cast %add3A_833 : i32 to index
        %swap3A_848 = arith.constant 16 : index
        %swap3A_849 = tpu.vector_load %arg15[%swap3A_847, %swap3A_848] {strides = array<i32>} : memref<80x128xf32, #tpu.memory_space<vmem>>, vector<16xf32>,
        tpu.vector_store %arg15[%swap3A_847, %swap3A_848], %mul3A_846 {strides = array<i32>} : memref<80x128xf32, #tpu.memory_space<vmem>>, vector<16xf32>,
        %get3A_850 = arith.index_cast %add3A_833 : i32 to index
        %get3A_851 = arith.constant 32 : index
        %get3A_852 = tpu.vector_load %arg15[%get3A_850, %get3A_851] {strides = array<i32>} : memref<80x128xf32, #tpu.memory_space<vmem>>, vector<16xf32>,
        %mul3A_853 = vector.broadcast %squeeze3A_829 : f32 to vector<16xf32>
        %mul3A_854 = arith.mulf %get3A_852, %mul3A_853 : vector<16xf32>
        %swap3A_855 = arith.index_cast %add3A_833 : i32 to index
        %swap3A_856 = arith.constant 32 : index
        %swap3A_857 = tpu.vector_load %arg15[%swap3A_855, %swap3A_856] {strides = array<i32>} : memref<80x128xf32, #tpu.memory_space<vmem>>, vector<16xf32>,
        tpu.vector_store %arg15[%swap3A_855, %swap3A_856], %mul3A_854 {strides = array<i32>} : memref<80x128xf32, #tpu.memory_space<vmem>>, vector<16xf32>,
        %get3A_858 = arith.index_cast %add3A_833 : i32 to index
        %get3A_859 = arith.constant 48 : index
        %get3A_860 = tpu.vector_load %arg15[%get3A_858, %get3A_859] {strides = array<i32>} : memref<80x128xf32, #tpu.memory_space<vmem>>, vector<16xf32>,
        %mul3A_861 = vector.broadcast %squeeze3A_829 : f32 to vector<16xf32>
        %mul3A_862 = arith.mulf %get3A_860, %mul3A_861 : vector<16xf32>
        %swap3A_863 = arith.index_cast %add3A_833 : i32 to index
        %swap3A_864 = arith.constant 48 : index
        %swap3A_865 = tpu.vector_load %arg15[%swap3A_863, %swap3A_864] {strides = array<i32>} : memref<80x128xf32, #tpu.memory_space<vmem>>, vector<16xf32>,
        tpu.vector_store %arg15[%swap3A_863, %swap3A_864], %mul3A_862 {strides = array<i32>} : memref<80x128xf32, #tpu.memory_space<vmem>>, vector<16xf32>,
        %get3A_866 = arith.index_cast %add3A_833 : i32 to index
        %get3A_867 = arith.constant 64 : index
        %get3A_868 = tpu.vector_load %arg15[%get3A_866, %get3A_867] {strides = array<i32>} : memref<80x128xf32, #tpu.memory_space<vmem>>, vector<16xf32>,
        %mul3A_869 = vector.broadcast %squeeze3A_829 : f32 to vector<16xf32>
        %mul3A_870 = arith.mulf %get3A_868, %mul3A_869 : vector<16xf32>
        %swap3A_871 = arith.index_cast %add3A_833 : i32 to index
        %swap3A_872 = arith.constant 64 : index
        %swap3A_873 = tpu.vector_load %arg15[%swap3A_871, %swap3A_872] {strides = array<i32>} : memref<80x128xf32, #tpu.memory_space<vmem>>, vector<16xf32>,
        tpu.vector_store %arg15[%swap3A_871, %swap3A_872], %mul3A_870 {strides = array<i32>} : memref<80x128xf32, #tpu.memory_space<vmem>>, vector<16xf32>,
        %get3A_874 = arith.index_cast %add3A_833 : i32 to index
        %get3A_875 = arith.constant 80 : index
        %get3A_876 = tpu.vector_load %arg15[%get3A_874, %get3A_875] {strides = array<i32>} : memref<80x128xf32, #tpu.memory_space<vmem>>, vector<16xf32>,
        %mul3A_877 = vector.broadcast %squeeze3A_829 : f32 to vector<16xf32>
        %mul3A_878 = arith.mulf %get3A_876, %mul3A_877 : vector<16xf32>
        %swap3A_879 = arith.index_cast %add3A_833 : i32 to index
        %swap3A_880 = arith.constant 80 : index
        %swap3A_881 = tpu.vector_load %arg15[%swap3A_879, %swap3A_880] {strides = array<i32>} : memref<80x128xf32, #tpu.memory_space<vmem>>, vector<16xf32>,
        tpu.vector_store %arg15[%swap3A_879, %swap3A_880], %mul3A_878 {strides = array<i32>} : memref<80x128xf32, #tpu.memory_space<vmem>>, vector<16xf32>,
        %get3A_882 = arith.index_cast %add3A_833 : i32 to index
        %get3A_883 = arith.constant 96 : index
        %get3A_884 = tpu.vector_load %arg15[%get3A_882, %get3A_883] {strides = array<i32>} : memref<80x128xf32, #tpu.memory_space<vmem>>, vector<16xf32>,
        %mul3A_885 = vector.broadcast %squeeze3A_829 : f32 to vector<16xf32>
        %mul3A_886 = arith.mulf %get3A_884, %mul3A_885 : vector<16xf32>
        %swap3A_887 = arith.index_cast %add3A_833 : i32 to index
        %swap3A_888 = arith.constant 96 : index
        %swap3A_889 = tpu.vector_load %arg15[%swap3A_887, %swap3A_888] {strides = array<i32>} : memref<80x128xf32, #tpu.memory_space<vmem>>, vector<16xf32>,
        tpu.vector_store %arg15[%swap3A_887, %swap3A_888], %mul3A_886 {strides = array<i32>} : memref<80x128xf32, #tpu.memory_space<vmem>>, vector<16xf32>,
        %get3A_890 = arith.index_cast %add3A_833 : i32 to index
        %get3A_891 = arith.constant 112 : index
        %get3A_892 = tpu.vector_load %arg15[%get3A_890, %get3A_891] {strides = array<i32>} : memref<80x128xf32, #tpu.memory_space<vmem>>, vector<16xf32>,
        %mul3A_893 = vector.broadcast %squeeze3A_829 : f32 to vector<16xf32>
        %mul3A_894 = arith.mulf %get3A_892, %mul3A_893 : vector<16xf32>
        %swap3A_895 = arith.index_cast %add3A_833 : i32 to index
        %swap3A_896 = arith.constant 112 : index
        %swap3A_897 = tpu.vector_load %arg15[%swap3A_895, %swap3A_896] {strides = array<i32>} : memref<80x128xf32, #tpu.memory_space<vmem>>, vector<16xf32>,
        tpu.vector_store %arg15[%swap3A_895, %swap3A_896], %mul3A_894 {strides = array<i32>} : memref<80x128xf32, #tpu.memory_space<vmem>>, vector<16xf32>,
        %slice3A_898 = vector.extract_strided_slice %get3A_60 {offsets = [12], sizes = [1], strides = [1]} : vector<16xf32> to vector<1xf32>
        %squeeze3A_899 = vector.extract %slice3A_898[0] : f32 from vector<1xf32>
        %mul3A_900 = arith.constant 16 : i32
        %mul3A_901 = arith.muli %scan3A_56, %mul3A_900 : i32
        %add3A_902 = arith.constant 12 : i32
        %add3A_903 = arith.addi %mul3A_901, %add3A_902 : i32
        %get3A_904 = arith.index_cast %add3A_903 : i32 to index
        %get3A_905 = arith.constant 0 : index
        %get3A_906 = tpu.vector_load %arg15[%get3A_904, %get3A_905] {strides = array<i32>} : memref<80x128xf32, #tpu.memory_space<vmem>>, vector<16xf32>,
        %mul3A_907 = vector.broadcast %squeeze3A_899 : f32 to vector<16xf32>
        %mul3A_908 = arith.mulf %get3A_906, %mul3A_907 : vector<16xf32>
        %swap3A_909 = arith.index_cast %add3A_903 : i32 to index
        %swap3A_910 = arith.constant 0 : index
        %swap3A_911 = tpu.vector_load %arg15[%swap3A_909, %swap3A_910] {strides = array<i32>} : memref<80x128xf32, #tpu.memory_space<vmem>>, vector<16xf32>,
        tpu.vector_store %arg15[%swap3A_909, %swap3A_910], %mul3A_908 {strides = array<i32>} : memref<80x128xf32, #tpu.memory_space<vmem>>, vector<16xf32>,
        %get3A_912 = arith.index_cast %add3A_903 : i32 to index
        %get3A_913 = arith.constant 16 : index
        %get3A_914 = tpu.vector_load %arg15[%get3A_912, %get3A_913] {strides = array<i32>} : memref<80x128xf32, #tpu.memory_space<vmem>>, vector<16xf32>,
        %mul3A_915 = vector.broadcast %squeeze3A_899 : f32 to vector<16xf32>
        %mul3A_916 = arith.mulf %get3A_914, %mul3A_915 : vector<16xf32>
        %swap3A_917 = arith.index_cast %add3A_903 : i32 to index
        %swap3A_918 = arith.constant 16 : index
        %swap3A_919 = tpu.vector_load %arg15[%swap3A_917, %swap3A_918] {strides = array<i32>} : memref<80x128xf32, #tpu.memory_space<vmem>>, vector<16xf32>,
        tpu.vector_store %arg15[%swap3A_917, %swap3A_918], %mul3A_916 {strides = array<i32>} : memref<80x128xf32, #tpu.memory_space<vmem>>, vector<16xf32>,
        %get3A_920 = arith.index_cast %add3A_903 : i32 to index
        %get3A_921 = arith.constant 32 : index
        %get3A_922 = tpu.vector_load %arg15[%get3A_920, %get3A_921] {strides = array<i32>} : memref<80x128xf32, #tpu.memory_space<vmem>>, vector<16xf32>,
        %mul3A_923 = vector.broadcast %squeeze3A_899 : f32 to vector<16xf32>
        %mul3A_924 = arith.mulf %get3A_922, %mul3A_923 : vector<16xf32>
        %swap3A_925 = arith.index_cast %add3A_903 : i32 to index
        %swap3A_926 = arith.constant 32 : index
        %swap3A_927 = tpu.vector_load %arg15[%swap3A_925, %swap3A_926] {strides = array<i32>} : memref<80x128xf32, #tpu.memory_space<vmem>>, vector<16xf32>,
        tpu.vector_store %arg15[%swap3A_925, %swap3A_926], %mul3A_924 {strides = array<i32>} : memref<80x128xf32, #tpu.memory_space<vmem>>, vector<16xf32>,
        %get3A_928 = arith.index_cast %add3A_903 : i32 to index
        %get3A_929 = arith.constant 48 : index
        %get3A_930 = tpu.vector_load %arg15[%get3A_928, %get3A_929] {strides = array<i32>} : memref<80x128xf32, #tpu.memory_space<vmem>>, vector<16xf32>,
        %mul3A_931 = vector.broadcast %squeeze3A_899 : f32 to vector<16xf32>
        %mul3A_932 = arith.mulf %get3A_930, %mul3A_931 : vector<16xf32>
        %swap3A_933 = arith.index_cast %add3A_903 : i32 to index
        %swap3A_934 = arith.constant 48 : index
        %swap3A_935 = tpu.vector_load %arg15[%swap3A_933, %swap3A_934] {strides = array<i32>} : memref<80x128xf32, #tpu.memory_space<vmem>>, vector<16xf32>,
        tpu.vector_store %arg15[%swap3A_933, %swap3A_934], %mul3A_932 {strides = array<i32>} : memref<80x128xf32, #tpu.memory_space<vmem>>, vector<16xf32>,
        %get3A_936 = arith.index_cast %add3A_903 : i32 to index
        %get3A_937 = arith.constant 64 : index
        %get3A_938 = tpu.vector_load %arg15[%get3A_936, %get3A_937] {strides = array<i32>} : memref<80x128xf32, #tpu.memory_space<vmem>>, vector<16xf32>,
        %mul3A_939 = vector.broadcast %squeeze3A_899 : f32 to vector<16xf32>
        %mul3A_940 = arith.mulf %get3A_938, %mul3A_939 : vector<16xf32>
        %swap3A_941 = arith.index_cast %add3A_903 : i32 to index
        %swap3A_942 = arith.constant 64 : index
        %swap3A_943 = tpu.vector_load %arg15[%swap3A_941, %swap3A_942] {strides = array<i32>} : memref<80x128xf32, #tpu.memory_space<vmem>>, vector<16xf32>,
        tpu.vector_store %arg15[%swap3A_941, %swap3A_942], %mul3A_940 {strides = array<i32>} : memref<80x128xf32, #tpu.memory_space<vmem>>, vector<16xf32>,
        %get3A_944 = arith.index_cast %add3A_903 : i32 to index
        %get3A_945 = arith.constant 80 : index
        %get3A_946 = tpu.vector_load %arg15[%get3A_944, %get3A_945] {strides = array<i32>} : memref<80x128xf32, #tpu.memory_space<vmem>>, vector<16xf32>,
        %mul3A_947 = vector.broadcast %squeeze3A_899 : f32 to vector<16xf32>
        %mul3A_948 = arith.mulf %get3A_946, %mul3A_947 : vector<16xf32>
        %swap3A_949 = arith.index_cast %add3A_903 : i32 to index
        %swap3A_950 = arith.constant 80 : index
        %swap3A_951 = tpu.vector_load %arg15[%swap3A_949, %swap3A_950] {strides = array<i32>} : memref<80x128xf32, #tpu.memory_space<vmem>>, vector<16xf32>,
        tpu.vector_store %arg15[%swap3A_949, %swap3A_950], %mul3A_948 {strides = array<i32>} : memref<80x128xf32, #tpu.memory_space<vmem>>, vector<16xf32>,
        %get3A_952 = arith.index_cast %add3A_903 : i32 to index
        %get3A_953 = arith.constant 96 : index
        %get3A_954 = tpu.vector_load %arg15[%get3A_952, %get3A_953] {strides = array<i32>} : memref<80x128xf32, #tpu.memory_space<vmem>>, vector<16xf32>,
        %mul3A_955 = vector.broadcast %squeeze3A_899 : f32 to vector<16xf32>
        %mul3A_956 = arith.mulf %get3A_954, %mul3A_955 : vector<16xf32>
        %swap3A_957 = arith.index_cast %add3A_903 : i32 to index
        %swap3A_958 = arith.constant 96 : index
        %swap3A_959 = tpu.vector_load %arg15[%swap3A_957, %swap3A_958] {strides = array<i32>} : memref<80x128xf32, #tpu.memory_space<vmem>>, vector<16xf32>,
        tpu.vector_store %arg15[%swap3A_957, %swap3A_958], %mul3A_956 {strides = array<i32>} : memref<80x128xf32, #tpu.memory_space<vmem>>, vector<16xf32>,
        %get3A_960 = arith.index_cast %add3A_903 : i32 to index
        %get3A_961 = arith.constant 112 : index
        %get3A_962 = tpu.vector_load %arg15[%get3A_960, %get3A_961] {strides = array<i32>} : memref<80x128xf32, #tpu.memory_space<vmem>>, vector<16xf32>,
        %mul3A_963 = vector.broadcast %squeeze3A_899 : f32 to vector<16xf32>
        %mul3A_964 = arith.mulf %get3A_962, %mul3A_963 : vector<16xf32>
        %swap3A_965 = arith.index_cast %add3A_903 : i32 to index
        %swap3A_966 = arith.constant 112 : index
        %swap3A_967 = tpu.vector_load %arg15[%swap3A_965, %swap3A_966] {strides = array<i32>} : memref<80x128xf32, #tpu.memory_space<vmem>>, vector<16xf32>,
        tpu.vector_store %arg15[%swap3A_965, %swap3A_966], %mul3A_964 {strides = array<i32>} : memref<80x128xf32, #tpu.memory_space<vmem>>, vector<16xf32>,
        %slice3A_968 = vector.extract_strided_slice %get3A_60 {offsets = [13], sizes = [1], strides = [1]} : vector<16xf32> to vector<1xf32>
        %squeeze3A_969 = vector.extract %slice3A_968[0] : f32 from vector<1xf32>
        %mul3A_970 = arith.constant 16 : i32
        %mul3A_971 = arith.muli %scan3A_56, %mul3A_970 : i32
        %add3A_972 = arith.constant 13 : i32
        %add3A_973 = arith.addi %mul3A_971, %add3A_972 : i32
        %get3A_974 = arith.index_cast %add3A_973 : i32 to index
        %get3A_975 = arith.constant 0 : index
        %get3A_976 = tpu.vector_load %arg15[%get3A_974, %get3A_975] {strides = array<i32>} : memref<80x128xf32, #tpu.memory_space<vmem>>, vector<16xf32>,
        %mul3A_977 = vector.broadcast %squeeze3A_969 : f32 to vector<16xf32>
        %mul3A_978 = arith.mulf %get3A_976, %mul3A_977 : vector<16xf32>
        %swap3A_979 = arith.index_cast %add3A_973 : i32 to index
        %swap3A_980 = arith.constant 0 : index
        %swap3A_981 = tpu.vector_load %arg15[%swap3A_979, %swap3A_980] {strides = array<i32>} : memref<80x128xf32, #tpu.memory_space<vmem>>, vector<16xf32>,
        tpu.vector_store %arg15[%swap3A_979, %swap3A_980], %mul3A_978 {strides = array<i32>} : memref<80x128xf32, #tpu.memory_space<vmem>>, vector<16xf32>,
        %get3A_982 = arith.index_cast %add3A_973 : i32 to index
        %get3A_983 = arith.constant 16 : index
        %get3A_984 = tpu.vector_load %arg15[%get3A_982, %get3A_983] {strides = array<i32>} : memref<80x128xf32, #tpu.memory_space<vmem>>, vector<16xf32>,
        %mul3A_985 = vector.broadcast %squeeze3A_969 : f32 to vector<16xf32>
        %mul3A_986 = arith.mulf %get3A_984, %mul3A_985 : vector<16xf32>
        %swap3A_987 = arith.index_cast %add3A_973 : i32 to index
        %swap3A_988 = arith.constant 16 : index
        %swap3A_989 = tpu.vector_load %arg15[%swap3A_987, %swap3A_988] {strides = array<i32>} : memref<80x128xf32, #tpu.memory_space<vmem>>, vector<16xf32>,
        tpu.vector_store %arg15[%swap3A_987, %swap3A_988], %mul3A_986 {strides = array<i32>} : memref<80x128xf32, #tpu.memory_space<vmem>>, vector<16xf32>,
        %get3A_990 = arith.index_cast %add3A_973 : i32 to index
        %get3A_991 = arith.constant 32 : index
        %get3A_992 = tpu.vector_load %arg15[%get3A_990, %get3A_991] {strides = array<i32>} : memref<80x128xf32, #tpu.memory_space<vmem>>, vector<16xf32>,
        %mul3A_993 = vector.broadcast %squeeze3A_969 : f32 to vector<16xf32>
        %mul3A_994 = arith.mulf %get3A_992, %mul3A_993 : vector<16xf32>
        %swap3A_995 = arith.index_cast %add3A_973 : i32 to index
        %swap3A_996 = arith.constant 32 : index
        %swap3A_997 = tpu.vector_load %arg15[%swap3A_995, %swap3A_996] {strides = array<i32>} : memref<80x128xf32, #tpu.memory_space<vmem>>, vector<16xf32>,
        tpu.vector_store %arg15[%swap3A_995, %swap3A_996], %mul3A_994 {strides = array<i32>} : memref<80x128xf32, #tpu.memory_space<vmem>>, vector<16xf32>,
        %get3A_998 = arith.index_cast %add3A_973 : i32 to index
        %get3A_999 = arith.constant 48 : index
        %get3A_1000 = tpu.vector_load %arg15[%get3A_998, %get3A_999] {strides = array<i32>} : memref<80x128xf32, #tpu.memory_space<vmem>>, vector<16xf32>,
        %mul3A_1001 = vector.broadcast %squeeze3A_969 : f32 to vector<16xf32>
        %mul3A_1002 = arith.mulf %get3A_1000, %mul3A_1001 : vector<16xf32>
        %swap3A_1003 = arith.index_cast %add3A_973 : i32 to index
        %swap3A_1004 = arith.constant 48 : index
        %swap3A_1005 = tpu.vector_load %arg15[%swap3A_1003, %swap3A_1004] {strides = array<i32>} : memref<80x128xf32, #tpu.memory_space<vmem>>, vector<16xf32>,
        tpu.vector_store %arg15[%swap3A_1003, %swap3A_1004], %mul3A_1002 {strides = array<i32>} : memref<80x128xf32, #tpu.memory_space<vmem>>, vector<16xf32>,
        %get3A_1006 = arith.index_cast %add3A_973 : i32 to index
        %get3A_1007 = arith.constant 64 : index
        %get3A_1008 = tpu.vector_load %arg15[%get3A_1006, %get3A_1007] {strides = array<i32>} : memref<80x128xf32, #tpu.memory_space<vmem>>, vector<16xf32>,
        %mul3A_1009 = vector.broadcast %squeeze3A_969 : f32 to vector<16xf32>
        %mul3A_1010 = arith.mulf %get3A_1008, %mul3A_1009 : vector<16xf32>
        %swap3A_1011 = arith.index_cast %add3A_973 : i32 to index
        %swap3A_1012 = arith.constant 64 : index
        %swap3A_1013 = tpu.vector_load %arg15[%swap3A_1011, %swap3A_1012] {strides = array<i32>} : memref<80x128xf32, #tpu.memory_space<vmem>>, vector<16xf32>,
        tpu.vector_store %arg15[%swap3A_1011, %swap3A_1012], %mul3A_1010 {strides = array<i32>} : memref<80x128xf32, #tpu.memory_space<vmem>>, vector<16xf32>,
        %get3A_1014 = arith.index_cast %add3A_973 : i32 to index
        %get3A_1015 = arith.constant 80 : index
        %get3A_1016 = tpu.vector_load %arg15[%get3A_1014, %get3A_1015] {strides = array<i32>} : memref<80x128xf32, #tpu.memory_space<vmem>>, vector<16xf32>,
        %mul3A_1017 = vector.broadcast %squeeze3A_969 : f32 to vector<16xf32>
        %mul3A_1018 = arith.mulf %get3A_1016, %mul3A_1017 : vector<16xf32>
        %swap3A_1019 = arith.index_cast %add3A_973 : i32 to index
        %swap3A_1020 = arith.constant 80 : index
        %swap3A_1021 = tpu.vector_load %arg15[%swap3A_1019, %swap3A_1020] {strides = array<i32>} : memref<80x128xf32, #tpu.memory_space<vmem>>, vector<16xf32>,
        tpu.vector_store %arg15[%swap3A_1019, %swap3A_1020], %mul3A_1018 {strides = array<i32>} : memref<80x128xf32, #tpu.memory_space<vmem>>, vector<16xf32>,
        %get3A_1022 = arith.index_cast %add3A_973 : i32 to index
        %get3A_1023 = arith.constant 96 : index
        %get3A_1024 = tpu.vector_load %arg15[%get3A_1022, %get3A_1023] {strides = array<i32>} : memref<80x128xf32, #tpu.memory_space<vmem>>, vector<16xf32>,
        %mul3A_1025 = vector.broadcast %squeeze3A_969 : f32 to vector<16xf32>
        %mul3A_1026 = arith.mulf %get3A_1024, %mul3A_1025 : vector<16xf32>
        %swap3A_1027 = arith.index_cast %add3A_973 : i32 to index
        %swap3A_1028 = arith.constant 96 : index
        %swap3A_1029 = tpu.vector_load %arg15[%swap3A_1027, %swap3A_1028] {strides = array<i32>} : memref<80x128xf32, #tpu.memory_space<vmem>>, vector<16xf32>,
        tpu.vector_store %arg15[%swap3A_1027, %swap3A_1028], %mul3A_1026 {strides = array<i32>} : memref<80x128xf32, #tpu.memory_space<vmem>>, vector<16xf32>,
        %get3A_1030 = arith.index_cast %add3A_973 : i32 to index
        %get3A_1031 = arith.constant 112 : index
        %get3A_1032 = tpu.vector_load %arg15[%get3A_1030, %get3A_1031] {strides = array<i32>} : memref<80x128xf32, #tpu.memory_space<vmem>>, vector<16xf32>,
        %mul3A_1033 = vector.broadcast %squeeze3A_969 : f32 to vector<16xf32>
        %mul3A_1034 = arith.mulf %get3A_1032, %mul3A_1033 : vector<16xf32>
        %swap3A_1035 = arith.index_cast %add3A_973 : i32 to index
        %swap3A_1036 = arith.constant 112 : index
        %swap3A_1037 = tpu.vector_load %arg15[%swap3A_1035, %swap3A_1036] {strides = array<i32>} : memref<80x128xf32, #tpu.memory_space<vmem>>, vector<16xf32>,
        tpu.vector_store %arg15[%swap3A_1035, %swap3A_1036], %mul3A_1034 {strides = array<i32>} : memref<80x128xf32, #tpu.memory_space<vmem>>, vector<16xf32>,
        %slice3A_1038 = vector.extract_strided_slice %get3A_60 {offsets = [14], sizes = [1], strides = [1]} : vector<16xf32> to vector<1xf32>
        %squeeze3A_1039 = vector.extract %slice3A_1038[0] : f32 from vector<1xf32>
        %mul3A_1040 = arith.constant 16 : i32
        %mul3A_1041 = arith.muli %scan3A_56, %mul3A_1040 : i32
        %add3A_1042 = arith.constant 14 : i32
        %add3A_1043 = arith.addi %mul3A_1041, %add3A_1042 : i32
        %get3A_1044 = arith.index_cast %add3A_1043 : i32 to index
        %get3A_1045 = arith.constant 0 : index
        %get3A_1046 = tpu.vector_load %arg15[%get3A_1044, %get3A_1045] {strides = array<i32>} : memref<80x128xf32, #tpu.memory_space<vmem>>, vector<16xf32>,
        %mul3A_1047 = vector.broadcast %squeeze3A_1039 : f32 to vector<16xf32>
        %mul3A_1048 = arith.mulf %get3A_1046, %mul3A_1047 : vector<16xf32>
        %swap3A_1049 = arith.index_cast %add3A_1043 : i32 to index
        %swap3A_1050 = arith.constant 0 : index
        %swap3A_1051 = tpu.vector_load %arg15[%swap3A_1049, %swap3A_1050] {strides = array<i32>} : memref<80x128xf32, #tpu.memory_space<vmem>>, vector<16xf32>,
        tpu.vector_store %arg15[%swap3A_1049, %swap3A_1050], %mul3A_1048 {strides = array<i32>} : memref<80x128xf32, #tpu.memory_space<vmem>>, vector<16xf32>,
        %get3A_1052 = arith.index_cast %add3A_1043 : i32 to index
        %get3A_1053 = arith.constant 16 : index
        %get3A_1054 = tpu.vector_load %arg15[%get3A_1052, %get3A_1053] {strides = array<i32>} : memref<80x128xf32, #tpu.memory_space<vmem>>, vector<16xf32>,
        %mul3A_1055 = vector.broadcast %squeeze3A_1039 : f32 to vector<16xf32>
        %mul3A_1056 = arith.mulf %get3A_1054, %mul3A_1055 : vector<16xf32>
        %swap3A_1057 = arith.index_cast %add3A_1043 : i32 to index
        %swap3A_1058 = arith.constant 16 : index
        %swap3A_1059 = tpu.vector_load %arg15[%swap3A_1057, %swap3A_1058] {strides = array<i32>} : memref<80x128xf32, #tpu.memory_space<vmem>>, vector<16xf32>,
        tpu.vector_store %arg15[%swap3A_1057, %swap3A_1058], %mul3A_1056 {strides = array<i32>} : memref<80x128xf32, #tpu.memory_space<vmem>>, vector<16xf32>,
        %get3A_1060 = arith.index_cast %add3A_1043 : i32 to index
        %get3A_1061 = arith.constant 32 : index
        %get3A_1062 = tpu.vector_load %arg15[%get3A_1060, %get3A_1061] {strides = array<i32>} : memref<80x128xf32, #tpu.memory_space<vmem>>, vector<16xf32>,
        %mul3A_1063 = vector.broadcast %squeeze3A_1039 : f32 to vector<16xf32>
        %mul3A_1064 = arith.mulf %get3A_1062, %mul3A_1063 : vector<16xf32>
        %swap3A_1065 = arith.index_cast %add3A_1043 : i32 to index
        %swap3A_1066 = arith.constant 32 : index
        %swap3A_1067 = tpu.vector_load %arg15[%swap3A_1065, %swap3A_1066] {strides = array<i32>} : memref<80x128xf32, #tpu.memory_space<vmem>>, vector<16xf32>,
        tpu.vector_store %arg15[%swap3A_1065, %swap3A_1066], %mul3A_1064 {strides = array<i32>} : memref<80x128xf32, #tpu.memory_space<vmem>>, vector<16xf32>,
        %get3A_1068 = arith.index_cast %add3A_1043 : i32 to index
        %get3A_1069 = arith.constant 48 : index
        %get3A_1070 = tpu.vector_load %arg15[%get3A_1068, %get3A_1069] {strides = array<i32>} : memref<80x128xf32, #tpu.memory_space<vmem>>, vector<16xf32>,
        %mul3A_1071 = vector.broadcast %squeeze3A_1039 : f32 to vector<16xf32>
        %mul3A_1072 = arith.mulf %get3A_1070, %mul3A_1071 : vector<16xf32>
        %swap3A_1073 = arith.index_cast %add3A_1043 : i32 to index
        %swap3A_1074 = arith.constant 48 : index
        %swap3A_1075 = tpu.vector_load %arg15[%swap3A_1073, %swap3A_1074] {strides = array<i32>} : memref<80x128xf32, #tpu.memory_space<vmem>>, vector<16xf32>,
        tpu.vector_store %arg15[%swap3A_1073, %swap3A_1074], %mul3A_1072 {strides = array<i32>} : memref<80x128xf32, #tpu.memory_space<vmem>>, vector<16xf32>,
        %get3A_1076 = arith.index_cast %add3A_1043 : i32 to index
        %get3A_1077 = arith.constant 64 : index
        %get3A_1078 = tpu.vector_load %arg15[%get3A_1076, %get3A_1077] {strides = array<i32>} : memref<80x128xf32, #tpu.memory_space<vmem>>, vector<16xf32>,
        %mul3A_1079 = vector.broadcast %squeeze3A_1039 : f32 to vector<16xf32>
        %mul3A_1080 = arith.mulf %get3A_1078, %mul3A_1079 : vector<16xf32>
        %swap3A_1081 = arith.index_cast %add3A_1043 : i32 to index
        %swap3A_1082 = arith.constant 64 : index
        %swap3A_1083 = tpu.vector_load %arg15[%swap3A_1081, %swap3A_1082] {strides = array<i32>} : memref<80x128xf32, #tpu.memory_space<vmem>>, vector<16xf32>,
        tpu.vector_store %arg15[%swap3A_1081, %swap3A_1082], %mul3A_1080 {strides = array<i32>} : memref<80x128xf32, #tpu.memory_space<vmem>>, vector<16xf32>,
        %get3A_1084 = arith.index_cast %add3A_1043 : i32 to index
        %get3A_1085 = arith.constant 80 : index
        %get3A_1086 = tpu.vector_load %arg15[%get3A_1084, %get3A_1085] {strides = array<i32>} : memref<80x128xf32, #tpu.memory_space<vmem>>, vector<16xf32>,
        %mul3A_1087 = vector.broadcast %squeeze3A_1039 : f32 to vector<16xf32>
        %mul3A_1088 = arith.mulf %get3A_1086, %mul3A_1087 : vector<16xf32>
        %swap3A_1089 = arith.index_cast %add3A_1043 : i32 to index
        %swap3A_1090 = arith.constant 80 : index
        %swap3A_1091 = tpu.vector_load %arg15[%swap3A_1089, %swap3A_1090] {strides = array<i32>} : memref<80x128xf32, #tpu.memory_space<vmem>>, vector<16xf32>,
        tpu.vector_store %arg15[%swap3A_1089, %swap3A_1090], %mul3A_1088 {strides = array<i32>} : memref<80x128xf32, #tpu.memory_space<vmem>>, vector<16xf32>,
        %get3A_1092 = arith.index_cast %add3A_1043 : i32 to index
        %get3A_1093 = arith.constant 96 : index
        %get3A_1094 = tpu.vector_load %arg15[%get3A_1092, %get3A_1093] {strides = array<i32>} : memref<80x128xf32, #tpu.memory_space<vmem>>, vector<16xf32>,
        %mul3A_1095 = vector.broadcast %squeeze3A_1039 : f32 to vector<16xf32>
        %mul3A_1096 = arith.mulf %get3A_1094, %mul3A_1095 : vector<16xf32>
        %swap3A_1097 = arith.index_cast %add3A_1043 : i32 to index
        %swap3A_1098 = arith.constant 96 : index
        %swap3A_1099 = tpu.vector_load %arg15[%swap3A_1097, %swap3A_1098] {strides = array<i32>} : memref<80x128xf32, #tpu.memory_space<vmem>>, vector<16xf32>,
        tpu.vector_store %arg15[%swap3A_1097, %swap3A_1098], %mul3A_1096 {strides = array<i32>} : memref<80x128xf32, #tpu.memory_space<vmem>>, vector<16xf32>,
        %get3A_1100 = arith.index_cast %add3A_1043 : i32 to index
        %get3A_1101 = arith.constant 112 : index
        %get3A_1102 = tpu.vector_load %arg15[%get3A_1100, %get3A_1101] {strides = array<i32>} : memref<80x128xf32, #tpu.memory_space<vmem>>, vector<16xf32>,
        %mul3A_1103 = vector.broadcast %squeeze3A_1039 : f32 to vector<16xf32>
        %mul3A_1104 = arith.mulf %get3A_1102, %mul3A_1103 : vector<16xf32>
        %swap3A_1105 = arith.index_cast %add3A_1043 : i32 to index
        %swap3A_1106 = arith.constant 112 : index
        %swap3A_1107 = tpu.vector_load %arg15[%swap3A_1105, %swap3A_1106] {strides = array<i32>} : memref<80x128xf32, #tpu.memory_space<vmem>>, vector<16xf32>,
        tpu.vector_store %arg15[%swap3A_1105, %swap3A_1106], %mul3A_1104 {strides = array<i32>} : memref<80x128xf32, #tpu.memory_space<vmem>>, vector<16xf32>,
        %slice3A_1108 = vector.extract_strided_slice %get3A_60 {offsets = [15], sizes = [1], strides = [1]} : vector<16xf32> to vector<1xf32>
        %squeeze3A_1109 = vector.extract %slice3A_1108[0] : f32 from vector<1xf32>
        %mul3A_1110 = arith.constant 16 : i32
        %mul3A_1111 = arith.muli %scan3A_56, %mul3A_1110 : i32
        %add3A_1112 = arith.constant 15 : i32
        %add3A_1113 = arith.addi %mul3A_1111, %add3A_1112 : i32
        %get3A_1114 = arith.index_cast %add3A_1113 : i32 to index
        %get3A_1115 = arith.constant 0 : index
        %get3A_1116 = tpu.vector_load %arg15[%get3A_1114, %get3A_1115] {strides = array<i32>} : memref<80x128xf32, #tpu.memory_space<vmem>>, vector<16xf32>,
        %mul3A_1117 = vector.broadcast %squeeze3A_1109 : f32 to vector<16xf32>
        %mul3A_1118 = arith.mulf %get3A_1116, %mul3A_1117 : vector<16xf32>
        %swap3A_1119 = arith.index_cast %add3A_1113 : i32 to index
        %swap3A_1120 = arith.constant 0 : index
        %swap3A_1121 = tpu.vector_load %arg15[%swap3A_1119, %swap3A_1120] {strides = array<i32>} : memref<80x128xf32, #tpu.memory_space<vmem>>, vector<16xf32>,
        tpu.vector_store %arg15[%swap3A_1119, %swap3A_1120], %mul3A_1118 {strides = array<i32>} : memref<80x128xf32, #tpu.memory_space<vmem>>, vector<16xf32>,
        %get3A_1122 = arith.index_cast %add3A_1113 : i32 to index
        %get3A_1123 = arith.constant 16 : index
        %get3A_1124 = tpu.vector_load %arg15[%get3A_1122, %get3A_1123] {strides = array<i32>} : memref<80x128xf32, #tpu.memory_space<vmem>>, vector<16xf32>,
        %mul3A_1125 = vector.broadcast %squeeze3A_1109 : f32 to vector<16xf32>
        %mul3A_1126 = arith.mulf %get3A_1124, %mul3A_1125 : vector<16xf32>
        %swap3A_1127 = arith.index_cast %add3A_1113 : i32 to index
        %swap3A_1128 = arith.constant 16 : index
        %swap3A_1129 = tpu.vector_load %arg15[%swap3A_1127, %swap3A_1128] {strides = array<i32>} : memref<80x128xf32, #tpu.memory_space<vmem>>, vector<16xf32>,
        tpu.vector_store %arg15[%swap3A_1127, %swap3A_1128], %mul3A_1126 {strides = array<i32>} : memref<80x128xf32, #tpu.memory_space<vmem>>, vector<16xf32>,
        %get3A_1130 = arith.index_cast %add3A_1113 : i32 to index
        %get3A_1131 = arith.constant 32 : index
        %get3A_1132 = tpu.vector_load %arg15[%get3A_1130, %get3A_1131] {strides = array<i32>} : memref<80x128xf32, #tpu.memory_space<vmem>>, vector<16xf32>,
        %mul3A_1133 = vector.broadcast %squeeze3A_1109 : f32 to vector<16xf32>
        %mul3A_1134 = arith.mulf %get3A_1132, %mul3A_1133 : vector<16xf32>
        %swap3A_1135 = arith.index_cast %add3A_1113 : i32 to index
        %swap3A_1136 = arith.constant 32 : index
        %swap3A_1137 = tpu.vector_load %arg15[%swap3A_1135, %swap3A_1136] {strides = array<i32>} : memref<80x128xf32, #tpu.memory_space<vmem>>, vector<16xf32>,
        tpu.vector_store %arg15[%swap3A_1135, %swap3A_1136], %mul3A_1134 {strides = array<i32>} : memref<80x128xf32, #tpu.memory_space<vmem>>, vector<16xf32>,
        %get3A_1138 = arith.index_cast %add3A_1113 : i32 to index
        %get3A_1139 = arith.constant 48 : index
        %get3A_1140 = tpu.vector_load %arg15[%get3A_1138, %get3A_1139] {strides = array<i32>} : memref<80x128xf32, #tpu.memory_space<vmem>>, vector<16xf32>,
        %mul3A_1141 = vector.broadcast %squeeze3A_1109 : f32 to vector<16xf32>
        %mul3A_1142 = arith.mulf %get3A_1140, %mul3A_1141 : vector<16xf32>
        %swap3A_1143 = arith.index_cast %add3A_1113 : i32 to index
        %swap3A_1144 = arith.constant 48 : index
        %swap3A_1145 = tpu.vector_load %arg15[%swap3A_1143, %swap3A_1144] {strides = array<i32>} : memref<80x128xf32, #tpu.memory_space<vmem>>, vector<16xf32>,
        tpu.vector_store %arg15[%swap3A_1143, %swap3A_1144], %mul3A_1142 {strides = array<i32>} : memref<80x128xf32, #tpu.memory_space<vmem>>, vector<16xf32>,
        %get3A_1146 = arith.index_cast %add3A_1113 : i32 to index
        %get3A_1147 = arith.constant 64 : index
        %get3A_1148 = tpu.vector_load %arg15[%get3A_1146, %get3A_1147] {strides = array<i32>} : memref<80x128xf32, #tpu.memory_space<vmem>>, vector<16xf32>,
        %mul3A_1149 = vector.broadcast %squeeze3A_1109 : f32 to vector<16xf32>
        %mul3A_1150 = arith.mulf %get3A_1148, %mul3A_1149 : vector<16xf32>
        %swap3A_1151 = arith.index_cast %add3A_1113 : i32 to index
        %swap3A_1152 = arith.constant 64 : index
        %swap3A_1153 = tpu.vector_load %arg15[%swap3A_1151, %swap3A_1152] {strides = array<i32>} : memref<80x128xf32, #tpu.memory_space<vmem>>, vector<16xf32>,
        tpu.vector_store %arg15[%swap3A_1151, %swap3A_1152], %mul3A_1150 {strides = array<i32>} : memref<80x128xf32, #tpu.memory_space<vmem>>, vector<16xf32>,
        %get3A_1154 = arith.index_cast %add3A_1113 : i32 to index
        %get3A_1155 = arith.constant 80 : index
        %get3A_1156 = tpu.vector_load %arg15[%get3A_1154, %get3A_1155] {strides = array<i32>} : memref<80x128xf32, #tpu.memory_space<vmem>>, vector<16xf32>,
        %mul3A_1157 = vector.broadcast %squeeze3A_1109 : f32 to vector<16xf32>
        %mul3A_1158 = arith.mulf %get3A_1156, %mul3A_1157 : vector<16xf32>
        %swap3A_1159 = arith.index_cast %add3A_1113 : i32 to index
        %swap3A_1160 = arith.constant 80 : index
        %swap3A_1161 = tpu.vector_load %arg15[%swap3A_1159, %swap3A_1160] {strides = array<i32>} : memref<80x128xf32, #tpu.memory_space<vmem>>, vector<16xf32>,
        tpu.vector_store %arg15[%swap3A_1159, %swap3A_1160], %mul3A_1158 {strides = array<i32>} : memref<80x128xf32, #tpu.memory_space<vmem>>, vector<16xf32>,
        %get3A_1162 = arith.index_cast %add3A_1113 : i32 to index
        %get3A_1163 = arith.constant 96 : index
        %get3A_1164 = tpu.vector_load %arg15[%get3A_1162, %get3A_1163] {strides = array<i32>} : memref<80x128xf32, #tpu.memory_space<vmem>>, vector<16xf32>,
        %mul3A_1165 = vector.broadcast %squeeze3A_1109 : f32 to vector<16xf32>
        %mul3A_1166 = arith.mulf %get3A_1164, %mul3A_1165 : vector<16xf32>
        %swap3A_1167 = arith.index_cast %add3A_1113 : i32 to index
        %swap3A_1168 = arith.constant 96 : index
        %swap3A_1169 = tpu.vector_load %arg15[%swap3A_1167, %swap3A_1168] {strides = array<i32>} : memref<80x128xf32, #tpu.memory_space<vmem>>, vector<16xf32>,
        tpu.vector_store %arg15[%swap3A_1167, %swap3A_1168], %mul3A_1166 {strides = array<i32>} : memref<80x128xf32, #tpu.memory_space<vmem>>, vector<16xf32>,
        %get3A_1170 = arith.index_cast %add3A_1113 : i32 to index
        %get3A_1171 = arith.constant 112 : index
        %get3A_1172 = tpu.vector_load %arg15[%get3A_1170, %get3A_1171] {strides = array<i32>} : memref<80x128xf32, #tpu.memory_space<vmem>>, vector<16xf32>,
        %mul3A_1173 = vector.broadcast %squeeze3A_1109 : f32 to vector<16xf32>
        %mul3A_1174 = arith.mulf %get3A_1172, %mul3A_1173 : vector<16xf32>
        %swap3A_1175 = arith.index_cast %add3A_1113 : i32 to index
        %swap3A_1176 = arith.constant 112 : index
        %swap3A_1177 = tpu.vector_load %arg15[%swap3A_1175, %swap3A_1176] {strides = array<i32>} : memref<80x128xf32, #tpu.memory_space<vmem>>, vector<16xf32>,
        tpu.vector_store %arg15[%swap3A_1175, %swap3A_1176], %mul3A_1174 {strides = array<i32>} : memref<80x128xf32, #tpu.memory_space<vmem>>, vector<16xf32>,
        %scan3A_1178 = arith.constant 0 : i32
        scf.yield %scan3A_1178 : i32
      }
      %scan3A_54 = arith.constant 5 : i32
      "tpu.region"() ({
        %run_scoped3A = tpu.sem_alloc : memref<!tpu.dma_semaphore, #tpu.memory_space<semaphore_mem>>
        %dma_start3A_56 = arith.constant 0 : i32
        %dma_start3A_57 = arith.constant 0 : i32
        %dma_start3A_58 = tpu.memref_slice %arg9[%dma_start3A_56, %dma_start3A_57] : memref<10000x128xf32, #tpu.memory_space<vmem_shared>> -> memref<10000x128xf32, #tpu.memory_space<vmem_shared>>
        tpu.enqueue_indirect_dma source(%arg15 : memref<80x128xf32, #tpu.memory_space<vmem>>) target(%dma_start3A_58 : memref<10000x128xf32, #tpu.memory_space<vmem_shared>>) offsets(%arg13 : memref<80xi32, #tpu.memory_space<vmem>>) semaphore(%run_scoped3A : memref<!tpu.dma_semaphore, #tpu.memory_space<semaphore_mem>>) {add = true}
        %dma_wait3A_59 = arith.constant 0 : i32
        %dma_wait3A_60 = arith.constant 0 : i32
        %dma_wait3A_61 = tpu.memref_slice %arg9[%dma_wait3A_59, %dma_wait3A_60] : memref<10000x128xf32, #tpu.memory_space<vmem_shared>> -> memref<10000x128xf32, #tpu.memory_space<vmem_shared>>
        tpu.wait_indirect_dma semaphore(%run_scoped3A : memref<!tpu.dma_semaphore, #tpu.memory_space<semaphore_mem>>) src(%arg15 : memref<80x128xf32, #tpu.memory_space<vmem>>) dst(%dma_wait3A_61 : memref<10000x128xf32, #tpu.memory_space<vmem_shared>>)
        tpu.yield
      }) : () -> ()
      %scan3A_55 = arith.constant 0 : i32
      scf.yield %scan3A_55 : i32
    }
    %scan3A_23 = arith.constant 250 : i32
    %barrier3A_24 = arith.constant 0 : index
    tpu.barrier barrier_id(%barrier3A_24)
    %lt3A_25 = arith.constant 10 : i32
    %lt3A_26 = arith.cmpi slt, %arg1, %lt3A_25 : i32
    %convert_element_type3A_27 = arith.extui %lt3A_26 : i1 to i32
    %cond3A_28 = arith.constant 0 : i32
    %cond3A_29 = arith.cmpi ne, %convert_element_type3A_27, %cond3A_28 : i32
    scf.if %cond3A_29 {
      %mul3A_32 = arith.constant 1000 : i32
      %mul3A_33 = arith.muli %arg1, %mul3A_32 : i32
      %mul3A_34 = arith.constant 10000 : i32
      %mul3A_35 = arith.muli %arg0, %mul3A_34 : i32
      %mul3A_36 = arith.constant 1000 : i32
      %mul3A_37 = arith.muli %arg1, %mul3A_36 : i32
      %add3A_38 = arith.addi %mul3A_35, %mul3A_37 : i32
      "tpu.region"() ({
        %run_scoped3A = tpu.sem_alloc : memref<!tpu.dma_semaphore, #tpu.memory_space<semaphore_mem>>
        %dma_start3A = arith.constant 0 : i32
        %dma_start3A_39 = tpu.memref_slice %arg7[%add3A_38, %dma_start3A] : memref<20000x128xf32, #tpu.memory_space<hbm>> -> memref<1000x128xf32, #tpu.memory_space<hbm>>
        %dma_start3A_40 = arith.constant 0 : i32
        %dma_start3A_41 = tpu.memref_slice %arg9[%mul3A_33, %dma_start3A_40] : memref<10000x128xf32, #tpu.memory_space<vmem_shared>> -> memref<1000x128xf32, #tpu.memory_space<vmem_shared>>
        tpu.enqueue_dma source(%dma_start3A_41 : memref<1000x128xf32, #tpu.memory_space<vmem_shared>>) target(%dma_start3A_39 : memref<1000x128xf32, #tpu.memory_space<hbm>>) target_semaphore(%run_scoped3A : memref<!tpu.dma_semaphore, #tpu.memory_space<semaphore_mem>>)
        %dma_wait3A = arith.constant 0 : i32
        %dma_wait3A_42 = tpu.memref_slice %arg7[%add3A_38, %dma_wait3A] : memref<20000x128xf32, #tpu.memory_space<hbm>> -> memref<1000x128xf32, #tpu.memory_space<hbm>>
        %dma_wait3A_43 = arith.constant 0 : i32
        %dma_wait3A_44 = tpu.memref_slice %arg9[%mul3A_33, %dma_wait3A_43] : memref<10000x128xf32, #tpu.memory_space<vmem_shared>> -> memref<1000x128xf32, #tpu.memory_space<vmem_shared>>
        tpu.wait_dma2 semaphore(%run_scoped3A : memref<!tpu.dma_semaphore, #tpu.memory_space<semaphore_mem>>) src(%dma_wait3A_44 : memref<1000x128xf32, #tpu.memory_space<vmem_shared>>) dst(%dma_wait3A_42 : memref<1000x128xf32, #tpu.memory_space<hbm>>)
        tpu.yield
      }) : () -> ()
    } else {
    }
    %mul3A_30 = arith.constant 16 : i32
    %mul3A_31 = arith.muli %arg0, %mul3A_30 : i32
    %add3A = arith.addi %mul3A_31, %arg1 : i32
    "tpu.region"() ({
      %run_scoped3A = tpu.sem_alloc : memref<!tpu.dma_semaphore, #tpu.memory_space<semaphore_mem>>
      %dma_start3A = arith.constant 0 : i32
      %dma_start3A_32 = tpu.memref_slice %arg8[%add3A, %dma_start3A] : memref<32x10000xf32, #tpu.memory_space<hbm>> -> memref<1x10000xf32, #tpu.memory_space<hbm>>
      %dma_start3A_33 = tpu.memref_squeeze %dma_start3A_32 : memref<1x10000xf32, #tpu.memory_space<hbm>> -> memref<10000xf32, #tpu.memory_space<hbm>>
      %dma_start3A_34 = arith.constant 0 : i32
      %dma_start3A_35 = tpu.memref_slice %arg8[%add3A, %dma_start3A_34] : memref<32x10000xf32, #tpu.memory_space<hbm>> -> memref<1x10000xf32, #tpu.memory_space<hbm>>
      %dma_start3A_36 = tpu.memref_squeeze %dma_start3A_35 : memref<1x10000xf32, #tpu.memory_space<hbm>> -> memref<10000xf32, #tpu.memory_space<hbm>>
      tpu.enqueue_dma source(%arg19 : memref<10000xf32, #tpu.memory_space<vmem>>) target(%dma_start3A_36 : memref<10000xf32, #tpu.memory_space<hbm>>) target_semaphore(%run_scoped3A : memref<!tpu.dma_semaphore, #tpu.memory_space<semaphore_mem>>)
      %dma_wait3A = arith.constant 0 : i32
      %dma_wait3A_37 = tpu.memref_slice %arg8[%add3A, %dma_wait3A] : memref<32x10000xf32, #tpu.memory_space<hbm>> -> memref<1x10000xf32, #tpu.memory_space<hbm>>
      %dma_wait3A_38 = tpu.memref_squeeze %dma_wait3A_37 : memref<1x10000xf32, #tpu.memory_space<hbm>> -> memref<10000xf32, #tpu.memory_space<hbm>>
      %dma_wait3A_39 = arith.constant 0 : i32
      %dma_wait3A_40 = tpu.memref_slice %arg8[%add3A, %dma_wait3A_39] : memref<32x10000xf32, #tpu.memory_space<hbm>> -> memref<1x10000xf32, #tpu.memory_space<hbm>>
      %dma_wait3A_41 = tpu.memref_squeeze %dma_wait3A_40 : memref<1x10000xf32, #tpu.memory_space<hbm>> -> memref<10000xf32, #tpu.memory_space<hbm>>
      tpu.wait_dma2 semaphore(%run_scoped3A : memref<!tpu.dma_semaphore, #tpu.memory_space<semaphore_mem>>) src(%arg19 : memref<10000xf32, #tpu.memory_space<vmem>>) dst(%dma_wait3A_41 : memref<10000xf32, #tpu.memory_space<hbm>>)
      tpu.yield
    }) : () -> ()
    return
  }
}

#map = affine_map<(d0, d1) -> (0, 0)>
#map1 = affine_map<(d0, d1) -> (0)>
module attributes {stable_mosaic.version = 14 : i64} {
  func.func @spmm(%arg0: i32, %arg1: i32, %arg2: memref<20000x128xf32, #tpu.memory_space<hbm>>, %arg3: memref<320000xi32, #tpu.memory_space<hbm>>, %arg4: memref<320000xi32, #tpu.memory_space<hbm>>, %arg5: memref<10000xf32, #tpu.memory_space<hbm>>, %arg6: memref<10000xf32, #tpu.memory_space<hbm>>, %arg7: memref<20000x128xf32, #tpu.memory_space<hbm>>, %arg8: memref<10000x128xf32, #tpu.memory_space<vmem_shared>>, %arg9: memref<10000xf32, #tpu.memory_space<vmem>>, %arg10: memref<10000xf32, #tpu.memory_space<vmem>>, %arg11: memref<80xi32, #tpu.memory_space<vmem>>, %arg12: memref<80xi32, #tpu.memory_space<vmem>>, %arg13: memref<80xi32, #tpu.memory_space<vmem>>, %arg14: memref<80x128xf32, #tpu.memory_space<vmem>>, %arg15: memref<80xf32, #tpu.memory_space<vmem>>, %arg16: memref<40x128xf32, #tpu.memory_space<vmem>>, %arg17: memref<!tpu.dma_semaphore, #tpu.memory_space<semaphore_mem>>) attributes {dimension_semantics = [#tpu.dimension_semantics<core_parallel>, #tpu.dimension_semantics<subcore_parallel>], iteration_bounds = array<i64: 2, 16>, scalar_prefetch = 0 : i64, scratch_operands = 10 : i64, tpu.core_type = #tpu.core_type<sc_vector_subcore>, window_params = [{transform_indices = #map}, {transform_indices = #map1}, {transform_indices = #map1}, {transform_indices = #map1}, {transform_indices = #map1}, {transform_indices = #map}]} {
    %broadcast_in_dim3A = arith.constant 0.000000e+00 : f32
    %broadcast_in_dim3A_0 = vector.broadcast %broadcast_in_dim3A : f32 to vector<16xf32>
    %scan3A = arith.constant 0 : i32
    %scan3A_1 = arith.constant 0 : i32
    %scan3A_2 = arith.constant 40 : i32
    %scan3A_3 = arith.addi %scan3A_1, %scan3A_2 : i32
    %scan3A_4 = arith.constant 1 : i32
    %scan3A_5 = scf.for %scan3A_23 = %scan3A_1 to %scan3A_3 step %scan3A_4 iter_args(%scan3A_24 = %scan3A) -> (i32)  : i32 {
      %swap3A = arith.index_cast %scan3A_23 : i32 to index
      %swap3A_25 = arith.constant 0 : index
      %swap3A_26 = tpu.vector_load %arg16[%swap3A, %swap3A_25] {strides = array<i32>} : memref<40x128xf32, #tpu.memory_space<vmem>>, vector<16xf32>,
      tpu.vector_store %arg16[%swap3A, %swap3A_25], %broadcast_in_dim3A_0 {strides = array<i32>} : memref<40x128xf32, #tpu.memory_space<vmem>>, vector<16xf32>,
      %swap3A_27 = arith.index_cast %scan3A_23 : i32 to index
      %swap3A_28 = arith.constant 16 : index
      %swap3A_29 = tpu.vector_load %arg16[%swap3A_27, %swap3A_28] {strides = array<i32>} : memref<40x128xf32, #tpu.memory_space<vmem>>, vector<16xf32>,
      tpu.vector_store %arg16[%swap3A_27, %swap3A_28], %broadcast_in_dim3A_0 {strides = array<i32>} : memref<40x128xf32, #tpu.memory_space<vmem>>, vector<16xf32>,
      %swap3A_30 = arith.index_cast %scan3A_23 : i32 to index
      %swap3A_31 = arith.constant 32 : index
      %swap3A_32 = tpu.vector_load %arg16[%swap3A_30, %swap3A_31] {strides = array<i32>} : memref<40x128xf32, #tpu.memory_space<vmem>>, vector<16xf32>,
      tpu.vector_store %arg16[%swap3A_30, %swap3A_31], %broadcast_in_dim3A_0 {strides = array<i32>} : memref<40x128xf32, #tpu.memory_space<vmem>>, vector<16xf32>,
      %swap3A_33 = arith.index_cast %scan3A_23 : i32 to index
      %swap3A_34 = arith.constant 48 : index
      %swap3A_35 = tpu.vector_load %arg16[%swap3A_33, %swap3A_34] {strides = array<i32>} : memref<40x128xf32, #tpu.memory_space<vmem>>, vector<16xf32>,
      tpu.vector_store %arg16[%swap3A_33, %swap3A_34], %broadcast_in_dim3A_0 {strides = array<i32>} : memref<40x128xf32, #tpu.memory_space<vmem>>, vector<16xf32>,
      %swap3A_36 = arith.index_cast %scan3A_23 : i32 to index
      %swap3A_37 = arith.constant 64 : index
      %swap3A_38 = tpu.vector_load %arg16[%swap3A_36, %swap3A_37] {strides = array<i32>} : memref<40x128xf32, #tpu.memory_space<vmem>>, vector<16xf32>,
      tpu.vector_store %arg16[%swap3A_36, %swap3A_37], %broadcast_in_dim3A_0 {strides = array<i32>} : memref<40x128xf32, #tpu.memory_space<vmem>>, vector<16xf32>,
      %swap3A_39 = arith.index_cast %scan3A_23 : i32 to index
      %swap3A_40 = arith.constant 80 : index
      %swap3A_41 = tpu.vector_load %arg16[%swap3A_39, %swap3A_40] {strides = array<i32>} : memref<40x128xf32, #tpu.memory_space<vmem>>, vector<16xf32>,
      tpu.vector_store %arg16[%swap3A_39, %swap3A_40], %broadcast_in_dim3A_0 {strides = array<i32>} : memref<40x128xf32, #tpu.memory_space<vmem>>, vector<16xf32>,
      %swap3A_42 = arith.index_cast %scan3A_23 : i32 to index
      %swap3A_43 = arith.constant 96 : index
      %swap3A_44 = tpu.vector_load %arg16[%swap3A_42, %swap3A_43] {strides = array<i32>} : memref<40x128xf32, #tpu.memory_space<vmem>>, vector<16xf32>,
      tpu.vector_store %arg16[%swap3A_42, %swap3A_43], %broadcast_in_dim3A_0 {strides = array<i32>} : memref<40x128xf32, #tpu.memory_space<vmem>>, vector<16xf32>,
      %swap3A_45 = arith.index_cast %scan3A_23 : i32 to index
      %swap3A_46 = arith.constant 112 : index
      %swap3A_47 = tpu.vector_load %arg16[%swap3A_45, %swap3A_46] {strides = array<i32>} : memref<40x128xf32, #tpu.memory_space<vmem>>, vector<16xf32>,
      tpu.vector_store %arg16[%swap3A_45, %swap3A_46], %broadcast_in_dim3A_0 {strides = array<i32>} : memref<40x128xf32, #tpu.memory_space<vmem>>, vector<16xf32>,
      %scan3A_48 = arith.constant 0 : i32
      scf.yield %scan3A_48 : i32
    }
    %scan3A_6 = arith.constant 40 : i32
    %lt3A = arith.constant 10 : i32
    %lt3A_7 = arith.cmpi slt, %arg1, %lt3A : i32
    %convert_element_type3A = arith.extui %lt3A_7 : i1 to i32
    %cond3A = arith.constant 0 : i32
    %cond3A_8 = arith.cmpi ne, %convert_element_type3A, %cond3A : i32
    scf.if %cond3A_8 {
      %mul3A_23 = arith.constant 1000 : i32
      %mul3A_24 = arith.muli %arg1, %mul3A_23 : i32
      %add3A = arith.constant 0 : i32
      %add3A_25 = arith.addi %mul3A_24, %add3A : i32
      "tpu.region"() ({
        %run_scoped3A = tpu.sem_alloc : memref<!tpu.dma_semaphore, #tpu.memory_space<semaphore_mem>>
        %dma_start3A = arith.constant 0 : i32
        %dma_start3A_122 = tpu.memref_slice %arg8[%add3A_25, %dma_start3A] : memref<10000x128xf32, #tpu.memory_space<vmem_shared>> -> memref<40x128xf32, #tpu.memory_space<vmem_shared>>
        %dma_start3A_123 = arith.constant 0 : i32
        %dma_start3A_124 = tpu.memref_slice %arg8[%add3A_25, %dma_start3A_123] : memref<10000x128xf32, #tpu.memory_space<vmem_shared>> -> memref<40x128xf32, #tpu.memory_space<vmem_shared>>
        tpu.enqueue_dma source(%arg16 : memref<40x128xf32, #tpu.memory_space<vmem>>) target(%dma_start3A_124 : memref<40x128xf32, #tpu.memory_space<vmem_shared>>) target_semaphore(%run_scoped3A : memref<!tpu.dma_semaphore, #tpu.memory_space<semaphore_mem>>)
        %dma_wait3A = arith.constant 0 : i32
        %dma_wait3A_125 = tpu.memref_slice %arg8[%add3A_25, %dma_wait3A] : memref<10000x128xf32, #tpu.memory_space<vmem_shared>> -> memref<40x128xf32, #tpu.memory_space<vmem_shared>>
        %dma_wait3A_126 = arith.constant 0 : i32
        %dma_wait3A_127 = tpu.memref_slice %arg8[%add3A_25, %dma_wait3A_126] : memref<10000x128xf32, #tpu.memory_space<vmem_shared>> -> memref<40x128xf32, #tpu.memory_space<vmem_shared>>
        tpu.wait_dma2 semaphore(%run_scoped3A : memref<!tpu.dma_semaphore, #tpu.memory_space<semaphore_mem>>) src(%arg16 : memref<40x128xf32, #tpu.memory_space<vmem>>) dst(%dma_wait3A_127 : memref<40x128xf32, #tpu.memory_space<vmem_shared>>)
        tpu.yield
      }) : () -> ()
      %mul3A_26 = arith.constant 1000 : i32
      %mul3A_27 = arith.muli %arg1, %mul3A_26 : i32
      %add3A_28 = arith.constant 40 : i32
      %add3A_29 = arith.addi %mul3A_27, %add3A_28 : i32
      "tpu.region"() ({
        %run_scoped3A = tpu.sem_alloc : memref<!tpu.dma_semaphore, #tpu.memory_space<semaphore_mem>>
        %dma_start3A = arith.constant 0 : i32
        %dma_start3A_122 = tpu.memref_slice %arg8[%add3A_29, %dma_start3A] : memref<10000x128xf32, #tpu.memory_space<vmem_shared>> -> memref<40x128xf32, #tpu.memory_space<vmem_shared>>
        %dma_start3A_123 = arith.constant 0 : i32
        %dma_start3A_124 = tpu.memref_slice %arg8[%add3A_29, %dma_start3A_123] : memref<10000x128xf32, #tpu.memory_space<vmem_shared>> -> memref<40x128xf32, #tpu.memory_space<vmem_shared>>
        tpu.enqueue_dma source(%arg16 : memref<40x128xf32, #tpu.memory_space<vmem>>) target(%dma_start3A_124 : memref<40x128xf32, #tpu.memory_space<vmem_shared>>) target_semaphore(%run_scoped3A : memref<!tpu.dma_semaphore, #tpu.memory_space<semaphore_mem>>)
        %dma_wait3A = arith.constant 0 : i32
        %dma_wait3A_125 = tpu.memref_slice %arg8[%add3A_29, %dma_wait3A] : memref<10000x128xf32, #tpu.memory_space<vmem_shared>> -> memref<40x128xf32, #tpu.memory_space<vmem_shared>>
        %dma_wait3A_126 = arith.constant 0 : i32
        %dma_wait3A_127 = tpu.memref_slice %arg8[%add3A_29, %dma_wait3A_126] : memref<10000x128xf32, #tpu.memory_space<vmem_shared>> -> memref<40x128xf32, #tpu.memory_space<vmem_shared>>
        tpu.wait_dma2 semaphore(%run_scoped3A : memref<!tpu.dma_semaphore, #tpu.memory_space<semaphore_mem>>) src(%arg16 : memref<40x128xf32, #tpu.memory_space<vmem>>) dst(%dma_wait3A_127 : memref<40x128xf32, #tpu.memory_space<vmem_shared>>)
        tpu.yield
      }) : () -> ()
      %mul3A_30 = arith.constant 1000 : i32
      %mul3A_31 = arith.muli %arg1, %mul3A_30 : i32
      %add3A_32 = arith.constant 80 : i32
      %add3A_33 = arith.addi %mul3A_31, %add3A_32 : i32
      "tpu.region"() ({
        %run_scoped3A = tpu.sem_alloc : memref<!tpu.dma_semaphore, #tpu.memory_space<semaphore_mem>>
        %dma_start3A = arith.constant 0 : i32
        %dma_start3A_122 = tpu.memref_slice %arg8[%add3A_33, %dma_start3A] : memref<10000x128xf32, #tpu.memory_space<vmem_shared>> -> memref<40x128xf32, #tpu.memory_space<vmem_shared>>
        %dma_start3A_123 = arith.constant 0 : i32
        %dma_start3A_124 = tpu.memref_slice %arg8[%add3A_33, %dma_start3A_123] : memref<10000x128xf32, #tpu.memory_space<vmem_shared>> -> memref<40x128xf32, #tpu.memory_space<vmem_shared>>
        tpu.enqueue_dma source(%arg16 : memref<40x128xf32, #tpu.memory_space<vmem>>) target(%dma_start3A_124 : memref<40x128xf32, #tpu.memory_space<vmem_shared>>) target_semaphore(%run_scoped3A : memref<!tpu.dma_semaphore, #tpu.memory_space<semaphore_mem>>)
        %dma_wait3A = arith.constant 0 : i32
        %dma_wait3A_125 = tpu.memref_slice %arg8[%add3A_33, %dma_wait3A] : memref<10000x128xf32, #tpu.memory_space<vmem_shared>> -> memref<40x128xf32, #tpu.memory_space<vmem_shared>>
        %dma_wait3A_126 = arith.constant 0 : i32
        %dma_wait3A_127 = tpu.memref_slice %arg8[%add3A_33, %dma_wait3A_126] : memref<10000x128xf32, #tpu.memory_space<vmem_shared>> -> memref<40x128xf32, #tpu.memory_space<vmem_shared>>
        tpu.wait_dma2 semaphore(%run_scoped3A : memref<!tpu.dma_semaphore, #tpu.memory_space<semaphore_mem>>) src(%arg16 : memref<40x128xf32, #tpu.memory_space<vmem>>) dst(%dma_wait3A_127 : memref<40x128xf32, #tpu.memory_space<vmem_shared>>)
        tpu.yield
      }) : () -> ()
      %mul3A_34 = arith.constant 1000 : i32
      %mul3A_35 = arith.muli %arg1, %mul3A_34 : i32
      %add3A_36 = arith.constant 120 : i32
      %add3A_37 = arith.addi %mul3A_35, %add3A_36 : i32
      "tpu.region"() ({
        %run_scoped3A = tpu.sem_alloc : memref<!tpu.dma_semaphore, #tpu.memory_space<semaphore_mem>>
        %dma_start3A = arith.constant 0 : i32
        %dma_start3A_122 = tpu.memref_slice %arg8[%add3A_37, %dma_start3A] : memref<10000x128xf32, #tpu.memory_space<vmem_shared>> -> memref<40x128xf32, #tpu.memory_space<vmem_shared>>
        %dma_start3A_123 = arith.constant 0 : i32
        %dma_start3A_124 = tpu.memref_slice %arg8[%add3A_37, %dma_start3A_123] : memref<10000x128xf32, #tpu.memory_space<vmem_shared>> -> memref<40x128xf32, #tpu.memory_space<vmem_shared>>
        tpu.enqueue_dma source(%arg16 : memref<40x128xf32, #tpu.memory_space<vmem>>) target(%dma_start3A_124 : memref<40x128xf32, #tpu.memory_space<vmem_shared>>) target_semaphore(%run_scoped3A : memref<!tpu.dma_semaphore, #tpu.memory_space<semaphore_mem>>)
        %dma_wait3A = arith.constant 0 : i32
        %dma_wait3A_125 = tpu.memref_slice %arg8[%add3A_37, %dma_wait3A] : memref<10000x128xf32, #tpu.memory_space<vmem_shared>> -> memref<40x128xf32, #tpu.memory_space<vmem_shared>>
        %dma_wait3A_126 = arith.constant 0 : i32
        %dma_wait3A_127 = tpu.memref_slice %arg8[%add3A_37, %dma_wait3A_126] : memref<10000x128xf32, #tpu.memory_space<vmem_shared>> -> memref<40x128xf32, #tpu.memory_space<vmem_shared>>
        tpu.wait_dma2 semaphore(%run_scoped3A : memref<!tpu.dma_semaphore, #tpu.memory_space<semaphore_mem>>) src(%arg16 : memref<40x128xf32, #tpu.memory_space<vmem>>) dst(%dma_wait3A_127 : memref<40x128xf32, #tpu.memory_space<vmem_shared>>)
        tpu.yield
      }) : () -> ()
      %mul3A_38 = arith.constant 1000 : i32
      %mul3A_39 = arith.muli %arg1, %mul3A_38 : i32
      %add3A_40 = arith.constant 160 : i32
      %add3A_41 = arith.addi %mul3A_39, %add3A_40 : i32
      "tpu.region"() ({
        %run_scoped3A = tpu.sem_alloc : memref<!tpu.dma_semaphore, #tpu.memory_space<semaphore_mem>>
        %dma_start3A = arith.constant 0 : i32
        %dma_start3A_122 = tpu.memref_slice %arg8[%add3A_41, %dma_start3A] : memref<10000x128xf32, #tpu.memory_space<vmem_shared>> -> memref<40x128xf32, #tpu.memory_space<vmem_shared>>
        %dma_start3A_123 = arith.constant 0 : i32
        %dma_start3A_124 = tpu.memref_slice %arg8[%add3A_41, %dma_start3A_123] : memref<10000x128xf32, #tpu.memory_space<vmem_shared>> -> memref<40x128xf32, #tpu.memory_space<vmem_shared>>
        tpu.enqueue_dma source(%arg16 : memref<40x128xf32, #tpu.memory_space<vmem>>) target(%dma_start3A_124 : memref<40x128xf32, #tpu.memory_space<vmem_shared>>) target_semaphore(%run_scoped3A : memref<!tpu.dma_semaphore, #tpu.memory_space<semaphore_mem>>)
        %dma_wait3A = arith.constant 0 : i32
        %dma_wait3A_125 = tpu.memref_slice %arg8[%add3A_41, %dma_wait3A] : memref<10000x128xf32, #tpu.memory_space<vmem_shared>> -> memref<40x128xf32, #tpu.memory_space<vmem_shared>>
        %dma_wait3A_126 = arith.constant 0 : i32
        %dma_wait3A_127 = tpu.memref_slice %arg8[%add3A_41, %dma_wait3A_126] : memref<10000x128xf32, #tpu.memory_space<vmem_shared>> -> memref<40x128xf32, #tpu.memory_space<vmem_shared>>
        tpu.wait_dma2 semaphore(%run_scoped3A : memref<!tpu.dma_semaphore, #tpu.memory_space<semaphore_mem>>) src(%arg16 : memref<40x128xf32, #tpu.memory_space<vmem>>) dst(%dma_wait3A_127 : memref<40x128xf32, #tpu.memory_space<vmem_shared>>)
        tpu.yield
      }) : () -> ()
      %mul3A_42 = arith.constant 1000 : i32
      %mul3A_43 = arith.muli %arg1, %mul3A_42 : i32
      %add3A_44 = arith.constant 200 : i32
      %add3A_45 = arith.addi %mul3A_43, %add3A_44 : i32
      "tpu.region"() ({
        %run_scoped3A = tpu.sem_alloc : memref<!tpu.dma_semaphore, #tpu.memory_space<semaphore_mem>>
        %dma_start3A = arith.constant 0 : i32
        %dma_start3A_122 = tpu.memref_slice %arg8[%add3A_45, %dma_start3A] : memref<10000x128xf32, #tpu.memory_space<vmem_shared>> -> memref<40x128xf32, #tpu.memory_space<vmem_shared>>
        %dma_start3A_123 = arith.constant 0 : i32
        %dma_start3A_124 = tpu.memref_slice %arg8[%add3A_45, %dma_start3A_123] : memref<10000x128xf32, #tpu.memory_space<vmem_shared>> -> memref<40x128xf32, #tpu.memory_space<vmem_shared>>
        tpu.enqueue_dma source(%arg16 : memref<40x128xf32, #tpu.memory_space<vmem>>) target(%dma_start3A_124 : memref<40x128xf32, #tpu.memory_space<vmem_shared>>) target_semaphore(%run_scoped3A : memref<!tpu.dma_semaphore, #tpu.memory_space<semaphore_mem>>)
        %dma_wait3A = arith.constant 0 : i32
        %dma_wait3A_125 = tpu.memref_slice %arg8[%add3A_45, %dma_wait3A] : memref<10000x128xf32, #tpu.memory_space<vmem_shared>> -> memref<40x128xf32, #tpu.memory_space<vmem_shared>>
        %dma_wait3A_126 = arith.constant 0 : i32
        %dma_wait3A_127 = tpu.memref_slice %arg8[%add3A_45, %dma_wait3A_126] : memref<10000x128xf32, #tpu.memory_space<vmem_shared>> -> memref<40x128xf32, #tpu.memory_space<vmem_shared>>
        tpu.wait_dma2 semaphore(%run_scoped3A : memref<!tpu.dma_semaphore, #tpu.memory_space<semaphore_mem>>) src(%arg16 : memref<40x128xf32, #tpu.memory_space<vmem>>) dst(%dma_wait3A_127 : memref<40x128xf32, #tpu.memory_space<vmem_shared>>)
        tpu.yield
      }) : () -> ()
      %mul3A_46 = arith.constant 1000 : i32
      %mul3A_47 = arith.muli %arg1, %mul3A_46 : i32
      %add3A_48 = arith.constant 240 : i32
      %add3A_49 = arith.addi %mul3A_47, %add3A_48 : i32
      "tpu.region"() ({
        %run_scoped3A = tpu.sem_alloc : memref<!tpu.dma_semaphore, #tpu.memory_space<semaphore_mem>>
        %dma_start3A = arith.constant 0 : i32
        %dma_start3A_122 = tpu.memref_slice %arg8[%add3A_49, %dma_start3A] : memref<10000x128xf32, #tpu.memory_space<vmem_shared>> -> memref<40x128xf32, #tpu.memory_space<vmem_shared>>
        %dma_start3A_123 = arith.constant 0 : i32
        %dma_start3A_124 = tpu.memref_slice %arg8[%add3A_49, %dma_start3A_123] : memref<10000x128xf32, #tpu.memory_space<vmem_shared>> -> memref<40x128xf32, #tpu.memory_space<vmem_shared>>
        tpu.enqueue_dma source(%arg16 : memref<40x128xf32, #tpu.memory_space<vmem>>) target(%dma_start3A_124 : memref<40x128xf32, #tpu.memory_space<vmem_shared>>) target_semaphore(%run_scoped3A : memref<!tpu.dma_semaphore, #tpu.memory_space<semaphore_mem>>)
        %dma_wait3A = arith.constant 0 : i32
        %dma_wait3A_125 = tpu.memref_slice %arg8[%add3A_49, %dma_wait3A] : memref<10000x128xf32, #tpu.memory_space<vmem_shared>> -> memref<40x128xf32, #tpu.memory_space<vmem_shared>>
        %dma_wait3A_126 = arith.constant 0 : i32
        %dma_wait3A_127 = tpu.memref_slice %arg8[%add3A_49, %dma_wait3A_126] : memref<10000x128xf32, #tpu.memory_space<vmem_shared>> -> memref<40x128xf32, #tpu.memory_space<vmem_shared>>
        tpu.wait_dma2 semaphore(%run_scoped3A : memref<!tpu.dma_semaphore, #tpu.memory_space<semaphore_mem>>) src(%arg16 : memref<40x128xf32, #tpu.memory_space<vmem>>) dst(%dma_wait3A_127 : memref<40x128xf32, #tpu.memory_space<vmem_shared>>)
        tpu.yield
      }) : () -> ()
      %mul3A_50 = arith.constant 1000 : i32
      %mul3A_51 = arith.muli %arg1, %mul3A_50 : i32
      %add3A_52 = arith.constant 280 : i32
      %add3A_53 = arith.addi %mul3A_51, %add3A_52 : i32
      "tpu.region"() ({
        %run_scoped3A = tpu.sem_alloc : memref<!tpu.dma_semaphore, #tpu.memory_space<semaphore_mem>>
        %dma_start3A = arith.constant 0 : i32
        %dma_start3A_122 = tpu.memref_slice %arg8[%add3A_53, %dma_start3A] : memref<10000x128xf32, #tpu.memory_space<vmem_shared>> -> memref<40x128xf32, #tpu.memory_space<vmem_shared>>
        %dma_start3A_123 = arith.constant 0 : i32
        %dma_start3A_124 = tpu.memref_slice %arg8[%add3A_53, %dma_start3A_123] : memref<10000x128xf32, #tpu.memory_space<vmem_shared>> -> memref<40x128xf32, #tpu.memory_space<vmem_shared>>
        tpu.enqueue_dma source(%arg16 : memref<40x128xf32, #tpu.memory_space<vmem>>) target(%dma_start3A_124 : memref<40x128xf32, #tpu.memory_space<vmem_shared>>) target_semaphore(%run_scoped3A : memref<!tpu.dma_semaphore, #tpu.memory_space<semaphore_mem>>)
        %dma_wait3A = arith.constant 0 : i32
        %dma_wait3A_125 = tpu.memref_slice %arg8[%add3A_53, %dma_wait3A] : memref<10000x128xf32, #tpu.memory_space<vmem_shared>> -> memref<40x128xf32, #tpu.memory_space<vmem_shared>>
        %dma_wait3A_126 = arith.constant 0 : i32
        %dma_wait3A_127 = tpu.memref_slice %arg8[%add3A_53, %dma_wait3A_126] : memref<10000x128xf32, #tpu.memory_space<vmem_shared>> -> memref<40x128xf32, #tpu.memory_space<vmem_shared>>
        tpu.wait_dma2 semaphore(%run_scoped3A : memref<!tpu.dma_semaphore, #tpu.memory_space<semaphore_mem>>) src(%arg16 : memref<40x128xf32, #tpu.memory_space<vmem>>) dst(%dma_wait3A_127 : memref<40x128xf32, #tpu.memory_space<vmem_shared>>)
        tpu.yield
      }) : () -> ()
      %mul3A_54 = arith.constant 1000 : i32
      %mul3A_55 = arith.muli %arg1, %mul3A_54 : i32
      %add3A_56 = arith.constant 320 : i32
      %add3A_57 = arith.addi %mul3A_55, %add3A_56 : i32
      "tpu.region"() ({
        %run_scoped3A = tpu.sem_alloc : memref<!tpu.dma_semaphore, #tpu.memory_space<semaphore_mem>>
        %dma_start3A = arith.constant 0 : i32
        %dma_start3A_122 = tpu.memref_slice %arg8[%add3A_57, %dma_start3A] : memref<10000x128xf32, #tpu.memory_space<vmem_shared>> -> memref<40x128xf32, #tpu.memory_space<vmem_shared>>
        %dma_start3A_123 = arith.constant 0 : i32
        %dma_start3A_124 = tpu.memref_slice %arg8[%add3A_57, %dma_start3A_123] : memref<10000x128xf32, #tpu.memory_space<vmem_shared>> -> memref<40x128xf32, #tpu.memory_space<vmem_shared>>
        tpu.enqueue_dma source(%arg16 : memref<40x128xf32, #tpu.memory_space<vmem>>) target(%dma_start3A_124 : memref<40x128xf32, #tpu.memory_space<vmem_shared>>) target_semaphore(%run_scoped3A : memref<!tpu.dma_semaphore, #tpu.memory_space<semaphore_mem>>)
        %dma_wait3A = arith.constant 0 : i32
        %dma_wait3A_125 = tpu.memref_slice %arg8[%add3A_57, %dma_wait3A] : memref<10000x128xf32, #tpu.memory_space<vmem_shared>> -> memref<40x128xf32, #tpu.memory_space<vmem_shared>>
        %dma_wait3A_126 = arith.constant 0 : i32
        %dma_wait3A_127 = tpu.memref_slice %arg8[%add3A_57, %dma_wait3A_126] : memref<10000x128xf32, #tpu.memory_space<vmem_shared>> -> memref<40x128xf32, #tpu.memory_space<vmem_shared>>
        tpu.wait_dma2 semaphore(%run_scoped3A : memref<!tpu.dma_semaphore, #tpu.memory_space<semaphore_mem>>) src(%arg16 : memref<40x128xf32, #tpu.memory_space<vmem>>) dst(%dma_wait3A_127 : memref<40x128xf32, #tpu.memory_space<vmem_shared>>)
        tpu.yield
      }) : () -> ()
      %mul3A_58 = arith.constant 1000 : i32
      %mul3A_59 = arith.muli %arg1, %mul3A_58 : i32
      %add3A_60 = arith.constant 360 : i32
      %add3A_61 = arith.addi %mul3A_59, %add3A_60 : i32
      "tpu.region"() ({
        %run_scoped3A = tpu.sem_alloc : memref<!tpu.dma_semaphore, #tpu.memory_space<semaphore_mem>>
        %dma_start3A = arith.constant 0 : i32
        %dma_start3A_122 = tpu.memref_slice %arg8[%add3A_61, %dma_start3A] : memref<10000x128xf32, #tpu.memory_space<vmem_shared>> -> memref<40x128xf32, #tpu.memory_space<vmem_shared>>
        %dma_start3A_123 = arith.constant 0 : i32
        %dma_start3A_124 = tpu.memref_slice %arg8[%add3A_61, %dma_start3A_123] : memref<10000x128xf32, #tpu.memory_space<vmem_shared>> -> memref<40x128xf32, #tpu.memory_space<vmem_shared>>
        tpu.enqueue_dma source(%arg16 : memref<40x128xf32, #tpu.memory_space<vmem>>) target(%dma_start3A_124 : memref<40x128xf32, #tpu.memory_space<vmem_shared>>) target_semaphore(%run_scoped3A : memref<!tpu.dma_semaphore, #tpu.memory_space<semaphore_mem>>)
        %dma_wait3A = arith.constant 0 : i32
        %dma_wait3A_125 = tpu.memref_slice %arg8[%add3A_61, %dma_wait3A] : memref<10000x128xf32, #tpu.memory_space<vmem_shared>> -> memref<40x128xf32, #tpu.memory_space<vmem_shared>>
        %dma_wait3A_126 = arith.constant 0 : i32
        %dma_wait3A_127 = tpu.memref_slice %arg8[%add3A_61, %dma_wait3A_126] : memref<10000x128xf32, #tpu.memory_space<vmem_shared>> -> memref<40x128xf32, #tpu.memory_space<vmem_shared>>
        tpu.wait_dma2 semaphore(%run_scoped3A : memref<!tpu.dma_semaphore, #tpu.memory_space<semaphore_mem>>) src(%arg16 : memref<40x128xf32, #tpu.memory_space<vmem>>) dst(%dma_wait3A_127 : memref<40x128xf32, #tpu.memory_space<vmem_shared>>)
        tpu.yield
      }) : () -> ()
      %mul3A_62 = arith.constant 1000 : i32
      %mul3A_63 = arith.muli %arg1, %mul3A_62 : i32
      %add3A_64 = arith.constant 400 : i32
      %add3A_65 = arith.addi %mul3A_63, %add3A_64 : i32
      "tpu.region"() ({
        %run_scoped3A = tpu.sem_alloc : memref<!tpu.dma_semaphore, #tpu.memory_space<semaphore_mem>>
        %dma_start3A = arith.constant 0 : i32
        %dma_start3A_122 = tpu.memref_slice %arg8[%add3A_65, %dma_start3A] : memref<10000x128xf32, #tpu.memory_space<vmem_shared>> -> memref<40x128xf32, #tpu.memory_space<vmem_shared>>
        %dma_start3A_123 = arith.constant 0 : i32
        %dma_start3A_124 = tpu.memref_slice %arg8[%add3A_65, %dma_start3A_123] : memref<10000x128xf32, #tpu.memory_space<vmem_shared>> -> memref<40x128xf32, #tpu.memory_space<vmem_shared>>
        tpu.enqueue_dma source(%arg16 : memref<40x128xf32, #tpu.memory_space<vmem>>) target(%dma_start3A_124 : memref<40x128xf32, #tpu.memory_space<vmem_shared>>) target_semaphore(%run_scoped3A : memref<!tpu.dma_semaphore, #tpu.memory_space<semaphore_mem>>)
        %dma_wait3A = arith.constant 0 : i32
        %dma_wait3A_125 = tpu.memref_slice %arg8[%add3A_65, %dma_wait3A] : memref<10000x128xf32, #tpu.memory_space<vmem_shared>> -> memref<40x128xf32, #tpu.memory_space<vmem_shared>>
        %dma_wait3A_126 = arith.constant 0 : i32
        %dma_wait3A_127 = tpu.memref_slice %arg8[%add3A_65, %dma_wait3A_126] : memref<10000x128xf32, #tpu.memory_space<vmem_shared>> -> memref<40x128xf32, #tpu.memory_space<vmem_shared>>
        tpu.wait_dma2 semaphore(%run_scoped3A : memref<!tpu.dma_semaphore, #tpu.memory_space<semaphore_mem>>) src(%arg16 : memref<40x128xf32, #tpu.memory_space<vmem>>) dst(%dma_wait3A_127 : memref<40x128xf32, #tpu.memory_space<vmem_shared>>)
        tpu.yield
      }) : () -> ()
      %mul3A_66 = arith.constant 1000 : i32
      %mul3A_67 = arith.muli %arg1, %mul3A_66 : i32
      %add3A_68 = arith.constant 440 : i32
      %add3A_69 = arith.addi %mul3A_67, %add3A_68 : i32
      "tpu.region"() ({
        %run_scoped3A = tpu.sem_alloc : memref<!tpu.dma_semaphore, #tpu.memory_space<semaphore_mem>>
        %dma_start3A = arith.constant 0 : i32
        %dma_start3A_122 = tpu.memref_slice %arg8[%add3A_69, %dma_start3A] : memref<10000x128xf32, #tpu.memory_space<vmem_shared>> -> memref<40x128xf32, #tpu.memory_space<vmem_shared>>
        %dma_start3A_123 = arith.constant 0 : i32
        %dma_start3A_124 = tpu.memref_slice %arg8[%add3A_69, %dma_start3A_123] : memref<10000x128xf32, #tpu.memory_space<vmem_shared>> -> memref<40x128xf32, #tpu.memory_space<vmem_shared>>
        tpu.enqueue_dma source(%arg16 : memref<40x128xf32, #tpu.memory_space<vmem>>) target(%dma_start3A_124 : memref<40x128xf32, #tpu.memory_space<vmem_shared>>) target_semaphore(%run_scoped3A : memref<!tpu.dma_semaphore, #tpu.memory_space<semaphore_mem>>)
        %dma_wait3A = arith.constant 0 : i32
        %dma_wait3A_125 = tpu.memref_slice %arg8[%add3A_69, %dma_wait3A] : memref<10000x128xf32, #tpu.memory_space<vmem_shared>> -> memref<40x128xf32, #tpu.memory_space<vmem_shared>>
        %dma_wait3A_126 = arith.constant 0 : i32
        %dma_wait3A_127 = tpu.memref_slice %arg8[%add3A_69, %dma_wait3A_126] : memref<10000x128xf32, #tpu.memory_space<vmem_shared>> -> memref<40x128xf32, #tpu.memory_space<vmem_shared>>
        tpu.wait_dma2 semaphore(%run_scoped3A : memref<!tpu.dma_semaphore, #tpu.memory_space<semaphore_mem>>) src(%arg16 : memref<40x128xf32, #tpu.memory_space<vmem>>) dst(%dma_wait3A_127 : memref<40x128xf32, #tpu.memory_space<vmem_shared>>)
        tpu.yield
      }) : () -> ()
      %mul3A_70 = arith.constant 1000 : i32
      %mul3A_71 = arith.muli %arg1, %mul3A_70 : i32
      %add3A_72 = arith.constant 480 : i32
      %add3A_73 = arith.addi %mul3A_71, %add3A_72 : i32
      "tpu.region"() ({
        %run_scoped3A = tpu.sem_alloc : memref<!tpu.dma_semaphore, #tpu.memory_space<semaphore_mem>>
        %dma_start3A = arith.constant 0 : i32
        %dma_start3A_122 = tpu.memref_slice %arg8[%add3A_73, %dma_start3A] : memref<10000x128xf32, #tpu.memory_space<vmem_shared>> -> memref<40x128xf32, #tpu.memory_space<vmem_shared>>
        %dma_start3A_123 = arith.constant 0 : i32
        %dma_start3A_124 = tpu.memref_slice %arg8[%add3A_73, %dma_start3A_123] : memref<10000x128xf32, #tpu.memory_space<vmem_shared>> -> memref<40x128xf32, #tpu.memory_space<vmem_shared>>
        tpu.enqueue_dma source(%arg16 : memref<40x128xf32, #tpu.memory_space<vmem>>) target(%dma_start3A_124 : memref<40x128xf32, #tpu.memory_space<vmem_shared>>) target_semaphore(%run_scoped3A : memref<!tpu.dma_semaphore, #tpu.memory_space<semaphore_mem>>)
        %dma_wait3A = arith.constant 0 : i32
        %dma_wait3A_125 = tpu.memref_slice %arg8[%add3A_73, %dma_wait3A] : memref<10000x128xf32, #tpu.memory_space<vmem_shared>> -> memref<40x128xf32, #tpu.memory_space<vmem_shared>>
        %dma_wait3A_126 = arith.constant 0 : i32
        %dma_wait3A_127 = tpu.memref_slice %arg8[%add3A_73, %dma_wait3A_126] : memref<10000x128xf32, #tpu.memory_space<vmem_shared>> -> memref<40x128xf32, #tpu.memory_space<vmem_shared>>
        tpu.wait_dma2 semaphore(%run_scoped3A : memref<!tpu.dma_semaphore, #tpu.memory_space<semaphore_mem>>) src(%arg16 : memref<40x128xf32, #tpu.memory_space<vmem>>) dst(%dma_wait3A_127 : memref<40x128xf32, #tpu.memory_space<vmem_shared>>)
        tpu.yield
      }) : () -> ()
      %mul3A_74 = arith.constant 1000 : i32
      %mul3A_75 = arith.muli %arg1, %mul3A_74 : i32
      %add3A_76 = arith.constant 520 : i32
      %add3A_77 = arith.addi %mul3A_75, %add3A_76 : i32
      "tpu.region"() ({
        %run_scoped3A = tpu.sem_alloc : memref<!tpu.dma_semaphore, #tpu.memory_space<semaphore_mem>>
        %dma_start3A = arith.constant 0 : i32
        %dma_start3A_122 = tpu.memref_slice %arg8[%add3A_77, %dma_start3A] : memref<10000x128xf32, #tpu.memory_space<vmem_shared>> -> memref<40x128xf32, #tpu.memory_space<vmem_shared>>
        %dma_start3A_123 = arith.constant 0 : i32
        %dma_start3A_124 = tpu.memref_slice %arg8[%add3A_77, %dma_start3A_123] : memref<10000x128xf32, #tpu.memory_space<vmem_shared>> -> memref<40x128xf32, #tpu.memory_space<vmem_shared>>
        tpu.enqueue_dma source(%arg16 : memref<40x128xf32, #tpu.memory_space<vmem>>) target(%dma_start3A_124 : memref<40x128xf32, #tpu.memory_space<vmem_shared>>) target_semaphore(%run_scoped3A : memref<!tpu.dma_semaphore, #tpu.memory_space<semaphore_mem>>)
        %dma_wait3A = arith.constant 0 : i32
        %dma_wait3A_125 = tpu.memref_slice %arg8[%add3A_77, %dma_wait3A] : memref<10000x128xf32, #tpu.memory_space<vmem_shared>> -> memref<40x128xf32, #tpu.memory_space<vmem_shared>>
        %dma_wait3A_126 = arith.constant 0 : i32
        %dma_wait3A_127 = tpu.memref_slice %arg8[%add3A_77, %dma_wait3A_126] : memref<10000x128xf32, #tpu.memory_space<vmem_shared>> -> memref<40x128xf32, #tpu.memory_space<vmem_shared>>
        tpu.wait_dma2 semaphore(%run_scoped3A : memref<!tpu.dma_semaphore, #tpu.memory_space<semaphore_mem>>) src(%arg16 : memref<40x128xf32, #tpu.memory_space<vmem>>) dst(%dma_wait3A_127 : memref<40x128xf32, #tpu.memory_space<vmem_shared>>)
        tpu.yield
      }) : () -> ()
      %mul3A_78 = arith.constant 1000 : i32
      %mul3A_79 = arith.muli %arg1, %mul3A_78 : i32
      %add3A_80 = arith.constant 560 : i32
      %add3A_81 = arith.addi %mul3A_79, %add3A_80 : i32
      "tpu.region"() ({
        %run_scoped3A = tpu.sem_alloc : memref<!tpu.dma_semaphore, #tpu.memory_space<semaphore_mem>>
        %dma_start3A = arith.constant 0 : i32
        %dma_start3A_122 = tpu.memref_slice %arg8[%add3A_81, %dma_start3A] : memref<10000x128xf32, #tpu.memory_space<vmem_shared>> -> memref<40x128xf32, #tpu.memory_space<vmem_shared>>
        %dma_start3A_123 = arith.constant 0 : i32
        %dma_start3A_124 = tpu.memref_slice %arg8[%add3A_81, %dma_start3A_123] : memref<10000x128xf32, #tpu.memory_space<vmem_shared>> -> memref<40x128xf32, #tpu.memory_space<vmem_shared>>
        tpu.enqueue_dma source(%arg16 : memref<40x128xf32, #tpu.memory_space<vmem>>) target(%dma_start3A_124 : memref<40x128xf32, #tpu.memory_space<vmem_shared>>) target_semaphore(%run_scoped3A : memref<!tpu.dma_semaphore, #tpu.memory_space<semaphore_mem>>)
        %dma_wait3A = arith.constant 0 : i32
        %dma_wait3A_125 = tpu.memref_slice %arg8[%add3A_81, %dma_wait3A] : memref<10000x128xf32, #tpu.memory_space<vmem_shared>> -> memref<40x128xf32, #tpu.memory_space<vmem_shared>>
        %dma_wait3A_126 = arith.constant 0 : i32
        %dma_wait3A_127 = tpu.memref_slice %arg8[%add3A_81, %dma_wait3A_126] : memref<10000x128xf32, #tpu.memory_space<vmem_shared>> -> memref<40x128xf32, #tpu.memory_space<vmem_shared>>
        tpu.wait_dma2 semaphore(%run_scoped3A : memref<!tpu.dma_semaphore, #tpu.memory_space<semaphore_mem>>) src(%arg16 : memref<40x128xf32, #tpu.memory_space<vmem>>) dst(%dma_wait3A_127 : memref<40x128xf32, #tpu.memory_space<vmem_shared>>)
        tpu.yield
      }) : () -> ()
      %mul3A_82 = arith.constant 1000 : i32
      %mul3A_83 = arith.muli %arg1, %mul3A_82 : i32
      %add3A_84 = arith.constant 600 : i32
      %add3A_85 = arith.addi %mul3A_83, %add3A_84 : i32
      "tpu.region"() ({
        %run_scoped3A = tpu.sem_alloc : memref<!tpu.dma_semaphore, #tpu.memory_space<semaphore_mem>>
        %dma_start3A = arith.constant 0 : i32
        %dma_start3A_122 = tpu.memref_slice %arg8[%add3A_85, %dma_start3A] : memref<10000x128xf32, #tpu.memory_space<vmem_shared>> -> memref<40x128xf32, #tpu.memory_space<vmem_shared>>
        %dma_start3A_123 = arith.constant 0 : i32
        %dma_start3A_124 = tpu.memref_slice %arg8[%add3A_85, %dma_start3A_123] : memref<10000x128xf32, #tpu.memory_space<vmem_shared>> -> memref<40x128xf32, #tpu.memory_space<vmem_shared>>
        tpu.enqueue_dma source(%arg16 : memref<40x128xf32, #tpu.memory_space<vmem>>) target(%dma_start3A_124 : memref<40x128xf32, #tpu.memory_space<vmem_shared>>) target_semaphore(%run_scoped3A : memref<!tpu.dma_semaphore, #tpu.memory_space<semaphore_mem>>)
        %dma_wait3A = arith.constant 0 : i32
        %dma_wait3A_125 = tpu.memref_slice %arg8[%add3A_85, %dma_wait3A] : memref<10000x128xf32, #tpu.memory_space<vmem_shared>> -> memref<40x128xf32, #tpu.memory_space<vmem_shared>>
        %dma_wait3A_126 = arith.constant 0 : i32
        %dma_wait3A_127 = tpu.memref_slice %arg8[%add3A_85, %dma_wait3A_126] : memref<10000x128xf32, #tpu.memory_space<vmem_shared>> -> memref<40x128xf32, #tpu.memory_space<vmem_shared>>
        tpu.wait_dma2 semaphore(%run_scoped3A : memref<!tpu.dma_semaphore, #tpu.memory_space<semaphore_mem>>) src(%arg16 : memref<40x128xf32, #tpu.memory_space<vmem>>) dst(%dma_wait3A_127 : memref<40x128xf32, #tpu.memory_space<vmem_shared>>)
        tpu.yield
      }) : () -> ()
      %mul3A_86 = arith.constant 1000 : i32
      %mul3A_87 = arith.muli %arg1, %mul3A_86 : i32
      %add3A_88 = arith.constant 640 : i32
      %add3A_89 = arith.addi %mul3A_87, %add3A_88 : i32
      "tpu.region"() ({
        %run_scoped3A = tpu.sem_alloc : memref<!tpu.dma_semaphore, #tpu.memory_space<semaphore_mem>>
        %dma_start3A = arith.constant 0 : i32
        %dma_start3A_122 = tpu.memref_slice %arg8[%add3A_89, %dma_start3A] : memref<10000x128xf32, #tpu.memory_space<vmem_shared>> -> memref<40x128xf32, #tpu.memory_space<vmem_shared>>
        %dma_start3A_123 = arith.constant 0 : i32
        %dma_start3A_124 = tpu.memref_slice %arg8[%add3A_89, %dma_start3A_123] : memref<10000x128xf32, #tpu.memory_space<vmem_shared>> -> memref<40x128xf32, #tpu.memory_space<vmem_shared>>
        tpu.enqueue_dma source(%arg16 : memref<40x128xf32, #tpu.memory_space<vmem>>) target(%dma_start3A_124 : memref<40x128xf32, #tpu.memory_space<vmem_shared>>) target_semaphore(%run_scoped3A : memref<!tpu.dma_semaphore, #tpu.memory_space<semaphore_mem>>)
        %dma_wait3A = arith.constant 0 : i32
        %dma_wait3A_125 = tpu.memref_slice %arg8[%add3A_89, %dma_wait3A] : memref<10000x128xf32, #tpu.memory_space<vmem_shared>> -> memref<40x128xf32, #tpu.memory_space<vmem_shared>>
        %dma_wait3A_126 = arith.constant 0 : i32
        %dma_wait3A_127 = tpu.memref_slice %arg8[%add3A_89, %dma_wait3A_126] : memref<10000x128xf32, #tpu.memory_space<vmem_shared>> -> memref<40x128xf32, #tpu.memory_space<vmem_shared>>
        tpu.wait_dma2 semaphore(%run_scoped3A : memref<!tpu.dma_semaphore, #tpu.memory_space<semaphore_mem>>) src(%arg16 : memref<40x128xf32, #tpu.memory_space<vmem>>) dst(%dma_wait3A_127 : memref<40x128xf32, #tpu.memory_space<vmem_shared>>)
        tpu.yield
      }) : () -> ()
      %mul3A_90 = arith.constant 1000 : i32
      %mul3A_91 = arith.muli %arg1, %mul3A_90 : i32
      %add3A_92 = arith.constant 680 : i32
      %add3A_93 = arith.addi %mul3A_91, %add3A_92 : i32
      "tpu.region"() ({
        %run_scoped3A = tpu.sem_alloc : memref<!tpu.dma_semaphore, #tpu.memory_space<semaphore_mem>>
        %dma_start3A = arith.constant 0 : i32
        %dma_start3A_122 = tpu.memref_slice %arg8[%add3A_93, %dma_start3A] : memref<10000x128xf32, #tpu.memory_space<vmem_shared>> -> memref<40x128xf32, #tpu.memory_space<vmem_shared>>
        %dma_start3A_123 = arith.constant 0 : i32
        %dma_start3A_124 = tpu.memref_slice %arg8[%add3A_93, %dma_start3A_123] : memref<10000x128xf32, #tpu.memory_space<vmem_shared>> -> memref<40x128xf32, #tpu.memory_space<vmem_shared>>
        tpu.enqueue_dma source(%arg16 : memref<40x128xf32, #tpu.memory_space<vmem>>) target(%dma_start3A_124 : memref<40x128xf32, #tpu.memory_space<vmem_shared>>) target_semaphore(%run_scoped3A : memref<!tpu.dma_semaphore, #tpu.memory_space<semaphore_mem>>)
        %dma_wait3A = arith.constant 0 : i32
        %dma_wait3A_125 = tpu.memref_slice %arg8[%add3A_93, %dma_wait3A] : memref<10000x128xf32, #tpu.memory_space<vmem_shared>> -> memref<40x128xf32, #tpu.memory_space<vmem_shared>>
        %dma_wait3A_126 = arith.constant 0 : i32
        %dma_wait3A_127 = tpu.memref_slice %arg8[%add3A_93, %dma_wait3A_126] : memref<10000x128xf32, #tpu.memory_space<vmem_shared>> -> memref<40x128xf32, #tpu.memory_space<vmem_shared>>
        tpu.wait_dma2 semaphore(%run_scoped3A : memref<!tpu.dma_semaphore, #tpu.memory_space<semaphore_mem>>) src(%arg16 : memref<40x128xf32, #tpu.memory_space<vmem>>) dst(%dma_wait3A_127 : memref<40x128xf32, #tpu.memory_space<vmem_shared>>)
        tpu.yield
      }) : () -> ()
      %mul3A_94 = arith.constant 1000 : i32
      %mul3A_95 = arith.muli %arg1, %mul3A_94 : i32
      %add3A_96 = arith.constant 720 : i32
      %add3A_97 = arith.addi %mul3A_95, %add3A_96 : i32
      "tpu.region"() ({
        %run_scoped3A = tpu.sem_alloc : memref<!tpu.dma_semaphore, #tpu.memory_space<semaphore_mem>>
        %dma_start3A = arith.constant 0 : i32
        %dma_start3A_122 = tpu.memref_slice %arg8[%add3A_97, %dma_start3A] : memref<10000x128xf32, #tpu.memory_space<vmem_shared>> -> memref<40x128xf32, #tpu.memory_space<vmem_shared>>
        %dma_start3A_123 = arith.constant 0 : i32
        %dma_start3A_124 = tpu.memref_slice %arg8[%add3A_97, %dma_start3A_123] : memref<10000x128xf32, #tpu.memory_space<vmem_shared>> -> memref<40x128xf32, #tpu.memory_space<vmem_shared>>
        tpu.enqueue_dma source(%arg16 : memref<40x128xf32, #tpu.memory_space<vmem>>) target(%dma_start3A_124 : memref<40x128xf32, #tpu.memory_space<vmem_shared>>) target_semaphore(%run_scoped3A : memref<!tpu.dma_semaphore, #tpu.memory_space<semaphore_mem>>)
        %dma_wait3A = arith.constant 0 : i32
        %dma_wait3A_125 = tpu.memref_slice %arg8[%add3A_97, %dma_wait3A] : memref<10000x128xf32, #tpu.memory_space<vmem_shared>> -> memref<40x128xf32, #tpu.memory_space<vmem_shared>>
        %dma_wait3A_126 = arith.constant 0 : i32
        %dma_wait3A_127 = tpu.memref_slice %arg8[%add3A_97, %dma_wait3A_126] : memref<10000x128xf32, #tpu.memory_space<vmem_shared>> -> memref<40x128xf32, #tpu.memory_space<vmem_shared>>
        tpu.wait_dma2 semaphore(%run_scoped3A : memref<!tpu.dma_semaphore, #tpu.memory_space<semaphore_mem>>) src(%arg16 : memref<40x128xf32, #tpu.memory_space<vmem>>) dst(%dma_wait3A_127 : memref<40x128xf32, #tpu.memory_space<vmem_shared>>)
        tpu.yield
      }) : () -> ()
      %mul3A_98 = arith.constant 1000 : i32
      %mul3A_99 = arith.muli %arg1, %mul3A_98 : i32
      %add3A_100 = arith.constant 760 : i32
      %add3A_101 = arith.addi %mul3A_99, %add3A_100 : i32
      "tpu.region"() ({
        %run_scoped3A = tpu.sem_alloc : memref<!tpu.dma_semaphore, #tpu.memory_space<semaphore_mem>>
        %dma_start3A = arith.constant 0 : i32
        %dma_start3A_122 = tpu.memref_slice %arg8[%add3A_101, %dma_start3A] : memref<10000x128xf32, #tpu.memory_space<vmem_shared>> -> memref<40x128xf32, #tpu.memory_space<vmem_shared>>
        %dma_start3A_123 = arith.constant 0 : i32
        %dma_start3A_124 = tpu.memref_slice %arg8[%add3A_101, %dma_start3A_123] : memref<10000x128xf32, #tpu.memory_space<vmem_shared>> -> memref<40x128xf32, #tpu.memory_space<vmem_shared>>
        tpu.enqueue_dma source(%arg16 : memref<40x128xf32, #tpu.memory_space<vmem>>) target(%dma_start3A_124 : memref<40x128xf32, #tpu.memory_space<vmem_shared>>) target_semaphore(%run_scoped3A : memref<!tpu.dma_semaphore, #tpu.memory_space<semaphore_mem>>)
        %dma_wait3A = arith.constant 0 : i32
        %dma_wait3A_125 = tpu.memref_slice %arg8[%add3A_101, %dma_wait3A] : memref<10000x128xf32, #tpu.memory_space<vmem_shared>> -> memref<40x128xf32, #tpu.memory_space<vmem_shared>>
        %dma_wait3A_126 = arith.constant 0 : i32
        %dma_wait3A_127 = tpu.memref_slice %arg8[%add3A_101, %dma_wait3A_126] : memref<10000x128xf32, #tpu.memory_space<vmem_shared>> -> memref<40x128xf32, #tpu.memory_space<vmem_shared>>
        tpu.wait_dma2 semaphore(%run_scoped3A : memref<!tpu.dma_semaphore, #tpu.memory_space<semaphore_mem>>) src(%arg16 : memref<40x128xf32, #tpu.memory_space<vmem>>) dst(%dma_wait3A_127 : memref<40x128xf32, #tpu.memory_space<vmem_shared>>)
        tpu.yield
      }) : () -> ()
      %mul3A_102 = arith.constant 1000 : i32
      %mul3A_103 = arith.muli %arg1, %mul3A_102 : i32
      %add3A_104 = arith.constant 800 : i32
      %add3A_105 = arith.addi %mul3A_103, %add3A_104 : i32
      "tpu.region"() ({
        %run_scoped3A = tpu.sem_alloc : memref<!tpu.dma_semaphore, #tpu.memory_space<semaphore_mem>>
        %dma_start3A = arith.constant 0 : i32
        %dma_start3A_122 = tpu.memref_slice %arg8[%add3A_105, %dma_start3A] : memref<10000x128xf32, #tpu.memory_space<vmem_shared>> -> memref<40x128xf32, #tpu.memory_space<vmem_shared>>
        %dma_start3A_123 = arith.constant 0 : i32
        %dma_start3A_124 = tpu.memref_slice %arg8[%add3A_105, %dma_start3A_123] : memref<10000x128xf32, #tpu.memory_space<vmem_shared>> -> memref<40x128xf32, #tpu.memory_space<vmem_shared>>
        tpu.enqueue_dma source(%arg16 : memref<40x128xf32, #tpu.memory_space<vmem>>) target(%dma_start3A_124 : memref<40x128xf32, #tpu.memory_space<vmem_shared>>) target_semaphore(%run_scoped3A : memref<!tpu.dma_semaphore, #tpu.memory_space<semaphore_mem>>)
        %dma_wait3A = arith.constant 0 : i32
        %dma_wait3A_125 = tpu.memref_slice %arg8[%add3A_105, %dma_wait3A] : memref<10000x128xf32, #tpu.memory_space<vmem_shared>> -> memref<40x128xf32, #tpu.memory_space<vmem_shared>>
        %dma_wait3A_126 = arith.constant 0 : i32
        %dma_wait3A_127 = tpu.memref_slice %arg8[%add3A_105, %dma_wait3A_126] : memref<10000x128xf32, #tpu.memory_space<vmem_shared>> -> memref<40x128xf32, #tpu.memory_space<vmem_shared>>
        tpu.wait_dma2 semaphore(%run_scoped3A : memref<!tpu.dma_semaphore, #tpu.memory_space<semaphore_mem>>) src(%arg16 : memref<40x128xf32, #tpu.memory_space<vmem>>) dst(%dma_wait3A_127 : memref<40x128xf32, #tpu.memory_space<vmem_shared>>)
        tpu.yield
      }) : () -> ()
      %mul3A_106 = arith.constant 1000 : i32
      %mul3A_107 = arith.muli %arg1, %mul3A_106 : i32
      %add3A_108 = arith.constant 840 : i32
      %add3A_109 = arith.addi %mul3A_107, %add3A_108 : i32
      "tpu.region"() ({
        %run_scoped3A = tpu.sem_alloc : memref<!tpu.dma_semaphore, #tpu.memory_space<semaphore_mem>>
        %dma_start3A = arith.constant 0 : i32
        %dma_start3A_122 = tpu.memref_slice %arg8[%add3A_109, %dma_start3A] : memref<10000x128xf32, #tpu.memory_space<vmem_shared>> -> memref<40x128xf32, #tpu.memory_space<vmem_shared>>
        %dma_start3A_123 = arith.constant 0 : i32
        %dma_start3A_124 = tpu.memref_slice %arg8[%add3A_109, %dma_start3A_123] : memref<10000x128xf32, #tpu.memory_space<vmem_shared>> -> memref<40x128xf32, #tpu.memory_space<vmem_shared>>
        tpu.enqueue_dma source(%arg16 : memref<40x128xf32, #tpu.memory_space<vmem>>) target(%dma_start3A_124 : memref<40x128xf32, #tpu.memory_space<vmem_shared>>) target_semaphore(%run_scoped3A : memref<!tpu.dma_semaphore, #tpu.memory_space<semaphore_mem>>)
        %dma_wait3A = arith.constant 0 : i32
        %dma_wait3A_125 = tpu.memref_slice %arg8[%add3A_109, %dma_wait3A] : memref<10000x128xf32, #tpu.memory_space<vmem_shared>> -> memref<40x128xf32, #tpu.memory_space<vmem_shared>>
        %dma_wait3A_126 = arith.constant 0 : i32
        %dma_wait3A_127 = tpu.memref_slice %arg8[%add3A_109, %dma_wait3A_126] : memref<10000x128xf32, #tpu.memory_space<vmem_shared>> -> memref<40x128xf32, #tpu.memory_space<vmem_shared>>
        tpu.wait_dma2 semaphore(%run_scoped3A : memref<!tpu.dma_semaphore, #tpu.memory_space<semaphore_mem>>) src(%arg16 : memref<40x128xf32, #tpu.memory_space<vmem>>) dst(%dma_wait3A_127 : memref<40x128xf32, #tpu.memory_space<vmem_shared>>)
        tpu.yield
      }) : () -> ()
      %mul3A_110 = arith.constant 1000 : i32
      %mul3A_111 = arith.muli %arg1, %mul3A_110 : i32
      %add3A_112 = arith.constant 880 : i32
      %add3A_113 = arith.addi %mul3A_111, %add3A_112 : i32
      "tpu.region"() ({
        %run_scoped3A = tpu.sem_alloc : memref<!tpu.dma_semaphore, #tpu.memory_space<semaphore_mem>>
        %dma_start3A = arith.constant 0 : i32
        %dma_start3A_122 = tpu.memref_slice %arg8[%add3A_113, %dma_start3A] : memref<10000x128xf32, #tpu.memory_space<vmem_shared>> -> memref<40x128xf32, #tpu.memory_space<vmem_shared>>
        %dma_start3A_123 = arith.constant 0 : i32
        %dma_start3A_124 = tpu.memref_slice %arg8[%add3A_113, %dma_start3A_123] : memref<10000x128xf32, #tpu.memory_space<vmem_shared>> -> memref<40x128xf32, #tpu.memory_space<vmem_shared>>
        tpu.enqueue_dma source(%arg16 : memref<40x128xf32, #tpu.memory_space<vmem>>) target(%dma_start3A_124 : memref<40x128xf32, #tpu.memory_space<vmem_shared>>) target_semaphore(%run_scoped3A : memref<!tpu.dma_semaphore, #tpu.memory_space<semaphore_mem>>)
        %dma_wait3A = arith.constant 0 : i32
        %dma_wait3A_125 = tpu.memref_slice %arg8[%add3A_113, %dma_wait3A] : memref<10000x128xf32, #tpu.memory_space<vmem_shared>> -> memref<40x128xf32, #tpu.memory_space<vmem_shared>>
        %dma_wait3A_126 = arith.constant 0 : i32
        %dma_wait3A_127 = tpu.memref_slice %arg8[%add3A_113, %dma_wait3A_126] : memref<10000x128xf32, #tpu.memory_space<vmem_shared>> -> memref<40x128xf32, #tpu.memory_space<vmem_shared>>
        tpu.wait_dma2 semaphore(%run_scoped3A : memref<!tpu.dma_semaphore, #tpu.memory_space<semaphore_mem>>) src(%arg16 : memref<40x128xf32, #tpu.memory_space<vmem>>) dst(%dma_wait3A_127 : memref<40x128xf32, #tpu.memory_space<vmem_shared>>)
        tpu.yield
      }) : () -> ()
      %mul3A_114 = arith.constant 1000 : i32
      %mul3A_115 = arith.muli %arg1, %mul3A_114 : i32
      %add3A_116 = arith.constant 920 : i32
      %add3A_117 = arith.addi %mul3A_115, %add3A_116 : i32
      "tpu.region"() ({
        %run_scoped3A = tpu.sem_alloc : memref<!tpu.dma_semaphore, #tpu.memory_space<semaphore_mem>>
        %dma_start3A = arith.constant 0 : i32
        %dma_start3A_122 = tpu.memref_slice %arg8[%add3A_117, %dma_start3A] : memref<10000x128xf32, #tpu.memory_space<vmem_shared>> -> memref<40x128xf32, #tpu.memory_space<vmem_shared>>
        %dma_start3A_123 = arith.constant 0 : i32
        %dma_start3A_124 = tpu.memref_slice %arg8[%add3A_117, %dma_start3A_123] : memref<10000x128xf32, #tpu.memory_space<vmem_shared>> -> memref<40x128xf32, #tpu.memory_space<vmem_shared>>
        tpu.enqueue_dma source(%arg16 : memref<40x128xf32, #tpu.memory_space<vmem>>) target(%dma_start3A_124 : memref<40x128xf32, #tpu.memory_space<vmem_shared>>) target_semaphore(%run_scoped3A : memref<!tpu.dma_semaphore, #tpu.memory_space<semaphore_mem>>)
        %dma_wait3A = arith.constant 0 : i32
        %dma_wait3A_125 = tpu.memref_slice %arg8[%add3A_117, %dma_wait3A] : memref<10000x128xf32, #tpu.memory_space<vmem_shared>> -> memref<40x128xf32, #tpu.memory_space<vmem_shared>>
        %dma_wait3A_126 = arith.constant 0 : i32
        %dma_wait3A_127 = tpu.memref_slice %arg8[%add3A_117, %dma_wait3A_126] : memref<10000x128xf32, #tpu.memory_space<vmem_shared>> -> memref<40x128xf32, #tpu.memory_space<vmem_shared>>
        tpu.wait_dma2 semaphore(%run_scoped3A : memref<!tpu.dma_semaphore, #tpu.memory_space<semaphore_mem>>) src(%arg16 : memref<40x128xf32, #tpu.memory_space<vmem>>) dst(%dma_wait3A_127 : memref<40x128xf32, #tpu.memory_space<vmem_shared>>)
        tpu.yield
      }) : () -> ()
      %mul3A_118 = arith.constant 1000 : i32
      %mul3A_119 = arith.muli %arg1, %mul3A_118 : i32
      %add3A_120 = arith.constant 960 : i32
      %add3A_121 = arith.addi %mul3A_119, %add3A_120 : i32
      "tpu.region"() ({
        %run_scoped3A = tpu.sem_alloc : memref<!tpu.dma_semaphore, #tpu.memory_space<semaphore_mem>>
        %dma_start3A = arith.constant 0 : i32
        %dma_start3A_122 = tpu.memref_slice %arg8[%add3A_121, %dma_start3A] : memref<10000x128xf32, #tpu.memory_space<vmem_shared>> -> memref<40x128xf32, #tpu.memory_space<vmem_shared>>
        %dma_start3A_123 = arith.constant 0 : i32
        %dma_start3A_124 = tpu.memref_slice %arg8[%add3A_121, %dma_start3A_123] : memref<10000x128xf32, #tpu.memory_space<vmem_shared>> -> memref<40x128xf32, #tpu.memory_space<vmem_shared>>
        tpu.enqueue_dma source(%arg16 : memref<40x128xf32, #tpu.memory_space<vmem>>) target(%dma_start3A_124 : memref<40x128xf32, #tpu.memory_space<vmem_shared>>) target_semaphore(%run_scoped3A : memref<!tpu.dma_semaphore, #tpu.memory_space<semaphore_mem>>)
        %dma_wait3A = arith.constant 0 : i32
        %dma_wait3A_125 = tpu.memref_slice %arg8[%add3A_121, %dma_wait3A] : memref<10000x128xf32, #tpu.memory_space<vmem_shared>> -> memref<40x128xf32, #tpu.memory_space<vmem_shared>>
        %dma_wait3A_126 = arith.constant 0 : i32
        %dma_wait3A_127 = tpu.memref_slice %arg8[%add3A_121, %dma_wait3A_126] : memref<10000x128xf32, #tpu.memory_space<vmem_shared>> -> memref<40x128xf32, #tpu.memory_space<vmem_shared>>
        tpu.wait_dma2 semaphore(%run_scoped3A : memref<!tpu.dma_semaphore, #tpu.memory_space<semaphore_mem>>) src(%arg16 : memref<40x128xf32, #tpu.memory_space<vmem>>) dst(%dma_wait3A_127 : memref<40x128xf32, #tpu.memory_space<vmem_shared>>)
        tpu.yield
      }) : () -> ()
    } else {
    }
    "tpu.region"() ({
      %run_scoped3A = tpu.sem_alloc : memref<!tpu.dma_semaphore, #tpu.memory_space<semaphore_mem>>
      tpu.enqueue_dma source(%arg5 : memref<10000xf32, #tpu.memory_space<hbm>>) target(%arg9 : memref<10000xf32, #tpu.memory_space<vmem>>) target_semaphore(%run_scoped3A : memref<!tpu.dma_semaphore, #tpu.memory_space<semaphore_mem>>)
      tpu.wait_dma2 semaphore(%run_scoped3A : memref<!tpu.dma_semaphore, #tpu.memory_space<semaphore_mem>>) src(%arg5 : memref<10000xf32, #tpu.memory_space<hbm>>) dst(%arg9 : memref<10000xf32, #tpu.memory_space<vmem>>)
      tpu.yield
    }) : () -> ()
    "tpu.region"() ({
      %run_scoped3A = tpu.sem_alloc : memref<!tpu.dma_semaphore, #tpu.memory_space<semaphore_mem>>
      tpu.enqueue_dma source(%arg6 : memref<10000xf32, #tpu.memory_space<hbm>>) target(%arg10 : memref<10000xf32, #tpu.memory_space<vmem>>) target_semaphore(%run_scoped3A : memref<!tpu.dma_semaphore, #tpu.memory_space<semaphore_mem>>)
      tpu.wait_dma2 semaphore(%run_scoped3A : memref<!tpu.dma_semaphore, #tpu.memory_space<semaphore_mem>>) src(%arg6 : memref<10000xf32, #tpu.memory_space<hbm>>) dst(%arg10 : memref<10000xf32, #tpu.memory_space<vmem>>)
      tpu.yield
    }) : () -> ()
    %barrier3A = arith.constant 0 : index
    tpu.barrier barrier_id(%barrier3A)
    %iota3A = tpu.iota {dimensions = array<i32: 0>} : vector<16xi32>
    %mul3A = arith.constant 20000 : i32
    %mul3A_9 = arith.muli %arg1, %mul3A : i32
    %scan3A_10 = arith.constant 0 : i32
    %scan3A_11 = arith.constant 0 : i32
    %scan3A_12 = arith.constant 250 : i32
    %scan3A_13 = arith.addi %scan3A_11, %scan3A_12 : i32
    %scan3A_14 = arith.constant 1 : i32
    %scan3A_15 = scf.for %scan3A_23 = %scan3A_11 to %scan3A_13 step %scan3A_14 iter_args(%scan3A_24 = %scan3A_10) -> (i32)  : i32 {
      %mul3A_25 = arith.constant 80 : i32
      %mul3A_26 = arith.muli %scan3A_23, %mul3A_25 : i32
      %add3A = arith.addi %mul3A_9, %mul3A_26 : i32
      "tpu.region"() ({
        %run_scoped3A = tpu.sem_alloc : memref<!tpu.dma_semaphore, #tpu.memory_space<semaphore_mem>>
        %dma_start3A_46 = tpu.memref_slice %arg3[%add3A] : memref<320000xi32, #tpu.memory_space<hbm>> -> memref<80xi32, #tpu.memory_space<hbm>>
        %dma_start3A_47 = tpu.memref_slice %arg3[%add3A] : memref<320000xi32, #tpu.memory_space<hbm>> -> memref<80xi32, #tpu.memory_space<hbm>>
        tpu.enqueue_dma source(%dma_start3A_47 : memref<80xi32, #tpu.memory_space<hbm>>) target(%arg11 : memref<80xi32, #tpu.memory_space<vmem>>) target_semaphore(%run_scoped3A : memref<!tpu.dma_semaphore, #tpu.memory_space<semaphore_mem>>)
        %dma_wait3A_48 = tpu.memref_slice %arg3[%add3A] : memref<320000xi32, #tpu.memory_space<hbm>> -> memref<80xi32, #tpu.memory_space<hbm>>
        %dma_wait3A_49 = tpu.memref_slice %arg3[%add3A] : memref<320000xi32, #tpu.memory_space<hbm>> -> memref<80xi32, #tpu.memory_space<hbm>>
        tpu.wait_dma2 semaphore(%run_scoped3A : memref<!tpu.dma_semaphore, #tpu.memory_space<semaphore_mem>>) src(%dma_wait3A_49 : memref<80xi32, #tpu.memory_space<hbm>>) dst(%arg11 : memref<80xi32, #tpu.memory_space<vmem>>)
        tpu.yield
      }) : () -> ()
      "tpu.region"() ({
        %run_scoped3A = tpu.sem_alloc : memref<!tpu.dma_semaphore, #tpu.memory_space<semaphore_mem>>
        %dma_start3A_46 = tpu.memref_slice %arg4[%add3A] : memref<320000xi32, #tpu.memory_space<hbm>> -> memref<80xi32, #tpu.memory_space<hbm>>
        %dma_start3A_47 = tpu.memref_slice %arg4[%add3A] : memref<320000xi32, #tpu.memory_space<hbm>> -> memref<80xi32, #tpu.memory_space<hbm>>
        tpu.enqueue_dma source(%dma_start3A_47 : memref<80xi32, #tpu.memory_space<hbm>>) target(%arg12 : memref<80xi32, #tpu.memory_space<vmem>>) target_semaphore(%run_scoped3A : memref<!tpu.dma_semaphore, #tpu.memory_space<semaphore_mem>>)
        %dma_wait3A_48 = tpu.memref_slice %arg4[%add3A] : memref<320000xi32, #tpu.memory_space<hbm>> -> memref<80xi32, #tpu.memory_space<hbm>>
        %dma_wait3A_49 = tpu.memref_slice %arg4[%add3A] : memref<320000xi32, #tpu.memory_space<hbm>> -> memref<80xi32, #tpu.memory_space<hbm>>
        tpu.wait_dma2 semaphore(%run_scoped3A : memref<!tpu.dma_semaphore, #tpu.memory_space<semaphore_mem>>) src(%dma_wait3A_49 : memref<80xi32, #tpu.memory_space<hbm>>) dst(%arg12 : memref<80xi32, #tpu.memory_space<vmem>>)
        tpu.yield
      }) : () -> ()
      %scan3A_27 = arith.constant 0 : i32
      %scan3A_28 = arith.constant 0 : i32
      %scan3A_29 = arith.constant 5 : i32
      %scan3A_30 = arith.addi %scan3A_28, %scan3A_29 : i32
      %scan3A_31 = arith.constant 1 : i32
      %scan3A_32 = scf.for %scan3A_46 = %scan3A_28 to %scan3A_30 step %scan3A_31 iter_args(%scan3A_47 = %scan3A_27) -> (i32)  : i32 {
        %mul3A_48 = arith.constant 16 : i32
        %mul3A_49 = arith.muli %scan3A_46, %mul3A_48 : i32
        %get3A = arith.index_cast %mul3A_49 : i32 to index
        %get3A_50 = tpu.vector_load %arg11[%get3A] {strides = array<i32>} : memref<80xi32, #tpu.memory_space<vmem>>, vector<16xi32>,
        %mul3A_51 = arith.constant 16 : i32
        %mul3A_52 = arith.muli %scan3A_46, %mul3A_51 : i32
        %get3A_53 = arith.index_cast %mul3A_52 : i32 to index
        %get3A_54 = tpu.vector_load %arg12[%get3A_53] {strides = array<i32>} : memref<80xi32, #tpu.memory_space<vmem>>, vector<16xi32>,
        %gather3A = tpu.vector_load_idx %arg9[%get3A_50] : memref<10000xf32, #tpu.memory_space<vmem>>[vector<16xi32>], vector<16xf32>,
        %gather3A_55 = tpu.vector_load_idx %arg10[%get3A_54] : memref<10000xf32, #tpu.memory_space<vmem>>[vector<16xi32>], vector<16xf32>,
        %add3A_56 = arith.addf %gather3A, %gather3A_55 : vector<16xf32>
        %ge3A = arith.constant 0.000000e+00 : f32
        %ge3A_57 = vector.broadcast %ge3A : f32 to vector<16xf32>
        %ge3A_58 = arith.cmpf oge, %add3A_56, %ge3A_57 : vector<16xf32>
        %mul3A_59 = arith.constant 2.000000e-01 : f32
        %mul3A_60 = vector.broadcast %mul3A_59 : f32 to vector<16xf32>
        %mul3A_61 = arith.mulf %mul3A_60, %add3A_56 : vector<16xf32>
        %select_n3A = arith.select %ge3A_58, %add3A_56, %mul3A_61 : vector<16xi1>, vector<16xf32>
        %exp3A = math.exp %select_n3A : vector<16xf32>
        %mul3A_62 = arith.constant 16 : i32
        %mul3A_63 = arith.muli %scan3A_46, %mul3A_62 : i32
        %swap3A = arith.index_cast %mul3A_63 : i32 to index
        %swap3A_64 = tpu.vector_load %arg15[%swap3A] {strides = array<i32>} : memref<80xf32, #tpu.memory_space<vmem>>, vector<16xf32>,
        tpu.vector_store %arg15[%swap3A], %exp3A {strides = array<i32>} : memref<80xf32, #tpu.memory_space<vmem>>, vector<16xf32>,
        %mul3A_65 = arith.constant 10000 : i32
        %mul3A_66 = arith.muli %arg0, %mul3A_65 : i32
        %add3A_67 = vector.broadcast %mul3A_66 : i32 to vector<16xi32>
        %add3A_68 = arith.addi %get3A_50, %add3A_67 : vector<16xi32>
        %mul3A_69 = arith.constant 16 : i32
        %mul3A_70 = arith.muli %scan3A_46, %mul3A_69 : i32
        %swap3A_71 = arith.index_cast %mul3A_70 : i32 to index
        %swap3A_72 = tpu.vector_load %arg13[%swap3A_71] {strides = array<i32>} : memref<80xi32, #tpu.memory_space<vmem>>, vector<16xi32>,
        tpu.vector_store %arg13[%swap3A_71], %add3A_68 {strides = array<i32>} : memref<80xi32, #tpu.memory_space<vmem>>, vector<16xi32>,
        %scan3A_73 = arith.constant 0 : i32
        scf.yield %scan3A_73 : i32
      }
      %scan3A_33 = arith.constant 5 : i32
      %dma_start3A = arith.constant 0 : i32
      %dma_start3A_34 = arith.constant 0 : i32
      %dma_start3A_35 = tpu.memref_slice %arg2[%dma_start3A, %dma_start3A_34] : memref<20000x128xf32, #tpu.memory_space<hbm>> -> memref<20000x128xf32, #tpu.memory_space<hbm>>
      tpu.enqueue_indirect_dma source(%dma_start3A_35 : memref<20000x128xf32, #tpu.memory_space<hbm>>) target(%arg14 : memref<80x128xf32, #tpu.memory_space<vmem>>) offsets(%arg13 : memref<80xi32, #tpu.memory_space<vmem>>) semaphore(%arg17 : memref<!tpu.dma_semaphore, #tpu.memory_space<semaphore_mem>>)
      %dma_wait3A = arith.constant 0 : i32
      %dma_wait3A_36 = arith.constant 0 : i32
      %dma_wait3A_37 = tpu.memref_slice %arg2[%dma_wait3A, %dma_wait3A_36] : memref<20000x128xf32, #tpu.memory_space<hbm>> -> memref<20000x128xf32, #tpu.memory_space<hbm>>
      tpu.wait_indirect_dma semaphore(%arg17 : memref<!tpu.dma_semaphore, #tpu.memory_space<semaphore_mem>>) src(%dma_wait3A_37 : memref<20000x128xf32, #tpu.memory_space<hbm>>) dst(%arg14 : memref<80x128xf32, #tpu.memory_space<vmem>>)
      %scan3A_38 = arith.constant 0 : i32
      %scan3A_39 = arith.constant 0 : i32
      %scan3A_40 = arith.constant 5 : i32
      %scan3A_41 = arith.addi %scan3A_39, %scan3A_40 : i32
      %scan3A_42 = arith.constant 1 : i32
      %scan3A_43 = scf.for %scan3A_46 = %scan3A_39 to %scan3A_41 step %scan3A_42 iter_args(%scan3A_47 = %scan3A_38) -> (i32)  : i32 {
        %mul3A_48 = arith.constant 16 : i32
        %mul3A_49 = arith.muli %scan3A_46, %mul3A_48 : i32
        %get3A = arith.index_cast %mul3A_49 : i32 to index
        %get3A_50 = tpu.vector_load %arg15[%get3A] {strides = array<i32>} : memref<80xf32, #tpu.memory_space<vmem>>, vector<16xf32>,
        %slice3A = vector.extract_strided_slice %get3A_50 {offsets = [0], sizes = [1], strides = [1]} : vector<16xf32> to vector<1xf32>
        %squeeze3A = vector.extract %slice3A[0] : f32 from vector<1xf32>
        %mul3A_51 = arith.constant 16 : i32
        %mul3A_52 = arith.muli %scan3A_46, %mul3A_51 : i32
        %add3A_53 = arith.constant 0 : i32
        %add3A_54 = arith.addi %mul3A_52, %add3A_53 : i32
        %get3A_55 = arith.index_cast %add3A_54 : i32 to index
        %get3A_56 = arith.constant 0 : index
        %get3A_57 = tpu.vector_load %arg14[%get3A_55, %get3A_56] {strides = array<i32>} : memref<80x128xf32, #tpu.memory_space<vmem>>, vector<16xf32>,
        %mul3A_58 = vector.broadcast %squeeze3A : f32 to vector<16xf32>
        %mul3A_59 = arith.mulf %get3A_57, %mul3A_58 : vector<16xf32>
        %swap3A = arith.index_cast %add3A_54 : i32 to index
        %swap3A_60 = arith.constant 0 : index
        %swap3A_61 = tpu.vector_load %arg14[%swap3A, %swap3A_60] {strides = array<i32>} : memref<80x128xf32, #tpu.memory_space<vmem>>, vector<16xf32>,
        tpu.vector_store %arg14[%swap3A, %swap3A_60], %mul3A_59 {strides = array<i32>} : memref<80x128xf32, #tpu.memory_space<vmem>>, vector<16xf32>,
        %get3A_62 = arith.index_cast %add3A_54 : i32 to index
        %get3A_63 = arith.constant 16 : index
        %get3A_64 = tpu.vector_load %arg14[%get3A_62, %get3A_63] {strides = array<i32>} : memref<80x128xf32, #tpu.memory_space<vmem>>, vector<16xf32>,
        %mul3A_65 = vector.broadcast %squeeze3A : f32 to vector<16xf32>
        %mul3A_66 = arith.mulf %get3A_64, %mul3A_65 : vector<16xf32>
        %swap3A_67 = arith.index_cast %add3A_54 : i32 to index
        %swap3A_68 = arith.constant 16 : index
        %swap3A_69 = tpu.vector_load %arg14[%swap3A_67, %swap3A_68] {strides = array<i32>} : memref<80x128xf32, #tpu.memory_space<vmem>>, vector<16xf32>,
        tpu.vector_store %arg14[%swap3A_67, %swap3A_68], %mul3A_66 {strides = array<i32>} : memref<80x128xf32, #tpu.memory_space<vmem>>, vector<16xf32>,
        %get3A_70 = arith.index_cast %add3A_54 : i32 to index
        %get3A_71 = arith.constant 32 : index
        %get3A_72 = tpu.vector_load %arg14[%get3A_70, %get3A_71] {strides = array<i32>} : memref<80x128xf32, #tpu.memory_space<vmem>>, vector<16xf32>,
        %mul3A_73 = vector.broadcast %squeeze3A : f32 to vector<16xf32>
        %mul3A_74 = arith.mulf %get3A_72, %mul3A_73 : vector<16xf32>
        %swap3A_75 = arith.index_cast %add3A_54 : i32 to index
        %swap3A_76 = arith.constant 32 : index
        %swap3A_77 = tpu.vector_load %arg14[%swap3A_75, %swap3A_76] {strides = array<i32>} : memref<80x128xf32, #tpu.memory_space<vmem>>, vector<16xf32>,
        tpu.vector_store %arg14[%swap3A_75, %swap3A_76], %mul3A_74 {strides = array<i32>} : memref<80x128xf32, #tpu.memory_space<vmem>>, vector<16xf32>,
        %get3A_78 = arith.index_cast %add3A_54 : i32 to index
        %get3A_79 = arith.constant 48 : index
        %get3A_80 = tpu.vector_load %arg14[%get3A_78, %get3A_79] {strides = array<i32>} : memref<80x128xf32, #tpu.memory_space<vmem>>, vector<16xf32>,
        %mul3A_81 = vector.broadcast %squeeze3A : f32 to vector<16xf32>
        %mul3A_82 = arith.mulf %get3A_80, %mul3A_81 : vector<16xf32>
        %swap3A_83 = arith.index_cast %add3A_54 : i32 to index
        %swap3A_84 = arith.constant 48 : index
        %swap3A_85 = tpu.vector_load %arg14[%swap3A_83, %swap3A_84] {strides = array<i32>} : memref<80x128xf32, #tpu.memory_space<vmem>>, vector<16xf32>,
        tpu.vector_store %arg14[%swap3A_83, %swap3A_84], %mul3A_82 {strides = array<i32>} : memref<80x128xf32, #tpu.memory_space<vmem>>, vector<16xf32>,
        %get3A_86 = arith.index_cast %add3A_54 : i32 to index
        %get3A_87 = arith.constant 64 : index
        %get3A_88 = tpu.vector_load %arg14[%get3A_86, %get3A_87] {strides = array<i32>} : memref<80x128xf32, #tpu.memory_space<vmem>>, vector<16xf32>,
        %mul3A_89 = vector.broadcast %squeeze3A : f32 to vector<16xf32>
        %mul3A_90 = arith.mulf %get3A_88, %mul3A_89 : vector<16xf32>
        %swap3A_91 = arith.index_cast %add3A_54 : i32 to index
        %swap3A_92 = arith.constant 64 : index
        %swap3A_93 = tpu.vector_load %arg14[%swap3A_91, %swap3A_92] {strides = array<i32>} : memref<80x128xf32, #tpu.memory_space<vmem>>, vector<16xf32>,
        tpu.vector_store %arg14[%swap3A_91, %swap3A_92], %mul3A_90 {strides = array<i32>} : memref<80x128xf32, #tpu.memory_space<vmem>>, vector<16xf32>,
        %get3A_94 = arith.index_cast %add3A_54 : i32 to index
        %get3A_95 = arith.constant 80 : index
        %get3A_96 = tpu.vector_load %arg14[%get3A_94, %get3A_95] {strides = array<i32>} : memref<80x128xf32, #tpu.memory_space<vmem>>, vector<16xf32>,
        %mul3A_97 = vector.broadcast %squeeze3A : f32 to vector<16xf32>
        %mul3A_98 = arith.mulf %get3A_96, %mul3A_97 : vector<16xf32>
        %swap3A_99 = arith.index_cast %add3A_54 : i32 to index
        %swap3A_100 = arith.constant 80 : index
        %swap3A_101 = tpu.vector_load %arg14[%swap3A_99, %swap3A_100] {strides = array<i32>} : memref<80x128xf32, #tpu.memory_space<vmem>>, vector<16xf32>,
        tpu.vector_store %arg14[%swap3A_99, %swap3A_100], %mul3A_98 {strides = array<i32>} : memref<80x128xf32, #tpu.memory_space<vmem>>, vector<16xf32>,
        %get3A_102 = arith.index_cast %add3A_54 : i32 to index
        %get3A_103 = arith.constant 96 : index
        %get3A_104 = tpu.vector_load %arg14[%get3A_102, %get3A_103] {strides = array<i32>} : memref<80x128xf32, #tpu.memory_space<vmem>>, vector<16xf32>,
        %mul3A_105 = vector.broadcast %squeeze3A : f32 to vector<16xf32>
        %mul3A_106 = arith.mulf %get3A_104, %mul3A_105 : vector<16xf32>
        %swap3A_107 = arith.index_cast %add3A_54 : i32 to index
        %swap3A_108 = arith.constant 96 : index
        %swap3A_109 = tpu.vector_load %arg14[%swap3A_107, %swap3A_108] {strides = array<i32>} : memref<80x128xf32, #tpu.memory_space<vmem>>, vector<16xf32>,
        tpu.vector_store %arg14[%swap3A_107, %swap3A_108], %mul3A_106 {strides = array<i32>} : memref<80x128xf32, #tpu.memory_space<vmem>>, vector<16xf32>,
        %get3A_110 = arith.index_cast %add3A_54 : i32 to index
        %get3A_111 = arith.constant 112 : index
        %get3A_112 = tpu.vector_load %arg14[%get3A_110, %get3A_111] {strides = array<i32>} : memref<80x128xf32, #tpu.memory_space<vmem>>, vector<16xf32>,
        %mul3A_113 = vector.broadcast %squeeze3A : f32 to vector<16xf32>
        %mul3A_114 = arith.mulf %get3A_112, %mul3A_113 : vector<16xf32>
        %swap3A_115 = arith.index_cast %add3A_54 : i32 to index
        %swap3A_116 = arith.constant 112 : index
        %swap3A_117 = tpu.vector_load %arg14[%swap3A_115, %swap3A_116] {strides = array<i32>} : memref<80x128xf32, #tpu.memory_space<vmem>>, vector<16xf32>,
        tpu.vector_store %arg14[%swap3A_115, %swap3A_116], %mul3A_114 {strides = array<i32>} : memref<80x128xf32, #tpu.memory_space<vmem>>, vector<16xf32>,
        %slice3A_118 = vector.extract_strided_slice %get3A_50 {offsets = [1], sizes = [1], strides = [1]} : vector<16xf32> to vector<1xf32>
        %squeeze3A_119 = vector.extract %slice3A_118[0] : f32 from vector<1xf32>
        %mul3A_120 = arith.constant 16 : i32
        %mul3A_121 = arith.muli %scan3A_46, %mul3A_120 : i32
        %add3A_122 = arith.constant 1 : i32
        %add3A_123 = arith.addi %mul3A_121, %add3A_122 : i32
        %get3A_124 = arith.index_cast %add3A_123 : i32 to index
        %get3A_125 = arith.constant 0 : index
        %get3A_126 = tpu.vector_load %arg14[%get3A_124, %get3A_125] {strides = array<i32>} : memref<80x128xf32, #tpu.memory_space<vmem>>, vector<16xf32>,
        %mul3A_127 = vector.broadcast %squeeze3A_119 : f32 to vector<16xf32>
        %mul3A_128 = arith.mulf %get3A_126, %mul3A_127 : vector<16xf32>
        %swap3A_129 = arith.index_cast %add3A_123 : i32 to index
        %swap3A_130 = arith.constant 0 : index
        %swap3A_131 = tpu.vector_load %arg14[%swap3A_129, %swap3A_130] {strides = array<i32>} : memref<80x128xf32, #tpu.memory_space<vmem>>, vector<16xf32>,
        tpu.vector_store %arg14[%swap3A_129, %swap3A_130], %mul3A_128 {strides = array<i32>} : memref<80x128xf32, #tpu.memory_space<vmem>>, vector<16xf32>,
        %get3A_132 = arith.index_cast %add3A_123 : i32 to index
        %get3A_133 = arith.constant 16 : index
        %get3A_134 = tpu.vector_load %arg14[%get3A_132, %get3A_133] {strides = array<i32>} : memref<80x128xf32, #tpu.memory_space<vmem>>, vector<16xf32>,
        %mul3A_135 = vector.broadcast %squeeze3A_119 : f32 to vector<16xf32>
        %mul3A_136 = arith.mulf %get3A_134, %mul3A_135 : vector<16xf32>
        %swap3A_137 = arith.index_cast %add3A_123 : i32 to index
        %swap3A_138 = arith.constant 16 : index
        %swap3A_139 = tpu.vector_load %arg14[%swap3A_137, %swap3A_138] {strides = array<i32>} : memref<80x128xf32, #tpu.memory_space<vmem>>, vector<16xf32>,
        tpu.vector_store %arg14[%swap3A_137, %swap3A_138], %mul3A_136 {strides = array<i32>} : memref<80x128xf32, #tpu.memory_space<vmem>>, vector<16xf32>,
        %get3A_140 = arith.index_cast %add3A_123 : i32 to index
        %get3A_141 = arith.constant 32 : index
        %get3A_142 = tpu.vector_load %arg14[%get3A_140, %get3A_141] {strides = array<i32>} : memref<80x128xf32, #tpu.memory_space<vmem>>, vector<16xf32>,
        %mul3A_143 = vector.broadcast %squeeze3A_119 : f32 to vector<16xf32>
        %mul3A_144 = arith.mulf %get3A_142, %mul3A_143 : vector<16xf32>
        %swap3A_145 = arith.index_cast %add3A_123 : i32 to index
        %swap3A_146 = arith.constant 32 : index
        %swap3A_147 = tpu.vector_load %arg14[%swap3A_145, %swap3A_146] {strides = array<i32>} : memref<80x128xf32, #tpu.memory_space<vmem>>, vector<16xf32>,
        tpu.vector_store %arg14[%swap3A_145, %swap3A_146], %mul3A_144 {strides = array<i32>} : memref<80x128xf32, #tpu.memory_space<vmem>>, vector<16xf32>,
        %get3A_148 = arith.index_cast %add3A_123 : i32 to index
        %get3A_149 = arith.constant 48 : index
        %get3A_150 = tpu.vector_load %arg14[%get3A_148, %get3A_149] {strides = array<i32>} : memref<80x128xf32, #tpu.memory_space<vmem>>, vector<16xf32>,
        %mul3A_151 = vector.broadcast %squeeze3A_119 : f32 to vector<16xf32>
        %mul3A_152 = arith.mulf %get3A_150, %mul3A_151 : vector<16xf32>
        %swap3A_153 = arith.index_cast %add3A_123 : i32 to index
        %swap3A_154 = arith.constant 48 : index
        %swap3A_155 = tpu.vector_load %arg14[%swap3A_153, %swap3A_154] {strides = array<i32>} : memref<80x128xf32, #tpu.memory_space<vmem>>, vector<16xf32>,
        tpu.vector_store %arg14[%swap3A_153, %swap3A_154], %mul3A_152 {strides = array<i32>} : memref<80x128xf32, #tpu.memory_space<vmem>>, vector<16xf32>,
        %get3A_156 = arith.index_cast %add3A_123 : i32 to index
        %get3A_157 = arith.constant 64 : index
        %get3A_158 = tpu.vector_load %arg14[%get3A_156, %get3A_157] {strides = array<i32>} : memref<80x128xf32, #tpu.memory_space<vmem>>, vector<16xf32>,
        %mul3A_159 = vector.broadcast %squeeze3A_119 : f32 to vector<16xf32>
        %mul3A_160 = arith.mulf %get3A_158, %mul3A_159 : vector<16xf32>
        %swap3A_161 = arith.index_cast %add3A_123 : i32 to index
        %swap3A_162 = arith.constant 64 : index
        %swap3A_163 = tpu.vector_load %arg14[%swap3A_161, %swap3A_162] {strides = array<i32>} : memref<80x128xf32, #tpu.memory_space<vmem>>, vector<16xf32>,
        tpu.vector_store %arg14[%swap3A_161, %swap3A_162], %mul3A_160 {strides = array<i32>} : memref<80x128xf32, #tpu.memory_space<vmem>>, vector<16xf32>,
        %get3A_164 = arith.index_cast %add3A_123 : i32 to index
        %get3A_165 = arith.constant 80 : index
        %get3A_166 = tpu.vector_load %arg14[%get3A_164, %get3A_165] {strides = array<i32>} : memref<80x128xf32, #tpu.memory_space<vmem>>, vector<16xf32>,
        %mul3A_167 = vector.broadcast %squeeze3A_119 : f32 to vector<16xf32>
        %mul3A_168 = arith.mulf %get3A_166, %mul3A_167 : vector<16xf32>
        %swap3A_169 = arith.index_cast %add3A_123 : i32 to index
        %swap3A_170 = arith.constant 80 : index
        %swap3A_171 = tpu.vector_load %arg14[%swap3A_169, %swap3A_170] {strides = array<i32>} : memref<80x128xf32, #tpu.memory_space<vmem>>, vector<16xf32>,
        tpu.vector_store %arg14[%swap3A_169, %swap3A_170], %mul3A_168 {strides = array<i32>} : memref<80x128xf32, #tpu.memory_space<vmem>>, vector<16xf32>,
        %get3A_172 = arith.index_cast %add3A_123 : i32 to index
        %get3A_173 = arith.constant 96 : index
        %get3A_174 = tpu.vector_load %arg14[%get3A_172, %get3A_173] {strides = array<i32>} : memref<80x128xf32, #tpu.memory_space<vmem>>, vector<16xf32>,
        %mul3A_175 = vector.broadcast %squeeze3A_119 : f32 to vector<16xf32>
        %mul3A_176 = arith.mulf %get3A_174, %mul3A_175 : vector<16xf32>
        %swap3A_177 = arith.index_cast %add3A_123 : i32 to index
        %swap3A_178 = arith.constant 96 : index
        %swap3A_179 = tpu.vector_load %arg14[%swap3A_177, %swap3A_178] {strides = array<i32>} : memref<80x128xf32, #tpu.memory_space<vmem>>, vector<16xf32>,
        tpu.vector_store %arg14[%swap3A_177, %swap3A_178], %mul3A_176 {strides = array<i32>} : memref<80x128xf32, #tpu.memory_space<vmem>>, vector<16xf32>,
        %get3A_180 = arith.index_cast %add3A_123 : i32 to index
        %get3A_181 = arith.constant 112 : index
        %get3A_182 = tpu.vector_load %arg14[%get3A_180, %get3A_181] {strides = array<i32>} : memref<80x128xf32, #tpu.memory_space<vmem>>, vector<16xf32>,
        %mul3A_183 = vector.broadcast %squeeze3A_119 : f32 to vector<16xf32>
        %mul3A_184 = arith.mulf %get3A_182, %mul3A_183 : vector<16xf32>
        %swap3A_185 = arith.index_cast %add3A_123 : i32 to index
        %swap3A_186 = arith.constant 112 : index
        %swap3A_187 = tpu.vector_load %arg14[%swap3A_185, %swap3A_186] {strides = array<i32>} : memref<80x128xf32, #tpu.memory_space<vmem>>, vector<16xf32>,
        tpu.vector_store %arg14[%swap3A_185, %swap3A_186], %mul3A_184 {strides = array<i32>} : memref<80x128xf32, #tpu.memory_space<vmem>>, vector<16xf32>,
        %slice3A_188 = vector.extract_strided_slice %get3A_50 {offsets = [2], sizes = [1], strides = [1]} : vector<16xf32> to vector<1xf32>
        %squeeze3A_189 = vector.extract %slice3A_188[0] : f32 from vector<1xf32>
        %mul3A_190 = arith.constant 16 : i32
        %mul3A_191 = arith.muli %scan3A_46, %mul3A_190 : i32
        %add3A_192 = arith.constant 2 : i32
        %add3A_193 = arith.addi %mul3A_191, %add3A_192 : i32
        %get3A_194 = arith.index_cast %add3A_193 : i32 to index
        %get3A_195 = arith.constant 0 : index
        %get3A_196 = tpu.vector_load %arg14[%get3A_194, %get3A_195] {strides = array<i32>} : memref<80x128xf32, #tpu.memory_space<vmem>>, vector<16xf32>,
        %mul3A_197 = vector.broadcast %squeeze3A_189 : f32 to vector<16xf32>
        %mul3A_198 = arith.mulf %get3A_196, %mul3A_197 : vector<16xf32>
        %swap3A_199 = arith.index_cast %add3A_193 : i32 to index
        %swap3A_200 = arith.constant 0 : index
        %swap3A_201 = tpu.vector_load %arg14[%swap3A_199, %swap3A_200] {strides = array<i32>} : memref<80x128xf32, #tpu.memory_space<vmem>>, vector<16xf32>,
        tpu.vector_store %arg14[%swap3A_199, %swap3A_200], %mul3A_198 {strides = array<i32>} : memref<80x128xf32, #tpu.memory_space<vmem>>, vector<16xf32>,
        %get3A_202 = arith.index_cast %add3A_193 : i32 to index
        %get3A_203 = arith.constant 16 : index
        %get3A_204 = tpu.vector_load %arg14[%get3A_202, %get3A_203] {strides = array<i32>} : memref<80x128xf32, #tpu.memory_space<vmem>>, vector<16xf32>,
        %mul3A_205 = vector.broadcast %squeeze3A_189 : f32 to vector<16xf32>
        %mul3A_206 = arith.mulf %get3A_204, %mul3A_205 : vector<16xf32>
        %swap3A_207 = arith.index_cast %add3A_193 : i32 to index
        %swap3A_208 = arith.constant 16 : index
        %swap3A_209 = tpu.vector_load %arg14[%swap3A_207, %swap3A_208] {strides = array<i32>} : memref<80x128xf32, #tpu.memory_space<vmem>>, vector<16xf32>,
        tpu.vector_store %arg14[%swap3A_207, %swap3A_208], %mul3A_206 {strides = array<i32>} : memref<80x128xf32, #tpu.memory_space<vmem>>, vector<16xf32>,
        %get3A_210 = arith.index_cast %add3A_193 : i32 to index
        %get3A_211 = arith.constant 32 : index
        %get3A_212 = tpu.vector_load %arg14[%get3A_210, %get3A_211] {strides = array<i32>} : memref<80x128xf32, #tpu.memory_space<vmem>>, vector<16xf32>,
        %mul3A_213 = vector.broadcast %squeeze3A_189 : f32 to vector<16xf32>
        %mul3A_214 = arith.mulf %get3A_212, %mul3A_213 : vector<16xf32>
        %swap3A_215 = arith.index_cast %add3A_193 : i32 to index
        %swap3A_216 = arith.constant 32 : index
        %swap3A_217 = tpu.vector_load %arg14[%swap3A_215, %swap3A_216] {strides = array<i32>} : memref<80x128xf32, #tpu.memory_space<vmem>>, vector<16xf32>,
        tpu.vector_store %arg14[%swap3A_215, %swap3A_216], %mul3A_214 {strides = array<i32>} : memref<80x128xf32, #tpu.memory_space<vmem>>, vector<16xf32>,
        %get3A_218 = arith.index_cast %add3A_193 : i32 to index
        %get3A_219 = arith.constant 48 : index
        %get3A_220 = tpu.vector_load %arg14[%get3A_218, %get3A_219] {strides = array<i32>} : memref<80x128xf32, #tpu.memory_space<vmem>>, vector<16xf32>,
        %mul3A_221 = vector.broadcast %squeeze3A_189 : f32 to vector<16xf32>
        %mul3A_222 = arith.mulf %get3A_220, %mul3A_221 : vector<16xf32>
        %swap3A_223 = arith.index_cast %add3A_193 : i32 to index
        %swap3A_224 = arith.constant 48 : index
        %swap3A_225 = tpu.vector_load %arg14[%swap3A_223, %swap3A_224] {strides = array<i32>} : memref<80x128xf32, #tpu.memory_space<vmem>>, vector<16xf32>,
        tpu.vector_store %arg14[%swap3A_223, %swap3A_224], %mul3A_222 {strides = array<i32>} : memref<80x128xf32, #tpu.memory_space<vmem>>, vector<16xf32>,
        %get3A_226 = arith.index_cast %add3A_193 : i32 to index
        %get3A_227 = arith.constant 64 : index
        %get3A_228 = tpu.vector_load %arg14[%get3A_226, %get3A_227] {strides = array<i32>} : memref<80x128xf32, #tpu.memory_space<vmem>>, vector<16xf32>,
        %mul3A_229 = vector.broadcast %squeeze3A_189 : f32 to vector<16xf32>
        %mul3A_230 = arith.mulf %get3A_228, %mul3A_229 : vector<16xf32>
        %swap3A_231 = arith.index_cast %add3A_193 : i32 to index
        %swap3A_232 = arith.constant 64 : index
        %swap3A_233 = tpu.vector_load %arg14[%swap3A_231, %swap3A_232] {strides = array<i32>} : memref<80x128xf32, #tpu.memory_space<vmem>>, vector<16xf32>,
        tpu.vector_store %arg14[%swap3A_231, %swap3A_232], %mul3A_230 {strides = array<i32>} : memref<80x128xf32, #tpu.memory_space<vmem>>, vector<16xf32>,
        %get3A_234 = arith.index_cast %add3A_193 : i32 to index
        %get3A_235 = arith.constant 80 : index
        %get3A_236 = tpu.vector_load %arg14[%get3A_234, %get3A_235] {strides = array<i32>} : memref<80x128xf32, #tpu.memory_space<vmem>>, vector<16xf32>,
        %mul3A_237 = vector.broadcast %squeeze3A_189 : f32 to vector<16xf32>
        %mul3A_238 = arith.mulf %get3A_236, %mul3A_237 : vector<16xf32>
        %swap3A_239 = arith.index_cast %add3A_193 : i32 to index
        %swap3A_240 = arith.constant 80 : index
        %swap3A_241 = tpu.vector_load %arg14[%swap3A_239, %swap3A_240] {strides = array<i32>} : memref<80x128xf32, #tpu.memory_space<vmem>>, vector<16xf32>,
        tpu.vector_store %arg14[%swap3A_239, %swap3A_240], %mul3A_238 {strides = array<i32>} : memref<80x128xf32, #tpu.memory_space<vmem>>, vector<16xf32>,
        %get3A_242 = arith.index_cast %add3A_193 : i32 to index
        %get3A_243 = arith.constant 96 : index
        %get3A_244 = tpu.vector_load %arg14[%get3A_242, %get3A_243] {strides = array<i32>} : memref<80x128xf32, #tpu.memory_space<vmem>>, vector<16xf32>,
        %mul3A_245 = vector.broadcast %squeeze3A_189 : f32 to vector<16xf32>
        %mul3A_246 = arith.mulf %get3A_244, %mul3A_245 : vector<16xf32>
        %swap3A_247 = arith.index_cast %add3A_193 : i32 to index
        %swap3A_248 = arith.constant 96 : index
        %swap3A_249 = tpu.vector_load %arg14[%swap3A_247, %swap3A_248] {strides = array<i32>} : memref<80x128xf32, #tpu.memory_space<vmem>>, vector<16xf32>,
        tpu.vector_store %arg14[%swap3A_247, %swap3A_248], %mul3A_246 {strides = array<i32>} : memref<80x128xf32, #tpu.memory_space<vmem>>, vector<16xf32>,
        %get3A_250 = arith.index_cast %add3A_193 : i32 to index
        %get3A_251 = arith.constant 112 : index
        %get3A_252 = tpu.vector_load %arg14[%get3A_250, %get3A_251] {strides = array<i32>} : memref<80x128xf32, #tpu.memory_space<vmem>>, vector<16xf32>,
        %mul3A_253 = vector.broadcast %squeeze3A_189 : f32 to vector<16xf32>
        %mul3A_254 = arith.mulf %get3A_252, %mul3A_253 : vector<16xf32>
        %swap3A_255 = arith.index_cast %add3A_193 : i32 to index
        %swap3A_256 = arith.constant 112 : index
        %swap3A_257 = tpu.vector_load %arg14[%swap3A_255, %swap3A_256] {strides = array<i32>} : memref<80x128xf32, #tpu.memory_space<vmem>>, vector<16xf32>,
        tpu.vector_store %arg14[%swap3A_255, %swap3A_256], %mul3A_254 {strides = array<i32>} : memref<80x128xf32, #tpu.memory_space<vmem>>, vector<16xf32>,
        %slice3A_258 = vector.extract_strided_slice %get3A_50 {offsets = [3], sizes = [1], strides = [1]} : vector<16xf32> to vector<1xf32>
        %squeeze3A_259 = vector.extract %slice3A_258[0] : f32 from vector<1xf32>
        %mul3A_260 = arith.constant 16 : i32
        %mul3A_261 = arith.muli %scan3A_46, %mul3A_260 : i32
        %add3A_262 = arith.constant 3 : i32
        %add3A_263 = arith.addi %mul3A_261, %add3A_262 : i32
        %get3A_264 = arith.index_cast %add3A_263 : i32 to index
        %get3A_265 = arith.constant 0 : index
        %get3A_266 = tpu.vector_load %arg14[%get3A_264, %get3A_265] {strides = array<i32>} : memref<80x128xf32, #tpu.memory_space<vmem>>, vector<16xf32>,
        %mul3A_267 = vector.broadcast %squeeze3A_259 : f32 to vector<16xf32>
        %mul3A_268 = arith.mulf %get3A_266, %mul3A_267 : vector<16xf32>
        %swap3A_269 = arith.index_cast %add3A_263 : i32 to index
        %swap3A_270 = arith.constant 0 : index
        %swap3A_271 = tpu.vector_load %arg14[%swap3A_269, %swap3A_270] {strides = array<i32>} : memref<80x128xf32, #tpu.memory_space<vmem>>, vector<16xf32>,
        tpu.vector_store %arg14[%swap3A_269, %swap3A_270], %mul3A_268 {strides = array<i32>} : memref<80x128xf32, #tpu.memory_space<vmem>>, vector<16xf32>,
        %get3A_272 = arith.index_cast %add3A_263 : i32 to index
        %get3A_273 = arith.constant 16 : index
        %get3A_274 = tpu.vector_load %arg14[%get3A_272, %get3A_273] {strides = array<i32>} : memref<80x128xf32, #tpu.memory_space<vmem>>, vector<16xf32>,
        %mul3A_275 = vector.broadcast %squeeze3A_259 : f32 to vector<16xf32>
        %mul3A_276 = arith.mulf %get3A_274, %mul3A_275 : vector<16xf32>
        %swap3A_277 = arith.index_cast %add3A_263 : i32 to index
        %swap3A_278 = arith.constant 16 : index
        %swap3A_279 = tpu.vector_load %arg14[%swap3A_277, %swap3A_278] {strides = array<i32>} : memref<80x128xf32, #tpu.memory_space<vmem>>, vector<16xf32>,
        tpu.vector_store %arg14[%swap3A_277, %swap3A_278], %mul3A_276 {strides = array<i32>} : memref<80x128xf32, #tpu.memory_space<vmem>>, vector<16xf32>,
        %get3A_280 = arith.index_cast %add3A_263 : i32 to index
        %get3A_281 = arith.constant 32 : index
        %get3A_282 = tpu.vector_load %arg14[%get3A_280, %get3A_281] {strides = array<i32>} : memref<80x128xf32, #tpu.memory_space<vmem>>, vector<16xf32>,
        %mul3A_283 = vector.broadcast %squeeze3A_259 : f32 to vector<16xf32>
        %mul3A_284 = arith.mulf %get3A_282, %mul3A_283 : vector<16xf32>
        %swap3A_285 = arith.index_cast %add3A_263 : i32 to index
        %swap3A_286 = arith.constant 32 : index
        %swap3A_287 = tpu.vector_load %arg14[%swap3A_285, %swap3A_286] {strides = array<i32>} : memref<80x128xf32, #tpu.memory_space<vmem>>, vector<16xf32>,
        tpu.vector_store %arg14[%swap3A_285, %swap3A_286], %mul3A_284 {strides = array<i32>} : memref<80x128xf32, #tpu.memory_space<vmem>>, vector<16xf32>,
        %get3A_288 = arith.index_cast %add3A_263 : i32 to index
        %get3A_289 = arith.constant 48 : index
        %get3A_290 = tpu.vector_load %arg14[%get3A_288, %get3A_289] {strides = array<i32>} : memref<80x128xf32, #tpu.memory_space<vmem>>, vector<16xf32>,
        %mul3A_291 = vector.broadcast %squeeze3A_259 : f32 to vector<16xf32>
        %mul3A_292 = arith.mulf %get3A_290, %mul3A_291 : vector<16xf32>
        %swap3A_293 = arith.index_cast %add3A_263 : i32 to index
        %swap3A_294 = arith.constant 48 : index
        %swap3A_295 = tpu.vector_load %arg14[%swap3A_293, %swap3A_294] {strides = array<i32>} : memref<80x128xf32, #tpu.memory_space<vmem>>, vector<16xf32>,
        tpu.vector_store %arg14[%swap3A_293, %swap3A_294], %mul3A_292 {strides = array<i32>} : memref<80x128xf32, #tpu.memory_space<vmem>>, vector<16xf32>,
        %get3A_296 = arith.index_cast %add3A_263 : i32 to index
        %get3A_297 = arith.constant 64 : index
        %get3A_298 = tpu.vector_load %arg14[%get3A_296, %get3A_297] {strides = array<i32>} : memref<80x128xf32, #tpu.memory_space<vmem>>, vector<16xf32>,
        %mul3A_299 = vector.broadcast %squeeze3A_259 : f32 to vector<16xf32>
        %mul3A_300 = arith.mulf %get3A_298, %mul3A_299 : vector<16xf32>
        %swap3A_301 = arith.index_cast %add3A_263 : i32 to index
        %swap3A_302 = arith.constant 64 : index
        %swap3A_303 = tpu.vector_load %arg14[%swap3A_301, %swap3A_302] {strides = array<i32>} : memref<80x128xf32, #tpu.memory_space<vmem>>, vector<16xf32>,
        tpu.vector_store %arg14[%swap3A_301, %swap3A_302], %mul3A_300 {strides = array<i32>} : memref<80x128xf32, #tpu.memory_space<vmem>>, vector<16xf32>,
        %get3A_304 = arith.index_cast %add3A_263 : i32 to index
        %get3A_305 = arith.constant 80 : index
        %get3A_306 = tpu.vector_load %arg14[%get3A_304, %get3A_305] {strides = array<i32>} : memref<80x128xf32, #tpu.memory_space<vmem>>, vector<16xf32>,
        %mul3A_307 = vector.broadcast %squeeze3A_259 : f32 to vector<16xf32>
        %mul3A_308 = arith.mulf %get3A_306, %mul3A_307 : vector<16xf32>
        %swap3A_309 = arith.index_cast %add3A_263 : i32 to index
        %swap3A_310 = arith.constant 80 : index
        %swap3A_311 = tpu.vector_load %arg14[%swap3A_309, %swap3A_310] {strides = array<i32>} : memref<80x128xf32, #tpu.memory_space<vmem>>, vector<16xf32>,
        tpu.vector_store %arg14[%swap3A_309, %swap3A_310], %mul3A_308 {strides = array<i32>} : memref<80x128xf32, #tpu.memory_space<vmem>>, vector<16xf32>,
        %get3A_312 = arith.index_cast %add3A_263 : i32 to index
        %get3A_313 = arith.constant 96 : index
        %get3A_314 = tpu.vector_load %arg14[%get3A_312, %get3A_313] {strides = array<i32>} : memref<80x128xf32, #tpu.memory_space<vmem>>, vector<16xf32>,
        %mul3A_315 = vector.broadcast %squeeze3A_259 : f32 to vector<16xf32>
        %mul3A_316 = arith.mulf %get3A_314, %mul3A_315 : vector<16xf32>
        %swap3A_317 = arith.index_cast %add3A_263 : i32 to index
        %swap3A_318 = arith.constant 96 : index
        %swap3A_319 = tpu.vector_load %arg14[%swap3A_317, %swap3A_318] {strides = array<i32>} : memref<80x128xf32, #tpu.memory_space<vmem>>, vector<16xf32>,
        tpu.vector_store %arg14[%swap3A_317, %swap3A_318], %mul3A_316 {strides = array<i32>} : memref<80x128xf32, #tpu.memory_space<vmem>>, vector<16xf32>,
        %get3A_320 = arith.index_cast %add3A_263 : i32 to index
        %get3A_321 = arith.constant 112 : index
        %get3A_322 = tpu.vector_load %arg14[%get3A_320, %get3A_321] {strides = array<i32>} : memref<80x128xf32, #tpu.memory_space<vmem>>, vector<16xf32>,
        %mul3A_323 = vector.broadcast %squeeze3A_259 : f32 to vector<16xf32>
        %mul3A_324 = arith.mulf %get3A_322, %mul3A_323 : vector<16xf32>
        %swap3A_325 = arith.index_cast %add3A_263 : i32 to index
        %swap3A_326 = arith.constant 112 : index
        %swap3A_327 = tpu.vector_load %arg14[%swap3A_325, %swap3A_326] {strides = array<i32>} : memref<80x128xf32, #tpu.memory_space<vmem>>, vector<16xf32>,
        tpu.vector_store %arg14[%swap3A_325, %swap3A_326], %mul3A_324 {strides = array<i32>} : memref<80x128xf32, #tpu.memory_space<vmem>>, vector<16xf32>,
        %slice3A_328 = vector.extract_strided_slice %get3A_50 {offsets = [4], sizes = [1], strides = [1]} : vector<16xf32> to vector<1xf32>
        %squeeze3A_329 = vector.extract %slice3A_328[0] : f32 from vector<1xf32>
        %mul3A_330 = arith.constant 16 : i32
        %mul3A_331 = arith.muli %scan3A_46, %mul3A_330 : i32
        %add3A_332 = arith.constant 4 : i32
        %add3A_333 = arith.addi %mul3A_331, %add3A_332 : i32
        %get3A_334 = arith.index_cast %add3A_333 : i32 to index
        %get3A_335 = arith.constant 0 : index
        %get3A_336 = tpu.vector_load %arg14[%get3A_334, %get3A_335] {strides = array<i32>} : memref<80x128xf32, #tpu.memory_space<vmem>>, vector<16xf32>,
        %mul3A_337 = vector.broadcast %squeeze3A_329 : f32 to vector<16xf32>
        %mul3A_338 = arith.mulf %get3A_336, %mul3A_337 : vector<16xf32>
        %swap3A_339 = arith.index_cast %add3A_333 : i32 to index
        %swap3A_340 = arith.constant 0 : index
        %swap3A_341 = tpu.vector_load %arg14[%swap3A_339, %swap3A_340] {strides = array<i32>} : memref<80x128xf32, #tpu.memory_space<vmem>>, vector<16xf32>,
        tpu.vector_store %arg14[%swap3A_339, %swap3A_340], %mul3A_338 {strides = array<i32>} : memref<80x128xf32, #tpu.memory_space<vmem>>, vector<16xf32>,
        %get3A_342 = arith.index_cast %add3A_333 : i32 to index
        %get3A_343 = arith.constant 16 : index
        %get3A_344 = tpu.vector_load %arg14[%get3A_342, %get3A_343] {strides = array<i32>} : memref<80x128xf32, #tpu.memory_space<vmem>>, vector<16xf32>,
        %mul3A_345 = vector.broadcast %squeeze3A_329 : f32 to vector<16xf32>
        %mul3A_346 = arith.mulf %get3A_344, %mul3A_345 : vector<16xf32>
        %swap3A_347 = arith.index_cast %add3A_333 : i32 to index
        %swap3A_348 = arith.constant 16 : index
        %swap3A_349 = tpu.vector_load %arg14[%swap3A_347, %swap3A_348] {strides = array<i32>} : memref<80x128xf32, #tpu.memory_space<vmem>>, vector<16xf32>,
        tpu.vector_store %arg14[%swap3A_347, %swap3A_348], %mul3A_346 {strides = array<i32>} : memref<80x128xf32, #tpu.memory_space<vmem>>, vector<16xf32>,
        %get3A_350 = arith.index_cast %add3A_333 : i32 to index
        %get3A_351 = arith.constant 32 : index
        %get3A_352 = tpu.vector_load %arg14[%get3A_350, %get3A_351] {strides = array<i32>} : memref<80x128xf32, #tpu.memory_space<vmem>>, vector<16xf32>,
        %mul3A_353 = vector.broadcast %squeeze3A_329 : f32 to vector<16xf32>
        %mul3A_354 = arith.mulf %get3A_352, %mul3A_353 : vector<16xf32>
        %swap3A_355 = arith.index_cast %add3A_333 : i32 to index
        %swap3A_356 = arith.constant 32 : index
        %swap3A_357 = tpu.vector_load %arg14[%swap3A_355, %swap3A_356] {strides = array<i32>} : memref<80x128xf32, #tpu.memory_space<vmem>>, vector<16xf32>,
        tpu.vector_store %arg14[%swap3A_355, %swap3A_356], %mul3A_354 {strides = array<i32>} : memref<80x128xf32, #tpu.memory_space<vmem>>, vector<16xf32>,
        %get3A_358 = arith.index_cast %add3A_333 : i32 to index
        %get3A_359 = arith.constant 48 : index
        %get3A_360 = tpu.vector_load %arg14[%get3A_358, %get3A_359] {strides = array<i32>} : memref<80x128xf32, #tpu.memory_space<vmem>>, vector<16xf32>,
        %mul3A_361 = vector.broadcast %squeeze3A_329 : f32 to vector<16xf32>
        %mul3A_362 = arith.mulf %get3A_360, %mul3A_361 : vector<16xf32>
        %swap3A_363 = arith.index_cast %add3A_333 : i32 to index
        %swap3A_364 = arith.constant 48 : index
        %swap3A_365 = tpu.vector_load %arg14[%swap3A_363, %swap3A_364] {strides = array<i32>} : memref<80x128xf32, #tpu.memory_space<vmem>>, vector<16xf32>,
        tpu.vector_store %arg14[%swap3A_363, %swap3A_364], %mul3A_362 {strides = array<i32>} : memref<80x128xf32, #tpu.memory_space<vmem>>, vector<16xf32>,
        %get3A_366 = arith.index_cast %add3A_333 : i32 to index
        %get3A_367 = arith.constant 64 : index
        %get3A_368 = tpu.vector_load %arg14[%get3A_366, %get3A_367] {strides = array<i32>} : memref<80x128xf32, #tpu.memory_space<vmem>>, vector<16xf32>,
        %mul3A_369 = vector.broadcast %squeeze3A_329 : f32 to vector<16xf32>
        %mul3A_370 = arith.mulf %get3A_368, %mul3A_369 : vector<16xf32>
        %swap3A_371 = arith.index_cast %add3A_333 : i32 to index
        %swap3A_372 = arith.constant 64 : index
        %swap3A_373 = tpu.vector_load %arg14[%swap3A_371, %swap3A_372] {strides = array<i32>} : memref<80x128xf32, #tpu.memory_space<vmem>>, vector<16xf32>,
        tpu.vector_store %arg14[%swap3A_371, %swap3A_372], %mul3A_370 {strides = array<i32>} : memref<80x128xf32, #tpu.memory_space<vmem>>, vector<16xf32>,
        %get3A_374 = arith.index_cast %add3A_333 : i32 to index
        %get3A_375 = arith.constant 80 : index
        %get3A_376 = tpu.vector_load %arg14[%get3A_374, %get3A_375] {strides = array<i32>} : memref<80x128xf32, #tpu.memory_space<vmem>>, vector<16xf32>,
        %mul3A_377 = vector.broadcast %squeeze3A_329 : f32 to vector<16xf32>
        %mul3A_378 = arith.mulf %get3A_376, %mul3A_377 : vector<16xf32>
        %swap3A_379 = arith.index_cast %add3A_333 : i32 to index
        %swap3A_380 = arith.constant 80 : index
        %swap3A_381 = tpu.vector_load %arg14[%swap3A_379, %swap3A_380] {strides = array<i32>} : memref<80x128xf32, #tpu.memory_space<vmem>>, vector<16xf32>,
        tpu.vector_store %arg14[%swap3A_379, %swap3A_380], %mul3A_378 {strides = array<i32>} : memref<80x128xf32, #tpu.memory_space<vmem>>, vector<16xf32>,
        %get3A_382 = arith.index_cast %add3A_333 : i32 to index
        %get3A_383 = arith.constant 96 : index
        %get3A_384 = tpu.vector_load %arg14[%get3A_382, %get3A_383] {strides = array<i32>} : memref<80x128xf32, #tpu.memory_space<vmem>>, vector<16xf32>,
        %mul3A_385 = vector.broadcast %squeeze3A_329 : f32 to vector<16xf32>
        %mul3A_386 = arith.mulf %get3A_384, %mul3A_385 : vector<16xf32>
        %swap3A_387 = arith.index_cast %add3A_333 : i32 to index
        %swap3A_388 = arith.constant 96 : index
        %swap3A_389 = tpu.vector_load %arg14[%swap3A_387, %swap3A_388] {strides = array<i32>} : memref<80x128xf32, #tpu.memory_space<vmem>>, vector<16xf32>,
        tpu.vector_store %arg14[%swap3A_387, %swap3A_388], %mul3A_386 {strides = array<i32>} : memref<80x128xf32, #tpu.memory_space<vmem>>, vector<16xf32>,
        %get3A_390 = arith.index_cast %add3A_333 : i32 to index
        %get3A_391 = arith.constant 112 : index
        %get3A_392 = tpu.vector_load %arg14[%get3A_390, %get3A_391] {strides = array<i32>} : memref<80x128xf32, #tpu.memory_space<vmem>>, vector<16xf32>,
        %mul3A_393 = vector.broadcast %squeeze3A_329 : f32 to vector<16xf32>
        %mul3A_394 = arith.mulf %get3A_392, %mul3A_393 : vector<16xf32>
        %swap3A_395 = arith.index_cast %add3A_333 : i32 to index
        %swap3A_396 = arith.constant 112 : index
        %swap3A_397 = tpu.vector_load %arg14[%swap3A_395, %swap3A_396] {strides = array<i32>} : memref<80x128xf32, #tpu.memory_space<vmem>>, vector<16xf32>,
        tpu.vector_store %arg14[%swap3A_395, %swap3A_396], %mul3A_394 {strides = array<i32>} : memref<80x128xf32, #tpu.memory_space<vmem>>, vector<16xf32>,
        %slice3A_398 = vector.extract_strided_slice %get3A_50 {offsets = [5], sizes = [1], strides = [1]} : vector<16xf32> to vector<1xf32>
        %squeeze3A_399 = vector.extract %slice3A_398[0] : f32 from vector<1xf32>
        %mul3A_400 = arith.constant 16 : i32
        %mul3A_401 = arith.muli %scan3A_46, %mul3A_400 : i32
        %add3A_402 = arith.constant 5 : i32
        %add3A_403 = arith.addi %mul3A_401, %add3A_402 : i32
        %get3A_404 = arith.index_cast %add3A_403 : i32 to index
        %get3A_405 = arith.constant 0 : index
        %get3A_406 = tpu.vector_load %arg14[%get3A_404, %get3A_405] {strides = array<i32>} : memref<80x128xf32, #tpu.memory_space<vmem>>, vector<16xf32>,
        %mul3A_407 = vector.broadcast %squeeze3A_399 : f32 to vector<16xf32>
        %mul3A_408 = arith.mulf %get3A_406, %mul3A_407 : vector<16xf32>
        %swap3A_409 = arith.index_cast %add3A_403 : i32 to index
        %swap3A_410 = arith.constant 0 : index
        %swap3A_411 = tpu.vector_load %arg14[%swap3A_409, %swap3A_410] {strides = array<i32>} : memref<80x128xf32, #tpu.memory_space<vmem>>, vector<16xf32>,
        tpu.vector_store %arg14[%swap3A_409, %swap3A_410], %mul3A_408 {strides = array<i32>} : memref<80x128xf32, #tpu.memory_space<vmem>>, vector<16xf32>,
        %get3A_412 = arith.index_cast %add3A_403 : i32 to index
        %get3A_413 = arith.constant 16 : index
        %get3A_414 = tpu.vector_load %arg14[%get3A_412, %get3A_413] {strides = array<i32>} : memref<80x128xf32, #tpu.memory_space<vmem>>, vector<16xf32>,
        %mul3A_415 = vector.broadcast %squeeze3A_399 : f32 to vector<16xf32>
        %mul3A_416 = arith.mulf %get3A_414, %mul3A_415 : vector<16xf32>
        %swap3A_417 = arith.index_cast %add3A_403 : i32 to index
        %swap3A_418 = arith.constant 16 : index
        %swap3A_419 = tpu.vector_load %arg14[%swap3A_417, %swap3A_418] {strides = array<i32>} : memref<80x128xf32, #tpu.memory_space<vmem>>, vector<16xf32>,
        tpu.vector_store %arg14[%swap3A_417, %swap3A_418], %mul3A_416 {strides = array<i32>} : memref<80x128xf32, #tpu.memory_space<vmem>>, vector<16xf32>,
        %get3A_420 = arith.index_cast %add3A_403 : i32 to index
        %get3A_421 = arith.constant 32 : index
        %get3A_422 = tpu.vector_load %arg14[%get3A_420, %get3A_421] {strides = array<i32>} : memref<80x128xf32, #tpu.memory_space<vmem>>, vector<16xf32>,
        %mul3A_423 = vector.broadcast %squeeze3A_399 : f32 to vector<16xf32>
        %mul3A_424 = arith.mulf %get3A_422, %mul3A_423 : vector<16xf32>
        %swap3A_425 = arith.index_cast %add3A_403 : i32 to index
        %swap3A_426 = arith.constant 32 : index
        %swap3A_427 = tpu.vector_load %arg14[%swap3A_425, %swap3A_426] {strides = array<i32>} : memref<80x128xf32, #tpu.memory_space<vmem>>, vector<16xf32>,
        tpu.vector_store %arg14[%swap3A_425, %swap3A_426], %mul3A_424 {strides = array<i32>} : memref<80x128xf32, #tpu.memory_space<vmem>>, vector<16xf32>,
        %get3A_428 = arith.index_cast %add3A_403 : i32 to index
        %get3A_429 = arith.constant 48 : index
        %get3A_430 = tpu.vector_load %arg14[%get3A_428, %get3A_429] {strides = array<i32>} : memref<80x128xf32, #tpu.memory_space<vmem>>, vector<16xf32>,
        %mul3A_431 = vector.broadcast %squeeze3A_399 : f32 to vector<16xf32>
        %mul3A_432 = arith.mulf %get3A_430, %mul3A_431 : vector<16xf32>
        %swap3A_433 = arith.index_cast %add3A_403 : i32 to index
        %swap3A_434 = arith.constant 48 : index
        %swap3A_435 = tpu.vector_load %arg14[%swap3A_433, %swap3A_434] {strides = array<i32>} : memref<80x128xf32, #tpu.memory_space<vmem>>, vector<16xf32>,
        tpu.vector_store %arg14[%swap3A_433, %swap3A_434], %mul3A_432 {strides = array<i32>} : memref<80x128xf32, #tpu.memory_space<vmem>>, vector<16xf32>,
        %get3A_436 = arith.index_cast %add3A_403 : i32 to index
        %get3A_437 = arith.constant 64 : index
        %get3A_438 = tpu.vector_load %arg14[%get3A_436, %get3A_437] {strides = array<i32>} : memref<80x128xf32, #tpu.memory_space<vmem>>, vector<16xf32>,
        %mul3A_439 = vector.broadcast %squeeze3A_399 : f32 to vector<16xf32>
        %mul3A_440 = arith.mulf %get3A_438, %mul3A_439 : vector<16xf32>
        %swap3A_441 = arith.index_cast %add3A_403 : i32 to index
        %swap3A_442 = arith.constant 64 : index
        %swap3A_443 = tpu.vector_load %arg14[%swap3A_441, %swap3A_442] {strides = array<i32>} : memref<80x128xf32, #tpu.memory_space<vmem>>, vector<16xf32>,
        tpu.vector_store %arg14[%swap3A_441, %swap3A_442], %mul3A_440 {strides = array<i32>} : memref<80x128xf32, #tpu.memory_space<vmem>>, vector<16xf32>,
        %get3A_444 = arith.index_cast %add3A_403 : i32 to index
        %get3A_445 = arith.constant 80 : index
        %get3A_446 = tpu.vector_load %arg14[%get3A_444, %get3A_445] {strides = array<i32>} : memref<80x128xf32, #tpu.memory_space<vmem>>, vector<16xf32>,
        %mul3A_447 = vector.broadcast %squeeze3A_399 : f32 to vector<16xf32>
        %mul3A_448 = arith.mulf %get3A_446, %mul3A_447 : vector<16xf32>
        %swap3A_449 = arith.index_cast %add3A_403 : i32 to index
        %swap3A_450 = arith.constant 80 : index
        %swap3A_451 = tpu.vector_load %arg14[%swap3A_449, %swap3A_450] {strides = array<i32>} : memref<80x128xf32, #tpu.memory_space<vmem>>, vector<16xf32>,
        tpu.vector_store %arg14[%swap3A_449, %swap3A_450], %mul3A_448 {strides = array<i32>} : memref<80x128xf32, #tpu.memory_space<vmem>>, vector<16xf32>,
        %get3A_452 = arith.index_cast %add3A_403 : i32 to index
        %get3A_453 = arith.constant 96 : index
        %get3A_454 = tpu.vector_load %arg14[%get3A_452, %get3A_453] {strides = array<i32>} : memref<80x128xf32, #tpu.memory_space<vmem>>, vector<16xf32>,
        %mul3A_455 = vector.broadcast %squeeze3A_399 : f32 to vector<16xf32>
        %mul3A_456 = arith.mulf %get3A_454, %mul3A_455 : vector<16xf32>
        %swap3A_457 = arith.index_cast %add3A_403 : i32 to index
        %swap3A_458 = arith.constant 96 : index
        %swap3A_459 = tpu.vector_load %arg14[%swap3A_457, %swap3A_458] {strides = array<i32>} : memref<80x128xf32, #tpu.memory_space<vmem>>, vector<16xf32>,
        tpu.vector_store %arg14[%swap3A_457, %swap3A_458], %mul3A_456 {strides = array<i32>} : memref<80x128xf32, #tpu.memory_space<vmem>>, vector<16xf32>,
        %get3A_460 = arith.index_cast %add3A_403 : i32 to index
        %get3A_461 = arith.constant 112 : index
        %get3A_462 = tpu.vector_load %arg14[%get3A_460, %get3A_461] {strides = array<i32>} : memref<80x128xf32, #tpu.memory_space<vmem>>, vector<16xf32>,
        %mul3A_463 = vector.broadcast %squeeze3A_399 : f32 to vector<16xf32>
        %mul3A_464 = arith.mulf %get3A_462, %mul3A_463 : vector<16xf32>
        %swap3A_465 = arith.index_cast %add3A_403 : i32 to index
        %swap3A_466 = arith.constant 112 : index
        %swap3A_467 = tpu.vector_load %arg14[%swap3A_465, %swap3A_466] {strides = array<i32>} : memref<80x128xf32, #tpu.memory_space<vmem>>, vector<16xf32>,
        tpu.vector_store %arg14[%swap3A_465, %swap3A_466], %mul3A_464 {strides = array<i32>} : memref<80x128xf32, #tpu.memory_space<vmem>>, vector<16xf32>,
        %slice3A_468 = vector.extract_strided_slice %get3A_50 {offsets = [6], sizes = [1], strides = [1]} : vector<16xf32> to vector<1xf32>
        %squeeze3A_469 = vector.extract %slice3A_468[0] : f32 from vector<1xf32>
        %mul3A_470 = arith.constant 16 : i32
        %mul3A_471 = arith.muli %scan3A_46, %mul3A_470 : i32
        %add3A_472 = arith.constant 6 : i32
        %add3A_473 = arith.addi %mul3A_471, %add3A_472 : i32
        %get3A_474 = arith.index_cast %add3A_473 : i32 to index
        %get3A_475 = arith.constant 0 : index
        %get3A_476 = tpu.vector_load %arg14[%get3A_474, %get3A_475] {strides = array<i32>} : memref<80x128xf32, #tpu.memory_space<vmem>>, vector<16xf32>,
        %mul3A_477 = vector.broadcast %squeeze3A_469 : f32 to vector<16xf32>
        %mul3A_478 = arith.mulf %get3A_476, %mul3A_477 : vector<16xf32>
        %swap3A_479 = arith.index_cast %add3A_473 : i32 to index
        %swap3A_480 = arith.constant 0 : index
        %swap3A_481 = tpu.vector_load %arg14[%swap3A_479, %swap3A_480] {strides = array<i32>} : memref<80x128xf32, #tpu.memory_space<vmem>>, vector<16xf32>,
        tpu.vector_store %arg14[%swap3A_479, %swap3A_480], %mul3A_478 {strides = array<i32>} : memref<80x128xf32, #tpu.memory_space<vmem>>, vector<16xf32>,
        %get3A_482 = arith.index_cast %add3A_473 : i32 to index
        %get3A_483 = arith.constant 16 : index
        %get3A_484 = tpu.vector_load %arg14[%get3A_482, %get3A_483] {strides = array<i32>} : memref<80x128xf32, #tpu.memory_space<vmem>>, vector<16xf32>,
        %mul3A_485 = vector.broadcast %squeeze3A_469 : f32 to vector<16xf32>
        %mul3A_486 = arith.mulf %get3A_484, %mul3A_485 : vector<16xf32>
        %swap3A_487 = arith.index_cast %add3A_473 : i32 to index
        %swap3A_488 = arith.constant 16 : index
        %swap3A_489 = tpu.vector_load %arg14[%swap3A_487, %swap3A_488] {strides = array<i32>} : memref<80x128xf32, #tpu.memory_space<vmem>>, vector<16xf32>,
        tpu.vector_store %arg14[%swap3A_487, %swap3A_488], %mul3A_486 {strides = array<i32>} : memref<80x128xf32, #tpu.memory_space<vmem>>, vector<16xf32>,
        %get3A_490 = arith.index_cast %add3A_473 : i32 to index
        %get3A_491 = arith.constant 32 : index
        %get3A_492 = tpu.vector_load %arg14[%get3A_490, %get3A_491] {strides = array<i32>} : memref<80x128xf32, #tpu.memory_space<vmem>>, vector<16xf32>,
        %mul3A_493 = vector.broadcast %squeeze3A_469 : f32 to vector<16xf32>
        %mul3A_494 = arith.mulf %get3A_492, %mul3A_493 : vector<16xf32>
        %swap3A_495 = arith.index_cast %add3A_473 : i32 to index
        %swap3A_496 = arith.constant 32 : index
        %swap3A_497 = tpu.vector_load %arg14[%swap3A_495, %swap3A_496] {strides = array<i32>} : memref<80x128xf32, #tpu.memory_space<vmem>>, vector<16xf32>,
        tpu.vector_store %arg14[%swap3A_495, %swap3A_496], %mul3A_494 {strides = array<i32>} : memref<80x128xf32, #tpu.memory_space<vmem>>, vector<16xf32>,
        %get3A_498 = arith.index_cast %add3A_473 : i32 to index
        %get3A_499 = arith.constant 48 : index
        %get3A_500 = tpu.vector_load %arg14[%get3A_498, %get3A_499] {strides = array<i32>} : memref<80x128xf32, #tpu.memory_space<vmem>>, vector<16xf32>,
        %mul3A_501 = vector.broadcast %squeeze3A_469 : f32 to vector<16xf32>
        %mul3A_502 = arith.mulf %get3A_500, %mul3A_501 : vector<16xf32>
        %swap3A_503 = arith.index_cast %add3A_473 : i32 to index
        %swap3A_504 = arith.constant 48 : index
        %swap3A_505 = tpu.vector_load %arg14[%swap3A_503, %swap3A_504] {strides = array<i32>} : memref<80x128xf32, #tpu.memory_space<vmem>>, vector<16xf32>,
        tpu.vector_store %arg14[%swap3A_503, %swap3A_504], %mul3A_502 {strides = array<i32>} : memref<80x128xf32, #tpu.memory_space<vmem>>, vector<16xf32>,
        %get3A_506 = arith.index_cast %add3A_473 : i32 to index
        %get3A_507 = arith.constant 64 : index
        %get3A_508 = tpu.vector_load %arg14[%get3A_506, %get3A_507] {strides = array<i32>} : memref<80x128xf32, #tpu.memory_space<vmem>>, vector<16xf32>,
        %mul3A_509 = vector.broadcast %squeeze3A_469 : f32 to vector<16xf32>
        %mul3A_510 = arith.mulf %get3A_508, %mul3A_509 : vector<16xf32>
        %swap3A_511 = arith.index_cast %add3A_473 : i32 to index
        %swap3A_512 = arith.constant 64 : index
        %swap3A_513 = tpu.vector_load %arg14[%swap3A_511, %swap3A_512] {strides = array<i32>} : memref<80x128xf32, #tpu.memory_space<vmem>>, vector<16xf32>,
        tpu.vector_store %arg14[%swap3A_511, %swap3A_512], %mul3A_510 {strides = array<i32>} : memref<80x128xf32, #tpu.memory_space<vmem>>, vector<16xf32>,
        %get3A_514 = arith.index_cast %add3A_473 : i32 to index
        %get3A_515 = arith.constant 80 : index
        %get3A_516 = tpu.vector_load %arg14[%get3A_514, %get3A_515] {strides = array<i32>} : memref<80x128xf32, #tpu.memory_space<vmem>>, vector<16xf32>,
        %mul3A_517 = vector.broadcast %squeeze3A_469 : f32 to vector<16xf32>
        %mul3A_518 = arith.mulf %get3A_516, %mul3A_517 : vector<16xf32>
        %swap3A_519 = arith.index_cast %add3A_473 : i32 to index
        %swap3A_520 = arith.constant 80 : index
        %swap3A_521 = tpu.vector_load %arg14[%swap3A_519, %swap3A_520] {strides = array<i32>} : memref<80x128xf32, #tpu.memory_space<vmem>>, vector<16xf32>,
        tpu.vector_store %arg14[%swap3A_519, %swap3A_520], %mul3A_518 {strides = array<i32>} : memref<80x128xf32, #tpu.memory_space<vmem>>, vector<16xf32>,
        %get3A_522 = arith.index_cast %add3A_473 : i32 to index
        %get3A_523 = arith.constant 96 : index
        %get3A_524 = tpu.vector_load %arg14[%get3A_522, %get3A_523] {strides = array<i32>} : memref<80x128xf32, #tpu.memory_space<vmem>>, vector<16xf32>,
        %mul3A_525 = vector.broadcast %squeeze3A_469 : f32 to vector<16xf32>
        %mul3A_526 = arith.mulf %get3A_524, %mul3A_525 : vector<16xf32>
        %swap3A_527 = arith.index_cast %add3A_473 : i32 to index
        %swap3A_528 = arith.constant 96 : index
        %swap3A_529 = tpu.vector_load %arg14[%swap3A_527, %swap3A_528] {strides = array<i32>} : memref<80x128xf32, #tpu.memory_space<vmem>>, vector<16xf32>,
        tpu.vector_store %arg14[%swap3A_527, %swap3A_528], %mul3A_526 {strides = array<i32>} : memref<80x128xf32, #tpu.memory_space<vmem>>, vector<16xf32>,
        %get3A_530 = arith.index_cast %add3A_473 : i32 to index
        %get3A_531 = arith.constant 112 : index
        %get3A_532 = tpu.vector_load %arg14[%get3A_530, %get3A_531] {strides = array<i32>} : memref<80x128xf32, #tpu.memory_space<vmem>>, vector<16xf32>,
        %mul3A_533 = vector.broadcast %squeeze3A_469 : f32 to vector<16xf32>
        %mul3A_534 = arith.mulf %get3A_532, %mul3A_533 : vector<16xf32>
        %swap3A_535 = arith.index_cast %add3A_473 : i32 to index
        %swap3A_536 = arith.constant 112 : index
        %swap3A_537 = tpu.vector_load %arg14[%swap3A_535, %swap3A_536] {strides = array<i32>} : memref<80x128xf32, #tpu.memory_space<vmem>>, vector<16xf32>,
        tpu.vector_store %arg14[%swap3A_535, %swap3A_536], %mul3A_534 {strides = array<i32>} : memref<80x128xf32, #tpu.memory_space<vmem>>, vector<16xf32>,
        %slice3A_538 = vector.extract_strided_slice %get3A_50 {offsets = [7], sizes = [1], strides = [1]} : vector<16xf32> to vector<1xf32>
        %squeeze3A_539 = vector.extract %slice3A_538[0] : f32 from vector<1xf32>
        %mul3A_540 = arith.constant 16 : i32
        %mul3A_541 = arith.muli %scan3A_46, %mul3A_540 : i32
        %add3A_542 = arith.constant 7 : i32
        %add3A_543 = arith.addi %mul3A_541, %add3A_542 : i32
        %get3A_544 = arith.index_cast %add3A_543 : i32 to index
        %get3A_545 = arith.constant 0 : index
        %get3A_546 = tpu.vector_load %arg14[%get3A_544, %get3A_545] {strides = array<i32>} : memref<80x128xf32, #tpu.memory_space<vmem>>, vector<16xf32>,
        %mul3A_547 = vector.broadcast %squeeze3A_539 : f32 to vector<16xf32>
        %mul3A_548 = arith.mulf %get3A_546, %mul3A_547 : vector<16xf32>
        %swap3A_549 = arith.index_cast %add3A_543 : i32 to index
        %swap3A_550 = arith.constant 0 : index
        %swap3A_551 = tpu.vector_load %arg14[%swap3A_549, %swap3A_550] {strides = array<i32>} : memref<80x128xf32, #tpu.memory_space<vmem>>, vector<16xf32>,
        tpu.vector_store %arg14[%swap3A_549, %swap3A_550], %mul3A_548 {strides = array<i32>} : memref<80x128xf32, #tpu.memory_space<vmem>>, vector<16xf32>,
        %get3A_552 = arith.index_cast %add3A_543 : i32 to index
        %get3A_553 = arith.constant 16 : index
        %get3A_554 = tpu.vector_load %arg14[%get3A_552, %get3A_553] {strides = array<i32>} : memref<80x128xf32, #tpu.memory_space<vmem>>, vector<16xf32>,
        %mul3A_555 = vector.broadcast %squeeze3A_539 : f32 to vector<16xf32>
        %mul3A_556 = arith.mulf %get3A_554, %mul3A_555 : vector<16xf32>
        %swap3A_557 = arith.index_cast %add3A_543 : i32 to index
        %swap3A_558 = arith.constant 16 : index
        %swap3A_559 = tpu.vector_load %arg14[%swap3A_557, %swap3A_558] {strides = array<i32>} : memref<80x128xf32, #tpu.memory_space<vmem>>, vector<16xf32>,
        tpu.vector_store %arg14[%swap3A_557, %swap3A_558], %mul3A_556 {strides = array<i32>} : memref<80x128xf32, #tpu.memory_space<vmem>>, vector<16xf32>,
        %get3A_560 = arith.index_cast %add3A_543 : i32 to index
        %get3A_561 = arith.constant 32 : index
        %get3A_562 = tpu.vector_load %arg14[%get3A_560, %get3A_561] {strides = array<i32>} : memref<80x128xf32, #tpu.memory_space<vmem>>, vector<16xf32>,
        %mul3A_563 = vector.broadcast %squeeze3A_539 : f32 to vector<16xf32>
        %mul3A_564 = arith.mulf %get3A_562, %mul3A_563 : vector<16xf32>
        %swap3A_565 = arith.index_cast %add3A_543 : i32 to index
        %swap3A_566 = arith.constant 32 : index
        %swap3A_567 = tpu.vector_load %arg14[%swap3A_565, %swap3A_566] {strides = array<i32>} : memref<80x128xf32, #tpu.memory_space<vmem>>, vector<16xf32>,
        tpu.vector_store %arg14[%swap3A_565, %swap3A_566], %mul3A_564 {strides = array<i32>} : memref<80x128xf32, #tpu.memory_space<vmem>>, vector<16xf32>,
        %get3A_568 = arith.index_cast %add3A_543 : i32 to index
        %get3A_569 = arith.constant 48 : index
        %get3A_570 = tpu.vector_load %arg14[%get3A_568, %get3A_569] {strides = array<i32>} : memref<80x128xf32, #tpu.memory_space<vmem>>, vector<16xf32>,
        %mul3A_571 = vector.broadcast %squeeze3A_539 : f32 to vector<16xf32>
        %mul3A_572 = arith.mulf %get3A_570, %mul3A_571 : vector<16xf32>
        %swap3A_573 = arith.index_cast %add3A_543 : i32 to index
        %swap3A_574 = arith.constant 48 : index
        %swap3A_575 = tpu.vector_load %arg14[%swap3A_573, %swap3A_574] {strides = array<i32>} : memref<80x128xf32, #tpu.memory_space<vmem>>, vector<16xf32>,
        tpu.vector_store %arg14[%swap3A_573, %swap3A_574], %mul3A_572 {strides = array<i32>} : memref<80x128xf32, #tpu.memory_space<vmem>>, vector<16xf32>,
        %get3A_576 = arith.index_cast %add3A_543 : i32 to index
        %get3A_577 = arith.constant 64 : index
        %get3A_578 = tpu.vector_load %arg14[%get3A_576, %get3A_577] {strides = array<i32>} : memref<80x128xf32, #tpu.memory_space<vmem>>, vector<16xf32>,
        %mul3A_579 = vector.broadcast %squeeze3A_539 : f32 to vector<16xf32>
        %mul3A_580 = arith.mulf %get3A_578, %mul3A_579 : vector<16xf32>
        %swap3A_581 = arith.index_cast %add3A_543 : i32 to index
        %swap3A_582 = arith.constant 64 : index
        %swap3A_583 = tpu.vector_load %arg14[%swap3A_581, %swap3A_582] {strides = array<i32>} : memref<80x128xf32, #tpu.memory_space<vmem>>, vector<16xf32>,
        tpu.vector_store %arg14[%swap3A_581, %swap3A_582], %mul3A_580 {strides = array<i32>} : memref<80x128xf32, #tpu.memory_space<vmem>>, vector<16xf32>,
        %get3A_584 = arith.index_cast %add3A_543 : i32 to index
        %get3A_585 = arith.constant 80 : index
        %get3A_586 = tpu.vector_load %arg14[%get3A_584, %get3A_585] {strides = array<i32>} : memref<80x128xf32, #tpu.memory_space<vmem>>, vector<16xf32>,
        %mul3A_587 = vector.broadcast %squeeze3A_539 : f32 to vector<16xf32>
        %mul3A_588 = arith.mulf %get3A_586, %mul3A_587 : vector<16xf32>
        %swap3A_589 = arith.index_cast %add3A_543 : i32 to index
        %swap3A_590 = arith.constant 80 : index
        %swap3A_591 = tpu.vector_load %arg14[%swap3A_589, %swap3A_590] {strides = array<i32>} : memref<80x128xf32, #tpu.memory_space<vmem>>, vector<16xf32>,
        tpu.vector_store %arg14[%swap3A_589, %swap3A_590], %mul3A_588 {strides = array<i32>} : memref<80x128xf32, #tpu.memory_space<vmem>>, vector<16xf32>,
        %get3A_592 = arith.index_cast %add3A_543 : i32 to index
        %get3A_593 = arith.constant 96 : index
        %get3A_594 = tpu.vector_load %arg14[%get3A_592, %get3A_593] {strides = array<i32>} : memref<80x128xf32, #tpu.memory_space<vmem>>, vector<16xf32>,
        %mul3A_595 = vector.broadcast %squeeze3A_539 : f32 to vector<16xf32>
        %mul3A_596 = arith.mulf %get3A_594, %mul3A_595 : vector<16xf32>
        %swap3A_597 = arith.index_cast %add3A_543 : i32 to index
        %swap3A_598 = arith.constant 96 : index
        %swap3A_599 = tpu.vector_load %arg14[%swap3A_597, %swap3A_598] {strides = array<i32>} : memref<80x128xf32, #tpu.memory_space<vmem>>, vector<16xf32>,
        tpu.vector_store %arg14[%swap3A_597, %swap3A_598], %mul3A_596 {strides = array<i32>} : memref<80x128xf32, #tpu.memory_space<vmem>>, vector<16xf32>,
        %get3A_600 = arith.index_cast %add3A_543 : i32 to index
        %get3A_601 = arith.constant 112 : index
        %get3A_602 = tpu.vector_load %arg14[%get3A_600, %get3A_601] {strides = array<i32>} : memref<80x128xf32, #tpu.memory_space<vmem>>, vector<16xf32>,
        %mul3A_603 = vector.broadcast %squeeze3A_539 : f32 to vector<16xf32>
        %mul3A_604 = arith.mulf %get3A_602, %mul3A_603 : vector<16xf32>
        %swap3A_605 = arith.index_cast %add3A_543 : i32 to index
        %swap3A_606 = arith.constant 112 : index
        %swap3A_607 = tpu.vector_load %arg14[%swap3A_605, %swap3A_606] {strides = array<i32>} : memref<80x128xf32, #tpu.memory_space<vmem>>, vector<16xf32>,
        tpu.vector_store %arg14[%swap3A_605, %swap3A_606], %mul3A_604 {strides = array<i32>} : memref<80x128xf32, #tpu.memory_space<vmem>>, vector<16xf32>,
        %slice3A_608 = vector.extract_strided_slice %get3A_50 {offsets = [8], sizes = [1], strides = [1]} : vector<16xf32> to vector<1xf32>
        %squeeze3A_609 = vector.extract %slice3A_608[0] : f32 from vector<1xf32>
        %mul3A_610 = arith.constant 16 : i32
        %mul3A_611 = arith.muli %scan3A_46, %mul3A_610 : i32
        %add3A_612 = arith.constant 8 : i32
        %add3A_613 = arith.addi %mul3A_611, %add3A_612 : i32
        %get3A_614 = arith.index_cast %add3A_613 : i32 to index
        %get3A_615 = arith.constant 0 : index
        %get3A_616 = tpu.vector_load %arg14[%get3A_614, %get3A_615] {strides = array<i32>} : memref<80x128xf32, #tpu.memory_space<vmem>>, vector<16xf32>,
        %mul3A_617 = vector.broadcast %squeeze3A_609 : f32 to vector<16xf32>
        %mul3A_618 = arith.mulf %get3A_616, %mul3A_617 : vector<16xf32>
        %swap3A_619 = arith.index_cast %add3A_613 : i32 to index
        %swap3A_620 = arith.constant 0 : index
        %swap3A_621 = tpu.vector_load %arg14[%swap3A_619, %swap3A_620] {strides = array<i32>} : memref<80x128xf32, #tpu.memory_space<vmem>>, vector<16xf32>,
        tpu.vector_store %arg14[%swap3A_619, %swap3A_620], %mul3A_618 {strides = array<i32>} : memref<80x128xf32, #tpu.memory_space<vmem>>, vector<16xf32>,
        %get3A_622 = arith.index_cast %add3A_613 : i32 to index
        %get3A_623 = arith.constant 16 : index
        %get3A_624 = tpu.vector_load %arg14[%get3A_622, %get3A_623] {strides = array<i32>} : memref<80x128xf32, #tpu.memory_space<vmem>>, vector<16xf32>,
        %mul3A_625 = vector.broadcast %squeeze3A_609 : f32 to vector<16xf32>
        %mul3A_626 = arith.mulf %get3A_624, %mul3A_625 : vector<16xf32>
        %swap3A_627 = arith.index_cast %add3A_613 : i32 to index
        %swap3A_628 = arith.constant 16 : index
        %swap3A_629 = tpu.vector_load %arg14[%swap3A_627, %swap3A_628] {strides = array<i32>} : memref<80x128xf32, #tpu.memory_space<vmem>>, vector<16xf32>,
        tpu.vector_store %arg14[%swap3A_627, %swap3A_628], %mul3A_626 {strides = array<i32>} : memref<80x128xf32, #tpu.memory_space<vmem>>, vector<16xf32>,
        %get3A_630 = arith.index_cast %add3A_613 : i32 to index
        %get3A_631 = arith.constant 32 : index
        %get3A_632 = tpu.vector_load %arg14[%get3A_630, %get3A_631] {strides = array<i32>} : memref<80x128xf32, #tpu.memory_space<vmem>>, vector<16xf32>,
        %mul3A_633 = vector.broadcast %squeeze3A_609 : f32 to vector<16xf32>
        %mul3A_634 = arith.mulf %get3A_632, %mul3A_633 : vector<16xf32>
        %swap3A_635 = arith.index_cast %add3A_613 : i32 to index
        %swap3A_636 = arith.constant 32 : index
        %swap3A_637 = tpu.vector_load %arg14[%swap3A_635, %swap3A_636] {strides = array<i32>} : memref<80x128xf32, #tpu.memory_space<vmem>>, vector<16xf32>,
        tpu.vector_store %arg14[%swap3A_635, %swap3A_636], %mul3A_634 {strides = array<i32>} : memref<80x128xf32, #tpu.memory_space<vmem>>, vector<16xf32>,
        %get3A_638 = arith.index_cast %add3A_613 : i32 to index
        %get3A_639 = arith.constant 48 : index
        %get3A_640 = tpu.vector_load %arg14[%get3A_638, %get3A_639] {strides = array<i32>} : memref<80x128xf32, #tpu.memory_space<vmem>>, vector<16xf32>,
        %mul3A_641 = vector.broadcast %squeeze3A_609 : f32 to vector<16xf32>
        %mul3A_642 = arith.mulf %get3A_640, %mul3A_641 : vector<16xf32>
        %swap3A_643 = arith.index_cast %add3A_613 : i32 to index
        %swap3A_644 = arith.constant 48 : index
        %swap3A_645 = tpu.vector_load %arg14[%swap3A_643, %swap3A_644] {strides = array<i32>} : memref<80x128xf32, #tpu.memory_space<vmem>>, vector<16xf32>,
        tpu.vector_store %arg14[%swap3A_643, %swap3A_644], %mul3A_642 {strides = array<i32>} : memref<80x128xf32, #tpu.memory_space<vmem>>, vector<16xf32>,
        %get3A_646 = arith.index_cast %add3A_613 : i32 to index
        %get3A_647 = arith.constant 64 : index
        %get3A_648 = tpu.vector_load %arg14[%get3A_646, %get3A_647] {strides = array<i32>} : memref<80x128xf32, #tpu.memory_space<vmem>>, vector<16xf32>,
        %mul3A_649 = vector.broadcast %squeeze3A_609 : f32 to vector<16xf32>
        %mul3A_650 = arith.mulf %get3A_648, %mul3A_649 : vector<16xf32>
        %swap3A_651 = arith.index_cast %add3A_613 : i32 to index
        %swap3A_652 = arith.constant 64 : index
        %swap3A_653 = tpu.vector_load %arg14[%swap3A_651, %swap3A_652] {strides = array<i32>} : memref<80x128xf32, #tpu.memory_space<vmem>>, vector<16xf32>,
        tpu.vector_store %arg14[%swap3A_651, %swap3A_652], %mul3A_650 {strides = array<i32>} : memref<80x128xf32, #tpu.memory_space<vmem>>, vector<16xf32>,
        %get3A_654 = arith.index_cast %add3A_613 : i32 to index
        %get3A_655 = arith.constant 80 : index
        %get3A_656 = tpu.vector_load %arg14[%get3A_654, %get3A_655] {strides = array<i32>} : memref<80x128xf32, #tpu.memory_space<vmem>>, vector<16xf32>,
        %mul3A_657 = vector.broadcast %squeeze3A_609 : f32 to vector<16xf32>
        %mul3A_658 = arith.mulf %get3A_656, %mul3A_657 : vector<16xf32>
        %swap3A_659 = arith.index_cast %add3A_613 : i32 to index
        %swap3A_660 = arith.constant 80 : index
        %swap3A_661 = tpu.vector_load %arg14[%swap3A_659, %swap3A_660] {strides = array<i32>} : memref<80x128xf32, #tpu.memory_space<vmem>>, vector<16xf32>,
        tpu.vector_store %arg14[%swap3A_659, %swap3A_660], %mul3A_658 {strides = array<i32>} : memref<80x128xf32, #tpu.memory_space<vmem>>, vector<16xf32>,
        %get3A_662 = arith.index_cast %add3A_613 : i32 to index
        %get3A_663 = arith.constant 96 : index
        %get3A_664 = tpu.vector_load %arg14[%get3A_662, %get3A_663] {strides = array<i32>} : memref<80x128xf32, #tpu.memory_space<vmem>>, vector<16xf32>,
        %mul3A_665 = vector.broadcast %squeeze3A_609 : f32 to vector<16xf32>
        %mul3A_666 = arith.mulf %get3A_664, %mul3A_665 : vector<16xf32>
        %swap3A_667 = arith.index_cast %add3A_613 : i32 to index
        %swap3A_668 = arith.constant 96 : index
        %swap3A_669 = tpu.vector_load %arg14[%swap3A_667, %swap3A_668] {strides = array<i32>} : memref<80x128xf32, #tpu.memory_space<vmem>>, vector<16xf32>,
        tpu.vector_store %arg14[%swap3A_667, %swap3A_668], %mul3A_666 {strides = array<i32>} : memref<80x128xf32, #tpu.memory_space<vmem>>, vector<16xf32>,
        %get3A_670 = arith.index_cast %add3A_613 : i32 to index
        %get3A_671 = arith.constant 112 : index
        %get3A_672 = tpu.vector_load %arg14[%get3A_670, %get3A_671] {strides = array<i32>} : memref<80x128xf32, #tpu.memory_space<vmem>>, vector<16xf32>,
        %mul3A_673 = vector.broadcast %squeeze3A_609 : f32 to vector<16xf32>
        %mul3A_674 = arith.mulf %get3A_672, %mul3A_673 : vector<16xf32>
        %swap3A_675 = arith.index_cast %add3A_613 : i32 to index
        %swap3A_676 = arith.constant 112 : index
        %swap3A_677 = tpu.vector_load %arg14[%swap3A_675, %swap3A_676] {strides = array<i32>} : memref<80x128xf32, #tpu.memory_space<vmem>>, vector<16xf32>,
        tpu.vector_store %arg14[%swap3A_675, %swap3A_676], %mul3A_674 {strides = array<i32>} : memref<80x128xf32, #tpu.memory_space<vmem>>, vector<16xf32>,
        %slice3A_678 = vector.extract_strided_slice %get3A_50 {offsets = [9], sizes = [1], strides = [1]} : vector<16xf32> to vector<1xf32>
        %squeeze3A_679 = vector.extract %slice3A_678[0] : f32 from vector<1xf32>
        %mul3A_680 = arith.constant 16 : i32
        %mul3A_681 = arith.muli %scan3A_46, %mul3A_680 : i32
        %add3A_682 = arith.constant 9 : i32
        %add3A_683 = arith.addi %mul3A_681, %add3A_682 : i32
        %get3A_684 = arith.index_cast %add3A_683 : i32 to index
        %get3A_685 = arith.constant 0 : index
        %get3A_686 = tpu.vector_load %arg14[%get3A_684, %get3A_685] {strides = array<i32>} : memref<80x128xf32, #tpu.memory_space<vmem>>, vector<16xf32>,
        %mul3A_687 = vector.broadcast %squeeze3A_679 : f32 to vector<16xf32>
        %mul3A_688 = arith.mulf %get3A_686, %mul3A_687 : vector<16xf32>
        %swap3A_689 = arith.index_cast %add3A_683 : i32 to index
        %swap3A_690 = arith.constant 0 : index
        %swap3A_691 = tpu.vector_load %arg14[%swap3A_689, %swap3A_690] {strides = array<i32>} : memref<80x128xf32, #tpu.memory_space<vmem>>, vector<16xf32>,
        tpu.vector_store %arg14[%swap3A_689, %swap3A_690], %mul3A_688 {strides = array<i32>} : memref<80x128xf32, #tpu.memory_space<vmem>>, vector<16xf32>,
        %get3A_692 = arith.index_cast %add3A_683 : i32 to index
        %get3A_693 = arith.constant 16 : index
        %get3A_694 = tpu.vector_load %arg14[%get3A_692, %get3A_693] {strides = array<i32>} : memref<80x128xf32, #tpu.memory_space<vmem>>, vector<16xf32>,
        %mul3A_695 = vector.broadcast %squeeze3A_679 : f32 to vector<16xf32>
        %mul3A_696 = arith.mulf %get3A_694, %mul3A_695 : vector<16xf32>
        %swap3A_697 = arith.index_cast %add3A_683 : i32 to index
        %swap3A_698 = arith.constant 16 : index
        %swap3A_699 = tpu.vector_load %arg14[%swap3A_697, %swap3A_698] {strides = array<i32>} : memref<80x128xf32, #tpu.memory_space<vmem>>, vector<16xf32>,
        tpu.vector_store %arg14[%swap3A_697, %swap3A_698], %mul3A_696 {strides = array<i32>} : memref<80x128xf32, #tpu.memory_space<vmem>>, vector<16xf32>,
        %get3A_700 = arith.index_cast %add3A_683 : i32 to index
        %get3A_701 = arith.constant 32 : index
        %get3A_702 = tpu.vector_load %arg14[%get3A_700, %get3A_701] {strides = array<i32>} : memref<80x128xf32, #tpu.memory_space<vmem>>, vector<16xf32>,
        %mul3A_703 = vector.broadcast %squeeze3A_679 : f32 to vector<16xf32>
        %mul3A_704 = arith.mulf %get3A_702, %mul3A_703 : vector<16xf32>
        %swap3A_705 = arith.index_cast %add3A_683 : i32 to index
        %swap3A_706 = arith.constant 32 : index
        %swap3A_707 = tpu.vector_load %arg14[%swap3A_705, %swap3A_706] {strides = array<i32>} : memref<80x128xf32, #tpu.memory_space<vmem>>, vector<16xf32>,
        tpu.vector_store %arg14[%swap3A_705, %swap3A_706], %mul3A_704 {strides = array<i32>} : memref<80x128xf32, #tpu.memory_space<vmem>>, vector<16xf32>,
        %get3A_708 = arith.index_cast %add3A_683 : i32 to index
        %get3A_709 = arith.constant 48 : index
        %get3A_710 = tpu.vector_load %arg14[%get3A_708, %get3A_709] {strides = array<i32>} : memref<80x128xf32, #tpu.memory_space<vmem>>, vector<16xf32>,
        %mul3A_711 = vector.broadcast %squeeze3A_679 : f32 to vector<16xf32>
        %mul3A_712 = arith.mulf %get3A_710, %mul3A_711 : vector<16xf32>
        %swap3A_713 = arith.index_cast %add3A_683 : i32 to index
        %swap3A_714 = arith.constant 48 : index
        %swap3A_715 = tpu.vector_load %arg14[%swap3A_713, %swap3A_714] {strides = array<i32>} : memref<80x128xf32, #tpu.memory_space<vmem>>, vector<16xf32>,
        tpu.vector_store %arg14[%swap3A_713, %swap3A_714], %mul3A_712 {strides = array<i32>} : memref<80x128xf32, #tpu.memory_space<vmem>>, vector<16xf32>,
        %get3A_716 = arith.index_cast %add3A_683 : i32 to index
        %get3A_717 = arith.constant 64 : index
        %get3A_718 = tpu.vector_load %arg14[%get3A_716, %get3A_717] {strides = array<i32>} : memref<80x128xf32, #tpu.memory_space<vmem>>, vector<16xf32>,
        %mul3A_719 = vector.broadcast %squeeze3A_679 : f32 to vector<16xf32>
        %mul3A_720 = arith.mulf %get3A_718, %mul3A_719 : vector<16xf32>
        %swap3A_721 = arith.index_cast %add3A_683 : i32 to index
        %swap3A_722 = arith.constant 64 : index
        %swap3A_723 = tpu.vector_load %arg14[%swap3A_721, %swap3A_722] {strides = array<i32>} : memref<80x128xf32, #tpu.memory_space<vmem>>, vector<16xf32>,
        tpu.vector_store %arg14[%swap3A_721, %swap3A_722], %mul3A_720 {strides = array<i32>} : memref<80x128xf32, #tpu.memory_space<vmem>>, vector<16xf32>,
        %get3A_724 = arith.index_cast %add3A_683 : i32 to index
        %get3A_725 = arith.constant 80 : index
        %get3A_726 = tpu.vector_load %arg14[%get3A_724, %get3A_725] {strides = array<i32>} : memref<80x128xf32, #tpu.memory_space<vmem>>, vector<16xf32>,
        %mul3A_727 = vector.broadcast %squeeze3A_679 : f32 to vector<16xf32>
        %mul3A_728 = arith.mulf %get3A_726, %mul3A_727 : vector<16xf32>
        %swap3A_729 = arith.index_cast %add3A_683 : i32 to index
        %swap3A_730 = arith.constant 80 : index
        %swap3A_731 = tpu.vector_load %arg14[%swap3A_729, %swap3A_730] {strides = array<i32>} : memref<80x128xf32, #tpu.memory_space<vmem>>, vector<16xf32>,
        tpu.vector_store %arg14[%swap3A_729, %swap3A_730], %mul3A_728 {strides = array<i32>} : memref<80x128xf32, #tpu.memory_space<vmem>>, vector<16xf32>,
        %get3A_732 = arith.index_cast %add3A_683 : i32 to index
        %get3A_733 = arith.constant 96 : index
        %get3A_734 = tpu.vector_load %arg14[%get3A_732, %get3A_733] {strides = array<i32>} : memref<80x128xf32, #tpu.memory_space<vmem>>, vector<16xf32>,
        %mul3A_735 = vector.broadcast %squeeze3A_679 : f32 to vector<16xf32>
        %mul3A_736 = arith.mulf %get3A_734, %mul3A_735 : vector<16xf32>
        %swap3A_737 = arith.index_cast %add3A_683 : i32 to index
        %swap3A_738 = arith.constant 96 : index
        %swap3A_739 = tpu.vector_load %arg14[%swap3A_737, %swap3A_738] {strides = array<i32>} : memref<80x128xf32, #tpu.memory_space<vmem>>, vector<16xf32>,
        tpu.vector_store %arg14[%swap3A_737, %swap3A_738], %mul3A_736 {strides = array<i32>} : memref<80x128xf32, #tpu.memory_space<vmem>>, vector<16xf32>,
        %get3A_740 = arith.index_cast %add3A_683 : i32 to index
        %get3A_741 = arith.constant 112 : index
        %get3A_742 = tpu.vector_load %arg14[%get3A_740, %get3A_741] {strides = array<i32>} : memref<80x128xf32, #tpu.memory_space<vmem>>, vector<16xf32>,
        %mul3A_743 = vector.broadcast %squeeze3A_679 : f32 to vector<16xf32>
        %mul3A_744 = arith.mulf %get3A_742, %mul3A_743 : vector<16xf32>
        %swap3A_745 = arith.index_cast %add3A_683 : i32 to index
        %swap3A_746 = arith.constant 112 : index
        %swap3A_747 = tpu.vector_load %arg14[%swap3A_745, %swap3A_746] {strides = array<i32>} : memref<80x128xf32, #tpu.memory_space<vmem>>, vector<16xf32>,
        tpu.vector_store %arg14[%swap3A_745, %swap3A_746], %mul3A_744 {strides = array<i32>} : memref<80x128xf32, #tpu.memory_space<vmem>>, vector<16xf32>,
        %slice3A_748 = vector.extract_strided_slice %get3A_50 {offsets = [10], sizes = [1], strides = [1]} : vector<16xf32> to vector<1xf32>
        %squeeze3A_749 = vector.extract %slice3A_748[0] : f32 from vector<1xf32>
        %mul3A_750 = arith.constant 16 : i32
        %mul3A_751 = arith.muli %scan3A_46, %mul3A_750 : i32
        %add3A_752 = arith.constant 10 : i32
        %add3A_753 = arith.addi %mul3A_751, %add3A_752 : i32
        %get3A_754 = arith.index_cast %add3A_753 : i32 to index
        %get3A_755 = arith.constant 0 : index
        %get3A_756 = tpu.vector_load %arg14[%get3A_754, %get3A_755] {strides = array<i32>} : memref<80x128xf32, #tpu.memory_space<vmem>>, vector<16xf32>,
        %mul3A_757 = vector.broadcast %squeeze3A_749 : f32 to vector<16xf32>
        %mul3A_758 = arith.mulf %get3A_756, %mul3A_757 : vector<16xf32>
        %swap3A_759 = arith.index_cast %add3A_753 : i32 to index
        %swap3A_760 = arith.constant 0 : index
        %swap3A_761 = tpu.vector_load %arg14[%swap3A_759, %swap3A_760] {strides = array<i32>} : memref<80x128xf32, #tpu.memory_space<vmem>>, vector<16xf32>,
        tpu.vector_store %arg14[%swap3A_759, %swap3A_760], %mul3A_758 {strides = array<i32>} : memref<80x128xf32, #tpu.memory_space<vmem>>, vector<16xf32>,
        %get3A_762 = arith.index_cast %add3A_753 : i32 to index
        %get3A_763 = arith.constant 16 : index
        %get3A_764 = tpu.vector_load %arg14[%get3A_762, %get3A_763] {strides = array<i32>} : memref<80x128xf32, #tpu.memory_space<vmem>>, vector<16xf32>,
        %mul3A_765 = vector.broadcast %squeeze3A_749 : f32 to vector<16xf32>
        %mul3A_766 = arith.mulf %get3A_764, %mul3A_765 : vector<16xf32>
        %swap3A_767 = arith.index_cast %add3A_753 : i32 to index
        %swap3A_768 = arith.constant 16 : index
        %swap3A_769 = tpu.vector_load %arg14[%swap3A_767, %swap3A_768] {strides = array<i32>} : memref<80x128xf32, #tpu.memory_space<vmem>>, vector<16xf32>,
        tpu.vector_store %arg14[%swap3A_767, %swap3A_768], %mul3A_766 {strides = array<i32>} : memref<80x128xf32, #tpu.memory_space<vmem>>, vector<16xf32>,
        %get3A_770 = arith.index_cast %add3A_753 : i32 to index
        %get3A_771 = arith.constant 32 : index
        %get3A_772 = tpu.vector_load %arg14[%get3A_770, %get3A_771] {strides = array<i32>} : memref<80x128xf32, #tpu.memory_space<vmem>>, vector<16xf32>,
        %mul3A_773 = vector.broadcast %squeeze3A_749 : f32 to vector<16xf32>
        %mul3A_774 = arith.mulf %get3A_772, %mul3A_773 : vector<16xf32>
        %swap3A_775 = arith.index_cast %add3A_753 : i32 to index
        %swap3A_776 = arith.constant 32 : index
        %swap3A_777 = tpu.vector_load %arg14[%swap3A_775, %swap3A_776] {strides = array<i32>} : memref<80x128xf32, #tpu.memory_space<vmem>>, vector<16xf32>,
        tpu.vector_store %arg14[%swap3A_775, %swap3A_776], %mul3A_774 {strides = array<i32>} : memref<80x128xf32, #tpu.memory_space<vmem>>, vector<16xf32>,
        %get3A_778 = arith.index_cast %add3A_753 : i32 to index
        %get3A_779 = arith.constant 48 : index
        %get3A_780 = tpu.vector_load %arg14[%get3A_778, %get3A_779] {strides = array<i32>} : memref<80x128xf32, #tpu.memory_space<vmem>>, vector<16xf32>,
        %mul3A_781 = vector.broadcast %squeeze3A_749 : f32 to vector<16xf32>
        %mul3A_782 = arith.mulf %get3A_780, %mul3A_781 : vector<16xf32>
        %swap3A_783 = arith.index_cast %add3A_753 : i32 to index
        %swap3A_784 = arith.constant 48 : index
        %swap3A_785 = tpu.vector_load %arg14[%swap3A_783, %swap3A_784] {strides = array<i32>} : memref<80x128xf32, #tpu.memory_space<vmem>>, vector<16xf32>,
        tpu.vector_store %arg14[%swap3A_783, %swap3A_784], %mul3A_782 {strides = array<i32>} : memref<80x128xf32, #tpu.memory_space<vmem>>, vector<16xf32>,
        %get3A_786 = arith.index_cast %add3A_753 : i32 to index
        %get3A_787 = arith.constant 64 : index
        %get3A_788 = tpu.vector_load %arg14[%get3A_786, %get3A_787] {strides = array<i32>} : memref<80x128xf32, #tpu.memory_space<vmem>>, vector<16xf32>,
        %mul3A_789 = vector.broadcast %squeeze3A_749 : f32 to vector<16xf32>
        %mul3A_790 = arith.mulf %get3A_788, %mul3A_789 : vector<16xf32>
        %swap3A_791 = arith.index_cast %add3A_753 : i32 to index
        %swap3A_792 = arith.constant 64 : index
        %swap3A_793 = tpu.vector_load %arg14[%swap3A_791, %swap3A_792] {strides = array<i32>} : memref<80x128xf32, #tpu.memory_space<vmem>>, vector<16xf32>,
        tpu.vector_store %arg14[%swap3A_791, %swap3A_792], %mul3A_790 {strides = array<i32>} : memref<80x128xf32, #tpu.memory_space<vmem>>, vector<16xf32>,
        %get3A_794 = arith.index_cast %add3A_753 : i32 to index
        %get3A_795 = arith.constant 80 : index
        %get3A_796 = tpu.vector_load %arg14[%get3A_794, %get3A_795] {strides = array<i32>} : memref<80x128xf32, #tpu.memory_space<vmem>>, vector<16xf32>,
        %mul3A_797 = vector.broadcast %squeeze3A_749 : f32 to vector<16xf32>
        %mul3A_798 = arith.mulf %get3A_796, %mul3A_797 : vector<16xf32>
        %swap3A_799 = arith.index_cast %add3A_753 : i32 to index
        %swap3A_800 = arith.constant 80 : index
        %swap3A_801 = tpu.vector_load %arg14[%swap3A_799, %swap3A_800] {strides = array<i32>} : memref<80x128xf32, #tpu.memory_space<vmem>>, vector<16xf32>,
        tpu.vector_store %arg14[%swap3A_799, %swap3A_800], %mul3A_798 {strides = array<i32>} : memref<80x128xf32, #tpu.memory_space<vmem>>, vector<16xf32>,
        %get3A_802 = arith.index_cast %add3A_753 : i32 to index
        %get3A_803 = arith.constant 96 : index
        %get3A_804 = tpu.vector_load %arg14[%get3A_802, %get3A_803] {strides = array<i32>} : memref<80x128xf32, #tpu.memory_space<vmem>>, vector<16xf32>,
        %mul3A_805 = vector.broadcast %squeeze3A_749 : f32 to vector<16xf32>
        %mul3A_806 = arith.mulf %get3A_804, %mul3A_805 : vector<16xf32>
        %swap3A_807 = arith.index_cast %add3A_753 : i32 to index
        %swap3A_808 = arith.constant 96 : index
        %swap3A_809 = tpu.vector_load %arg14[%swap3A_807, %swap3A_808] {strides = array<i32>} : memref<80x128xf32, #tpu.memory_space<vmem>>, vector<16xf32>,
        tpu.vector_store %arg14[%swap3A_807, %swap3A_808], %mul3A_806 {strides = array<i32>} : memref<80x128xf32, #tpu.memory_space<vmem>>, vector<16xf32>,
        %get3A_810 = arith.index_cast %add3A_753 : i32 to index
        %get3A_811 = arith.constant 112 : index
        %get3A_812 = tpu.vector_load %arg14[%get3A_810, %get3A_811] {strides = array<i32>} : memref<80x128xf32, #tpu.memory_space<vmem>>, vector<16xf32>,
        %mul3A_813 = vector.broadcast %squeeze3A_749 : f32 to vector<16xf32>
        %mul3A_814 = arith.mulf %get3A_812, %mul3A_813 : vector<16xf32>
        %swap3A_815 = arith.index_cast %add3A_753 : i32 to index
        %swap3A_816 = arith.constant 112 : index
        %swap3A_817 = tpu.vector_load %arg14[%swap3A_815, %swap3A_816] {strides = array<i32>} : memref<80x128xf32, #tpu.memory_space<vmem>>, vector<16xf32>,
        tpu.vector_store %arg14[%swap3A_815, %swap3A_816], %mul3A_814 {strides = array<i32>} : memref<80x128xf32, #tpu.memory_space<vmem>>, vector<16xf32>,
        %slice3A_818 = vector.extract_strided_slice %get3A_50 {offsets = [11], sizes = [1], strides = [1]} : vector<16xf32> to vector<1xf32>
        %squeeze3A_819 = vector.extract %slice3A_818[0] : f32 from vector<1xf32>
        %mul3A_820 = arith.constant 16 : i32
        %mul3A_821 = arith.muli %scan3A_46, %mul3A_820 : i32
        %add3A_822 = arith.constant 11 : i32
        %add3A_823 = arith.addi %mul3A_821, %add3A_822 : i32
        %get3A_824 = arith.index_cast %add3A_823 : i32 to index
        %get3A_825 = arith.constant 0 : index
        %get3A_826 = tpu.vector_load %arg14[%get3A_824, %get3A_825] {strides = array<i32>} : memref<80x128xf32, #tpu.memory_space<vmem>>, vector<16xf32>,
        %mul3A_827 = vector.broadcast %squeeze3A_819 : f32 to vector<16xf32>
        %mul3A_828 = arith.mulf %get3A_826, %mul3A_827 : vector<16xf32>
        %swap3A_829 = arith.index_cast %add3A_823 : i32 to index
        %swap3A_830 = arith.constant 0 : index
        %swap3A_831 = tpu.vector_load %arg14[%swap3A_829, %swap3A_830] {strides = array<i32>} : memref<80x128xf32, #tpu.memory_space<vmem>>, vector<16xf32>,
        tpu.vector_store %arg14[%swap3A_829, %swap3A_830], %mul3A_828 {strides = array<i32>} : memref<80x128xf32, #tpu.memory_space<vmem>>, vector<16xf32>,
        %get3A_832 = arith.index_cast %add3A_823 : i32 to index
        %get3A_833 = arith.constant 16 : index
        %get3A_834 = tpu.vector_load %arg14[%get3A_832, %get3A_833] {strides = array<i32>} : memref<80x128xf32, #tpu.memory_space<vmem>>, vector<16xf32>,
        %mul3A_835 = vector.broadcast %squeeze3A_819 : f32 to vector<16xf32>
        %mul3A_836 = arith.mulf %get3A_834, %mul3A_835 : vector<16xf32>
        %swap3A_837 = arith.index_cast %add3A_823 : i32 to index
        %swap3A_838 = arith.constant 16 : index
        %swap3A_839 = tpu.vector_load %arg14[%swap3A_837, %swap3A_838] {strides = array<i32>} : memref<80x128xf32, #tpu.memory_space<vmem>>, vector<16xf32>,
        tpu.vector_store %arg14[%swap3A_837, %swap3A_838], %mul3A_836 {strides = array<i32>} : memref<80x128xf32, #tpu.memory_space<vmem>>, vector<16xf32>,
        %get3A_840 = arith.index_cast %add3A_823 : i32 to index
        %get3A_841 = arith.constant 32 : index
        %get3A_842 = tpu.vector_load %arg14[%get3A_840, %get3A_841] {strides = array<i32>} : memref<80x128xf32, #tpu.memory_space<vmem>>, vector<16xf32>,
        %mul3A_843 = vector.broadcast %squeeze3A_819 : f32 to vector<16xf32>
        %mul3A_844 = arith.mulf %get3A_842, %mul3A_843 : vector<16xf32>
        %swap3A_845 = arith.index_cast %add3A_823 : i32 to index
        %swap3A_846 = arith.constant 32 : index
        %swap3A_847 = tpu.vector_load %arg14[%swap3A_845, %swap3A_846] {strides = array<i32>} : memref<80x128xf32, #tpu.memory_space<vmem>>, vector<16xf32>,
        tpu.vector_store %arg14[%swap3A_845, %swap3A_846], %mul3A_844 {strides = array<i32>} : memref<80x128xf32, #tpu.memory_space<vmem>>, vector<16xf32>,
        %get3A_848 = arith.index_cast %add3A_823 : i32 to index
        %get3A_849 = arith.constant 48 : index
        %get3A_850 = tpu.vector_load %arg14[%get3A_848, %get3A_849] {strides = array<i32>} : memref<80x128xf32, #tpu.memory_space<vmem>>, vector<16xf32>,
        %mul3A_851 = vector.broadcast %squeeze3A_819 : f32 to vector<16xf32>
        %mul3A_852 = arith.mulf %get3A_850, %mul3A_851 : vector<16xf32>
        %swap3A_853 = arith.index_cast %add3A_823 : i32 to index
        %swap3A_854 = arith.constant 48 : index
        %swap3A_855 = tpu.vector_load %arg14[%swap3A_853, %swap3A_854] {strides = array<i32>} : memref<80x128xf32, #tpu.memory_space<vmem>>, vector<16xf32>,
        tpu.vector_store %arg14[%swap3A_853, %swap3A_854], %mul3A_852 {strides = array<i32>} : memref<80x128xf32, #tpu.memory_space<vmem>>, vector<16xf32>,
        %get3A_856 = arith.index_cast %add3A_823 : i32 to index
        %get3A_857 = arith.constant 64 : index
        %get3A_858 = tpu.vector_load %arg14[%get3A_856, %get3A_857] {strides = array<i32>} : memref<80x128xf32, #tpu.memory_space<vmem>>, vector<16xf32>,
        %mul3A_859 = vector.broadcast %squeeze3A_819 : f32 to vector<16xf32>
        %mul3A_860 = arith.mulf %get3A_858, %mul3A_859 : vector<16xf32>
        %swap3A_861 = arith.index_cast %add3A_823 : i32 to index
        %swap3A_862 = arith.constant 64 : index
        %swap3A_863 = tpu.vector_load %arg14[%swap3A_861, %swap3A_862] {strides = array<i32>} : memref<80x128xf32, #tpu.memory_space<vmem>>, vector<16xf32>,
        tpu.vector_store %arg14[%swap3A_861, %swap3A_862], %mul3A_860 {strides = array<i32>} : memref<80x128xf32, #tpu.memory_space<vmem>>, vector<16xf32>,
        %get3A_864 = arith.index_cast %add3A_823 : i32 to index
        %get3A_865 = arith.constant 80 : index
        %get3A_866 = tpu.vector_load %arg14[%get3A_864, %get3A_865] {strides = array<i32>} : memref<80x128xf32, #tpu.memory_space<vmem>>, vector<16xf32>,
        %mul3A_867 = vector.broadcast %squeeze3A_819 : f32 to vector<16xf32>
        %mul3A_868 = arith.mulf %get3A_866, %mul3A_867 : vector<16xf32>
        %swap3A_869 = arith.index_cast %add3A_823 : i32 to index
        %swap3A_870 = arith.constant 80 : index
        %swap3A_871 = tpu.vector_load %arg14[%swap3A_869, %swap3A_870] {strides = array<i32>} : memref<80x128xf32, #tpu.memory_space<vmem>>, vector<16xf32>,
        tpu.vector_store %arg14[%swap3A_869, %swap3A_870], %mul3A_868 {strides = array<i32>} : memref<80x128xf32, #tpu.memory_space<vmem>>, vector<16xf32>,
        %get3A_872 = arith.index_cast %add3A_823 : i32 to index
        %get3A_873 = arith.constant 96 : index
        %get3A_874 = tpu.vector_load %arg14[%get3A_872, %get3A_873] {strides = array<i32>} : memref<80x128xf32, #tpu.memory_space<vmem>>, vector<16xf32>,
        %mul3A_875 = vector.broadcast %squeeze3A_819 : f32 to vector<16xf32>
        %mul3A_876 = arith.mulf %get3A_874, %mul3A_875 : vector<16xf32>
        %swap3A_877 = arith.index_cast %add3A_823 : i32 to index
        %swap3A_878 = arith.constant 96 : index
        %swap3A_879 = tpu.vector_load %arg14[%swap3A_877, %swap3A_878] {strides = array<i32>} : memref<80x128xf32, #tpu.memory_space<vmem>>, vector<16xf32>,
        tpu.vector_store %arg14[%swap3A_877, %swap3A_878], %mul3A_876 {strides = array<i32>} : memref<80x128xf32, #tpu.memory_space<vmem>>, vector<16xf32>,
        %get3A_880 = arith.index_cast %add3A_823 : i32 to index
        %get3A_881 = arith.constant 112 : index
        %get3A_882 = tpu.vector_load %arg14[%get3A_880, %get3A_881] {strides = array<i32>} : memref<80x128xf32, #tpu.memory_space<vmem>>, vector<16xf32>,
        %mul3A_883 = vector.broadcast %squeeze3A_819 : f32 to vector<16xf32>
        %mul3A_884 = arith.mulf %get3A_882, %mul3A_883 : vector<16xf32>
        %swap3A_885 = arith.index_cast %add3A_823 : i32 to index
        %swap3A_886 = arith.constant 112 : index
        %swap3A_887 = tpu.vector_load %arg14[%swap3A_885, %swap3A_886] {strides = array<i32>} : memref<80x128xf32, #tpu.memory_space<vmem>>, vector<16xf32>,
        tpu.vector_store %arg14[%swap3A_885, %swap3A_886], %mul3A_884 {strides = array<i32>} : memref<80x128xf32, #tpu.memory_space<vmem>>, vector<16xf32>,
        %slice3A_888 = vector.extract_strided_slice %get3A_50 {offsets = [12], sizes = [1], strides = [1]} : vector<16xf32> to vector<1xf32>
        %squeeze3A_889 = vector.extract %slice3A_888[0] : f32 from vector<1xf32>
        %mul3A_890 = arith.constant 16 : i32
        %mul3A_891 = arith.muli %scan3A_46, %mul3A_890 : i32
        %add3A_892 = arith.constant 12 : i32
        %add3A_893 = arith.addi %mul3A_891, %add3A_892 : i32
        %get3A_894 = arith.index_cast %add3A_893 : i32 to index
        %get3A_895 = arith.constant 0 : index
        %get3A_896 = tpu.vector_load %arg14[%get3A_894, %get3A_895] {strides = array<i32>} : memref<80x128xf32, #tpu.memory_space<vmem>>, vector<16xf32>,
        %mul3A_897 = vector.broadcast %squeeze3A_889 : f32 to vector<16xf32>
        %mul3A_898 = arith.mulf %get3A_896, %mul3A_897 : vector<16xf32>
        %swap3A_899 = arith.index_cast %add3A_893 : i32 to index
        %swap3A_900 = arith.constant 0 : index
        %swap3A_901 = tpu.vector_load %arg14[%swap3A_899, %swap3A_900] {strides = array<i32>} : memref<80x128xf32, #tpu.memory_space<vmem>>, vector<16xf32>,
        tpu.vector_store %arg14[%swap3A_899, %swap3A_900], %mul3A_898 {strides = array<i32>} : memref<80x128xf32, #tpu.memory_space<vmem>>, vector<16xf32>,
        %get3A_902 = arith.index_cast %add3A_893 : i32 to index
        %get3A_903 = arith.constant 16 : index
        %get3A_904 = tpu.vector_load %arg14[%get3A_902, %get3A_903] {strides = array<i32>} : memref<80x128xf32, #tpu.memory_space<vmem>>, vector<16xf32>,
        %mul3A_905 = vector.broadcast %squeeze3A_889 : f32 to vector<16xf32>
        %mul3A_906 = arith.mulf %get3A_904, %mul3A_905 : vector<16xf32>
        %swap3A_907 = arith.index_cast %add3A_893 : i32 to index
        %swap3A_908 = arith.constant 16 : index
        %swap3A_909 = tpu.vector_load %arg14[%swap3A_907, %swap3A_908] {strides = array<i32>} : memref<80x128xf32, #tpu.memory_space<vmem>>, vector<16xf32>,
        tpu.vector_store %arg14[%swap3A_907, %swap3A_908], %mul3A_906 {strides = array<i32>} : memref<80x128xf32, #tpu.memory_space<vmem>>, vector<16xf32>,
        %get3A_910 = arith.index_cast %add3A_893 : i32 to index
        %get3A_911 = arith.constant 32 : index
        %get3A_912 = tpu.vector_load %arg14[%get3A_910, %get3A_911] {strides = array<i32>} : memref<80x128xf32, #tpu.memory_space<vmem>>, vector<16xf32>,
        %mul3A_913 = vector.broadcast %squeeze3A_889 : f32 to vector<16xf32>
        %mul3A_914 = arith.mulf %get3A_912, %mul3A_913 : vector<16xf32>
        %swap3A_915 = arith.index_cast %add3A_893 : i32 to index
        %swap3A_916 = arith.constant 32 : index
        %swap3A_917 = tpu.vector_load %arg14[%swap3A_915, %swap3A_916] {strides = array<i32>} : memref<80x128xf32, #tpu.memory_space<vmem>>, vector<16xf32>,
        tpu.vector_store %arg14[%swap3A_915, %swap3A_916], %mul3A_914 {strides = array<i32>} : memref<80x128xf32, #tpu.memory_space<vmem>>, vector<16xf32>,
        %get3A_918 = arith.index_cast %add3A_893 : i32 to index
        %get3A_919 = arith.constant 48 : index
        %get3A_920 = tpu.vector_load %arg14[%get3A_918, %get3A_919] {strides = array<i32>} : memref<80x128xf32, #tpu.memory_space<vmem>>, vector<16xf32>,
        %mul3A_921 = vector.broadcast %squeeze3A_889 : f32 to vector<16xf32>
        %mul3A_922 = arith.mulf %get3A_920, %mul3A_921 : vector<16xf32>
        %swap3A_923 = arith.index_cast %add3A_893 : i32 to index
        %swap3A_924 = arith.constant 48 : index
        %swap3A_925 = tpu.vector_load %arg14[%swap3A_923, %swap3A_924] {strides = array<i32>} : memref<80x128xf32, #tpu.memory_space<vmem>>, vector<16xf32>,
        tpu.vector_store %arg14[%swap3A_923, %swap3A_924], %mul3A_922 {strides = array<i32>} : memref<80x128xf32, #tpu.memory_space<vmem>>, vector<16xf32>,
        %get3A_926 = arith.index_cast %add3A_893 : i32 to index
        %get3A_927 = arith.constant 64 : index
        %get3A_928 = tpu.vector_load %arg14[%get3A_926, %get3A_927] {strides = array<i32>} : memref<80x128xf32, #tpu.memory_space<vmem>>, vector<16xf32>,
        %mul3A_929 = vector.broadcast %squeeze3A_889 : f32 to vector<16xf32>
        %mul3A_930 = arith.mulf %get3A_928, %mul3A_929 : vector<16xf32>
        %swap3A_931 = arith.index_cast %add3A_893 : i32 to index
        %swap3A_932 = arith.constant 64 : index
        %swap3A_933 = tpu.vector_load %arg14[%swap3A_931, %swap3A_932] {strides = array<i32>} : memref<80x128xf32, #tpu.memory_space<vmem>>, vector<16xf32>,
        tpu.vector_store %arg14[%swap3A_931, %swap3A_932], %mul3A_930 {strides = array<i32>} : memref<80x128xf32, #tpu.memory_space<vmem>>, vector<16xf32>,
        %get3A_934 = arith.index_cast %add3A_893 : i32 to index
        %get3A_935 = arith.constant 80 : index
        %get3A_936 = tpu.vector_load %arg14[%get3A_934, %get3A_935] {strides = array<i32>} : memref<80x128xf32, #tpu.memory_space<vmem>>, vector<16xf32>,
        %mul3A_937 = vector.broadcast %squeeze3A_889 : f32 to vector<16xf32>
        %mul3A_938 = arith.mulf %get3A_936, %mul3A_937 : vector<16xf32>
        %swap3A_939 = arith.index_cast %add3A_893 : i32 to index
        %swap3A_940 = arith.constant 80 : index
        %swap3A_941 = tpu.vector_load %arg14[%swap3A_939, %swap3A_940] {strides = array<i32>} : memref<80x128xf32, #tpu.memory_space<vmem>>, vector<16xf32>,
        tpu.vector_store %arg14[%swap3A_939, %swap3A_940], %mul3A_938 {strides = array<i32>} : memref<80x128xf32, #tpu.memory_space<vmem>>, vector<16xf32>,
        %get3A_942 = arith.index_cast %add3A_893 : i32 to index
        %get3A_943 = arith.constant 96 : index
        %get3A_944 = tpu.vector_load %arg14[%get3A_942, %get3A_943] {strides = array<i32>} : memref<80x128xf32, #tpu.memory_space<vmem>>, vector<16xf32>,
        %mul3A_945 = vector.broadcast %squeeze3A_889 : f32 to vector<16xf32>
        %mul3A_946 = arith.mulf %get3A_944, %mul3A_945 : vector<16xf32>
        %swap3A_947 = arith.index_cast %add3A_893 : i32 to index
        %swap3A_948 = arith.constant 96 : index
        %swap3A_949 = tpu.vector_load %arg14[%swap3A_947, %swap3A_948] {strides = array<i32>} : memref<80x128xf32, #tpu.memory_space<vmem>>, vector<16xf32>,
        tpu.vector_store %arg14[%swap3A_947, %swap3A_948], %mul3A_946 {strides = array<i32>} : memref<80x128xf32, #tpu.memory_space<vmem>>, vector<16xf32>,
        %get3A_950 = arith.index_cast %add3A_893 : i32 to index
        %get3A_951 = arith.constant 112 : index
        %get3A_952 = tpu.vector_load %arg14[%get3A_950, %get3A_951] {strides = array<i32>} : memref<80x128xf32, #tpu.memory_space<vmem>>, vector<16xf32>,
        %mul3A_953 = vector.broadcast %squeeze3A_889 : f32 to vector<16xf32>
        %mul3A_954 = arith.mulf %get3A_952, %mul3A_953 : vector<16xf32>
        %swap3A_955 = arith.index_cast %add3A_893 : i32 to index
        %swap3A_956 = arith.constant 112 : index
        %swap3A_957 = tpu.vector_load %arg14[%swap3A_955, %swap3A_956] {strides = array<i32>} : memref<80x128xf32, #tpu.memory_space<vmem>>, vector<16xf32>,
        tpu.vector_store %arg14[%swap3A_955, %swap3A_956], %mul3A_954 {strides = array<i32>} : memref<80x128xf32, #tpu.memory_space<vmem>>, vector<16xf32>,
        %slice3A_958 = vector.extract_strided_slice %get3A_50 {offsets = [13], sizes = [1], strides = [1]} : vector<16xf32> to vector<1xf32>
        %squeeze3A_959 = vector.extract %slice3A_958[0] : f32 from vector<1xf32>
        %mul3A_960 = arith.constant 16 : i32
        %mul3A_961 = arith.muli %scan3A_46, %mul3A_960 : i32
        %add3A_962 = arith.constant 13 : i32
        %add3A_963 = arith.addi %mul3A_961, %add3A_962 : i32
        %get3A_964 = arith.index_cast %add3A_963 : i32 to index
        %get3A_965 = arith.constant 0 : index
        %get3A_966 = tpu.vector_load %arg14[%get3A_964, %get3A_965] {strides = array<i32>} : memref<80x128xf32, #tpu.memory_space<vmem>>, vector<16xf32>,
        %mul3A_967 = vector.broadcast %squeeze3A_959 : f32 to vector<16xf32>
        %mul3A_968 = arith.mulf %get3A_966, %mul3A_967 : vector<16xf32>
        %swap3A_969 = arith.index_cast %add3A_963 : i32 to index
        %swap3A_970 = arith.constant 0 : index
        %swap3A_971 = tpu.vector_load %arg14[%swap3A_969, %swap3A_970] {strides = array<i32>} : memref<80x128xf32, #tpu.memory_space<vmem>>, vector<16xf32>,
        tpu.vector_store %arg14[%swap3A_969, %swap3A_970], %mul3A_968 {strides = array<i32>} : memref<80x128xf32, #tpu.memory_space<vmem>>, vector<16xf32>,
        %get3A_972 = arith.index_cast %add3A_963 : i32 to index
        %get3A_973 = arith.constant 16 : index
        %get3A_974 = tpu.vector_load %arg14[%get3A_972, %get3A_973] {strides = array<i32>} : memref<80x128xf32, #tpu.memory_space<vmem>>, vector<16xf32>,
        %mul3A_975 = vector.broadcast %squeeze3A_959 : f32 to vector<16xf32>
        %mul3A_976 = arith.mulf %get3A_974, %mul3A_975 : vector<16xf32>
        %swap3A_977 = arith.index_cast %add3A_963 : i32 to index
        %swap3A_978 = arith.constant 16 : index
        %swap3A_979 = tpu.vector_load %arg14[%swap3A_977, %swap3A_978] {strides = array<i32>} : memref<80x128xf32, #tpu.memory_space<vmem>>, vector<16xf32>,
        tpu.vector_store %arg14[%swap3A_977, %swap3A_978], %mul3A_976 {strides = array<i32>} : memref<80x128xf32, #tpu.memory_space<vmem>>, vector<16xf32>,
        %get3A_980 = arith.index_cast %add3A_963 : i32 to index
        %get3A_981 = arith.constant 32 : index
        %get3A_982 = tpu.vector_load %arg14[%get3A_980, %get3A_981] {strides = array<i32>} : memref<80x128xf32, #tpu.memory_space<vmem>>, vector<16xf32>,
        %mul3A_983 = vector.broadcast %squeeze3A_959 : f32 to vector<16xf32>
        %mul3A_984 = arith.mulf %get3A_982, %mul3A_983 : vector<16xf32>
        %swap3A_985 = arith.index_cast %add3A_963 : i32 to index
        %swap3A_986 = arith.constant 32 : index
        %swap3A_987 = tpu.vector_load %arg14[%swap3A_985, %swap3A_986] {strides = array<i32>} : memref<80x128xf32, #tpu.memory_space<vmem>>, vector<16xf32>,
        tpu.vector_store %arg14[%swap3A_985, %swap3A_986], %mul3A_984 {strides = array<i32>} : memref<80x128xf32, #tpu.memory_space<vmem>>, vector<16xf32>,
        %get3A_988 = arith.index_cast %add3A_963 : i32 to index
        %get3A_989 = arith.constant 48 : index
        %get3A_990 = tpu.vector_load %arg14[%get3A_988, %get3A_989] {strides = array<i32>} : memref<80x128xf32, #tpu.memory_space<vmem>>, vector<16xf32>,
        %mul3A_991 = vector.broadcast %squeeze3A_959 : f32 to vector<16xf32>
        %mul3A_992 = arith.mulf %get3A_990, %mul3A_991 : vector<16xf32>
        %swap3A_993 = arith.index_cast %add3A_963 : i32 to index
        %swap3A_994 = arith.constant 48 : index
        %swap3A_995 = tpu.vector_load %arg14[%swap3A_993, %swap3A_994] {strides = array<i32>} : memref<80x128xf32, #tpu.memory_space<vmem>>, vector<16xf32>,
        tpu.vector_store %arg14[%swap3A_993, %swap3A_994], %mul3A_992 {strides = array<i32>} : memref<80x128xf32, #tpu.memory_space<vmem>>, vector<16xf32>,
        %get3A_996 = arith.index_cast %add3A_963 : i32 to index
        %get3A_997 = arith.constant 64 : index
        %get3A_998 = tpu.vector_load %arg14[%get3A_996, %get3A_997] {strides = array<i32>} : memref<80x128xf32, #tpu.memory_space<vmem>>, vector<16xf32>,
        %mul3A_999 = vector.broadcast %squeeze3A_959 : f32 to vector<16xf32>
        %mul3A_1000 = arith.mulf %get3A_998, %mul3A_999 : vector<16xf32>
        %swap3A_1001 = arith.index_cast %add3A_963 : i32 to index
        %swap3A_1002 = arith.constant 64 : index
        %swap3A_1003 = tpu.vector_load %arg14[%swap3A_1001, %swap3A_1002] {strides = array<i32>} : memref<80x128xf32, #tpu.memory_space<vmem>>, vector<16xf32>,
        tpu.vector_store %arg14[%swap3A_1001, %swap3A_1002], %mul3A_1000 {strides = array<i32>} : memref<80x128xf32, #tpu.memory_space<vmem>>, vector<16xf32>,
        %get3A_1004 = arith.index_cast %add3A_963 : i32 to index
        %get3A_1005 = arith.constant 80 : index
        %get3A_1006 = tpu.vector_load %arg14[%get3A_1004, %get3A_1005] {strides = array<i32>} : memref<80x128xf32, #tpu.memory_space<vmem>>, vector<16xf32>,
        %mul3A_1007 = vector.broadcast %squeeze3A_959 : f32 to vector<16xf32>
        %mul3A_1008 = arith.mulf %get3A_1006, %mul3A_1007 : vector<16xf32>
        %swap3A_1009 = arith.index_cast %add3A_963 : i32 to index
        %swap3A_1010 = arith.constant 80 : index
        %swap3A_1011 = tpu.vector_load %arg14[%swap3A_1009, %swap3A_1010] {strides = array<i32>} : memref<80x128xf32, #tpu.memory_space<vmem>>, vector<16xf32>,
        tpu.vector_store %arg14[%swap3A_1009, %swap3A_1010], %mul3A_1008 {strides = array<i32>} : memref<80x128xf32, #tpu.memory_space<vmem>>, vector<16xf32>,
        %get3A_1012 = arith.index_cast %add3A_963 : i32 to index
        %get3A_1013 = arith.constant 96 : index
        %get3A_1014 = tpu.vector_load %arg14[%get3A_1012, %get3A_1013] {strides = array<i32>} : memref<80x128xf32, #tpu.memory_space<vmem>>, vector<16xf32>,
        %mul3A_1015 = vector.broadcast %squeeze3A_959 : f32 to vector<16xf32>
        %mul3A_1016 = arith.mulf %get3A_1014, %mul3A_1015 : vector<16xf32>
        %swap3A_1017 = arith.index_cast %add3A_963 : i32 to index
        %swap3A_1018 = arith.constant 96 : index
        %swap3A_1019 = tpu.vector_load %arg14[%swap3A_1017, %swap3A_1018] {strides = array<i32>} : memref<80x128xf32, #tpu.memory_space<vmem>>, vector<16xf32>,
        tpu.vector_store %arg14[%swap3A_1017, %swap3A_1018], %mul3A_1016 {strides = array<i32>} : memref<80x128xf32, #tpu.memory_space<vmem>>, vector<16xf32>,
        %get3A_1020 = arith.index_cast %add3A_963 : i32 to index
        %get3A_1021 = arith.constant 112 : index
        %get3A_1022 = tpu.vector_load %arg14[%get3A_1020, %get3A_1021] {strides = array<i32>} : memref<80x128xf32, #tpu.memory_space<vmem>>, vector<16xf32>,
        %mul3A_1023 = vector.broadcast %squeeze3A_959 : f32 to vector<16xf32>
        %mul3A_1024 = arith.mulf %get3A_1022, %mul3A_1023 : vector<16xf32>
        %swap3A_1025 = arith.index_cast %add3A_963 : i32 to index
        %swap3A_1026 = arith.constant 112 : index
        %swap3A_1027 = tpu.vector_load %arg14[%swap3A_1025, %swap3A_1026] {strides = array<i32>} : memref<80x128xf32, #tpu.memory_space<vmem>>, vector<16xf32>,
        tpu.vector_store %arg14[%swap3A_1025, %swap3A_1026], %mul3A_1024 {strides = array<i32>} : memref<80x128xf32, #tpu.memory_space<vmem>>, vector<16xf32>,
        %slice3A_1028 = vector.extract_strided_slice %get3A_50 {offsets = [14], sizes = [1], strides = [1]} : vector<16xf32> to vector<1xf32>
        %squeeze3A_1029 = vector.extract %slice3A_1028[0] : f32 from vector<1xf32>
        %mul3A_1030 = arith.constant 16 : i32
        %mul3A_1031 = arith.muli %scan3A_46, %mul3A_1030 : i32
        %add3A_1032 = arith.constant 14 : i32
        %add3A_1033 = arith.addi %mul3A_1031, %add3A_1032 : i32
        %get3A_1034 = arith.index_cast %add3A_1033 : i32 to index
        %get3A_1035 = arith.constant 0 : index
        %get3A_1036 = tpu.vector_load %arg14[%get3A_1034, %get3A_1035] {strides = array<i32>} : memref<80x128xf32, #tpu.memory_space<vmem>>, vector<16xf32>,
        %mul3A_1037 = vector.broadcast %squeeze3A_1029 : f32 to vector<16xf32>
        %mul3A_1038 = arith.mulf %get3A_1036, %mul3A_1037 : vector<16xf32>
        %swap3A_1039 = arith.index_cast %add3A_1033 : i32 to index
        %swap3A_1040 = arith.constant 0 : index
        %swap3A_1041 = tpu.vector_load %arg14[%swap3A_1039, %swap3A_1040] {strides = array<i32>} : memref<80x128xf32, #tpu.memory_space<vmem>>, vector<16xf32>,
        tpu.vector_store %arg14[%swap3A_1039, %swap3A_1040], %mul3A_1038 {strides = array<i32>} : memref<80x128xf32, #tpu.memory_space<vmem>>, vector<16xf32>,
        %get3A_1042 = arith.index_cast %add3A_1033 : i32 to index
        %get3A_1043 = arith.constant 16 : index
        %get3A_1044 = tpu.vector_load %arg14[%get3A_1042, %get3A_1043] {strides = array<i32>} : memref<80x128xf32, #tpu.memory_space<vmem>>, vector<16xf32>,
        %mul3A_1045 = vector.broadcast %squeeze3A_1029 : f32 to vector<16xf32>
        %mul3A_1046 = arith.mulf %get3A_1044, %mul3A_1045 : vector<16xf32>
        %swap3A_1047 = arith.index_cast %add3A_1033 : i32 to index
        %swap3A_1048 = arith.constant 16 : index
        %swap3A_1049 = tpu.vector_load %arg14[%swap3A_1047, %swap3A_1048] {strides = array<i32>} : memref<80x128xf32, #tpu.memory_space<vmem>>, vector<16xf32>,
        tpu.vector_store %arg14[%swap3A_1047, %swap3A_1048], %mul3A_1046 {strides = array<i32>} : memref<80x128xf32, #tpu.memory_space<vmem>>, vector<16xf32>,
        %get3A_1050 = arith.index_cast %add3A_1033 : i32 to index
        %get3A_1051 = arith.constant 32 : index
        %get3A_1052 = tpu.vector_load %arg14[%get3A_1050, %get3A_1051] {strides = array<i32>} : memref<80x128xf32, #tpu.memory_space<vmem>>, vector<16xf32>,
        %mul3A_1053 = vector.broadcast %squeeze3A_1029 : f32 to vector<16xf32>
        %mul3A_1054 = arith.mulf %get3A_1052, %mul3A_1053 : vector<16xf32>
        %swap3A_1055 = arith.index_cast %add3A_1033 : i32 to index
        %swap3A_1056 = arith.constant 32 : index
        %swap3A_1057 = tpu.vector_load %arg14[%swap3A_1055, %swap3A_1056] {strides = array<i32>} : memref<80x128xf32, #tpu.memory_space<vmem>>, vector<16xf32>,
        tpu.vector_store %arg14[%swap3A_1055, %swap3A_1056], %mul3A_1054 {strides = array<i32>} : memref<80x128xf32, #tpu.memory_space<vmem>>, vector<16xf32>,
        %get3A_1058 = arith.index_cast %add3A_1033 : i32 to index
        %get3A_1059 = arith.constant 48 : index
        %get3A_1060 = tpu.vector_load %arg14[%get3A_1058, %get3A_1059] {strides = array<i32>} : memref<80x128xf32, #tpu.memory_space<vmem>>, vector<16xf32>,
        %mul3A_1061 = vector.broadcast %squeeze3A_1029 : f32 to vector<16xf32>
        %mul3A_1062 = arith.mulf %get3A_1060, %mul3A_1061 : vector<16xf32>
        %swap3A_1063 = arith.index_cast %add3A_1033 : i32 to index
        %swap3A_1064 = arith.constant 48 : index
        %swap3A_1065 = tpu.vector_load %arg14[%swap3A_1063, %swap3A_1064] {strides = array<i32>} : memref<80x128xf32, #tpu.memory_space<vmem>>, vector<16xf32>,
        tpu.vector_store %arg14[%swap3A_1063, %swap3A_1064], %mul3A_1062 {strides = array<i32>} : memref<80x128xf32, #tpu.memory_space<vmem>>, vector<16xf32>,
        %get3A_1066 = arith.index_cast %add3A_1033 : i32 to index
        %get3A_1067 = arith.constant 64 : index
        %get3A_1068 = tpu.vector_load %arg14[%get3A_1066, %get3A_1067] {strides = array<i32>} : memref<80x128xf32, #tpu.memory_space<vmem>>, vector<16xf32>,
        %mul3A_1069 = vector.broadcast %squeeze3A_1029 : f32 to vector<16xf32>
        %mul3A_1070 = arith.mulf %get3A_1068, %mul3A_1069 : vector<16xf32>
        %swap3A_1071 = arith.index_cast %add3A_1033 : i32 to index
        %swap3A_1072 = arith.constant 64 : index
        %swap3A_1073 = tpu.vector_load %arg14[%swap3A_1071, %swap3A_1072] {strides = array<i32>} : memref<80x128xf32, #tpu.memory_space<vmem>>, vector<16xf32>,
        tpu.vector_store %arg14[%swap3A_1071, %swap3A_1072], %mul3A_1070 {strides = array<i32>} : memref<80x128xf32, #tpu.memory_space<vmem>>, vector<16xf32>,
        %get3A_1074 = arith.index_cast %add3A_1033 : i32 to index
        %get3A_1075 = arith.constant 80 : index
        %get3A_1076 = tpu.vector_load %arg14[%get3A_1074, %get3A_1075] {strides = array<i32>} : memref<80x128xf32, #tpu.memory_space<vmem>>, vector<16xf32>,
        %mul3A_1077 = vector.broadcast %squeeze3A_1029 : f32 to vector<16xf32>
        %mul3A_1078 = arith.mulf %get3A_1076, %mul3A_1077 : vector<16xf32>
        %swap3A_1079 = arith.index_cast %add3A_1033 : i32 to index
        %swap3A_1080 = arith.constant 80 : index
        %swap3A_1081 = tpu.vector_load %arg14[%swap3A_1079, %swap3A_1080] {strides = array<i32>} : memref<80x128xf32, #tpu.memory_space<vmem>>, vector<16xf32>,
        tpu.vector_store %arg14[%swap3A_1079, %swap3A_1080], %mul3A_1078 {strides = array<i32>} : memref<80x128xf32, #tpu.memory_space<vmem>>, vector<16xf32>,
        %get3A_1082 = arith.index_cast %add3A_1033 : i32 to index
        %get3A_1083 = arith.constant 96 : index
        %get3A_1084 = tpu.vector_load %arg14[%get3A_1082, %get3A_1083] {strides = array<i32>} : memref<80x128xf32, #tpu.memory_space<vmem>>, vector<16xf32>,
        %mul3A_1085 = vector.broadcast %squeeze3A_1029 : f32 to vector<16xf32>
        %mul3A_1086 = arith.mulf %get3A_1084, %mul3A_1085 : vector<16xf32>
        %swap3A_1087 = arith.index_cast %add3A_1033 : i32 to index
        %swap3A_1088 = arith.constant 96 : index
        %swap3A_1089 = tpu.vector_load %arg14[%swap3A_1087, %swap3A_1088] {strides = array<i32>} : memref<80x128xf32, #tpu.memory_space<vmem>>, vector<16xf32>,
        tpu.vector_store %arg14[%swap3A_1087, %swap3A_1088], %mul3A_1086 {strides = array<i32>} : memref<80x128xf32, #tpu.memory_space<vmem>>, vector<16xf32>,
        %get3A_1090 = arith.index_cast %add3A_1033 : i32 to index
        %get3A_1091 = arith.constant 112 : index
        %get3A_1092 = tpu.vector_load %arg14[%get3A_1090, %get3A_1091] {strides = array<i32>} : memref<80x128xf32, #tpu.memory_space<vmem>>, vector<16xf32>,
        %mul3A_1093 = vector.broadcast %squeeze3A_1029 : f32 to vector<16xf32>
        %mul3A_1094 = arith.mulf %get3A_1092, %mul3A_1093 : vector<16xf32>
        %swap3A_1095 = arith.index_cast %add3A_1033 : i32 to index
        %swap3A_1096 = arith.constant 112 : index
        %swap3A_1097 = tpu.vector_load %arg14[%swap3A_1095, %swap3A_1096] {strides = array<i32>} : memref<80x128xf32, #tpu.memory_space<vmem>>, vector<16xf32>,
        tpu.vector_store %arg14[%swap3A_1095, %swap3A_1096], %mul3A_1094 {strides = array<i32>} : memref<80x128xf32, #tpu.memory_space<vmem>>, vector<16xf32>,
        %slice3A_1098 = vector.extract_strided_slice %get3A_50 {offsets = [15], sizes = [1], strides = [1]} : vector<16xf32> to vector<1xf32>
        %squeeze3A_1099 = vector.extract %slice3A_1098[0] : f32 from vector<1xf32>
        %mul3A_1100 = arith.constant 16 : i32
        %mul3A_1101 = arith.muli %scan3A_46, %mul3A_1100 : i32
        %add3A_1102 = arith.constant 15 : i32
        %add3A_1103 = arith.addi %mul3A_1101, %add3A_1102 : i32
        %get3A_1104 = arith.index_cast %add3A_1103 : i32 to index
        %get3A_1105 = arith.constant 0 : index
        %get3A_1106 = tpu.vector_load %arg14[%get3A_1104, %get3A_1105] {strides = array<i32>} : memref<80x128xf32, #tpu.memory_space<vmem>>, vector<16xf32>,
        %mul3A_1107 = vector.broadcast %squeeze3A_1099 : f32 to vector<16xf32>
        %mul3A_1108 = arith.mulf %get3A_1106, %mul3A_1107 : vector<16xf32>
        %swap3A_1109 = arith.index_cast %add3A_1103 : i32 to index
        %swap3A_1110 = arith.constant 0 : index
        %swap3A_1111 = tpu.vector_load %arg14[%swap3A_1109, %swap3A_1110] {strides = array<i32>} : memref<80x128xf32, #tpu.memory_space<vmem>>, vector<16xf32>,
        tpu.vector_store %arg14[%swap3A_1109, %swap3A_1110], %mul3A_1108 {strides = array<i32>} : memref<80x128xf32, #tpu.memory_space<vmem>>, vector<16xf32>,
        %get3A_1112 = arith.index_cast %add3A_1103 : i32 to index
        %get3A_1113 = arith.constant 16 : index
        %get3A_1114 = tpu.vector_load %arg14[%get3A_1112, %get3A_1113] {strides = array<i32>} : memref<80x128xf32, #tpu.memory_space<vmem>>, vector<16xf32>,
        %mul3A_1115 = vector.broadcast %squeeze3A_1099 : f32 to vector<16xf32>
        %mul3A_1116 = arith.mulf %get3A_1114, %mul3A_1115 : vector<16xf32>
        %swap3A_1117 = arith.index_cast %add3A_1103 : i32 to index
        %swap3A_1118 = arith.constant 16 : index
        %swap3A_1119 = tpu.vector_load %arg14[%swap3A_1117, %swap3A_1118] {strides = array<i32>} : memref<80x128xf32, #tpu.memory_space<vmem>>, vector<16xf32>,
        tpu.vector_store %arg14[%swap3A_1117, %swap3A_1118], %mul3A_1116 {strides = array<i32>} : memref<80x128xf32, #tpu.memory_space<vmem>>, vector<16xf32>,
        %get3A_1120 = arith.index_cast %add3A_1103 : i32 to index
        %get3A_1121 = arith.constant 32 : index
        %get3A_1122 = tpu.vector_load %arg14[%get3A_1120, %get3A_1121] {strides = array<i32>} : memref<80x128xf32, #tpu.memory_space<vmem>>, vector<16xf32>,
        %mul3A_1123 = vector.broadcast %squeeze3A_1099 : f32 to vector<16xf32>
        %mul3A_1124 = arith.mulf %get3A_1122, %mul3A_1123 : vector<16xf32>
        %swap3A_1125 = arith.index_cast %add3A_1103 : i32 to index
        %swap3A_1126 = arith.constant 32 : index
        %swap3A_1127 = tpu.vector_load %arg14[%swap3A_1125, %swap3A_1126] {strides = array<i32>} : memref<80x128xf32, #tpu.memory_space<vmem>>, vector<16xf32>,
        tpu.vector_store %arg14[%swap3A_1125, %swap3A_1126], %mul3A_1124 {strides = array<i32>} : memref<80x128xf32, #tpu.memory_space<vmem>>, vector<16xf32>,
        %get3A_1128 = arith.index_cast %add3A_1103 : i32 to index
        %get3A_1129 = arith.constant 48 : index
        %get3A_1130 = tpu.vector_load %arg14[%get3A_1128, %get3A_1129] {strides = array<i32>} : memref<80x128xf32, #tpu.memory_space<vmem>>, vector<16xf32>,
        %mul3A_1131 = vector.broadcast %squeeze3A_1099 : f32 to vector<16xf32>
        %mul3A_1132 = arith.mulf %get3A_1130, %mul3A_1131 : vector<16xf32>
        %swap3A_1133 = arith.index_cast %add3A_1103 : i32 to index
        %swap3A_1134 = arith.constant 48 : index
        %swap3A_1135 = tpu.vector_load %arg14[%swap3A_1133, %swap3A_1134] {strides = array<i32>} : memref<80x128xf32, #tpu.memory_space<vmem>>, vector<16xf32>,
        tpu.vector_store %arg14[%swap3A_1133, %swap3A_1134], %mul3A_1132 {strides = array<i32>} : memref<80x128xf32, #tpu.memory_space<vmem>>, vector<16xf32>,
        %get3A_1136 = arith.index_cast %add3A_1103 : i32 to index
        %get3A_1137 = arith.constant 64 : index
        %get3A_1138 = tpu.vector_load %arg14[%get3A_1136, %get3A_1137] {strides = array<i32>} : memref<80x128xf32, #tpu.memory_space<vmem>>, vector<16xf32>,
        %mul3A_1139 = vector.broadcast %squeeze3A_1099 : f32 to vector<16xf32>
        %mul3A_1140 = arith.mulf %get3A_1138, %mul3A_1139 : vector<16xf32>
        %swap3A_1141 = arith.index_cast %add3A_1103 : i32 to index
        %swap3A_1142 = arith.constant 64 : index
        %swap3A_1143 = tpu.vector_load %arg14[%swap3A_1141, %swap3A_1142] {strides = array<i32>} : memref<80x128xf32, #tpu.memory_space<vmem>>, vector<16xf32>,
        tpu.vector_store %arg14[%swap3A_1141, %swap3A_1142], %mul3A_1140 {strides = array<i32>} : memref<80x128xf32, #tpu.memory_space<vmem>>, vector<16xf32>,
        %get3A_1144 = arith.index_cast %add3A_1103 : i32 to index
        %get3A_1145 = arith.constant 80 : index
        %get3A_1146 = tpu.vector_load %arg14[%get3A_1144, %get3A_1145] {strides = array<i32>} : memref<80x128xf32, #tpu.memory_space<vmem>>, vector<16xf32>,
        %mul3A_1147 = vector.broadcast %squeeze3A_1099 : f32 to vector<16xf32>
        %mul3A_1148 = arith.mulf %get3A_1146, %mul3A_1147 : vector<16xf32>
        %swap3A_1149 = arith.index_cast %add3A_1103 : i32 to index
        %swap3A_1150 = arith.constant 80 : index
        %swap3A_1151 = tpu.vector_load %arg14[%swap3A_1149, %swap3A_1150] {strides = array<i32>} : memref<80x128xf32, #tpu.memory_space<vmem>>, vector<16xf32>,
        tpu.vector_store %arg14[%swap3A_1149, %swap3A_1150], %mul3A_1148 {strides = array<i32>} : memref<80x128xf32, #tpu.memory_space<vmem>>, vector<16xf32>,
        %get3A_1152 = arith.index_cast %add3A_1103 : i32 to index
        %get3A_1153 = arith.constant 96 : index
        %get3A_1154 = tpu.vector_load %arg14[%get3A_1152, %get3A_1153] {strides = array<i32>} : memref<80x128xf32, #tpu.memory_space<vmem>>, vector<16xf32>,
        %mul3A_1155 = vector.broadcast %squeeze3A_1099 : f32 to vector<16xf32>
        %mul3A_1156 = arith.mulf %get3A_1154, %mul3A_1155 : vector<16xf32>
        %swap3A_1157 = arith.index_cast %add3A_1103 : i32 to index
        %swap3A_1158 = arith.constant 96 : index
        %swap3A_1159 = tpu.vector_load %arg14[%swap3A_1157, %swap3A_1158] {strides = array<i32>} : memref<80x128xf32, #tpu.memory_space<vmem>>, vector<16xf32>,
        tpu.vector_store %arg14[%swap3A_1157, %swap3A_1158], %mul3A_1156 {strides = array<i32>} : memref<80x128xf32, #tpu.memory_space<vmem>>, vector<16xf32>,
        %get3A_1160 = arith.index_cast %add3A_1103 : i32 to index
        %get3A_1161 = arith.constant 112 : index
        %get3A_1162 = tpu.vector_load %arg14[%get3A_1160, %get3A_1161] {strides = array<i32>} : memref<80x128xf32, #tpu.memory_space<vmem>>, vector<16xf32>,
        %mul3A_1163 = vector.broadcast %squeeze3A_1099 : f32 to vector<16xf32>
        %mul3A_1164 = arith.mulf %get3A_1162, %mul3A_1163 : vector<16xf32>
        %swap3A_1165 = arith.index_cast %add3A_1103 : i32 to index
        %swap3A_1166 = arith.constant 112 : index
        %swap3A_1167 = tpu.vector_load %arg14[%swap3A_1165, %swap3A_1166] {strides = array<i32>} : memref<80x128xf32, #tpu.memory_space<vmem>>, vector<16xf32>,
        tpu.vector_store %arg14[%swap3A_1165, %swap3A_1166], %mul3A_1164 {strides = array<i32>} : memref<80x128xf32, #tpu.memory_space<vmem>>, vector<16xf32>,
        %scan3A_1168 = arith.constant 0 : i32
        scf.yield %scan3A_1168 : i32
      }
      %scan3A_44 = arith.constant 5 : i32
      "tpu.region"() ({
        %run_scoped3A = tpu.sem_alloc : memref<!tpu.dma_semaphore, #tpu.memory_space<semaphore_mem>>
        %dma_start3A_46 = arith.constant 0 : i32
        %dma_start3A_47 = arith.constant 0 : i32
        %dma_start3A_48 = tpu.memref_slice %arg8[%dma_start3A_46, %dma_start3A_47] : memref<10000x128xf32, #tpu.memory_space<vmem_shared>> -> memref<10000x128xf32, #tpu.memory_space<vmem_shared>>
        tpu.enqueue_indirect_dma source(%arg14 : memref<80x128xf32, #tpu.memory_space<vmem>>) target(%dma_start3A_48 : memref<10000x128xf32, #tpu.memory_space<vmem_shared>>) offsets(%arg12 : memref<80xi32, #tpu.memory_space<vmem>>) semaphore(%run_scoped3A : memref<!tpu.dma_semaphore, #tpu.memory_space<semaphore_mem>>) {add = true}
        %dma_wait3A_49 = arith.constant 0 : i32
        %dma_wait3A_50 = arith.constant 0 : i32
        %dma_wait3A_51 = tpu.memref_slice %arg8[%dma_wait3A_49, %dma_wait3A_50] : memref<10000x128xf32, #tpu.memory_space<vmem_shared>> -> memref<10000x128xf32, #tpu.memory_space<vmem_shared>>
        tpu.wait_indirect_dma semaphore(%run_scoped3A : memref<!tpu.dma_semaphore, #tpu.memory_space<semaphore_mem>>) src(%arg14 : memref<80x128xf32, #tpu.memory_space<vmem>>) dst(%dma_wait3A_51 : memref<10000x128xf32, #tpu.memory_space<vmem_shared>>)
        tpu.yield
      }) : () -> ()
      %scan3A_45 = arith.constant 0 : i32
      scf.yield %scan3A_45 : i32
    }
    %scan3A_16 = arith.constant 250 : i32
    %barrier3A_17 = arith.constant 0 : index
    tpu.barrier barrier_id(%barrier3A_17)
    %lt3A_18 = arith.constant 10 : i32
    %lt3A_19 = arith.cmpi slt, %arg1, %lt3A_18 : i32
    %convert_element_type3A_20 = arith.extui %lt3A_19 : i1 to i32
    %cond3A_21 = arith.constant 0 : i32
    %cond3A_22 = arith.cmpi ne, %convert_element_type3A_20, %cond3A_21 : i32
    scf.if %cond3A_22 {
      %mul3A_23 = arith.constant 1000 : i32
      %mul3A_24 = arith.muli %arg1, %mul3A_23 : i32
      %mul3A_25 = arith.constant 10000 : i32
      %mul3A_26 = arith.muli %arg0, %mul3A_25 : i32
      %mul3A_27 = arith.constant 1000 : i32
      %mul3A_28 = arith.muli %arg1, %mul3A_27 : i32
      %add3A = arith.addi %mul3A_26, %mul3A_28 : i32
      "tpu.region"() ({
        %run_scoped3A = tpu.sem_alloc : memref<!tpu.dma_semaphore, #tpu.memory_space<semaphore_mem>>
        %dma_start3A = arith.constant 0 : i32
        %dma_start3A_29 = tpu.memref_slice %arg7[%add3A, %dma_start3A] : memref<20000x128xf32, #tpu.memory_space<hbm>> -> memref<1000x128xf32, #tpu.memory_space<hbm>>
        %dma_start3A_30 = arith.constant 0 : i32
        %dma_start3A_31 = tpu.memref_slice %arg8[%mul3A_24, %dma_start3A_30] : memref<10000x128xf32, #tpu.memory_space<vmem_shared>> -> memref<1000x128xf32, #tpu.memory_space<vmem_shared>>
        tpu.enqueue_dma source(%dma_start3A_31 : memref<1000x128xf32, #tpu.memory_space<vmem_shared>>) target(%dma_start3A_29 : memref<1000x128xf32, #tpu.memory_space<hbm>>) target_semaphore(%run_scoped3A : memref<!tpu.dma_semaphore, #tpu.memory_space<semaphore_mem>>)
        %dma_wait3A = arith.constant 0 : i32
        %dma_wait3A_32 = tpu.memref_slice %arg7[%add3A, %dma_wait3A] : memref<20000x128xf32, #tpu.memory_space<hbm>> -> memref<1000x128xf32, #tpu.memory_space<hbm>>
        %dma_wait3A_33 = arith.constant 0 : i32
        %dma_wait3A_34 = tpu.memref_slice %arg8[%mul3A_24, %dma_wait3A_33] : memref<10000x128xf32, #tpu.memory_space<vmem_shared>> -> memref<1000x128xf32, #tpu.memory_space<vmem_shared>>
        tpu.wait_dma2 semaphore(%run_scoped3A : memref<!tpu.dma_semaphore, #tpu.memory_space<semaphore_mem>>) src(%dma_wait3A_34 : memref<1000x128xf32, #tpu.memory_space<vmem_shared>>) dst(%dma_wait3A_32 : memref<1000x128xf32, #tpu.memory_space<hbm>>)
        tpu.yield
      }) : () -> ()
    } else {
    }
    return
  }
}

module attributes {stable_mosaic.version = 14 : i64} {
  func.func @_tc_mm_body(%arg0: memref<256x128xf32, #tpu.memory_space<vmem>>, %arg1: memref<256x256xf32, #tpu.memory_space<vmem>>) attributes {dimension_semantics = [], scalar_prefetch = 0 : i64, scratch_operands = 0 : i64, tpu.core_type = #tpu.core_type<tc>} {
    %get3A = arith.constant 0 : index
    %get3A_0 = arith.constant 0 : index
    %get3A_1 = vector.load %arg0[%get3A, %get3A_0] : memref<256x128xf32, #tpu.memory_space<vmem>>, vector<256x128xf32>
    %get3A_2 = arith.constant 0 : index
    %get3A_3 = arith.constant 0 : index
    %get3A_4 = vector.load %arg0[%get3A_2, %get3A_3] : memref<256x128xf32, #tpu.memory_space<vmem>>, vector<256x128xf32>
    %dot_general3A = arith.constant dense<0.000000e+00> : vector<256x256xf32>
    %dot_general3A_5 = tpu.matmul %get3A_1, %get3A_4, %dot_general3A {dimension_numbers = #tpu.dot_dimension_numbers<[1], [1], [0], [0], [0, 0, 1, 0], [], []>, transpose_lhs_hint = false} : vector<256x128xf32>, vector<256x128xf32>, vector<256x256xf32> -> vector<256x256xf32>
    %swap3A = arith.constant 0 : index
    %swap3A_6 = arith.constant 0 : index
    %swap3A_7 = vector.load %arg1[%swap3A, %swap3A_6] : memref<256x256xf32, #tpu.memory_space<vmem>>, vector<256x256xf32>
    tpu.vector_store %arg1[%swap3A, %swap3A_6], %dot_general3A_5 {strides = array<i32>} : memref<256x256xf32, #tpu.memory_space<vmem>>, vector<256x256xf32>,
    return
  }
}

module attributes {stable_mosaic.version = 14 : i64} {
  func.func @_tc_pre_body(%arg0: i32, %arg1: memref<1000x128xf32, #tpu.memory_space<vmem>>, %arg2: memref<128x256xf32, #tpu.memory_space<vmem>>, %arg3: memref<1x256xf32, #tpu.memory_space<vmem>>, %arg4: memref<1x256xf32, #tpu.memory_space<vmem>>, %arg5: memref<2x1000x128xf32, #tpu.memory_space<vmem>>, %arg6: memref<1000x1xf32, #tpu.memory_space<vmem>>, %arg7: memref<1000x1xf32, #tpu.memory_space<vmem>>) attributes {dimension_semantics = [#tpu.dimension_semantics<arbitrary>], iteration_bounds = array<i64: 10>, scalar_prefetch = 0 : i64, scratch_operands = 0 : i64, tpu.core_type = #tpu.core_type<tc>, window_params = [{transform_indices = @transform_0, window_bounds = array<i64: 1000, 128>}, {pipeline_mode = #tpu.pipeline_mode<synchronous>, transform_indices = @transform_1, window_bounds = array<i64: 128, 256>}, {pipeline_mode = #tpu.pipeline_mode<synchronous>, transform_indices = @transform_2, window_bounds = array<i64: 1, 256>}, {pipeline_mode = #tpu.pipeline_mode<synchronous>, transform_indices = @transform_3, window_bounds = array<i64: 1, 256>}, {transform_indices = @transform_4, window_bounds = array<i64: 2, 1000, 128>}, {transform_indices = @transform_5, window_bounds = array<i64: 1000, 1>}, {transform_indices = @transform_6, window_bounds = array<i64: 1000, 1>}]} {
    %get3A = arith.constant 0 : index
    %get3A_0 = arith.constant 0 : index
    %get3A_1 = vector.load %arg1[%get3A, %get3A_0] : memref<1000x128xf32, #tpu.memory_space<vmem>>, vector<1000x128xf32>
    %get3A_2 = arith.constant 0 : index
    %get3A_3 = arith.constant 0 : index
    %get3A_4 = vector.load %arg2[%get3A_2, %get3A_3] : memref<128x256xf32, #tpu.memory_space<vmem>>, vector<128x256xf32>
    %dot_general3A = arith.constant dense<0.000000e+00> : vector<1000x256xf32>
    %dot_general3A_5 = tpu.matmul %get3A_1, %get3A_4, %dot_general3A {dimension_numbers = #tpu.dot_dimension_numbers<[1], [0], [0], [1], [0, 0, 1, 1], [], []>, transpose_lhs_hint = false} : vector<1000x128xf32>, vector<128x256xf32>, vector<1000x256xf32> -> vector<1000x256xf32>
    %get3A_6 = arith.constant 0 : index
    %get3A_7 = arith.constant 0 : index
    %get3A_8 = vector.load %arg3[%get3A_6, %get3A_7] : memref<1x256xf32, #tpu.memory_space<vmem>>, vector<1x256xf32>
    %mul3A = vector.broadcast %get3A_8 : vector<1x256xf32> to vector<1000x256xf32>
    %mul3A_9 = arith.mulf %dot_general3A_5, %mul3A : vector<1000x256xf32>
    %reduce_sum3A = arith.constant dense<0.000000e+00> : vector<1000xf32>
    %reduce_sum3A_10 = vector.multi_reduction <add>, %mul3A_9, %reduce_sum3A [1] : vector<1000x256xf32> to vector<1000xf32>
    %broadcast_in_dim3A = vector.shape_cast %reduce_sum3A_10 : vector<1000xf32> to vector<1000x1xf32>
    %swap3A = arith.constant 0 : index
    %swap3A_11 = arith.constant 0 : index
    %swap3A_12 = vector.load %arg6[%swap3A, %swap3A_11] : memref<1000x1xf32, #tpu.memory_space<vmem>>, vector<1000x1xf32>
    tpu.vector_store %arg6[%swap3A, %swap3A_11], %broadcast_in_dim3A {strides = array<i32>} : memref<1000x1xf32, #tpu.memory_space<vmem>>, vector<1000x1xf32>,
    %get3A_13 = arith.constant 0 : index
    %get3A_14 = arith.constant 0 : index
    %get3A_15 = vector.load %arg4[%get3A_13, %get3A_14] : memref<1x256xf32, #tpu.memory_space<vmem>>, vector<1x256xf32>
    %mul3A_16 = vector.broadcast %get3A_15 : vector<1x256xf32> to vector<1000x256xf32>
    %mul3A_17 = arith.mulf %dot_general3A_5, %mul3A_16 : vector<1000x256xf32>
    %reduce_sum3A_18 = arith.constant dense<0.000000e+00> : vector<1000xf32>
    %reduce_sum3A_19 = vector.multi_reduction <add>, %mul3A_17, %reduce_sum3A_18 [1] : vector<1000x256xf32> to vector<1000xf32>
    %broadcast_in_dim3A_20 = vector.shape_cast %reduce_sum3A_19 : vector<1000xf32> to vector<1000x1xf32>
    %swap3A_21 = arith.constant 0 : index
    %swap3A_22 = arith.constant 0 : index
    %swap3A_23 = vector.load %arg7[%swap3A_21, %swap3A_22] : memref<1000x1xf32, #tpu.memory_space<vmem>>, vector<1000x1xf32>
    tpu.vector_store %arg7[%swap3A_21, %swap3A_22], %broadcast_in_dim3A_20 {strides = array<i32>} : memref<1000x1xf32, #tpu.memory_space<vmem>>, vector<1000x1xf32>,
    %slice3A = vector.extract_strided_slice %dot_general3A_5 {offsets = [0, 0], sizes = [1000, 128], strides = [1, 1]} : vector<1000x256xf32> to vector<1000x128xf32>
    %slice3A_24 = vector.extract_strided_slice %dot_general3A_5 {offsets = [0, 128], sizes = [1000, 128], strides = [1, 1]} : vector<1000x256xf32> to vector<1000x128xf32>
    %stack3A = vector.shape_cast %slice3A : vector<1000x128xf32> to vector<1x1000x128xf32>
    %stack3A_25 = vector.shape_cast %slice3A_24 : vector<1000x128xf32> to vector<1x1000x128xf32>
    %stack3A_26 = tpu.concatenate %stack3A, %stack3A_25 in 0 : vector<1x1000x128xf32>, vector<1x1000x128xf32> -> vector<2x1000x128xf32>
    %swap3A_27 = arith.constant 0 : index
    %swap3A_28 = arith.constant 0 : index
    %swap3A_29 = arith.constant 0 : index
    %swap3A_30 = vector.load %arg5[%swap3A_27, %swap3A_28, %swap3A_29] : memref<2x1000x128xf32, #tpu.memory_space<vmem>>, vector<2x1000x128xf32>
    tpu.vector_store %arg5[%swap3A_27, %swap3A_28, %swap3A_29], %stack3A_26 {strides = array<i32>} : memref<2x1000x128xf32, #tpu.memory_space<vmem>>, vector<2x1000x128xf32>,
    return
  }
  func.func @transform_0(%arg0: i32) -> (i32, i32) {
    %c0_i32 = arith.constant 0 : i32
    %c0_i32_0 = arith.constant 0 : i32
    return %arg0, %c0_i32 : i32, i32
  }
  func.func @transform_1(%arg0: i32) -> (i32, i32) {
    %c0_i32 = arith.constant 0 : i32
    %c0_i32_0 = arith.constant 0 : i32
    %c0_i32_1 = arith.constant 0 : i32
    return %c0_i32, %c0_i32_0 : i32, i32
  }
  func.func @transform_2(%arg0: i32) -> (i32, i32) {
    %c0_i32 = arith.constant 0 : i32
    %c0_i32_0 = arith.constant 0 : i32
    %c0_i32_1 = arith.constant 0 : i32
    return %c0_i32, %c0_i32_0 : i32, i32
  }
  func.func @transform_3(%arg0: i32) -> (i32, i32) {
    %c0_i32 = arith.constant 0 : i32
    %c0_i32_0 = arith.constant 0 : i32
    %c0_i32_1 = arith.constant 0 : i32
    return %c0_i32, %c0_i32_0 : i32, i32
  }
  func.func @transform_4(%arg0: i32) -> (i32, i32, i32) {
    %c0_i32 = arith.constant 0 : i32
    %c0_i32_0 = arith.constant 0 : i32
    %c0_i32_1 = arith.constant 0 : i32
    return %c0_i32, %arg0, %c0_i32_0 : i32, i32, i32
  }
  func.func @transform_5(%arg0: i32) -> (i32, i32) {
    %c0_i32 = arith.constant 0 : i32
    %c0_i32_0 = arith.constant 0 : i32
    return %arg0, %c0_i32 : i32, i32
  }
  func.func @transform_6(%arg0: i32) -> (i32, i32) {
    %c0_i32 = arith.constant 0 : i32
    %c0_i32_0 = arith.constant 0 : i32
    return %arg0, %c0_i32 : i32, i32
  }
}

module attributes {stable_mosaic.version = 14 : i64} {
  func.func @_tc_mid_body(%arg0: i32, %arg1: memref<1000x128xf32, #tpu.memory_space<vmem>>, %arg2: memref<1000x128xf32, #tpu.memory_space<vmem>>, %arg3: memref<1000x32xf32, #tpu.memory_space<vmem>>, %arg4: memref<256x128xf32, #tpu.memory_space<vmem>>, %arg5: memref<256x256xf32, #tpu.memory_space<vmem>>, %arg6: memref<1000x128xf32, #tpu.memory_space<vmem>>, %arg7: memref<2x1000x128xf32, #tpu.memory_space<vmem>>) attributes {dimension_semantics = [#tpu.dimension_semantics<arbitrary>], iteration_bounds = array<i64: 10>, scalar_prefetch = 0 : i64, scratch_operands = 0 : i64, tpu.core_type = #tpu.core_type<tc>, window_params = [{transform_indices = @transform_0, window_bounds = array<i64: 1000, 128>}, {transform_indices = @transform_1, window_bounds = array<i64: 1000, 128>}, {transform_indices = @transform_2, window_bounds = array<i64: 1000, 32>}, {pipeline_mode = #tpu.pipeline_mode<synchronous>, transform_indices = @transform_3, window_bounds = array<i64: 256, 128>}, {pipeline_mode = #tpu.pipeline_mode<synchronous>, transform_indices = @transform_4, window_bounds = array<i64: 256, 256>}, {transform_indices = @transform_5, window_bounds = array<i64: 1000, 128>}, {transform_indices = @transform_6, window_bounds = array<i64: 2, 1000, 128>}]} {
    %get3A = arith.constant 0 : index
    %get3A_0 = arith.constant 0 : index
    %get3A_1 = vector.load %arg1[%get3A, %get3A_0] : memref<1000x128xf32, #tpu.memory_space<vmem>>, vector<1000x128xf32>
    %get3A_2 = arith.constant 0 : index
    %get3A_3 = arith.constant 0 : index
    %get3A_4 = vector.load %arg2[%get3A_2, %get3A_3] : memref<1000x128xf32, #tpu.memory_space<vmem>>, vector<1000x128xf32>
    %concatenate3A = tpu.concatenate %get3A_1, %get3A_4 in 1 : vector<1000x128xf32>, vector<1000x128xf32> -> vector<1000x256xf32>
    %get3A_5 = arith.constant 0 : index
    %get3A_6 = arith.constant 0 : index
    %get3A_7 = vector.load %arg3[%get3A_5, %get3A_6] : memref<1000x32xf32, #tpu.memory_space<vmem>>, vector<1000x32xf32>
    %broadcast_in_dim3A = arith.constant 5.000000e-01 : f32
    %broadcast_in_dim3A_8 = vector.broadcast %broadcast_in_dim3A : f32 to vector<32x1xf32>
    %dot_general3A = arith.constant dense<0.000000e+00> : vector<1000x1xf32>
    %dot_general3A_9 = tpu.matmul %get3A_7, %broadcast_in_dim3A_8, %dot_general3A {dimension_numbers = #tpu.dot_dimension_numbers<[1], [0], [0], [1], [0, 0, 1, 1], [], []>, transpose_lhs_hint = false} : vector<1000x32xf32>, vector<32x1xf32>, vector<1000x1xf32> -> vector<1000x1xf32>
    %add3A = arith.constant 1.000000e-16 : f32
    %add3A_10 = vector.broadcast %add3A : f32 to vector<1000x1xf32>
    %add3A_11 = arith.addf %dot_general3A_9, %add3A_10 : vector<1000x1xf32>
    %div3A = vector.broadcast %add3A_11 : vector<1000x1xf32> to vector<1000x256xf32>
    %div3A_12 = arith.divf %concatenate3A, %div3A : vector<1000x256xf32>
    %gt3A = arith.constant 0.000000e+00 : f32
    %gt3A_13 = vector.broadcast %gt3A : f32 to vector<1000x256xf32>
    %gt3A_14 = arith.cmpf ogt, %div3A_12, %gt3A_13 : vector<1000x256xf32>
    %min3A = arith.constant 0.000000e+00 : f32
    %min3A_15 = vector.broadcast %min3A : f32 to vector<1000x256xf32>
    %min3A_16 = arith.minimumf %div3A_12, %min3A_15 : vector<1000x256xf32>
    %exp3A = math.exp %min3A_16 : vector<1000x256xf32>
    %sub3A = arith.constant 1.000000e+00 : f32
    %sub3A_17 = vector.broadcast %sub3A : f32 to vector<1000x256xf32>
    %sub3A_18 = arith.subf %exp3A, %sub3A_17 : vector<1000x256xf32>
    %select_n3A = arith.select %gt3A_14, %div3A_12, %sub3A_18 : vector<1000x256xi1>, vector<1000x256xf32>
    %get3A_19 = arith.constant 0 : index
    %get3A_20 = arith.constant 0 : index
    %get3A_21 = vector.load %arg4[%get3A_19, %get3A_20] : memref<256x128xf32, #tpu.memory_space<vmem>>, vector<256x128xf32>
    %dot_general3A_22 = arith.constant dense<0.000000e+00> : vector<1000x128xf32>
    %dot_general3A_23 = tpu.matmul %select_n3A, %get3A_21, %dot_general3A_22 {dimension_numbers = #tpu.dot_dimension_numbers<[1], [0], [0], [1], [0, 0, 1, 1], [], []>, transpose_lhs_hint = false} : vector<1000x256xf32>, vector<256x128xf32>, vector<1000x128xf32> -> vector<1000x128xf32>
    %swap3A = arith.constant 0 : index
    %swap3A_24 = arith.constant 0 : index
    %swap3A_25 = vector.load %arg6[%swap3A, %swap3A_24] : memref<1000x128xf32, #tpu.memory_space<vmem>>, vector<1000x128xf32>
    tpu.vector_store %arg6[%swap3A, %swap3A_24], %dot_general3A_23 {strides = array<i32>} : memref<1000x128xf32, #tpu.memory_space<vmem>>, vector<1000x128xf32>,
    %get3A_26 = arith.constant 0 : index
    %get3A_27 = arith.constant 0 : index
    %get3A_28 = vector.load %arg5[%get3A_26, %get3A_27] : memref<256x256xf32, #tpu.memory_space<vmem>>, vector<256x256xf32>
    %dot_general3A_29 = arith.constant dense<0.000000e+00> : vector<1000x256xf32>
    %dot_general3A_30 = tpu.matmul %select_n3A, %get3A_28, %dot_general3A_29 {dimension_numbers = #tpu.dot_dimension_numbers<[1], [0], [0], [1], [0, 0, 1, 1], [], []>, transpose_lhs_hint = false} : vector<1000x256xf32>, vector<256x256xf32>, vector<1000x256xf32> -> vector<1000x256xf32>
    %slice3A = vector.extract_strided_slice %dot_general3A_30 {offsets = [0, 0], sizes = [1000, 128], strides = [1, 1]} : vector<1000x256xf32> to vector<1000x128xf32>
    %slice3A_31 = vector.extract_strided_slice %dot_general3A_30 {offsets = [0, 128], sizes = [1000, 128], strides = [1, 1]} : vector<1000x256xf32> to vector<1000x128xf32>
    %stack3A = vector.shape_cast %slice3A : vector<1000x128xf32> to vector<1x1000x128xf32>
    %stack3A_32 = vector.shape_cast %slice3A_31 : vector<1000x128xf32> to vector<1x1000x128xf32>
    %stack3A_33 = tpu.concatenate %stack3A, %stack3A_32 in 0 : vector<1x1000x128xf32>, vector<1x1000x128xf32> -> vector<2x1000x128xf32>
    %swap3A_34 = arith.constant 0 : index
    %swap3A_35 = arith.constant 0 : index
    %swap3A_36 = arith.constant 0 : index
    %swap3A_37 = vector.load %arg7[%swap3A_34, %swap3A_35, %swap3A_36] : memref<2x1000x128xf32, #tpu.memory_space<vmem>>, vector<2x1000x128xf32>
    tpu.vector_store %arg7[%swap3A_34, %swap3A_35, %swap3A_36], %stack3A_33 {strides = array<i32>} : memref<2x1000x128xf32, #tpu.memory_space<vmem>>, vector<2x1000x128xf32>,
    return
  }
  func.func @transform_0(%arg0: i32) -> (i32, i32) {
    %c0_i32 = arith.constant 0 : i32
    %c0_i32_0 = arith.constant 0 : i32
    return %arg0, %c0_i32 : i32, i32
  }
  func.func @transform_1(%arg0: i32) -> (i32, i32) {
    %add3A = arith.constant 10 : i32
    %add3A_0 = arith.addi %arg0, %add3A : i32
    %c0_i32 = arith.constant 0 : i32
    %c0_i32_1 = arith.constant 0 : i32
    return %add3A_0, %c0_i32 : i32, i32
  }
  func.func @transform_2(%arg0: i32) -> (i32, i32) {
    %c0_i32 = arith.constant 0 : i32
    %c0_i32_0 = arith.constant 0 : i32
    return %arg0, %c0_i32 : i32, i32
  }
  func.func @transform_3(%arg0: i32) -> (i32, i32) {
    %c0_i32 = arith.constant 0 : i32
    %c0_i32_0 = arith.constant 0 : i32
    %c0_i32_1 = arith.constant 0 : i32
    return %c0_i32, %c0_i32_0 : i32, i32
  }
  func.func @transform_4(%arg0: i32) -> (i32, i32) {
    %c0_i32 = arith.constant 0 : i32
    %c0_i32_0 = arith.constant 0 : i32
    %c0_i32_1 = arith.constant 0 : i32
    return %c0_i32, %c0_i32_0 : i32, i32
  }
  func.func @transform_5(%arg0: i32) -> (i32, i32) {
    %c0_i32 = arith.constant 0 : i32
    %c0_i32_0 = arith.constant 0 : i32
    return %arg0, %c0_i32 : i32, i32
  }
  func.func @transform_6(%arg0: i32) -> (i32, i32, i32) {
    %c0_i32 = arith.constant 0 : i32
    %c0_i32_0 = arith.constant 0 : i32
    %c0_i32_1 = arith.constant 0 : i32
    return %c0_i32, %arg0, %c0_i32_0 : i32, i32, i32
  }
}

module attributes {stable_mosaic.version = 14 : i64} {
  func.func @_tc_post_body(%arg0: i32, %arg1: memref<1000x128xf32, #tpu.memory_space<vmem>>, %arg2: memref<1000x128xf32, #tpu.memory_space<vmem>>, %arg3: memref<1000x32xf32, #tpu.memory_space<vmem>>, %arg4: memref<256x512xf32, #tpu.memory_space<vmem>>, %arg5: memref<1000x512xf32, #tpu.memory_space<vmem>>) attributes {dimension_semantics = [#tpu.dimension_semantics<arbitrary>], iteration_bounds = array<i64: 10>, scalar_prefetch = 0 : i64, scratch_operands = 0 : i64, tpu.core_type = #tpu.core_type<tc>, window_params = [{transform_indices = @transform_0, window_bounds = array<i64: 1000, 128>}, {transform_indices = @transform_1, window_bounds = array<i64: 1000, 128>}, {transform_indices = @transform_2, window_bounds = array<i64: 1000, 32>}, {pipeline_mode = #tpu.pipeline_mode<synchronous>, transform_indices = @transform_3, window_bounds = array<i64: 256, 512>}, {transform_indices = @transform_4, window_bounds = array<i64: 1000, 512>}]} {
    %get3A = arith.constant 0 : index
    %get3A_0 = arith.constant 0 : index
    %get3A_1 = vector.load %arg1[%get3A, %get3A_0] : memref<1000x128xf32, #tpu.memory_space<vmem>>, vector<1000x128xf32>
    %get3A_2 = arith.constant 0 : index
    %get3A_3 = arith.constant 0 : index
    %get3A_4 = vector.load %arg2[%get3A_2, %get3A_3] : memref<1000x128xf32, #tpu.memory_space<vmem>>, vector<1000x128xf32>
    %concatenate3A = tpu.concatenate %get3A_1, %get3A_4 in 1 : vector<1000x128xf32>, vector<1000x128xf32> -> vector<1000x256xf32>
    %get3A_5 = arith.constant 0 : index
    %get3A_6 = arith.constant 0 : index
    %get3A_7 = vector.load %arg3[%get3A_5, %get3A_6] : memref<1000x32xf32, #tpu.memory_space<vmem>>, vector<1000x32xf32>
    %broadcast_in_dim3A = arith.constant 5.000000e-01 : f32
    %broadcast_in_dim3A_8 = vector.broadcast %broadcast_in_dim3A : f32 to vector<32x1xf32>
    %dot_general3A = arith.constant dense<0.000000e+00> : vector<1000x1xf32>
    %dot_general3A_9 = tpu.matmul %get3A_7, %broadcast_in_dim3A_8, %dot_general3A {dimension_numbers = #tpu.dot_dimension_numbers<[1], [0], [0], [1], [0, 0, 1, 1], [], []>, transpose_lhs_hint = false} : vector<1000x32xf32>, vector<32x1xf32>, vector<1000x1xf32> -> vector<1000x1xf32>
    %add3A = arith.constant 1.000000e-16 : f32
    %add3A_10 = vector.broadcast %add3A : f32 to vector<1000x1xf32>
    %add3A_11 = arith.addf %dot_general3A_9, %add3A_10 : vector<1000x1xf32>
    %div3A = vector.broadcast %add3A_11 : vector<1000x1xf32> to vector<1000x256xf32>
    %div3A_12 = arith.divf %concatenate3A, %div3A : vector<1000x256xf32>
    %gt3A = arith.constant 0.000000e+00 : f32
    %gt3A_13 = vector.broadcast %gt3A : f32 to vector<1000x256xf32>
    %gt3A_14 = arith.cmpf ogt, %div3A_12, %gt3A_13 : vector<1000x256xf32>
    %min3A = arith.constant 0.000000e+00 : f32
    %min3A_15 = vector.broadcast %min3A : f32 to vector<1000x256xf32>
    %min3A_16 = arith.minimumf %div3A_12, %min3A_15 : vector<1000x256xf32>
    %exp3A = math.exp %min3A_16 : vector<1000x256xf32>
    %sub3A = arith.constant 1.000000e+00 : f32
    %sub3A_17 = vector.broadcast %sub3A : f32 to vector<1000x256xf32>
    %sub3A_18 = arith.subf %exp3A, %sub3A_17 : vector<1000x256xf32>
    %select_n3A = arith.select %gt3A_14, %div3A_12, %sub3A_18 : vector<1000x256xi1>, vector<1000x256xf32>
    %get3A_19 = arith.constant 0 : index
    %get3A_20 = arith.constant 0 : index
    %get3A_21 = vector.load %arg4[%get3A_19, %get3A_20] : memref<256x512xf32, #tpu.memory_space<vmem>>, vector<256x512xf32>
    %dot_general3A_22 = arith.constant dense<0.000000e+00> : vector<1000x512xf32>
    %dot_general3A_23 = tpu.matmul %select_n3A, %get3A_21, %dot_general3A_22 {dimension_numbers = #tpu.dot_dimension_numbers<[1], [0], [0], [1], [0, 0, 1, 1], [], []>, transpose_lhs_hint = false} : vector<1000x256xf32>, vector<256x512xf32>, vector<1000x512xf32> -> vector<1000x512xf32>
    %swap3A = arith.constant 0 : index
    %swap3A_24 = arith.constant 0 : index
    %swap3A_25 = vector.load %arg5[%swap3A, %swap3A_24] : memref<1000x512xf32, #tpu.memory_space<vmem>>, vector<1000x512xf32>
    tpu.vector_store %arg5[%swap3A, %swap3A_24], %dot_general3A_23 {strides = array<i32>} : memref<1000x512xf32, #tpu.memory_space<vmem>>, vector<1000x512xf32>,
    return
  }
  func.func @transform_0(%arg0: i32) -> (i32, i32) {
    %c0_i32 = arith.constant 0 : i32
    %c0_i32_0 = arith.constant 0 : i32
    return %arg0, %c0_i32 : i32, i32
  }
  func.func @transform_1(%arg0: i32) -> (i32, i32) {
    %add3A = arith.constant 10 : i32
    %add3A_0 = arith.addi %arg0, %add3A : i32
    %c0_i32 = arith.constant 0 : i32
    %c0_i32_1 = arith.constant 0 : i32
    return %add3A_0, %c0_i32 : i32, i32
  }
  func.func @transform_2(%arg0: i32) -> (i32, i32) {
    %c0_i32 = arith.constant 0 : i32
    %c0_i32_0 = arith.constant 0 : i32
    return %arg0, %c0_i32 : i32, i32
  }
  func.func @transform_3(%arg0: i32) -> (i32, i32) {
    %c0_i32 = arith.constant 0 : i32
    %c0_i32_0 = arith.constant 0 : i32
    %c0_i32_1 = arith.constant 0 : i32
    return %c0_i32, %c0_i32_0 : i32, i32
  }
  func.func @transform_4(%arg0: i32) -> (i32, i32) {
    %c0_i32 = arith.constant 0 : i32
    %c0_i32_0 = arith.constant 0 : i32
    return %arg0, %c0_i32 : i32, i32
  }
}

</mosaic_0001>

<sc_bundles>
// kernel: kernel.11.cloned.1.call-start
scs
__scs_entry_jumppad:
0x0: {  	(pc) =	sbr.rel $0x88, $3  }
0x1: {  	(tag) =	ssettag $0x0;
	lr =	simm.s32 $0x1  }
0x2: {  	[smem:$0x3F9A] =	sst lr;
	_ =	strace $0xD0000000  }
0x3: {  	_ = 	snop  }
0x4: {  	_ = 	snop  }
0x5: {  	_ = 	snop  }
0x6: {  	_ = 	snop  }
0x7: {  	_ = 	snop  }
__scs_overlays_trampoline_lowered:
0x8: {  	[smem:$0x3FA9] =	sst s0  }
0x9: {  	[smem:$0x3FAA] =	sst s1  }
0xa: {  	[smem:$0x3FAB] =	sst s2  }
0xb: {  	[smem:$0x3FAC] =	sst s3  }
0xc: {  	[smem:$0x3FAD] =	sst s4  }
0xd: {  	[smem:$0x3FAE] =	sst s5  }
0xe: {  	[smem:$0x3FAF] =	sst s6  }
0xf: {  	[smem:$0x3FB0] =	sst s7  }
0x10: {  	[smem:$0x3FB1] =	sst s8  }
0x11: {  	[smem:$0x3FB2] =	sst s9;
	s0 =	simm.s32 @!p0 $0x0  }
0x12: {  	s1 =	sld [smem:$0x3F98];
	s0 =	simm.s32 @p0 $0x1  }
0x13: {  	[smem:$0x3FB3] =	sst s0;
	s0 =	simm.s32 @!p1 $0x0  }
0x14: {  	s2 =	sld [smem:$0x3F97];
	s0 =	simm.s32 @p1 $0x1  }
0x15: {  	[smem:$0x3FB4] =	sst s0;
	s0 =	simm.s32 @!p2 $0x0  }
0x16: {  	s3 =	sld [smem:$0x3FDB];
	s0 =	simm.s32 @p2 $0x1  }
0x17: {  	s4 =	simm.s32 $0x1BF5;
	[smem:$0x3FB6] =	sst s0  }
0x18: {  	s0 =	sld [smem:$0x3F99];
	_ =	swait.ge [sflag:s4], $0x0  }
0x19: {  	s7 =	sld [smem:$0x3F9A]  }
0x1a: {  	s8 =	sadd.s32 $0xFFFFE003, lr  }
0x1b: {  	s9 =	sadd.s32 $0xFFFFFEF7, lr;
	s5 =	simm.s32 $0xFFFFFFFF;
	p2 =	slt.u32 s8, $0xFFFFF086  }
0x1c: {  	p1 =	slt.u32 s9, $0xF7A;
	s5 =	simm.s32 @!p2 $0x0  }
0x1d: {  	s5 =	simm.s32 @p1 $0x1;
	p0 =	seq.s32 s7, s2  }
0x1e: {  	s7 =	smul.u32 @!p0 $0xF7A, s2;
	p2 =	seq.s32 @!p0 s5, $0x0  }
0x1f: {  	s9 =	smul.u32 $0xF7A, s1;
	s8 =	simm.s32 @!p0 $0x1BF5;
	p2 =	por !p2, p0  }
0x20: {  	[sflag:s8] =	ssyncset.s32 @!p0 $0xFFFFF086;
	s6 =	sadd.s32 @!p0 s3, s7;
	s7 =	simm.s32 @!p0 $0x108  }
0x21: {  	s3 =	sadd.s32 s3, s9;
	s6 =	sadd.s32 @!p0 $0x88, s6;
	s7 =	simm.s32 @p2 $0x1082  }
0x22: {  	[simem:s7], [sflag:s8] =	dma.local @!p0 [hbm:s6], $0xF7A  }
0x23: {  	s9 =	sor.u32 $0xD0000000, s2;
	s6 =	simm.s32 $0x108;
	_ =	swait.ge @!p0 [sflag:s8], $0x0  }
0x24: {  	s3 =	sadd.s32 $0x88, s3;
	s6 =	simm.s32 @!p1 $0x1082;
	[sflag:s4] =	ssyncset.s32 $0xFFFFF086  }
0x25: {  	[simem:s6], [sflag:s4] =	dma.local [hbm:s3], $0xF7A  }
0x26: {  	[smem:$0x3F9A] =	sst s1;
	(tag) =	ssettag s2;
	_ =	strace s9  }
0x27: {  	s1 =	sld [smem:$0x3FAA]  }
0x28: {  	s2 =	sld [smem:$0x3FAB]  }
0x29: {  	s4 =	sld [smem:$0x3FAD]  }
0x2a: {  	p0 =	seq.s32 s5, $0x0;
	s5 =	sld [smem:$0x3FAE]  }
0x2b: {  	s6 =	sld [smem:$0x3FAF]  }
0x2c: {  	s7 =	sld [smem:$0x3FB0]  }
0x2d: {  	s3 =	simm.s32 $0x108;
	s8 =	sld [smem:$0x3FB1]  }
0x2e: {  	s3 =	simm.s32 @!p0 $0x1082;
	s9 =	sld [smem:$0x3FB2]  }
0x2f: {  	lr =	sadd.s32 s0, s3;
	s0 =	sld [smem:$0x3FA9]  }
0x30: {  	s3 =	sld [smem:$0x3FAC]  }
0x31: {  	[smem:$0x3FB5] =	sst s10  }
0x32: {  	s10 =	sld [smem:$0x3FB3];
	_ =	sdelay $0x3  }
0x33: {  	p0 =	seq.s32 s10, $0x1;
	s10 =	sld [smem:$0x3FB5];
	_ =	sdelay $0x3  }
0x34: {  	[smem:$0x3FB5] =	sst s10  }
0x35: {  	s10 =	sld [smem:$0x3FB4];
	_ =	sdelay $0x3  }
0x36: {  	p1 =	seq.s32 s10, $0x1;
	s10 =	sld [smem:$0x3FB5];
	_ =	sdelay $0x3  }
0x37: {  	[smem:$0x3FB5] =	sst s10  }
0x38: {  	s10 =	sld [smem:$0x3FB6]  }
0x39: {  	_ = 	snop;
	(pc) =	sbr.ind lr, $3  }
0x3a: {  	_ = 	snop  }
0x3b: {  	_ = 	snop  }
0x3c: {  	p2 =	seq.s32 s10, $0x1;
	s10 =	sld [smem:$0x3FB5]  }
0x3d: {  	_ =	shalt  }
0x3e: {  	_ =	shalt  }
0x3f: {  	_ =	shalt  }
0x40: {  	_ =	shalt  }
0x41: {  	_ =	shalt  }
0x42: {  	_ =	shalt  }
0x43: {  	_ =	shalt  }
0x44: {  	_ =	shalt  }
0x45: {  	_ =	shalt  }
0x46: {  	_ =	shalt  }
0x47: {  	_ =	shalt  }
0x48: {  	_ =	shalt  }
0x49: {  	_ =	shalt  }
0x4a: {  	_ =	shalt  }
0x4b: {  	_ =	shalt  }
0x4c: {  	_ =	shalt  }
0x4d: {  	_ =	shalt  }
0x4e: {  	_ =	shalt  }
0x4f: {  	_ =	shalt  }
0x50: {  	_ =	shalt  }
0x51: {  	_ =	shalt  }
0x52: {  	_ =	shalt  }
0x53: {  	_ =	shalt  }
0x54: {  	_ =	shalt  }
0x55: {  	_ =	shalt  }
0x56: {  	_ =	shalt  }
0x57: {  	_ =	shalt  }
0x58: {  	_ =	shalt  }
0x59: {  	_ =	shalt  }
0x5a: {  	_ =	shalt  }
0x5b: {  	_ =	shalt  }
0x5c: {  	_ =	shalt  }
0x5d: {  	_ =	shalt  }
0x5e: {  	_ =	shalt  }
0x5f: {  	_ =	shalt  }
0x60: {  	_ =	shalt  }
0x61: {  	_ =	shalt  }
0x62: {  	_ =	shalt  }
0x63: {  	_ =	shalt  }
0x64: {  	_ =	shalt  }
0x65: {  	_ =	shalt  }
0x66: {  	_ =	shalt  }
0x67: {  	_ =	shalt  }
0x68: {  	_ =	shalt  }
0x69: {  	_ =	shalt  }
0x6a: {  	_ =	shalt  }
0x6b: {  	_ =	shalt  }
0x6c: {  	_ =	shalt  }
0x6d: {  	_ =	shalt  }
0x6e: {  	_ =	shalt  }
0x6f: {  	_ =	shalt  }
0x70: {  	_ =	shalt  }
0x71: {  	_ =	shalt  }
0x72: {  	_ =	shalt  }
0x73: {  	_ =	shalt  }
0x74: {  	_ =	shalt  }
0x75: {  	_ =	shalt  }
0x76: {  	_ =	shalt  }
0x77: {  	_ =	shalt  }
0x78: {  	_ =	shalt  }
0x79: {  	_ =	shalt  }
0x7a: {  	_ =	shalt  }
0x7b: {  	_ =	shalt  }
0x7c: {  	_ =	shalt  }
0x7d: {  	_ =	shalt  }
0x7e: {  	_ =	shalt  }
0x7f: {  	_ =	shalt  }
0x80: {  	_ =	shalt  }
0x81: {  	_ =	shalt  }
0x82: {  	_ =	shalt  }
0x83: {  	_ =	shalt  }
0x84: {  	_ =	shalt  }
0x85: {  	_ =	shalt  }
0x86: {  	_ =	shalt  }
0x87: {  	_ =	shalt  }
.Lfunc_end0:
.L_simem_size_0:
called_computation.1_lowered:
.L_overlay_start_0:
0x88: {  	s2 =	sld [smem:$0x3FD9]  }
0x89: {  	s3 =	sld [smem:$0x3FFE];
	_ =	sdelay $0x1  }
0x8a: {  	s1 =	srdreg.scid  }
0x8b: {  	s0 =	sand.u32 $0x1, s1  }
0x8c: {  	s14 =	sshll.u32 s0, $0xA;
	s2 =	sadd.s32 s3, s2  }
0x8d: {  	s2 =	sadd.s32 s2, s14  }
0x8e: {  	[smem:$0x3FC1] =	sst s2  }
0x8f: {  	_ = 	snop  }
0x90: {  	s2 =	sld [smem:$0x3FD0];
	_ =	sdelay $0x2  }
0x91: {  	s15 =	simm.s32 $0xA;
	s4 =	simm.s32 $0x10  }
0x92: {  	[smem:s4], [sflag:s15] =	dma.local [hbm:s2], $0x1  }
0x93: {  	_ =	swait.eq [sflag:s15], $0x1  }
0x94: {  	[sflag:s15] =	ssyncset.done $0x0  }
0x95: {  	[sflag:s15] =	ssyncadd.s32 $0xFFFFFFFF  }
0x96: {  	s16 =	sld [smem:$0x11];
	(tm) =	ssettm $0x1  }
0x97: {  	s17 =	sld [smem:$0x3FFB];
	_ =	sdelay $0x3  }
0x98: {  	_ =	strace s17  }
0x99: {  	s3 =	sld [smem:$0x3FFC];
	_ =	sdelay $0x3  }
0x9a: {  	_ =	strace s3  }
0x9b: {  	s3 =	sld [smem:$0x3FFD];
	_ =	sdelay $0x3  }
0x9c: {  	_ =	strace s3  }
0x9d: {  	_ =	strace $0x8FFFFFFF  }
0x9e: {  	s18 =	sld [smem:$0x3FDB];
	_ =	sdelay $0x1  }
0x9f: {  	s19 =	simm.s32 $_scs_section_size  }
0xa0: {  	s5 =	simm.s32 $_size__tile_overlayer_lowered;
	s6 =	simm.s32 $_tile_overlayer_lowered  }
0xa1: {  	s22 =	simm.s32 $0x1BFF;
	s21 =	sshll.u32 s6, $0x1;
	s3 =	sadd.s32 s19, s18  }
0xa2: {  	s7 =	simm.s32 $0x0;
	s20 =	sshll.u32 s5, $0x1;
	s5 =	sadd.s32 s21, s3  }
0xa3: {  	[timem:s7], [sflag:s22] =	dma.local [hbm:s5], s20  }
0xa4: {  	_ =	swait.ge [sflag:s22], s20  }
0xa5: {  	s4 =	ssub.s32 $0x0, s20;
	[sflag:s22] =	ssyncset.done $0x0  }
0xa6: {  	[sflag:s22] =	ssyncadd.s32 s4;
	_ =	sdelay $0x1  }
0xa7: {  	s23 =	simm.s32 $0x1B8B  }
0xa8: {  	_ =	swait.ge [sflag:s23], $0x1  }
0xa9: {  	[sflag:s23] =	ssyncset.done $0x0  }
0xaa: {  	s25 =	simm.s32 $0x1B8E;
	s24 =	sld [smem:$0x3FFE];
	[sflag:s23] =	ssyncadd.s32 $0xFFFFFFFF  }
0xab: {  	s26 =	simm.s32 $execute0_lowered;
	[smem:$0x3FD2] =	sst s25  }
0xac: {  	s5 =	sshll.u32 s26, $0x1;
	_ =	strace $0x80000049;
	[dreg:$0x1] =	wrdreg $0xFFFFFFFF  }
0xad: {  	s28 =	simm.s32 $_size_execute0_lowered;
	s3 =	sadd.s32 s3, s5;
	[dreg:$0x0] =	wrdreg $0x0  }
0xae: {  	s5 =	sshll.u32 s28, $0x1;
	[dreg:$0x2] =	wrdreg s3  }
0xaf: {  	[dreg:$0x3] =	wrdreg s5  }
0xb0: {  	[dreg:$0x4] =	wrdreg $0xC0  }
0xb1: {  	_ =	task [dreg:s7], $0x5FFFF  }
0xb2: {  	[dreg:$0x1] =	wrdreg $0xFFFFFFFF  }
0xb3: {  	[dreg:$0x0] =	wrdreg $0x60  }
0xb4: {  	[dreg:$0x2] =	wrdreg s16  }
0xb5: {  	[dreg:$0x3] =	wrdreg s24  }
0xb6: {  	[dreg:$0x4] =	wrdreg $0x0  }
0xb7: {  	[dreg:$0x5] =	wrdreg $0x9  }
0xb8: {  	_ =	task.clear_ibuf [dreg:s7], $0x6FFFF;
	_ =	strace $0x90000049  }
0xb9: {  	s29 =	simm.s32 $0x9;
	_ =	strace $0x8000004B  }
0xba: {  	_ =	swait.ge [sflag:s29], $0x1  }
0xbb: {  	[sflag:s29] =	ssyncadd.s32 $0xFFFFFFFF  }
0xbc: {  	_ =	strace $0x9000004B  }
0xbd: {  	_ =	sfence  }
0xbe: {  	s30 =	sld [smem:$0x0];
	_ =	sdelay $0x2  }
0xbf: {  	s31 =	sshll.u32 s1, $0xD;
	s1 =	sshrl.u32 s1, $0x2  }
0xc0: {  	s3 =	sand.u32 $0x4000, s31;
	s1 =	sadd.s32 s1, s30  }
0xc1: {  	s0 =	sor.u32 s3, s0;
	s1 =	sshll.u32 s1, $0x11  }
0xc2: {  	s0 =	sor.u32 s1, s0  }
0xc3: {  	s0 =	sadd.s32 $0x8F2B, s0  }
0xc4: {  	[sflag:s0] =	ssyncadd.remote.s32 $0x1  }
0xc5: {  	_ =	sfence.sel $0xFFFF  }
0xc6: {  	[dreg:$0x0] =	wrdreg $0xFFFFFFFF;
	(pc) =	sbr.abs _section_cstart, $3  }
0xc7: {  	[dreg:$0x1] =	wrdreg $0xFFFFFFFF  }
0xc8: {  	_ =	task.clear_ibuf [dreg:s7], $0x2FFFF;
	_ =	strace $0x9FFFFFFF  }
0xc9: {  	(tm) =	ssettm $0x7FFFFFFF  }
tec
execute0_lowered:
.L_overlay_start_1:
0x0: {  	(tag) =	ssettag $0x1  }
0x1: {  	s3 =	srdreg.scid  }
0x2: {  	s1 =	rddreg [dreg:$0x0];
	s10 =	sand.u32 $0x1, s3  }
0x3: {  	s3 =	stileid.u32;
	s9 =	smul.u32 $0x27100, s10  }
0x4: {  	s0 =	rddreg [dreg:$0x1];
	s11 =	smul.u32 $0x3E80, s3  }
0x5: {  	s2 =	rddreg [dreg:$0x2];
	s12 =	smul.u32 $0x7D000, s3  }
0x6: {  	s4 =	simm.s32 $0x0;
	s5 =	sadd.s32 $0xAA00, s0;
	s6 =	sadd.s32 $0xC00, s0  }
0x7: {  	s7 =	sadd.s32 $0x14800, s0;
	s9 =	sadd.s32 s11, s9;
	s12 =	sshrl.u32 s12, $0x2  }
0x8: {  	s8 =	sadd.s32 $0x14E00, s0;
	s0 =	sadd.s32 s9, s0;
	s9 =	sadd.s32 s12, s2  }
0x9: {  	[smem:$0x7FF] =	sst s4;
	s12 =	sadd.s32 $0x1400, s9  }
0xa: {  	_ =	strace $0x8000004A;
	s28 =	sadd.s32 $0x2800, s9;
	[dreg:$0x4] =	wrdreg s12  }
0xb: {  	s29 =	sadd.s32 $0x3C00, s9;
	[dreg:$0x5] =	wrdreg s28  }
0xc: {  	s13 =	ssub.s32 $0x2, s10;
	s30 =	sadd.s32 $0x5000, s9;
	[dreg:$0x6] =	wrdreg s29  }
0xd: {  	s26 =	sshrl.u32 s13, $0x1;
	s31 =	sadd.s32 $0x6400, s9;
	[dreg:$0x7] =	wrdreg s30  }
0xe: {  	s11 =	ssub.s32 s13, s26;
	s13 =	sadd.s32 $0x7800, s9;
	[dreg:$0x8] =	wrdreg s31  }
0xf: {  	s14 =	sadd.s32 $0x8C00, s9;
	[dreg:$0x9] =	wrdreg s13  }
0x10: {  	s15 =	sadd.s32 $0xA000, s9;
	[dreg:$0xa] =	wrdreg s14  }
0x11: {  	s16 =	sadd.s32 $0xB400, s9;
	[dreg:$0xb] =	wrdreg s15  }
0x12: {  	s22 =	smul.u32 $0x2710, s10;
	s17 =	sadd.s32 $0xC800, s9;
	[dreg:$0xc] =	wrdreg s16  }
0x13: {  	p0 =	sgt.u32 s3, $0x9;
	s18 =	sadd.s32 $0xDC00, s9;
	[dreg:$0xd] =	wrdreg s17  }
0x14: {  	v0 =	vmov s22;
	s22 =	simm.s32 $0x18880;
	s19 =	sadd.s32 $0xF000, s9;
	[dreg:$0xe] =	wrdreg s18  }
0x15: {  	s24 =	smax.u32 s11, $0x1;
	s20 =	sadd.s32 $0x10400, s9;
	[dreg:$0xf] =	wrdreg s19  }
0x16: {  	s23 =	sadd.s32 $0x15400, s0;
	s21 =	sadd.s32 $0x11800, s9;
	[dreg:$0x10] =	wrdreg s20  }
0x17: {  	s25 =	sadd.s32 $0x12C00, s9;
	s26 =	sadd.s32 $0x14000, s9;
	[dreg:$0x11] =	wrdreg s21  }
0x18: {  	s10 =	sadd.s32 $0x1A400, s9;
	s11 =	sadd.s32 $0x1B800, s9;
	[dreg:$0x12] =	wrdreg s25  }
0x19: {  	[dreg:$0x13] =	wrdreg s26;
	s28 =	sadd.s32 $0x15400, s9;
	s29 =	sadd.s32 $0x16800, s9  }
0x1a: {  	s30 =	sadd.s32 $0x17C00, s9;
	s31 =	sadd.s32 $0x19000, s9;
	s12 =	sadd.s32 $0x1CC00, s9  }
0x1b: {  	s13 =	sadd.s32 $0x1E000, s9;
	s14 =	smul.u32 $0x4E20, s3;
	s15 =	simm.s32 $0x1B180  }
0x1c: {  	s16 =	simm.s32 $0x2;
	s17 =	simm.s32 $0x13880;
	[dreg:$0x14] =	wrdreg s28  }
0x1d: {  	s18 =	simm.s32 $0x16000;
	s19 =	simm.s32 $0x18780;
	[dreg:$0x15] =	wrdreg s29  }
0x1e: {  	s20 =	simm.s32 $0x18800;
	s21 =	simm.s32 $0x50;
	[dreg:$0x16] =	wrdreg s30  }
0x1f: {  	v1 =	vimm.f32 $0.0e+00;
	s25 =	simm.s32 $0x18900;
	s26 =	simm.s32 $0x1;
	[dreg:$0x17] =	wrdreg s31  }
.LBB2_1:
0x20: {  	s28 =	simm.s32 $0x0;
	s29 =	simm.s32 $0x200  }
.LBB2_2:
0x21: {  	p1 =	sne.s32 s29, $0x4E00;
	[tilespmem:s28+$0x1B1F0] =	vst v1  }
0x22: {  	[tilespmem:s28+$0x1B180] =	vst v1  }
0x23: {  	[tilespmem:s28+$0x1B190] =	vst v1  }
.Ltmp0:
0x24: {  	[tilespmem:s28+$0x1B1A0] =	vst v1;
	(pc) =	sbr.rel @p1 .LBB2_2-.Ltmp0, $4  }
0x25: {  	[tilespmem:s28+$0x1B1B0] =	vst v1  }
0x26: {  	[tilespmem:s28+$0x1B1C0] =	vst v1  }
0x27: {  	[tilespmem:s28+$0x1B1D0] =	vst v1  }
0x28: {  	[tilespmem:s28+$0x1B1E0] =	vst v1;
	s28 =	sshra.s32 s29, $0x2;
	s29 =	sadd.s32 $0x200, s29  }
0x29: {  	[tilespmem:s28+$0x1B1F0] =	vst v1  }
0x2a: {  	[tilespmem:s28+$0x1B180] =	vst v1  }
0x2b: {  	[tilespmem:s28+$0x1B190] =	vst v1  }
.Ltmp1:
0x2c: {  	[tilespmem:s28+$0x1B1A0] =	vst v1;
	(pc) =	sbr.rel @p0 .LBB2_5-.Ltmp1, $4  }
0x2d: {  	[tilespmem:s28+$0x1B1B0] =	vst v1  }
0x2e: {  	[tilespmem:s28+$0x1B1C0] =	vst v1  }
0x2f: {  	[tilespmem:s28+$0x1B1D0] =	vst v1  }
0x30: {  	[tilespmem:s28+$0x1B1E0] =	vst v1  }
0x31: {  	[spmem:s9] =	stream.linear.scatter [tilespmem:s15], [sflag:$0x2], $0x1400, $0x38;
	[tilespmem:$0x1C580] =	vst v63  }
0x32: {  	_ =	swait.ge [sflag:s16], $0x1400  }
0x33: {  	[sflag:s16] =	ssyncset.done $0x0  }
0x34: {  	s0 =	rddreg [dreg:$0x4];
	[sflag:s16] =	ssyncadd.s32 $0xFFFFEC00  }
0x35: {  	[spmem:s0] =	stream.linear.scatter [tilespmem:s15], [sflag:$0x2], $0x1400, $0x38;
	[tilespmem:$0x1C580] =	vst v63  }
0x36: {  	_ =	swait.ge [sflag:s16], $0x1400  }
0x37: {  	[sflag:s16] =	ssyncset.done $0x0  }
0x38: {  	s29 =	rddreg [dreg:$0x5];
	[sflag:s16] =	ssyncadd.s32 $0xFFFFEC00  }
0x39: {  	[spmem:s29] =	stream.linear.scatter [tilespmem:s15], [sflag:$0x2], $0x1400, $0x38;
	[tilespmem:$0x1C580] =	vst v63  }
0x3a: {  	_ =	swait.ge [sflag:s16], $0x1400  }
0x3b: {  	[sflag:s16] =	ssyncset.done $0x0  }
0x3c: {  	s30 =	rddreg [dreg:$0x6];
	[sflag:s16] =	ssyncadd.s32 $0xFFFFEC00  }
0x3d: {  	[spmem:s30] =	stream.linear.scatter [tilespmem:s15], [sflag:$0x2], $0x1400, $0x38;
	[tilespmem:$0x1C580] =	vst v63  }
0x3e: {  	_ =	swait.ge [sflag:s16], $0x1400  }
0x3f: {  	[sflag:s16] =	ssyncset.done $0x0  }
0x40: {  	s31 =	rddreg [dreg:$0x7];
	[sflag:s16] =	ssyncadd.s32 $0xFFFFEC00  }
0x41: {  	[spmem:s31] =	stream.linear.scatter [tilespmem:s15], [sflag:$0x2], $0x1400, $0x38;
	[tilespmem:$0x1C580] =	vst v63  }
0x42: {  	_ =	swait.ge [sflag:s16], $0x1400  }
0x43: {  	[sflag:s16] =	ssyncset.done $0x0  }
0x44: {  	s28 =	rddreg [dreg:$0x8];
	[sflag:s16] =	ssyncadd.s32 $0xFFFFEC00  }
0x45: {  	[spmem:s28] =	stream.linear.scatter [tilespmem:s15], [sflag:$0x2], $0x1400, $0x38;
	[tilespmem:$0x1C580] =	vst v63  }
0x46: {  	_ =	swait.ge [sflag:s16], $0x1400  }
0x47: {  	[sflag:s16] =	ssyncset.done $0x0  }
0x48: {  	s29 =	rddreg [dreg:$0x9];
	[sflag:s16] =	ssyncadd.s32 $0xFFFFEC00  }
0x49: {  	[spmem:s29] =	stream.linear.scatter [tilespmem:s15], [sflag:$0x2], $0x1400, $0x38;
	[tilespmem:$0x1C580] =	vst v63  }
0x4a: {  	_ =	swait.ge [sflag:s16], $0x1400  }
0x4b: {  	[sflag:s16] =	ssyncset.done $0x0  }
0x4c: {  	s30 =	rddreg [dreg:$0xa];
	[sflag:s16] =	ssyncadd.s32 $0xFFFFEC00  }
0x4d: {  	[spmem:s30] =	stream.linear.scatter [tilespmem:s15], [sflag:$0x2], $0x1400, $0x38;
	[tilespmem:$0x1C580] =	vst v63  }
0x4e: {  	_ =	swait.ge [sflag:s16], $0x1400  }
0x4f: {  	[sflag:s16] =	ssyncset.done $0x0  }
0x50: {  	s31 =	rddreg [dreg:$0xb];
	[sflag:s16] =	ssyncadd.s32 $0xFFFFEC00  }
0x51: {  	[spmem:s31] =	stream.linear.scatter [tilespmem:s15], [sflag:$0x2], $0x1400, $0x38;
	[tilespmem:$0x1C580] =	vst v63  }
0x52: {  	_ =	swait.ge [sflag:s16], $0x1400  }
0x53: {  	[sflag:s16] =	ssyncset.done $0x0  }
0x54: {  	s28 =	rddreg [dreg:$0xc];
	[sflag:s16] =	ssyncadd.s32 $0xFFFFEC00  }
0x55: {  	[spmem:s28] =	stream.linear.scatter [tilespmem:s15], [sflag:$0x2], $0x1400, $0x38;
	[tilespmem:$0x1C580] =	vst v63  }
0x56: {  	_ =	swait.ge [sflag:s16], $0x1400  }
0x57: {  	[sflag:s16] =	ssyncset.done $0x0  }
0x58: {  	s29 =	rddreg [dreg:$0xd];
	[sflag:s16] =	ssyncadd.s32 $0xFFFFEC00  }
0x59: {  	[spmem:s29] =	stream.linear.scatter [tilespmem:s15], [sflag:$0x2], $0x1400, $0x38;
	[tilespmem:$0x1C580] =	vst v63  }
0x5a: {  	_ =	swait.ge [sflag:s16], $0x1400  }
0x5b: {  	[sflag:s16] =	ssyncset.done $0x0  }
0x5c: {  	s30 =	rddreg [dreg:$0xe];
	[sflag:s16] =	ssyncadd.s32 $0xFFFFEC00  }
0x5d: {  	[spmem:s30] =	stream.linear.scatter [tilespmem:s15], [sflag:$0x2], $0x1400, $0x38;
	[tilespmem:$0x1C580] =	vst v63  }
0x5e: {  	_ =	swait.ge [sflag:s16], $0x1400  }
0x5f: {  	[sflag:s16] =	ssyncset.done $0x0  }
0x60: {  	s31 =	rddreg [dreg:$0xf];
	[sflag:s16] =	ssyncadd.s32 $0xFFFFEC00  }
0x61: {  	[spmem:s31] =	stream.linear.scatter [tilespmem:s15], [sflag:$0x2], $0x1400, $0x38;
	[tilespmem:$0x1C580] =	vst v63  }
0x62: {  	_ =	swait.ge [sflag:s16], $0x1400  }
0x63: {  	[sflag:s16] =	ssyncset.done $0x0  }
0x64: {  	s28 =	rddreg [dreg:$0x10];
	[sflag:s16] =	ssyncadd.s32 $0xFFFFEC00  }
0x65: {  	[spmem:s28] =	stream.linear.scatter [tilespmem:s15], [sflag:$0x2], $0x1400, $0x38;
	[tilespmem:$0x1C580] =	vst v63  }
0x66: {  	_ =	swait.ge [sflag:s16], $0x1400  }
0x67: {  	[sflag:s16] =	ssyncset.done $0x0  }
0x68: {  	s29 =	rddreg [dreg:$0x11];
	[sflag:s16] =	ssyncadd.s32 $0xFFFFEC00  }
0x69: {  	[spmem:s29] =	stream.linear.scatter [tilespmem:s15], [sflag:$0x2], $0x1400, $0x38;
	[tilespmem:$0x1C580] =	vst v63  }
0x6a: {  	_ =	swait.ge [sflag:s16], $0x1400  }
0x6b: {  	[sflag:s16] =	ssyncset.done $0x0  }
0x6c: {  	s30 =	rddreg [dreg:$0x12];
	[sflag:s16] =	ssyncadd.s32 $0xFFFFEC00  }
0x6d: {  	[spmem:s30] =	stream.linear.scatter [tilespmem:s15], [sflag:$0x2], $0x1400, $0x38;
	[tilespmem:$0x1C580] =	vst v63  }
0x6e: {  	_ =	swait.ge [sflag:s16], $0x1400  }
0x6f: {  	[sflag:s16] =	ssyncset.done $0x0  }
0x70: {  	s31 =	rddreg [dreg:$0x13];
	[sflag:s16] =	ssyncadd.s32 $0xFFFFEC00  }
0x71: {  	[spmem:s31] =	stream.linear.scatter [tilespmem:s15], [sflag:$0x2], $0x1400, $0x38;
	[tilespmem:$0x1C580] =	vst v63  }
0x72: {  	_ =	swait.ge [sflag:s16], $0x1400  }
0x73: {  	[sflag:s16] =	ssyncset.done $0x0  }
0x74: {  	s28 =	rddreg [dreg:$0x14];
	[sflag:s16] =	ssyncadd.s32 $0xFFFFEC00  }
0x75: {  	[spmem:s28] =	stream.linear.scatter [tilespmem:s15], [sflag:$0x2], $0x1400, $0x38;
	[tilespmem:$0x1C580] =	vst v63  }
0x76: {  	_ =	swait.ge [sflag:s16], $0x1400  }
0x77: {  	[sflag:s16] =	ssyncset.done $0x0  }
0x78: {  	s29 =	rddreg [dreg:$0x15];
	[sflag:s16] =	ssyncadd.s32 $0xFFFFEC00  }
0x79: {  	[spmem:s29] =	stream.linear.scatter [tilespmem:s15], [sflag:$0x2], $0x1400, $0x38;
	[tilespmem:$0x1C580] =	vst v63  }
0x7a: {  	_ =	swait.ge [sflag:s16], $0x1400  }
0x7b: {  	[sflag:s16] =	ssyncset.done $0x0  }
0x7c: {  	s30 =	rddreg [dreg:$0x16];
	[sflag:s16] =	ssyncadd.s32 $0xFFFFEC00  }
0x7d: {  	[spmem:s30] =	stream.linear.scatter [tilespmem:s15], [sflag:$0x2], $0x1400, $0x38;
	[tilespmem:$0x1C580] =	vst v63  }
0x7e: {  	_ =	swait.ge [sflag:s16], $0x1400  }
0x7f: {  	[sflag:s16] =	ssyncset.done $0x0  }
0x80: {  	s31 =	rddreg [dreg:$0x17];
	[sflag:s16] =	ssyncadd.s32 $0xFFFFEC00  }
0x81: {  	[spmem:s31] =	stream.linear.scatter [tilespmem:s15], [sflag:$0x2], $0x1400, $0x38;
	[tilespmem:$0x1C580] =	vst v63  }
0x82: {  	_ =	swait.ge [sflag:s16], $0x1400  }
0x83: {  	[sflag:s16] =	ssyncset.done $0x0  }
0x84: {  	[sflag:s16] =	ssyncadd.s32 $0xFFFFEC00  }
0x85: {  	[spmem:s10] =	stream.linear.scatter [tilespmem:s15], [sflag:$0x2], $0x1400, $0x38;
	[tilespmem:$0x1C580] =	vst v63  }
0x86: {  	_ =	swait.ge [sflag:s16], $0x1400  }
0x87: {  	[sflag:s16] =	ssyncset.done $0x0  }
0x88: {  	[sflag:s16] =	ssyncadd.s32 $0xFFFFEC00  }
0x89: {  	[spmem:s11] =	stream.linear.scatter [tilespmem:s15], [sflag:$0x2], $0x1400, $0x38;
	[tilespmem:$0x1C580] =	vst v63  }
0x8a: {  	_ =	swait.ge [sflag:s16], $0x1400  }
0x8b: {  	[sflag:s16] =	ssyncset.done $0x0  }
0x8c: {  	[sflag:s16] =	ssyncadd.s32 $0xFFFFEC00  }
0x8d: {  	[spmem:s12] =	stream.linear.scatter [tilespmem:s15], [sflag:$0x2], $0x1400, $0x38;
	[tilespmem:$0x1C580] =	vst v63  }
0x8e: {  	_ =	swait.ge [sflag:s16], $0x1400  }
0x8f: {  	[sflag:s16] =	ssyncset.done $0x0  }
0x90: {  	[sflag:s16] =	ssyncadd.s32 $0xFFFFEC00  }
0x91: {  	[spmem:s13] =	stream.linear.scatter [tilespmem:s15], [sflag:$0x2], $0x1400, $0x38;
	[tilespmem:$0x1C580] =	vst v63  }
0x92: {  	_ =	swait.ge [sflag:s16], $0x1400  }
0x93: {  	[sflag:s16] =	ssyncset.done $0x0  }
0x94: {  	[sflag:s16] =	ssyncadd.s32 $0xFFFFEC00  }
.LBB2_5:
0x95: {  	s28 =	simm.s32 $0x0  }
0x96: {  	[tilespmem:s17], [sflag:$0x2] =	stream.linear.gather [hbm4b:s7+s28], $0x2780, $0x38;
	[tilespmem:$0x1C580] =	vst v63  }
0x97: {  	_ =	swait.ge [sflag:s16], $0x2780  }
0x98: {  	[sflag:s16] =	ssyncset.done $0x0  }
0x99: {  	[sflag:s16] =	ssyncadd.s32 $0xFFFFD880  }
0x9a: {  	[tilespmem:s18], [sflag:$0x2] =	stream.linear.gather [hbm4b:s8+s28], $0x2780, $0x38;
	[tilespmem:$0x1C580] =	vst v63  }
0x9b: {  	_ =	swait.ge [sflag:s16], $0x2780  }
0x9c: {  	[sflag:s16] =	ssyncset.done $0x0  }
0x9d: {  	[sflag:s16] =	ssyncadd.s32 $0xFFFFD880  }
0x9e: {  	s29 =	simm.s32 $0x0;
	[bflag:$0x0] =	sbarrier.arrive $0xFFFF  }
.LBB2_6:
0x9f: {  	s30 =	smul.u32 $0x50, s29;
	_ =	sdelay $0x1  }
0xa0: {  	s30 =	sadd.s32 s14, s30  }
0xa1: {  	s30 =	sshrl.u32 s30, $0x3  }
0xa2: {  	s31 =	sadd.s32 s5, s30  }
0xa3: {  	[tilespmem:s19], [sflag:$0x2] =	stream.linear.gather [hbm4b:s31+s28], $0x50, $0x38;
	[tilespmem:$0x1C580] =	vst v63  }
0xa4: {  	_ =	swait.ge [sflag:s16], $0x50  }
0xa5: {  	[sflag:s16] =	ssyncset.done $0x0  }
0xa6: {  	s30 =	sadd.s32 s6, s30;
	[sflag:s16] =	ssyncadd.s32 $0xFFFFFFB0  }
0xa7: {  	[tilespmem:s20], [sflag:$0x2] =	stream.linear.gather [hbm4b:s30+s28], $0x50, $0x38;
	[tilespmem:$0x1C580] =	vst v63  }
0xa8: {  	_ =	swait.ge [sflag:s16], $0x50  }
0xa9: {  	[sflag:s16] =	ssyncset.done $0x0  }
0xaa: {  	[sflag:s16] =	ssyncadd.s32 $0xFFFFFFB0  }
0xab: {  	v2 =	vld [tilespmem:$0x18780]  }
0xac: {  	v3 =	vld [tilespmem:$0x18800];
	_ =	sdelay $0x6  }
0xad: {  	v4 =	vld.idx.msk [tilespmem:v2+s17+$0x0], $0xffff  }
0xae: {  	v3 =	vld.idx.msk [tilespmem:v3+s18+$0x0], $0xffff;
	_ =	sdelay $0x4  }
0xaf: {  	v3 =	vadd.f32 v3, v4;
	_ =	sdelay $0x1  }
0xb0: {  	v4 =	vmul.f32 $2.000000030e-01, v3  }
0xb1: {  	vm0 =	vge.f32 v3, $0.0e+00  }
0xb2: {  	v3 =	vsel vm0, v3, v4  }
0xb3: {  	v3 =	vmul.f32 $1.442695020e+00, v3;
	_ =	sdelay $0x1  }
0xb4: {  	(erf) = vpow2.f32 v3;
	_ =	sdelay $0x2  }
0xb5: {  	v3 =	vld [tilespmem:$0x18790]  }
0xb6: {  	v4 =	vld [tilespmem:$0x18810];
	_ =	sdelay $0x3  }
0xb7: {  	v2 =	vadd.s32 v0, v2  }
0xb8: {  	[tilespmem:$0x18880] =	vst v2;
	v5 =	vpop (erf)  }
0xb9: {  	[tilespmem:$0x1B100] =	vst v5  }
0xba: {  	v2 =	vld.idx.msk [tilespmem:v3+s17+$0x0], $0xffff  }
0xbb: {  	v4 =	vld.idx.msk [tilespmem:v4+s18+$0x0], $0xffff;
	_ =	sdelay $0x4  }
0xbc: {  	v2 =	vadd.f32 v4, v2;
	_ =	sdelay $0x1  }
0xbd: {  	v4 =	vmul.f32 $2.000000030e-01, v2  }
0xbe: {  	vm12 =	vge.f32 v2, $0.0e+00  }
0xbf: {  	v2 =	vsel vm12, v2, v4  }
0xc0: {  	v2 =	vmul.f32 $1.442695020e+00, v2;
	_ =	sdelay $0x1  }
0xc1: {  	(erf) = vpow2.f32 v2;
	_ =	sdelay $0x2  }
0xc2: {  	v2 =	vld [tilespmem:$0x187A0]  }
0xc3: {  	v4 =	vld [tilespmem:$0x18820];
	_ =	sdelay $0x3  }
0xc4: {  	v3 =	vadd.s32 v0, v3  }
0xc5: {  	[tilespmem:$0x18890] =	vst v3;
	v5 =	vpop (erf)  }
0xc6: {  	[tilespmem:$0x1B110] =	vst v5  }
0xc7: {  	v3 =	vld.idx.msk [tilespmem:v2+s17+$0x0], $0xffff  }
0xc8: {  	v4 =	vld.idx.msk [tilespmem:v4+s18+$0x0], $0xffff;
	_ =	sdelay $0x4  }
0xc9: {  	v3 =	vadd.f32 v4, v3;
	_ =	sdelay $0x1  }
0xca: {  	v4 =	vmul.f32 $2.000000030e-01, v3  }
0xcb: {  	vm13 =	vge.f32 v3, $0.0e+00  }
0xcc: {  	v3 =	vsel vm13, v3, v4  }
0xcd: {  	v3 =	vmul.f32 $1.442695020e+00, v3;
	_ =	sdelay $0x1  }
0xce: {  	(erf) = vpow2.f32 v3;
	_ =	sdelay $0x2  }
0xcf: {  	v3 =	vld [tilespmem:$0x187B0]  }
0xd0: {  	v4 =	vld [tilespmem:$0x18830];
	_ =	sdelay $0x3  }
0xd1: {  	v2 =	vadd.s32 v0, v2  }
0xd2: {  	[tilespmem:$0x188A0] =	vst v2;
	v5 =	vpop (erf)  }
0xd3: {  	[tilespmem:$0x1B120] =	vst v5  }
0xd4: {  	v2 =	vld.idx.msk [tilespmem:v3+s17+$0x0], $0xffff  }
0xd5: {  	v4 =	vld.idx.msk [tilespmem:v4+s18+$0x0], $0xffff;
	_ =	sdelay $0x4  }
0xd6: {  	v2 =	vadd.f32 v4, v2;
	_ =	sdelay $0x1  }
0xd7: {  	v4 =	vmul.f32 $2.000000030e-01, v2  }
0xd8: {  	vm14 =	vge.f32 v2, $0.0e+00  }
0xd9: {  	v2 =	vsel vm14, v2, v4  }
0xda: {  	v2 =	vmul.f32 $1.442695020e+00, v2;
	_ =	sdelay $0x1  }
0xdb: {  	(erf) = vpow2.f32 v2;
	_ =	sdelay $0x2  }
0xdc: {  	v2 =	vld [tilespmem:$0x187C0]  }
0xdd: {  	v4 =	vld [tilespmem:$0x18840];
	_ =	sdelay $0x3  }
0xde: {  	v3 =	vadd.s32 v0, v3  }
0xdf: {  	[tilespmem:$0x188B0] =	vst v3;
	v5 =	vpop (erf)  }
0xe0: {  	[tilespmem:$0x1B130] =	vst v5  }
0xe1: {  	v3 =	vld.idx.msk [tilespmem:v2+s17+$0x0], $0xffff  }
0xe2: {  	v4 =	vld.idx.msk [tilespmem:v4+s18+$0x0], $0xffff;
	_ =	sdelay $0x4  }
0xe3: {  	v3 =	vadd.f32 v4, v3;
	_ =	sdelay $0x1  }
0xe4: {  	v4 =	vmul.f32 $2.000000030e-01, v3  }
0xe5: {  	vm15 =	vge.f32 v3, $0.0e+00  }
0xe6: {  	v3 =	vsel vm15, v3, v4  }
0xe7: {  	v3 =	vmul.f32 $1.442695020e+00, v3;
	_ =	sdelay $0x1  }
0xe8: {  	(erf) = vpow2.f32 v3;
	_ =	sdelay $0x7  }
0xe9: {  	v2 =	vadd.s32 v0, v2  }
0xea: {  	[tilespmem:$0x188C0] =	vst v2;
	v3 =	vpop (erf)  }
0xeb: {  	[tilespmem:$0x1B140] =	vst v3  }
0xec: {  	[tilespmem:s25], [sflag:$0x1] =	stream.indirect.gather [hbm4b:s1+s21], $0x80, s22, s21, $0xb8;
	[tilespmem:$0x1C580] =	vst v63  }
0xed: {  	_ =	swait.ge [sflag:s26], $0x2800  }
0xee: {  	s30 =	simm.s32 $0x0;
	[sflag:s26] =	ssyncset.done $0x0  }
0xef: {  	s31 =	simm.s32 $0x0;
	s30 =	sand.u32 $0x3FFFFFF0, s30;
	[sflag:s26] =	ssyncadd.s32 $0xFFFFD800  }
0xf0: {  	v2 =	vld [tilespmem:s30+$0x1B100];
	s30 =	sand.u32 $0x3FFFF800, s31  }
0xf1: {  	v8 =	vld [tilespmem:s30+$0x189C0]  }
0xf2: {  	v4 =	vld [tilespmem:s30+$0x18920]  }
0xf3: {  	v5 =	vld [tilespmem:s30+$0x18930]  }
0xf4: {  	v11 =	vld [tilespmem:s30+$0x18960]  }
0xf5: {  	v12 =	vld [tilespmem:s30+$0x18970];
	v3 =	vbroadcast v2, $0x0  }
0xf6: {  	v13 =	vld [tilespmem:s30+$0x18980]  }
0xf7: {  	v14 =	vld [tilespmem:s30+$0x18990];
	v4 =	vmul.f32 v4, v3  }
0xf8: {  	v15 =	vld [tilespmem:s30+$0x189A0];
	v5 =	vmul.f32 v5, v3  }
0xf9: {  	v10 =	vld [tilespmem:s30+$0x189B0];
	v21 =	vbroadcast v2, $0x1;
	v20 =	vmul.f32 v11, v3;
	[tilespmem:s30+$0x18920] =	vst v4  }
0xfa: {  	v9 =	vld [tilespmem:s30+$0x189D0];
	v12 =	vmul.f32 v12, v3;
	[tilespmem:s30+$0x18930] =	vst v5  }
0xfb: {  	v7 =	vld [tilespmem:s30+$0x18E70];
	v13 =	vmul.f32 v13, v21;
	[tilespmem:s30+$0x18960] =	vst v20  }
0xfc: {  	v23 =	vld [tilespmem:s30+$0x189F0];
	v14 =	vmul.f32 v14, v21;
	[tilespmem:s30+$0x18970] =	vst v12  }
0xfd: {  	v24 =	vld [tilespmem:s30+$0x18A00];
	v15 =	vmul.f32 v15, v21;
	[tilespmem:s30+$0x18980] =	vst v13  }
0xfe: {  	v25 =	vld [tilespmem:s30+$0x18A10];
	v10 =	vmul.f32 v10, v21;
	[tilespmem:s30+$0x18990] =	vst v14  }
0xff: {  	v22 =	vld [tilespmem:s30+$0x189E0];
	v8 =	vmul.f32 v8, v21;
	[tilespmem:s30+$0x189A0] =	vst v15  }
0x100: {  	v26 =	vld [tilespmem:s30+$0x18A20];
	v16 =	vbroadcast v2, $0x2;
	v9 =	vmul.f32 v9, v21;
	[tilespmem:s30+$0x189B0] =	vst v10  }
0x101: {  	v27 =	vld [tilespmem:s30+$0x18A30];
	v11 =	vmul.f32 v23, v21;
	[tilespmem:s30+$0x189C0] =	vst v8  }
0x102: {  	v28 =	vld [tilespmem:s30+$0x18A40];
	v6 =	vbroadcast v2, $0xA;
	v30 =	vmul.f32 v24, v16;
	[tilespmem:s30+$0x189D0] =	vst v9  }
0x103: {  	v29 =	vld [tilespmem:s30+$0x18A50];
	v32 =	vmul.f32 v25, v16;
	[tilespmem:s30+$0x189F0] =	vst v11  }
0x104: {  	v31 =	vld [tilespmem:s30+$0x18A60];
	v4 =	vmul.f32 v7, v6;
	[tilespmem:s30+$0x18A00] =	vst v30  }
0x105: {  	v33 =	vld [tilespmem:s30+$0x18A70];
	v12 =	vmul.f32 v22, v21;
	[tilespmem:s30+$0x18A10] =	vst v32  }
0x106: {  	v34 =	vld [tilespmem:s30+$0x18A80];
	v10 =	vmul.f32 v26, v16;
	[tilespmem:s30+$0x18E70] =	vst v4  }
0x107: {  	v35 =	vld [tilespmem:s30+$0x18A90];
	v8 =	vmul.f32 v27, v16;
	[tilespmem:s30+$0x189E0] =	vst v12  }
0x108: {  	v36 =	vld [tilespmem:s30+$0x18AA0];
	v9 =	vmul.f32 v28, v16;
	[tilespmem:s30+$0x18A20] =	vst v10  }
0x109: {  	v37 =	vld [tilespmem:s30+$0x18AB0];
	v39 =	vbroadcast v2, $0x3;
	v11 =	vmul.f32 v31, v16;
	[tilespmem:s30+$0x18A30] =	vst v8  }
0x10a: {  	v38 =	vld [tilespmem:s30+$0x18AC0];
	v13 =	vmul.f32 v33, v16;
	[tilespmem:s30+$0x18A40] =	vst v9  }
0x10b: {  	v40 =	vld [tilespmem:s30+$0x18AD0];
	v14 =	vmul.f32 v34, v39;
	[tilespmem:s30+$0x18A60] =	vst v11  }
0x10c: {  	v41 =	vld [tilespmem:s30+$0x18AE0];
	v12 =	vmul.f32 v29, v16;
	[tilespmem:s30+$0x18A70] =	vst v13  }
0x10d: {  	v42 =	vld [tilespmem:s30+$0x18AF0];
	v10 =	vmul.f32 v35, v39;
	[tilespmem:s30+$0x18A80] =	vst v14  }
0x10e: {  	v43 =	vld [tilespmem:s30+$0x18B00];
	v8 =	vmul.f32 v36, v39;
	[tilespmem:s30+$0x18A50] =	vst v12  }
0x10f: {  	v44 =	vld [tilespmem:s30+$0x18B10];
	v9 =	vmul.f32 v37, v39;
	[tilespmem:s30+$0x18A90] =	vst v10  }
0x110: {  	v45 =	vld [tilespmem:s30+$0x18B20];
	v11 =	vmul.f32 v40, v39;
	[tilespmem:s30+$0x18AA0] =	vst v8  }
0x111: {  	v46 =	vld [tilespmem:s30+$0x18B30];
	v13 =	vmul.f32 v41, v39;
	[tilespmem:s30+$0x18AB0] =	vst v9  }
0x112: {  	v47 =	vld [tilespmem:s30+$0x18B40];
	v48 =	vbroadcast v2, $0x4;
	v14 =	vmul.f32 v42, v39;
	[tilespmem:s30+$0x18AD0] =	vst v11  }
0x113: {  	v49 =	vld [tilespmem:s30+$0x18B50];
	v12 =	vmul.f32 v38, v39;
	[tilespmem:s30+$0x18AE0] =	vst v13  }
0x114: {  	v50 =	vld [tilespmem:s30+$0x18B60];
	v10 =	vmul.f32 v43, v48;
	[tilespmem:s30+$0x18AF0] =	vst v14  }
0x115: {  	v51 =	vld [tilespmem:s30+$0x18B70];
	v8 =	vmul.f32 v44, v48;
	[tilespmem:s30+$0x18AC0] =	vst v12  }
0x116: {  	v52 =	vld [tilespmem:s30+$0x18B80];
	v9 =	vmul.f32 v45, v48;
	[tilespmem:s30+$0x18B00] =	vst v10  }
0x117: {  	v53 =	vld [tilespmem:s30+$0x18B90];
	v11 =	vmul.f32 v47, v48;
	[tilespmem:s30+$0x18B10] =	vst v8  }
0x118: {  	v54 =	vld [tilespmem:s30+$0x18BA0];
	v13 =	vmul.f32 v49, v48;
	[tilespmem:s30+$0x18B20] =	vst v9  }
0x119: {  	v55 =	vld [tilespmem:s30+$0x18BB0];
	v14 =	vmul.f32 v50, v48;
	[tilespmem:s30+$0x18B40] =	vst v11  }
0x11a: {  	v56 =	vld [tilespmem:s30+$0x18BC0];
	v57 =	vbroadcast v2, $0x5;
	v12 =	vmul.f32 v46, v48;
	[tilespmem:s30+$0x18B50] =	vst v13  }
0x11b: {  	v58 =	vld [tilespmem:s30+$0x18BD0];
	v10 =	vmul.f32 v51, v48;
	[tilespmem:s30+$0x18B60] =	vst v14  }
0x11c: {  	v59 =	vld [tilespmem:s30+$0x18BE0];
	v8 =	vmul.f32 v52, v57;
	[tilespmem:s30+$0x18B30] =	vst v12  }
0x11d: {  	v60 =	vld [tilespmem:s30+$0x18BF0];
	v9 =	vmul.f32 v53, v57;
	[tilespmem:s30+$0x18B70] =	vst v10  }
0x11e: {  	v61 =	vld [tilespmem:s30+$0x18C00];
	v11 =	vmul.f32 v55, v57;
	[tilespmem:s30+$0x18B80] =	vst v8  }
0x11f: {  	v62 =	vld [tilespmem:s30+$0x18C10];
	v13 =	vmul.f32 v56, v57;
	[tilespmem:s30+$0x18B90] =	vst v9  }
0x120: {  	v63 =	vld [tilespmem:s30+$0x18C20];
	v14 =	vmul.f32 v58, v57;
	[tilespmem:s30+$0x18BB0] =	vst v11  }
0x121: {  	v20 =	vld [tilespmem:s30+$0x18C30];
	v12 =	vmul.f32 v54, v57;
	[tilespmem:s30+$0x18BC0] =	vst v13  }
0x122: {  	v21 =	vld [tilespmem:s30+$0x18C40];
	v22 =	vbroadcast v2, $0x6;
	v10 =	vmul.f32 v59, v57;
	[tilespmem:s30+$0x18BD0] =	vst v14  }
0x123: {  	v23 =	vld [tilespmem:s30+$0x18C50];
	v8 =	vmul.f32 v60, v57;
	[tilespmem:s30+$0x18BA0] =	vst v12  }
0x124: {  	v24 =	vld [tilespmem:s30+$0x18C60];
	v9 =	vmul.f32 v61, v22;
	[tilespmem:s30+$0x18BE0] =	vst v10  }
0x125: {  	v25 =	vld [tilespmem:s30+$0x18C70];
	v11 =	vmul.f32 v63, v22;
	[tilespmem:s30+$0x18BF0] =	vst v8  }
0x126: {  	v5 =	vld [tilespmem:s30+$0x18E80];
	v13 =	vmul.f32 v20, v22;
	[tilespmem:s30+$0x18C00] =	vst v9  }
0x127: {  	v27 =	vld [tilespmem:s30+$0x18C90];
	v14 =	vmul.f32 v21, v22;
	[tilespmem:s30+$0x18C20] =	vst v11  }
0x128: {  	v28 =	vld [tilespmem:s30+$0x18CA0];
	v12 =	vmul.f32 v62, v22;
	[tilespmem:s30+$0x18C30] =	vst v13  }
0x129: {  	v29 =	vld [tilespmem:s30+$0x18CB0];
	v10 =	vmul.f32 v23, v22;
	[tilespmem:s30+$0x18C40] =	vst v14  }
0x12a: {  	v31 =	vbroadcast v2, $0x7;
	v53 =	vld [tilespmem:s30+$0x18E00];
	v8 =	vmul.f32 v24, v22;
	[tilespmem:s30+$0x18C10] =	vst v12  }
0x12b: {  	v58 =	vld [tilespmem:s30+$0x18E50];
	v9 =	vmul.f32 v25, v22;
	[tilespmem:s30+$0x18C50] =	vst v10  }
0x12c: {  	v26 =	vld [tilespmem:s30+$0x18C80];
	v11 =	vmul.f32 v27, v31;
	[tilespmem:s30+$0x18C60] =	vst v8  }
0x12d: {  	v30 =	vld [tilespmem:s30+$0x18CC0];
	v13 =	vmul.f32 v28, v31;
	[tilespmem:s30+$0x18C70] =	vst v9  }
0x12e: {  	v32 =	vld [tilespmem:s30+$0x18CD0];
	v14 =	vmul.f32 v29, v31;
	[tilespmem:s30+$0x18C90] =	vst v11  }
0x12f: {  	v33 =	vld [tilespmem:s30+$0x18CE0];
	v59 =	vmul.f32 v53, v6;
	[tilespmem:s30+$0x18CA0] =	vst v13  }
0x130: {  	v35 =	vld [tilespmem:s30+$0x18D00];
	v21 =	vmul.f32 v58, v6;
	[tilespmem:s30+$0x18CB0] =	vst v14  }
0x131: {  	v36 =	vld [tilespmem:s30+$0x18D10];
	v12 =	vmul.f32 v26, v31;
	[tilespmem:s30+$0x18E00] =	vst v59  }
0x132: {  	v37 =	vld [tilespmem:s30+$0x18D20];
	v10 =	vmul.f32 v30, v31;
	[tilespmem:s30+$0x18E50] =	vst v21  }
0x133: {  	v7 =	vld [tilespmem:s30+$0x18E90];
	v40 =	vbroadcast v2, $0x8;
	v8 =	vmul.f32 v32, v31;
	[tilespmem:s30+$0x18C80] =	vst v12  }
0x134: {  	v34 =	vld [tilespmem:s30+$0x18CF0];
	v9 =	vmul.f32 v33, v31;
	[tilespmem:s30+$0x18CC0] =	vst v10  }
0x135: {  	v57 =	vld [tilespmem:s30+$0x18E40];
	v11 =	vmul.f32 v35, v40;
	[tilespmem:s30+$0x18CD0] =	vst v8  }
0x136: {  	v61 =	vld [tilespmem:s30+$0x18900];
	v24 =	vbroadcast v2, $0xB;
	v13 =	vmul.f32 v36, v40;
	[tilespmem:s30+$0x18CE0] =	vst v9  }
0x137: {  	v4 =	vld [tilespmem:s30+$0x190D0];
	v14 =	vmul.f32 v37, v40;
	[tilespmem:s30+$0x18D00] =	vst v11  }
0x138: {  	v38 =	vld [tilespmem:s30+$0x18D30];
	v5 =	vmul.f32 v5, v24;
	[tilespmem:s30+$0x18D10] =	vst v13  }
0x139: {  	v39 =	vld [tilespmem:s30+$0x18D40];
	v7 =	vmul.f32 v7, v24;
	[tilespmem:s30+$0x18D20] =	vst v14  }
0x13a: {  	v41 =	vld [tilespmem:s30+$0x18D50];
	v19 =	vmul.f32 v57, v6;
	[tilespmem:s30+$0x18E80] =	vst v5  }
0x13b: {  	v43 =	vld [tilespmem:s30+$0x18D70];
	v25 =	vmul.f32 v3, v61;
	[tilespmem:s30+$0x18E90] =	vst v7  }
0x13c: {  	v44 =	vld [tilespmem:s30+$0x18D80];
	v12 =	vmul.f32 v34, v31;
	[tilespmem:s30+$0x18E40] =	vst v19  }
0x13d: {  	v45 =	vld [tilespmem:s30+$0x18D90];
	v10 =	vmul.f32 v38, v40;
	[tilespmem:s30+$0x18900] =	vst v25  }
0x13e: {  	v27 =	vld [tilespmem:s30+$0x18ED0];
	v8 =	vmul.f32 v39, v40;
	[tilespmem:s30+$0x18CF0] =	vst v12  }
0x13f: {  	v49 =	vbroadcast v2, $0x9;
	v29 =	vld [tilespmem:s30+$0x18EF0];
	v9 =	vmul.f32 v41, v40;
	[tilespmem:s30+$0x18D30] =	vst v10  }
0x140: {  	v42 =	vld [tilespmem:s30+$0x18D60];
	v11 =	vmul.f32 v43, v40;
	[tilespmem:s30+$0x18D40] =	vst v8  }
0x141: {  	v46 =	vld [tilespmem:s30+$0x18DA0];
	v13 =	vmul.f32 v44, v49;
	[tilespmem:s30+$0x18D50] =	vst v9  }
0x142: {  	v47 =	vld [tilespmem:s30+$0x18DB0];
	v14 =	vmul.f32 v45, v49;
	[tilespmem:s30+$0x18D70] =	vst v11  }
0x143: {  	v48 =	vld [tilespmem:s30+$0x18DC0];
	v32 =	vmul.f32 v27, v24;
	[tilespmem:s30+$0x18D80] =	vst v13  }
0x144: {  	v51 =	vld [tilespmem:s30+$0x18DE0];
	v7 =	vmul.f32 v29, v24;
	[tilespmem:s30+$0x18D90] =	vst v14  }
0x145: {  	v52 =	vld [tilespmem:s30+$0x18DF0];
	v12 =	vmul.f32 v42, v40;
	[tilespmem:s30+$0x18ED0] =	vst v32  }
0x146: {  	v10 =	vmul.f32 v46, v49;
	[tilespmem:s30+$0x18EF0] =	vst v7  }
0x147: {  	v28 =	vld [tilespmem:s30+$0x18EE0];
	v8 =	vmul.f32 v47, v49;
	[tilespmem:s30+$0x18D60] =	vst v12  }
0x148: {  	v30 =	vld [tilespmem:s30+$0x18F00];
	v9 =	vmul.f32 v48, v49;
	[tilespmem:s30+$0x18DA0] =	vst v10  }
0x149: {  	v50 =	vld [tilespmem:s30+$0x18DD0];
	v5 =	vbroadcast v2, $0xF;
	v11 =	vmul.f32 v51, v49;
	[tilespmem:s30+$0x18DB0] =	vst v8  }
0x14a: {  	v54 =	vld [tilespmem:s30+$0x18E10];
	v13 =	vmul.f32 v52, v49;
	[tilespmem:s30+$0x18DC0] =	vst v9  }
0x14b: {  	v55 =	vld [tilespmem:s30+$0x18E20];
	v35 =	vbroadcast v2, $0xC;
	v4 =	vmul.f32 v4, v5;
	[tilespmem:s30+$0x18DE0] =	vst v11  }
0x14c: {  	v56 =	vld [tilespmem:s30+$0x18E30];
	v40 =	vmul.f32 v28, v24;
	[tilespmem:s30+$0x18DF0] =	vst v13  }
0x14d: {  	v60 =	vld [tilespmem:s30+$0x18E60];
	v16 =	vmul.f32 v30, v35;
	[tilespmem:s30+$0x190D0] =	vst v4  }
0x14e: {  	v62 =	vld [tilespmem:s30+$0x18910];
	v12 =	vmul.f32 v50, v49;
	[tilespmem:s30+$0x18EE0] =	vst v40  }
0x14f: {  	v63 =	vld [tilespmem:s30+$0x18940];
	v10 =	vmul.f32 v54, v6;
	[tilespmem:s30+$0x18F00] =	vst v16  }
0x150: {  	v20 =	vld [tilespmem:s30+$0x18950];
	v8 =	vmul.f32 v55, v6;
	[tilespmem:s30+$0x18DD0] =	vst v12  }
0x151: {  	v33 =	vld [tilespmem:s30+$0x18F30];
	v9 =	vmul.f32 v56, v6;
	[tilespmem:s30+$0x18E10] =	vst v10  }
0x152: {  	v61 =	vld [tilespmem:s30+$0x190F0];
	v6 =	vmul.f32 v60, v6;
	[tilespmem:s30+$0x18E20] =	vst v8  }
0x153: {  	v38 =	vld [tilespmem:s30+$0x18F70];
	v13 =	vmul.f32 v62, v3;
	[tilespmem:s30+$0x18E30] =	vst v9  }
0x154: {  	v22 =	vld [tilespmem:s30+$0x18EA0];
	v4 =	vmul.f32 v63, v3;
	[tilespmem:s30+$0x18E60] =	vst v6  }
0x155: {  	v23 =	vld [tilespmem:s30+$0x18EB0];
	v3 =	vmul.f32 v20, v3;
	[tilespmem:s30+$0x18910] =	vst v13  }
0x156: {  	v26 =	vld [tilespmem:s30+$0x18EC0];
	v62 =	vmul.f32 v33, v35;
	[tilespmem:s30+$0x18940] =	vst v4  }
0x157: {  	v31 =	vld [tilespmem:s30+$0x18F10];
	v63 =	vmul.f32 v61, v5;
	[tilespmem:s30+$0x18950] =	vst v3  }
0x158: {  	v34 =	vld [tilespmem:s30+$0x18F40];
	v16 =	vmul.f32 v38, v35;
	[tilespmem:s30+$0x18F30] =	vst v62  }
0x159: {  	v41 =	vld [tilespmem:s30+$0x18FA0];
	v8 =	vmul.f32 v22, v24;
	[tilespmem:s30+$0x190F0] =	vst v63  }
0x15a: {  	v46 =	vld [tilespmem:s30+$0x18FE0];
	v9 =	vmul.f32 v23, v24;
	[tilespmem:s30+$0x18F70] =	vst v16  }
0x15b: {  	v6 =	vmul.f32 v26, v24;
	v3 =	vld [tilespmem:s30+$0x18F90];
	[tilespmem:s30+$0x18EA0] =	vst v8  }
0x15c: {  	v36 =	vld [tilespmem:s30+$0x18F50];
	v44 =	vbroadcast v2, $0xD;
	v10 =	vmul.f32 v31, v35;
	[tilespmem:s30+$0x18EB0] =	vst v9  }
0x15d: {  	v37 =	vld [tilespmem:s30+$0x18F60];
	v13 =	vmul.f32 v34, v35;
	[tilespmem:s30+$0x18EC0] =	vst v6  }
0x15e: {  	v39 =	vld [tilespmem:s30+$0x18F80];
	v12 =	vmul.f32 v41, v44;
	[tilespmem:s30+$0x18F10] =	vst v10  }
0x15f: {  	v42 =	vld [tilespmem:s30+$0x18FB0];
	v51 =	vmul.f32 v46, v44;
	[tilespmem:s30+$0x18F40] =	vst v13  }
0x160: {  	v48 =	vld [tilespmem:s30+$0x19010];
	[tilespmem:s30+$0x18FA0] =	vst v12;
	v3 =	vmul.f32 v3, v44  }
0x161: {  	v49 =	vld [tilespmem:s30+$0x19020];
	v9 =	vmul.f32 v36, v35;
	[tilespmem:s30+$0x18FE0] =	vst v51  }
0x162: {  	v6 =	vmul.f32 v37, v35;
	[tilespmem:s30+$0x18F90] =	vst v3;
	v3 =	vld [tilespmem:s30+$0x19000]  }
0x163: {  	v2 =	vbroadcast v2, $0xE;
	v50 =	vld [tilespmem:s30+$0x19030];
	v10 =	vmul.f32 v39, v44;
	[tilespmem:s30+$0x18F50] =	vst v9  }
0x164: {  	v45 =	vld [tilespmem:s30+$0x18FD0];
	v13 =	vmul.f32 v42, v44;
	[tilespmem:s30+$0x18F60] =	vst v6  }
0x165: {  	v47 =	vld [tilespmem:s30+$0x18FF0];
	v12 =	vmul.f32 v48, v2;
	[tilespmem:s30+$0x18F80] =	vst v10  }
0x166: {  	v43 =	vld [tilespmem:s30+$0x18FC0];
	v11 =	vmul.f32 v49, v2;
	[tilespmem:s30+$0x18FB0] =	vst v13  }
0x167: {  	v55 =	vld [tilespmem:s30+$0x19080];
	[tilespmem:s30+$0x19010] =	vst v12;
	v3 =	vmul.f32 v3, v2  }
0x168: {  	v57 =	vld [tilespmem:s30+$0x190A0];
	v7 =	vmul.f32 v50, v2;
	[tilespmem:s30+$0x19020] =	vst v11  }
0x169: {  	v6 =	vmul.f32 v45, v44;
	[tilespmem:s30+$0x19000] =	vst v3;
	v3 =	vld [tilespmem:s30+$0x19070]  }
0x16a: {  	v52 =	vld [tilespmem:s30+$0x19040];
	v10 =	vmul.f32 v47, v44;
	[tilespmem:s30+$0x19030] =	vst v7  }
0x16b: {  	v56 =	vld [tilespmem:s30+$0x19090];
	v9 =	vmul.f32 v43, v44;
	[tilespmem:s30+$0x18FD0] =	vst v6  }
0x16c: {  	v54 =	vld [tilespmem:s30+$0x19060];
	v12 =	vmul.f32 v55, v5;
	[tilespmem:s30+$0x18FF0] =	vst v10  }
0x16d: {  	v58 =	vld [tilespmem:s30+$0x190B0];
	v7 =	vmul.f32 v57, v5;
	[tilespmem:s30+$0x18FC0] =	vst v9  }
0x16e: {  	v53 =	vld [tilespmem:s30+$0x19050];
	[tilespmem:s30+$0x19080] =	vst v12;
	v3 =	vmul.f32 v3, v2  }
0x16f: {  	v59 =	vld [tilespmem:s30+$0x190C0];
	v6 =	vmul.f32 v52, v2;
	[tilespmem:s30+$0x190A0] =	vst v7  }
0x170: {  	v60 =	vld [tilespmem:s30+$0x190E0];
	[tilespmem:s30+$0x19070] =	vst v3;
	v3 =	vmul.f32 v56, v5  }
0x171: {  	v10 =	vmul.f32 v54, v2;
	[tilespmem:s30+$0x19040] =	vst v6  }
0x172: {  	v4 =	vld [tilespmem:s30+$0x18F20];
	[tilespmem:s30+$0x19090] =	vst v3;
	v3 =	vmul.f32 v58, v5  }
0x173: {  	[tilespmem:s30+$0x19060] =	vst v10;
	v2 =	vmul.f32 v53, v2  }
0x174: {  	[tilespmem:s30+$0x190B0] =	vst v3;
	v3 =	vmul.f32 v59, v5  }
0x175: {  	[tilespmem:s30+$0x19050] =	vst v2;
	v5 =	vmul.f32 v60, v5  }
0x176: {  	[tilespmem:s30+$0x190C0] =	vst v3  }
0x177: {  	s31 =	simm.s32 $0x1;
	v3 =	vmul.f32 v4, v35;
	[tilespmem:s30+$0x190E0] =	vst v5  }
.LBB2_7:
0x178: {  	s0 =	sshll.u32 s31, $0x4  }
0x179: {  	p1 =	sne.s32 s31, $0x4;
	[tilespmem:s30+$0x18F20] =	vst v3;
	s30 =	smov.u32 s31;
	s31 =	sadd.s32 $0x1, s31  }
0x17a: {  	s0 =	sand.u32 $0x3FFFFFF0, s0  }
0x17b: {  	v2 =	vld [tilespmem:s0+$0x1B100];
	s0 =	sshll.u32 s30, $0xB  }
0x17c: {  	s30 =	sand.u32 $0x3FFFF800, s0  }
0x17d: {  	v9 =	vld [tilespmem:s30+$0x189C0]  }
0x17e: {  	v10 =	vld [tilespmem:s30+$0x189D0]  }
0x17f: {  	v11 =	vld [tilespmem:s30+$0x189B0]  }
0x180: {  	v3 =	vbroadcast v2, $0x0;
	v4 =	vld [tilespmem:s30+$0x18920];
	v8 =	vbroadcast v2, $0x4  }
0x181: {  	v6 =	vld [tilespmem:s30+$0x18930]  }
0x182: {  	v7 =	vld [tilespmem:s30+$0x18E70]  }
0x183: {  	v12 =	vld [tilespmem:s30+$0x18960]  }
0x184: {  	v13 =	vld [tilespmem:s30+$0x18970]  }
0x185: {  	v5 =	vbroadcast v2, $0xA;
	v4 =	vmul.f32 v4, v3;
	v14 =	vld [tilespmem:s30+$0x18980]  }
0x186: {  	v6 =	vmul.f32 v6, v3;
	v15 =	vld [tilespmem:s30+$0x18990]  }
0x187: {  	[tilespmem:s30+$0x18920] =	vst v4;
	v16 =	vld [tilespmem:s30+$0x189A0];
	v4 =	vmul.f32 v7, v5  }
0x188: {  	[tilespmem:s30+$0x18930] =	vst v6;
	v7 =	vmul.f32 v12, v3;
	v12 =	vbroadcast v2, $0x1;
	v6 =	vld [tilespmem:s30+$0x18E80]  }
0x189: {  	v13 =	vmul.f32 v13, v3;
	[tilespmem:s30+$0x18E70] =	vst v4;
	v4 =	vld [tilespmem:s30+$0x190D0]  }
0x18a: {  	[tilespmem:s30+$0x18960] =	vst v7;
	v14 =	vmul.f32 v14, v12;
	v7 =	vld [tilespmem:s30+$0x18E90]  }
0x18b: {  	[tilespmem:s30+$0x18970] =	vst v13;
	v13 =	vmul.f32 v15, v12;
	v15 =	vld [tilespmem:s30+$0x189E0]  }
0x18c: {  	[tilespmem:s30+$0x18980] =	vst v14;
	v14 =	vmul.f32 v16, v12;
	v16 =	vld [tilespmem:s30+$0x189F0]  }
0x18d: {  	v11 =	vmul.f32 v11, v12;
	[tilespmem:s30+$0x18990] =	vst v13;
	v13 =	vld [tilespmem:s30+$0x18A00]  }
0x18e: {  	v9 =	vmul.f32 v9, v12;
	[tilespmem:s30+$0x189A0] =	vst v14;
	v14 =	vld [tilespmem:s30+$0x18A10]  }
0x18f: {  	v10 =	vmul.f32 v10, v12;
	[tilespmem:s30+$0x189B0] =	vst v11;
	v11 =	vld [tilespmem:s30+$0x18A20]  }
0x190: {  	[tilespmem:s30+$0x189C0] =	vst v9;
	v9 =	vmul.f32 v15, v12;
	v15 =	vbroadcast v2, $0x2;
	v17 =	vld [tilespmem:s30+$0x18A30]  }
0x191: {  	[tilespmem:s30+$0x189D0] =	vst v10;
	v10 =	vmul.f32 v16, v12;
	v12 =	vld [tilespmem:s30+$0x18A40]  }
0x192: {  	[tilespmem:s30+$0x189E0] =	vst v9;
	v9 =	vmul.f32 v13, v15;
	v13 =	vld [tilespmem:s30+$0x18A50]  }
0x193: {  	[tilespmem:s30+$0x189F0] =	vst v10;
	v10 =	vmul.f32 v14, v15;
	v14 =	vld [tilespmem:s30+$0x18A60]  }
0x194: {  	[tilespmem:s30+$0x18A00] =	vst v9;
	v9 =	vmul.f32 v11, v15;
	v11 =	vld [tilespmem:s30+$0x18A70]  }
0x195: {  	[tilespmem:s30+$0x18A10] =	vst v10;
	v10 =	vmul.f32 v17, v15;
	v16 =	vld [tilespmem:s30+$0x18A80]  }
0x196: {  	[tilespmem:s30+$0x18A20] =	vst v9;
	v9 =	vmul.f32 v12, v15;
	v12 =	vld [tilespmem:s30+$0x18A90]  }
0x197: {  	[tilespmem:s30+$0x18A30] =	vst v10;
	v10 =	vmul.f32 v13, v15;
	v13 =	vld [tilespmem:s30+$0x18AA0]  }
0x198: {  	[tilespmem:s30+$0x18A40] =	vst v9;
	v9 =	vmul.f32 v14, v15;
	v14 =	vbroadcast v2, $0x3;
	v17 =	vld [tilespmem:s30+$0x18AB0]  }
0x199: {  	[tilespmem:s30+$0x18A50] =	vst v10;
	v10 =	vmul.f32 v11, v15;
	v11 =	vld [tilespmem:s30+$0x18AC0]  }
0x19a: {  	[tilespmem:s30+$0x18A60] =	vst v9;
	v9 =	vmul.f32 v16, v14;
	v15 =	vld [tilespmem:s30+$0x18AD0]  }
0x19b: {  	[tilespmem:s30+$0x18A70] =	vst v10;
	v10 =	vmul.f32 v12, v14;
	v12 =	vld [tilespmem:s30+$0x18AE0]  }
0x19c: {  	[tilespmem:s30+$0x18A80] =	vst v9;
	v9 =	vmul.f32 v13, v14;
	v13 =	vld [tilespmem:s30+$0x18AF0]  }
0x19d: {  	[tilespmem:s30+$0x18A90] =	vst v10;
	v10 =	vmul.f32 v17, v14;
	v16 =	vld [tilespmem:s30+$0x18B00]  }
0x19e: {  	[tilespmem:s30+$0x18AA0] =	vst v9;
	v9 =	vmul.f32 v11, v14;
	v11 =	vld [tilespmem:s30+$0x18B10]  }
0x19f: {  	[tilespmem:s30+$0x18AB0] =	vst v10;
	v10 =	vmul.f32 v15, v14;
	v15 =	vld [tilespmem:s30+$0x18B20]  }
0x1a0: {  	[tilespmem:s30+$0x18AC0] =	vst v9;
	v9 =	vmul.f32 v12, v14;
	v12 =	vld [tilespmem:s30+$0x18B30]  }
0x1a1: {  	[tilespmem:s30+$0x18AD0] =	vst v10;
	v10 =	vmul.f32 v13, v14;
	v13 =	vld [tilespmem:s30+$0x18B40]  }
0x1a2: {  	[tilespmem:s30+$0x18AE0] =	vst v9;
	v9 =	vmul.f32 v16, v8;
	v14 =	vld [tilespmem:s30+$0x18B50]  }
0x1a3: {  	[tilespmem:s30+$0x18AF0] =	vst v10;
	v10 =	vmul.f32 v11, v8;
	v11 =	vld [tilespmem:s30+$0x18B60]  }
0x1a4: {  	[tilespmem:s30+$0x18B00] =	vst v9;
	v9 =	vmul.f32 v15, v8;
	v15 =	vld [tilespmem:s30+$0x18B70]  }
0x1a5: {  	[tilespmem:s30+$0x18B10] =	vst v10;
	v10 =	vmul.f32 v12, v8;
	v12 =	vld [tilespmem:s30+$0x18B80]  }
0x1a6: {  	[tilespmem:s30+$0x18B20] =	vst v9;
	v9 =	vmul.f32 v13, v8;
	v13 =	vld [tilespmem:s30+$0x18B90]  }
0x1a7: {  	[tilespmem:s30+$0x18B30] =	vst v10;
	v10 =	vmul.f32 v14, v8;
	v14 =	vld [tilespmem:s30+$0x18BA0]  }
0x1a8: {  	[tilespmem:s30+$0x18B40] =	vst v9;
	v9 =	vmul.f32 v11, v8;
	v11 =	vbroadcast v2, $0x5;
	v16 =	vld [tilespmem:s30+$0x18BB0]  }
0x1a9: {  	[tilespmem:s30+$0x18B50] =	vst v10;
	v8 =	vmul.f32 v15, v8;
	v10 =	vld [tilespmem:s30+$0x18BC0]  }
0x1aa: {  	[tilespmem:s30+$0x18B60] =	vst v9;
	v9 =	vmul.f32 v12, v11;
	v12 =	vld [tilespmem:s30+$0x18BD0]  }
0x1ab: {  	[tilespmem:s30+$0x18B70] =	vst v8;
	v8 =	vmul.f32 v13, v11;
	v13 =	vld [tilespmem:s30+$0x18BE0]  }
0x1ac: {  	[tilespmem:s30+$0x18B80] =	vst v9;
	v9 =	vmul.f32 v14, v11;
	v14 =	vld [tilespmem:s30+$0x18BF0]  }
0x1ad: {  	[tilespmem:s30+$0x18B90] =	vst v8;
	v8 =	vmul.f32 v16, v11;
	v15 =	vld [tilespmem:s30+$0x18C00]  }
0x1ae: {  	[tilespmem:s30+$0x18BA0] =	vst v9;
	v9 =	vmul.f32 v10, v11;
	v10 =	vld [tilespmem:s30+$0x18C10]  }
0x1af: {  	[tilespmem:s30+$0x18BB0] =	vst v8;
	v8 =	vmul.f32 v12, v11;
	v12 =	vld [tilespmem:s30+$0x18C20]  }
0x1b0: {  	[tilespmem:s30+$0x18BC0] =	vst v9;
	v9 =	vmul.f32 v13, v11;
	v13 =	vbroadcast v2, $0x6;
	v16 =	vld [tilespmem:s30+$0x18C30]  }
0x1b1: {  	[tilespmem:s30+$0x18BD0] =	vst v8;
	v8 =	vmul.f32 v14, v11;
	v11 =	vld [tilespmem:s30+$0x18C40]  }
0x1b2: {  	[tilespmem:s30+$0x18BE0] =	vst v9;
	v9 =	vmul.f32 v15, v13;
	v14 =	vld [tilespmem:s30+$0x18C50]  }
0x1b3: {  	[tilespmem:s30+$0x18BF0] =	vst v8;
	v8 =	vmul.f32 v10, v13;
	v10 =	vld [tilespmem:s30+$0x18C60]  }
0x1b4: {  	[tilespmem:s30+$0x18C00] =	vst v9;
	v9 =	vmul.f32 v12, v13;
	v12 =	vld [tilespmem:s30+$0x18C70]  }
0x1b5: {  	[tilespmem:s30+$0x18C10] =	vst v8;
	v8 =	vmul.f32 v16, v13;
	v15 =	vld [tilespmem:s30+$0x18C80]  }
0x1b6: {  	[tilespmem:s30+$0x18C20] =	vst v9;
	v9 =	vmul.f32 v11, v13;
	v11 =	vld [tilespmem:s30+$0x18C90]  }
0x1b7: {  	[tilespmem:s30+$0x18C30] =	vst v8;
	v8 =	vmul.f32 v14, v13;
	v14 =	vld [tilespmem:s30+$0x18CA0]  }
0x1b8: {  	[tilespmem:s30+$0x18C40] =	vst v9;
	v9 =	vmul.f32 v10, v13;
	v10 =	vbroadcast v2, $0x7;
	v16 =	vld [tilespmem:s30+$0x18CB0]  }
0x1b9: {  	[tilespmem:s30+$0x18C50] =	vst v8;
	v8 =	vmul.f32 v12, v13;
	v12 =	vld [tilespmem:s30+$0x18CC0]  }
0x1ba: {  	[tilespmem:s30+$0x18C60] =	vst v9;
	v9 =	vmul.f32 v15, v10;
	v13 =	vld [tilespmem:s30+$0x18CD0]  }
0x1bb: {  	[tilespmem:s30+$0x18C70] =	vst v8;
	v8 =	vmul.f32 v11, v10;
	v11 =	vld [tilespmem:s30+$0x18CE0]  }
0x1bc: {  	[tilespmem:s30+$0x18C80] =	vst v9;
	v9 =	vmul.f32 v14, v10;
	v14 =	vld [tilespmem:s30+$0x18CF0]  }
0x1bd: {  	[tilespmem:s30+$0x18C90] =	vst v8;
	v8 =	vmul.f32 v16, v10;
	v15 =	vld [tilespmem:s30+$0x18D00]  }
0x1be: {  	[tilespmem:s30+$0x18CA0] =	vst v9;
	v9 =	vmul.f32 v12, v10;
	v12 =	vld [tilespmem:s30+$0x18D10]  }
0x1bf: {  	[tilespmem:s30+$0x18CB0] =	vst v8;
	v8 =	vmul.f32 v13, v10;
	v13 =	vld [tilespmem:s30+$0x18D20]  }
0x1c0: {  	[tilespmem:s30+$0x18CC0] =	vst v9;
	v9 =	vmul.f32 v11, v10;
	v11 =	vbroadcast v2, $0x8;
	v16 =	vld [tilespmem:s30+$0x18D30]  }
0x1c1: {  	[tilespmem:s30+$0x18CD0] =	vst v8;
	v8 =	vmul.f32 v14, v10;
	v10 =	vld [tilespmem:s30+$0x18D40]  }
0x1c2: {  	[tilespmem:s30+$0x18CE0] =	vst v9;
	v9 =	vmul.f32 v15, v11;
	v14 =	vld [tilespmem:s30+$0x18D50]  }
0x1c3: {  	[tilespmem:s30+$0x18CF0] =	vst v8;
	v8 =	vmul.f32 v12, v11;
	v12 =	vld [tilespmem:s30+$0x18D60]  }
0x1c4: {  	[tilespmem:s30+$0x18D00] =	vst v9;
	v9 =	vmul.f32 v13, v11;
	v13 =	vld [tilespmem:s30+$0x18D70]  }
0x1c5: {  	[tilespmem:s30+$0x18D10] =	vst v8;
	v8 =	vmul.f32 v16, v11;
	v15 =	vld [tilespmem:s30+$0x18D80]  }
0x1c6: {  	[tilespmem:s30+$0x18D20] =	vst v9;
	v9 =	vmul.f32 v10, v11;
	v10 =	vld [tilespmem:s30+$0x18D90]  }
0x1c7: {  	[tilespmem:s30+$0x18D30] =	vst v8;
	v8 =	vmul.f32 v14, v11;
	v14 =	vld [tilespmem:s30+$0x18DA0]  }
0x1c8: {  	[tilespmem:s30+$0x18D40] =	vst v9;
	v9 =	vmul.f32 v12, v11;
	v12 =	vbroadcast v2, $0x9;
	v16 =	vld [tilespmem:s30+$0x18DB0]  }
0x1c9: {  	[tilespmem:s30+$0x18D50] =	vst v8;
	v8 =	vmul.f32 v13, v11;
	v11 =	vld [tilespmem:s30+$0x18DC0]  }
0x1ca: {  	[tilespmem:s30+$0x18D60] =	vst v9;
	v9 =	vmul.f32 v15, v12;
	v13 =	vld [tilespmem:s30+$0x18DD0]  }
0x1cb: {  	[tilespmem:s30+$0x18D70] =	vst v8;
	v8 =	vmul.f32 v10, v12;
	v10 =	vld [tilespmem:s30+$0x18DE0]  }
0x1cc: {  	[tilespmem:s30+$0x18D80] =	vst v9;
	v9 =	vmul.f32 v14, v12;
	v14 =	vld [tilespmem:s30+$0x18DF0]  }
0x1cd: {  	[tilespmem:s30+$0x18D90] =	vst v8;
	v8 =	vmul.f32 v16, v12;
	v15 =	vld [tilespmem:s30+$0x18E00]  }
0x1ce: {  	[tilespmem:s30+$0x18DA0] =	vst v9;
	v9 =	vmul.f32 v11, v12;
	v11 =	vld [tilespmem:s30+$0x18E10]  }
0x1cf: {  	[tilespmem:s30+$0x18DB0] =	vst v8;
	v8 =	vmul.f32 v13, v12;
	v13 =	vld [tilespmem:s30+$0x18E20]  }
0x1d0: {  	[tilespmem:s30+$0x18DC0] =	vst v9;
	v9 =	vmul.f32 v10, v12;
	v10 =	vld [tilespmem:s30+$0x18E30]  }
0x1d1: {  	[tilespmem:s30+$0x18DD0] =	vst v8;
	v8 =	vmul.f32 v14, v12;
	v12 =	vld [tilespmem:s30+$0x18E40]  }
0x1d2: {  	[tilespmem:s30+$0x18DE0] =	vst v9;
	v9 =	vmul.f32 v15, v5;
	v14 =	vld [tilespmem:s30+$0x18E50]  }
0x1d3: {  	[tilespmem:s30+$0x18DF0] =	vst v8;
	v8 =	vmul.f32 v11, v5;
	v11 =	vld [tilespmem:s30+$0x18E60]  }
0x1d4: {  	v15 =	vld [tilespmem:s30+$0x18900];
	[tilespmem:s30+$0x18E00] =	vst v9;
	v9 =	vmul.f32 v13, v5  }
0x1d5: {  	v13 =	vld [tilespmem:s30+$0x18910];
	[tilespmem:s30+$0x18E10] =	vst v8;
	v8 =	vmul.f32 v10, v5  }
0x1d6: {  	v10 =	vld [tilespmem:s30+$0x18940];
	[tilespmem:s30+$0x18E20] =	vst v9;
	v9 =	vmul.f32 v12, v5  }
0x1d7: {  	v12 =	vld [tilespmem:s30+$0x18950];
	[tilespmem:s30+$0x18E30] =	vst v8;
	v8 =	vmul.f32 v14, v5  }
0x1d8: {  	[tilespmem:s30+$0x18E40] =	vst v9;
	v9 =	vmul.f32 v11, v5;
	v11 =	vbroadcast v2, $0xB;
	v14 =	vld [tilespmem:s30+$0x18EA0]  }
0x1d9: {  	v5 =	vbroadcast v2, $0xF;
	v15 =	vmul.f32 v3, v15;
	[tilespmem:s30+$0x18E50] =	vst v8;
	v8 =	vld [tilespmem:s30+$0x18EB0]  }
0x1da: {  	v13 =	vmul.f32 v13, v3;
	[tilespmem:s30+$0x18E60] =	vst v9;
	v6 =	vmul.f32 v6, v11;
	v9 =	vld [tilespmem:s30+$0x18EC0]  }
0x1db: {  	v7 =	vmul.f32 v7, v11;
	[tilespmem:s30+$0x18900] =	vst v15;
	v10 =	vmul.f32 v10, v3;
	v15 =	vld [tilespmem:s30+$0x18ED0]  }
0x1dc: {  	v4 =	vmul.f32 v4, v5;
	v12 =	vmul.f32 v12, v3;
	[tilespmem:s30+$0x18E80] =	vst v6;
	v3 =	vld [tilespmem:s30+$0x18EE0]  }
0x1dd: {  	[tilespmem:s30+$0x18E90] =	vst v7;
	v6 =	vmul.f32 v14, v11;
	v7 =	vld [tilespmem:s30+$0x18EF0]  }
0x1de: {  	v8 =	vmul.f32 v8, v11;
	v14 =	vld [tilespmem:s30+$0x18F00];
	[tilespmem:s30+$0x190D0] =	vst v4  }
0x1df: {  	[tilespmem:s30+$0x18910] =	vst v13;
	v4 =	vmul.f32 v9, v11;
	v9 =	vld [tilespmem:s30+$0x18F10]  }
0x1e0: {  	[tilespmem:s30+$0x18940] =	vst v10;
	v10 =	vmul.f32 v15, v11;
	v13 =	vld [tilespmem:s30+$0x18F20]  }
0x1e1: {  	v15 =	vbroadcast v2, $0xC;
	[tilespmem:s30+$0x18EA0] =	vst v6;
	v6 =	vmul.f32 v3, v11;
	v16 =	vld [tilespmem:s30+$0x18F30]  }
0x1e2: {  	[tilespmem:s30+$0x18ED0] =	vst v10;
	v7 =	vmul.f32 v7, v11;
	v10 =	vld [tilespmem:s30+$0x18F40]  }
0x1e3: {  	[tilespmem:s30+$0x18EB0] =	vst v8;
	v3 =	vmul.f32 v14, v15;
	v8 =	vld [tilespmem:s30+$0x18F50]  }
0x1e4: {  	[tilespmem:s30+$0x18EC0] =	vst v4;
	v4 =	vmul.f32 v9, v15;
	v9 =	vld [tilespmem:s30+$0x18F60]  }
0x1e5: {  	[tilespmem:s30+$0x18F00] =	vst v3;
	v3 =	vmul.f32 v13, v15;
	v11 =	vld [tilespmem:s30+$0x18F70]  }
0x1e6: {  	[tilespmem:s30+$0x18F10] =	vst v4;
	v4 =	vld [tilespmem:s30+$0x18F80]  }
0x1e7: {  	[tilespmem:s30+$0x18950] =	vst v12;
	v10 =	vmul.f32 v10, v15;
	v12 =	vld [tilespmem:s30+$0x18F90]  }
0x1e8: {  	[tilespmem:s30+$0x18EE0] =	vst v6;
	v6 =	vmul.f32 v8, v15;
	v8 =	vld [tilespmem:s30+$0x18FA0]  }
0x1e9: {  	[tilespmem:s30+$0x18F40] =	vst v10;
	v9 =	vmul.f32 v9, v15;
	v10 =	vbroadcast v2, $0xD;
	v13 =	vld [tilespmem:s30+$0x18FB0]  }
0x1ea: {  	[tilespmem:s30+$0x18F50] =	vst v6;
	v6 =	vmul.f32 v11, v15;
	v11 =	vld [tilespmem:s30+$0x18FC0]  }
0x1eb: {  	[tilespmem:s30+$0x18F60] =	vst v9;
	v4 =	vmul.f32 v4, v10;
	v9 =	vld [tilespmem:s30+$0x18FD0]  }
0x1ec: {  	[tilespmem:s30+$0x18F70] =	vst v6;
	v6 =	vmul.f32 v12, v10;
	v12 =	vld [tilespmem:s30+$0x18FE0]  }
0x1ed: {  	[tilespmem:s30+$0x18F80] =	vst v4;
	v4 =	vmul.f32 v8, v10;
	v8 =	vld [tilespmem:s30+$0x18FF0]  }
0x1ee: {  	[tilespmem:s30+$0x18F90] =	vst v6;
	v6 =	vmul.f32 v13, v10;
	v13 =	vld [tilespmem:s30+$0x19000]  }
0x1ef: {  	[tilespmem:s30+$0x18FA0] =	vst v4;
	v4 =	vmul.f32 v11, v10;
	v11 =	vld [tilespmem:s30+$0x19010]  }
0x1f0: {  	[tilespmem:s30+$0x18FB0] =	vst v6;
	v6 =	vmul.f32 v9, v10;
	v9 =	vld [tilespmem:s30+$0x19020]  }
0x1f1: {  	v2 =	vbroadcast v2, $0xE;
	[tilespmem:s30+$0x18EF0] =	vst v7;
	v7 =	vmul.f32 v12, v10;
	v12 =	vld [tilespmem:s30+$0x19030]  }
0x1f2: {  	[tilespmem:s30+$0x18FD0] =	vst v6;
	v6 =	vmul.f32 v8, v10;
	v8 =	vld [tilespmem:s30+$0x19040]  }
0x1f3: {  	[tilespmem:s30+$0x18FE0] =	vst v7;
	v7 =	vmul.f32 v13, v2;
	v10 =	vld [tilespmem:s30+$0x19050]  }
0x1f4: {  	[tilespmem:s30+$0x18FF0] =	vst v6;
	v6 =	vmul.f32 v11, v2;
	v11 =	vld [tilespmem:s30+$0x19060]  }
0x1f5: {  	[tilespmem:s30+$0x19000] =	vst v7;
	v7 =	vmul.f32 v9, v2;
	v9 =	vld [tilespmem:s30+$0x19070]  }
0x1f6: {  	[tilespmem:s30+$0x19010] =	vst v6;
	v6 =	vmul.f32 v12, v2;
	v12 =	vld [tilespmem:s30+$0x19080]  }
0x1f7: {  	[tilespmem:s30+$0x19020] =	vst v7;
	v7 =	vmul.f32 v8, v2;
	v8 =	vld [tilespmem:s30+$0x19090]  }
0x1f8: {  	[tilespmem:s30+$0x19030] =	vst v6;
	v6 =	vmul.f32 v10, v2;
	v10 =	vld [tilespmem:s30+$0x190A0]  }
0x1f9: {  	[tilespmem:s30+$0x19040] =	vst v7;
	v7 =	vmul.f32 v11, v2;
	v11 =	vld [tilespmem:s30+$0x190B0]  }
0x1fa: {  	[tilespmem:s30+$0x18FC0] =	vst v4;
	v2 =	vmul.f32 v9, v2;
	v4 =	vld [tilespmem:s30+$0x190C0]  }
0x1fb: {  	[tilespmem:s30+$0x19060] =	vst v7;
	v7 =	vmul.f32 v12, v5;
	v9 =	vld [tilespmem:s30+$0x190E0]  }
0x1fc: {  	[tilespmem:s30+$0x19070] =	vst v2;
	v2 =	vmul.f32 v8, v5;
	v8 =	vld [tilespmem:s30+$0x190F0]  }
0x1fd: {  	[tilespmem:s30+$0x19080] =	vst v7;
	v7 =	vmul.f32 v10, v5  }
0x1fe: {  	[tilespmem:s30+$0x19090] =	vst v2;
	v2 =	vmul.f32 v11, v5  }
0x1ff: {  	v10 =	vmul.f32 v16, v15;
	[tilespmem:s30+$0x190A0] =	vst v7  }
0x200: {  	[tilespmem:s30+$0x190B0] =	vst v2;
	v2 =	vmul.f32 v4, v5  }
.Ltmp2:
0x201: {  	[tilespmem:s30+$0x18F30] =	vst v10;
	v4 =	vmul.f32 v8, v5;
	(pc) =	sbr.rel @p1 .LBB2_7-.Ltmp2, $4  }
0x202: {  	[tilespmem:s30+$0x190C0] =	vst v2  }
0x203: {  	v2 =	vmul.f32 v9, v5;
	[tilespmem:s30+$0x190F0] =	vst v4  }
0x204: {  	[tilespmem:s30+$0x19050] =	vst v6  }
0x205: {  	[tilespmem:s30+$0x190E0] =	vst v2  }
0x206: {  	s29 =	sadd.s32 $0x1, s29  }
0x207: {  	p1 =	sne.s32 s29, $0xFA  }
.Ltmp3:
0x208: {  	[tilespmem:s30+$0x18F20] =	vst v3;
	(pc) =	sbr.rel @p1 .LBB2_6-.Ltmp3, $4  }
0x209: {  	[spmem:s2] =	stream.indirect.scatter.add.f32 [tilespmem:s25], [sflag:$0x2], $0x80, s20, s21, $0xb8;
	[tilespmem:$0x1C580] =	vst v63  }
0x20a: {  	_ =	swait.ge [sflag:s16], $0x2800  }
0x20b: {  	[sflag:s16] =	ssyncset.done $0x0  }
0x20c: {  	[sflag:s16] =	ssyncadd.s32 $0xFFFFD800  }
0x20d: {  	s0 =	sshll.u32 @!p0 s3, $0x6;
	[bflag:$0x0] =	sbarrier.arrive $0xFFFF;
	s4 =	sadd.s32 $0x1, s4  }
0x20e: {  	s28 =	sshrl.u32 @!p0 s9, $0x3;
	s0 =	sor.u32 @!p0 $0x1C02, s0;
	p1 =	sne.s32 s4, s24  }
0x20f: {  	[hbm:s23], [sflag:s0] =	dma.local @!p0 [spmem:s28], $0x3E80  }
.Ltmp4:
0x210: {  	_ = 	snop;
	(pc) =	sbr.rel @p1 .LBB2_1-.Ltmp4, $4  }
0x211: {  	s0 =	simm.s32 @!p0 $0x2  }
0x212: {  	_ =	swait.ge @!p0 [sflag:s0], $0x3E80  }
0x213: {  	[sflag:s0] =	ssyncset.done @!p0 $0x0  }
0x214: {  	[sflag:s0] =	ssyncadd.s32 @!p0 $0xFFFFC180  }
0x215: {  	_ =	sfence.sel $0x180000  }
0x216: {  	[bflag:$0x0] =	sbarrier.arrive $0xFFFF  }
0x217: {  	_ =	strace $0x9000004A  }
0x218: {  	[bflag:$0x2] =	sbarrier.arrive $0xFFFF  }
0x219: {  	p0 =	sne.s32 s3, $0x0;
	s0 =	rddreg [dreg:$0x3]  }
0x21a: {  	s0 =	sadd.s32 @!p0 $0x100000, s0  }
0x21b: {  	[sflag:s0] =	ssyncadd.tile.s32 @!p0 $0x1;
	_ =	shalt  }
.Lfunc_end2:
_tile_overlayer_lowered:
.L_overlay_start_2:
0x21c: {  	(tag) =	ssettag $0x2  }
0x21d: {  	s0 =	rddreg [dreg:$0x0];
	s2 =	stileid.u32  }
0x21e: {  	s1 =	rddreg [dreg:$0x1];
	p0 =	sne.s32 s2, $0x0  }
0x21f: {  	s3 =	rddreg [dreg:$0x2];
	[bflag:$0x3] =	sbarrier.arrive $0xFFFF;
	s2 =	simm.s32 @!p0 $0x1C02  }
0x220: {  	[timem:s3], [sflag:s2] =	dma.local @!p0 [hbm:s0], s1  }
0x221: {  	s0 =	simm.s32 @!p0 $0x2  }
0x222: {  	_ =	swait.ge @!p0 [sflag:s0], s1  }
0x223: {  	s1 =	ssub.s32 @!p0 $0x0, s1;
	[sflag:s0] =	ssyncset.done @!p0 $0x0  }
0x224: {  	[sflag:s0] =	ssyncadd.s32 @!p0 s1  }
0x225: {  	[bflag:$0x3] =	sbarrier.arrive $0xFFFF  }
0x226: {  	_ =	shalt  }

// kernel: kernel.8.cloned.1.call-start
scs
__scs_entry_jumppad:
0x0: {  	(pc) =	sbr.rel $0x88, $3  }
0x1: {  	(tag) =	ssettag $0x0;
	lr =	simm.s32 $0x1  }
0x2: {  	[smem:$0x3F9A] =	sst lr;
	_ =	strace $0xD0000000  }
0x3: {  	_ = 	snop  }
0x4: {  	_ = 	snop  }
0x5: {  	_ = 	snop  }
0x6: {  	_ = 	snop  }
0x7: {  	_ = 	snop  }
__scs_overlays_trampoline_lowered:
0x8: {  	[smem:$0x3FA9] =	sst s0  }
0x9: {  	[smem:$0x3FAA] =	sst s1  }
0xa: {  	[smem:$0x3FAB] =	sst s2  }
0xb: {  	[smem:$0x3FAC] =	sst s3  }
0xc: {  	[smem:$0x3FAD] =	sst s4  }
0xd: {  	[smem:$0x3FAE] =	sst s5  }
0xe: {  	[smem:$0x3FAF] =	sst s6  }
0xf: {  	[smem:$0x3FB0] =	sst s7  }
0x10: {  	[smem:$0x3FB1] =	sst s8  }
0x11: {  	[smem:$0x3FB2] =	sst s9;
	s0 =	simm.s32 @!p0 $0x0  }
0x12: {  	s1 =	sld [smem:$0x3F98];
	s0 =	simm.s32 @p0 $0x1  }
0x13: {  	[smem:$0x3FB3] =	sst s0;
	s0 =	simm.s32 @!p1 $0x0  }
0x14: {  	s2 =	sld [smem:$0x3F97];
	s0 =	simm.s32 @p1 $0x1  }
0x15: {  	[smem:$0x3FB4] =	sst s0;
	s0 =	simm.s32 @!p2 $0x0  }
0x16: {  	s3 =	sld [smem:$0x3FDB];
	s0 =	simm.s32 @p2 $0x1  }
0x17: {  	s4 =	simm.s32 $0x1BF5;
	[smem:$0x3FB6] =	sst s0  }
0x18: {  	s0 =	sld [smem:$0x3F99];
	_ =	swait.ge [sflag:s4], $0x0  }
0x19: {  	s7 =	sld [smem:$0x3F9A]  }
0x1a: {  	s8 =	sadd.s32 $0xFFFFE003, lr  }
0x1b: {  	s9 =	sadd.s32 $0xFFFFFEF7, lr;
	s5 =	simm.s32 $0xFFFFFFFF;
	p2 =	slt.u32 s8, $0xFFFFF086  }
0x1c: {  	p1 =	slt.u32 s9, $0xF7A;
	s5 =	simm.s32 @!p2 $0x0  }
0x1d: {  	s5 =	simm.s32 @p1 $0x1;
	p0 =	seq.s32 s7, s2  }
0x1e: {  	s7 =	smul.u32 @!p0 $0xF7A, s2;
	p2 =	seq.s32 @!p0 s5, $0x0  }
0x1f: {  	s9 =	smul.u32 $0xF7A, s1;
	s8 =	simm.s32 @!p0 $0x1BF5;
	p2 =	por !p2, p0  }
0x20: {  	[sflag:s8] =	ssyncset.s32 @!p0 $0xFFFFF086;
	s6 =	sadd.s32 @!p0 s3, s7;
	s7 =	simm.s32 @!p0 $0x108  }
0x21: {  	s3 =	sadd.s32 s3, s9;
	s6 =	sadd.s32 @!p0 $0x88, s6;
	s7 =	simm.s32 @p2 $0x1082  }
0x22: {  	[simem:s7], [sflag:s8] =	dma.local @!p0 [hbm:s6], $0xF7A  }
0x23: {  	s9 =	sor.u32 $0xD0000000, s2;
	s6 =	simm.s32 $0x108;
	_ =	swait.ge @!p0 [sflag:s8], $0x0  }
0x24: {  	s3 =	sadd.s32 $0x88, s3;
	s6 =	simm.s32 @!p1 $0x1082;
	[sflag:s4] =	ssyncset.s32 $0xFFFFF086  }
0x25: {  	[simem:s6], [sflag:s4] =	dma.local [hbm:s3], $0xF7A  }
0x26: {  	[smem:$0x3F9A] =	sst s1;
	(tag) =	ssettag s2;
	_ =	strace s9  }
0x27: {  	s1 =	sld [smem:$0x3FAA]  }
0x28: {  	s2 =	sld [smem:$0x3FAB]  }
0x29: {  	s4 =	sld [smem:$0x3FAD]  }
0x2a: {  	p0 =	seq.s32 s5, $0x0;
	s5 =	sld [smem:$0x3FAE]  }
0x2b: {  	s6 =	sld [smem:$0x3FAF]  }
0x2c: {  	s7 =	sld [smem:$0x3FB0]  }
0x2d: {  	s3 =	simm.s32 $0x108;
	s8 =	sld [smem:$0x3FB1]  }
0x2e: {  	s3 =	simm.s32 @!p0 $0x1082;
	s9 =	sld [smem:$0x3FB2]  }
0x2f: {  	lr =	sadd.s32 s0, s3;
	s0 =	sld [smem:$0x3FA9]  }
0x30: {  	s3 =	sld [smem:$0x3FAC]  }
0x31: {  	[smem:$0x3FB5] =	sst s10  }
0x32: {  	s10 =	sld [smem:$0x3FB3];
	_ =	sdelay $0x3  }
0x33: {  	p0 =	seq.s32 s10, $0x1;
	s10 =	sld [smem:$0x3FB5];
	_ =	sdelay $0x3  }
0x34: {  	[smem:$0x3FB5] =	sst s10  }
0x35: {  	s10 =	sld [smem:$0x3FB4];
	_ =	sdelay $0x3  }
0x36: {  	p1 =	seq.s32 s10, $0x1;
	s10 =	sld [smem:$0x3FB5];
	_ =	sdelay $0x3  }
0x37: {  	[smem:$0x3FB5] =	sst s10  }
0x38: {  	s10 =	sld [smem:$0x3FB6]  }
0x39: {  	_ = 	snop;
	(pc) =	sbr.ind lr, $3  }
0x3a: {  	_ = 	snop  }
0x3b: {  	_ = 	snop  }
0x3c: {  	p2 =	seq.s32 s10, $0x1;
	s10 =	sld [smem:$0x3FB5]  }
0x3d: {  	_ =	shalt  }
0x3e: {  	_ =	shalt  }
0x3f: {  	_ =	shalt  }
0x40: {  	_ =	shalt  }
0x41: {  	_ =	shalt  }
0x42: {  	_ =	shalt  }
0x43: {  	_ =	shalt  }
0x44: {  	_ =	shalt  }
0x45: {  	_ =	shalt  }
0x46: {  	_ =	shalt  }
0x47: {  	_ =	shalt  }
0x48: {  	_ =	shalt  }
0x49: {  	_ =	shalt  }
0x4a: {  	_ =	shalt  }
0x4b: {  	_ =	shalt  }
0x4c: {  	_ =	shalt  }
0x4d: {  	_ =	shalt  }
0x4e: {  	_ =	shalt  }
0x4f: {  	_ =	shalt  }
0x50: {  	_ =	shalt  }
0x51: {  	_ =	shalt  }
0x52: {  	_ =	shalt  }
0x53: {  	_ =	shalt  }
0x54: {  	_ =	shalt  }
0x55: {  	_ =	shalt  }
0x56: {  	_ =	shalt  }
0x57: {  	_ =	shalt  }
0x58: {  	_ =	shalt  }
0x59: {  	_ =	shalt  }
0x5a: {  	_ =	shalt  }
0x5b: {  	_ =	shalt  }
0x5c: {  	_ =	shalt  }
0x5d: {  	_ =	shalt  }
0x5e: {  	_ =	shalt  }
0x5f: {  	_ =	shalt  }
0x60: {  	_ =	shalt  }
0x61: {  	_ =	shalt  }
0x62: {  	_ =	shalt  }
0x63: {  	_ =	shalt  }
0x64: {  	_ =	shalt  }
0x65: {  	_ =	shalt  }
0x66: {  	_ =	shalt  }
0x67: {  	_ =	shalt  }
0x68: {  	_ =	shalt  }
0x69: {  	_ =	shalt  }
0x6a: {  	_ =	shalt  }
0x6b: {  	_ =	shalt  }
0x6c: {  	_ =	shalt  }
0x6d: {  	_ =	shalt  }
0x6e: {  	_ =	shalt  }
0x6f: {  	_ =	shalt  }
0x70: {  	_ =	shalt  }
0x71: {  	_ =	shalt  }
0x72: {  	_ =	shalt  }
0x73: {  	_ =	shalt  }
0x74: {  	_ =	shalt  }
0x75: {  	_ =	shalt  }
0x76: {  	_ =	shalt  }
0x77: {  	_ =	shalt  }
0x78: {  	_ =	shalt  }
0x79: {  	_ =	shalt  }
0x7a: {  	_ =	shalt  }
0x7b: {  	_ =	shalt  }
0x7c: {  	_ =	shalt  }
0x7d: {  	_ =	shalt  }
0x7e: {  	_ =	shalt  }
0x7f: {  	_ =	shalt  }
0x80: {  	_ =	shalt  }
0x81: {  	_ =	shalt  }
0x82: {  	_ =	shalt  }
0x83: {  	_ =	shalt  }
0x84: {  	_ =	shalt  }
0x85: {  	_ =	shalt  }
0x86: {  	_ =	shalt  }
0x87: {  	_ =	shalt  }
.Lfunc_end0:
.L_simem_size_0:
called_computation_lowered:
.L_overlay_start_0:
0x88: {  	s2 =	sld [smem:$0x3FD9]  }
0x89: {  	s3 =	sld [smem:$0x3FFE];
	_ =	sdelay $0x1  }
0x8a: {  	s1 =	srdreg.scid  }
0x8b: {  	s0 =	sand.u32 $0x1, s1  }
0x8c: {  	s14 =	sshll.u32 s0, $0xA;
	s2 =	sadd.s32 s3, s2  }
0x8d: {  	s2 =	sadd.s32 s2, s14  }
0x8e: {  	[smem:$0x3FC1] =	sst s2  }
0x8f: {  	_ = 	snop  }
0x90: {  	s2 =	sld [smem:$0x3FD0];
	_ =	sdelay $0x2  }
0x91: {  	s15 =	simm.s32 $0xA;
	s4 =	simm.s32 $0x10  }
0x92: {  	[smem:s4], [sflag:s15] =	dma.local [hbm:s2], $0x1  }
0x93: {  	_ =	swait.eq [sflag:s15], $0x1  }
0x94: {  	[sflag:s15] =	ssyncset.done $0x0  }
0x95: {  	s16 =	sld [smem:$0x10];
	[sflag:s15] =	ssyncadd.s32 $0xFFFFFFFF  }
0x96: {  	s17 =	sld [smem:$0x11];
	(tm) =	ssettm $0x1  }
0x97: {  	s18 =	sld [smem:$0x3FFB];
	_ =	sdelay $0x3  }
0x98: {  	_ =	strace s18  }
0x99: {  	s4 =	sld [smem:$0x3FFC];
	_ =	sdelay $0x3  }
0x9a: {  	_ =	strace s4  }
0x9b: {  	s4 =	sld [smem:$0x3FFD];
	_ =	sdelay $0x3  }
0x9c: {  	_ =	strace s4  }
0x9d: {  	_ =	strace $0x8FFFFFFF  }
0x9e: {  	s19 =	sld [smem:$0x3FDB];
	_ =	sdelay $0x1  }
0x9f: {  	s5 =	simm.s32 $_scs_section_size  }
0xa0: {  	s6 =	simm.s32 $_size__tile_overlayer_lowered;
	s7 =	simm.s32 $_tile_overlayer_lowered  }
0xa1: {  	s22 =	simm.s32 $0x1BFF;
	s21 =	sshll.u32 s7, $0x1;
	s4 =	sadd.s32 s5, s19  }
0xa2: {  	s8 =	simm.s32 $0x0;
	s20 =	sshll.u32 s6, $0x1;
	s6 =	sadd.s32 s21, s4  }
0xa3: {  	[timem:s8], [sflag:s22] =	dma.local [hbm:s6], s20  }
0xa4: {  	_ =	swait.ge [sflag:s22], s20  }
0xa5: {  	s5 =	ssub.s32 $0x0, s20;
	[sflag:s22] =	ssyncset.done $0x0  }
0xa6: {  	[sflag:s22] =	ssyncadd.s32 s5;
	_ =	sdelay $0x1  }
0xa7: {  	s23 =	simm.s32 $0x1B8B  }
0xa8: {  	_ =	swait.ge [sflag:s23], $0x1  }
0xa9: {  	[sflag:s23] =	ssyncset.done $0x0  }
0xaa: {  	s25 =	simm.s32 $0x1B8E;
	s24 =	sld [smem:$0x3FFE];
	[sflag:s23] =	ssyncadd.s32 $0xFFFFFFFF  }
0xab: {  	s26 =	simm.s32 $execute0_lowered;
	[smem:$0x3FD2] =	sst s25  }
0xac: {  	s6 =	sshll.u32 s26, $0x1;
	_ =	strace $0x80000046;
	[dreg:$0x1] =	wrdreg $0xFFFFFFFF  }
0xad: {  	s28 =	simm.s32 $_size_execute0_lowered;
	s4 =	sadd.s32 s4, s6;
	[dreg:$0x0] =	wrdreg $0x0  }
0xae: {  	s6 =	sshll.u32 s28, $0x1;
	[dreg:$0x2] =	wrdreg s4  }
0xaf: {  	[dreg:$0x3] =	wrdreg s6  }
0xb0: {  	[dreg:$0x4] =	wrdreg $0xC0  }
0xb1: {  	_ =	task [dreg:s8], $0x5FFFF  }
0xb2: {  	[dreg:$0x1] =	wrdreg $0xFFFFFFFF  }
0xb3: {  	[dreg:$0x0] =	wrdreg $0x60  }
0xb4: {  	[dreg:$0x2] =	wrdreg s17  }
0xb5: {  	[dreg:$0x3] =	wrdreg s24  }
0xb6: {  	[dreg:$0x4] =	wrdreg s16  }
0xb7: {  	[dreg:$0x5] =	wrdreg $0x0  }
0xb8: {  	[dreg:$0x6] =	wrdreg $0x9  }
0xb9: {  	_ =	task.clear_ibuf [dreg:s8], $0x7FFFF;
	_ =	strace $0x90000046  }
0xba: {  	s29 =	simm.s32 $0x9;
	_ =	strace $0x80000048  }
0xbb: {  	_ =	swait.ge [sflag:s29], $0x1  }
0xbc: {  	[sflag:s29] =	ssyncadd.s32 $0xFFFFFFFF  }
0xbd: {  	_ =	strace $0x90000048  }
0xbe: {  	_ =	sfence  }
0xbf: {  	s30 =	sld [smem:$0x0];
	_ =	sdelay $0x2  }
0xc0: {  	s31 =	sshll.u32 s1, $0xD;
	s1 =	sshrl.u32 s1, $0x2  }
0xc1: {  	s3 =	sand.u32 $0x4000, s31;
	s1 =	sadd.s32 s1, s30  }
0xc2: {  	s0 =	sor.u32 s3, s0;
	s1 =	sshll.u32 s1, $0x11  }
0xc3: {  	s0 =	sor.u32 s1, s0  }
0xc4: {  	s0 =	sadd.s32 $0x8F2B, s0  }
0xc5: {  	[sflag:s0] =	ssyncadd.remote.s32 $0x1  }
0xc6: {  	_ =	sfence.sel $0xFFFF  }
0xc7: {  	[dreg:$0x0] =	wrdreg $0xFFFFFFFF;
	(pc) =	sbr.abs _section_cstart, $3  }
0xc8: {  	[dreg:$0x1] =	wrdreg $0xFFFFFFFF  }
0xc9: {  	_ =	task.clear_ibuf [dreg:s8], $0x2FFFF;
	_ =	strace $0x9FFFFFFF  }
0xca: {  	(tm) =	ssettm $0x7FFFFFFF  }
0xcb: {  	_ =	shalt  }
tec
execute0_lowered:
.L_overlay_start_1:
0x0: {  	(tag) =	ssettag $0x1  }
0x1: {  	s1 =	rddreg [dreg:$0x0];
	s3 =	srdreg.scid  }
0x2: {  	s0 =	rddreg [dreg:$0x1];
	s11 =	sand.u32 $0x1, s3  }
0x3: {  	s3 =	stileid.u32;
	s9 =	smul.u32 $0x27100, s11  }
0x4: {  	s10 =	rddreg [dreg:$0x2];
	s12 =	smul.u32 $0x3E80, s3  }
0x5: {  	s2 =	rddreg [dreg:$0x3];
	s13 =	smul.u32 $0x7D000, s3  }
0x6: {  	s4 =	simm.s32 $0x0;
	s5 =	sadd.s32 $0xAA00, s0;
	s6 =	sadd.s32 $0xC00, s0  }
0x7: {  	s7 =	sadd.s32 $0x14800, s0;
	s9 =	sadd.s32 s12, s9;
	s24 =	sshrl.u32 s13, $0x2  }
0x8: {  	s8 =	sadd.s32 $0x14E00, s0;
	s0 =	sadd.s32 s9, s0;
	s9 =	sadd.s32 s24, s2  }
0x9: {  	[smem:$0x7FF] =	sst s4;
	s26 =	sadd.s32 $0x1400, s9  }
0xa: {  	_ =	strace $0x80000047;
	s16 =	sadd.s32 $0x2800, s9;
	[dreg:$0x5] =	wrdreg s26  }
0xb: {  	s14 =	sshll.u32 s11, $0x4;
	s17 =	sadd.s32 $0x3C00, s9;
	[dreg:$0x6] =	wrdreg s16  }
0xc: {  	s15 =	sor.u32 s3, s14;
	s18 =	sadd.s32 $0x5000, s9;
	[dreg:$0x7] =	wrdreg s17  }
0xd: {  	s13 =	sshrl.u32 s15, $0x3;
	s15 =	sadd.s32 $0x6400, s9;
	[dreg:$0x8] =	wrdreg s18  }
0xe: {  	s28 =	simm.s32 $0x18880;
	s20 =	sadd.s32 $0x7800, s9;
	[dreg:$0x9] =	wrdreg s15  }
0xf: {  	s23 =	ssub.s32 $0x2, s11;
	s21 =	sadd.s32 $0x8C00, s9;
	[dreg:$0xa] =	wrdreg s20  }
0x10: {  	s25 =	sshrl.u32 s23, $0x1;
	s22 =	sadd.s32 $0xA000, s9;
	[dreg:$0xb] =	wrdreg s21  }
0x11: {  	s12 =	ssub.s32 s23, s25;
	s23 =	sadd.s32 $0xB400, s9;
	[dreg:$0xc] =	wrdreg s22  }
0x12: {  	s19 =	sshll.u32 s3, $0x7;
	s24 =	sadd.s32 $0xC800, s9;
	[dreg:$0xd] =	wrdreg s23  }
0x13: {  	s14 =	sand.u32 $0x380, s19;
	s25 =	sadd.s32 $0xDC00, s9;
	[dreg:$0xe] =	wrdreg s24  }
0x14: {  	s13 =	smul.u32 $0x13C00, s13;
	s19 =	sadd.s32 $0x16800, s9;
	[dreg:$0xf] =	wrdreg s25  }
0x15: {  	s29 =	simm.s32 $0x18900;
	s26 =	sadd.s32 $0xF000, s9;
	[dreg:$0x16] =	wrdreg s19  }
0x16: {  	s13 =	sor.u32 s14, s13;
	s14 =	sadd.s32 $0x10400, s9;
	[dreg:$0x10] =	wrdreg s26  }
0x17: {  	s30 =	simm.s32 $0x1;
	s15 =	sadd.s32 $0x11800, s9;
	[dreg:$0x11] =	wrdreg s14  }
0x18: {  	s31 =	simm.s32 $0x0;
	s16 =	sadd.s32 $0x12C00, s9;
	[dreg:$0x12] =	wrdreg s15  }
0x19: {  	s11 =	smul.u32 $0x2710, s11;
	s17 =	sadd.s32 $0x14000, s9;
	[dreg:$0x13] =	wrdreg s16  }
0x1a: {  	p0 =	sgt.u32 s3, $0x9;
	s18 =	sadd.s32 $0x15400, s9;
	[dreg:$0x14] =	wrdreg s17  }
0x1b: {  	s23 =	sadd.s32 $0x15400, s0;
	s20 =	sadd.s32 $0x17C00, s9;
	[dreg:$0x15] =	wrdreg s18  }
0x1c: {  	s24 =	smax.u32 s12, $0x1;
	s22 =	sadd.s32 $0x19000, s9;
	[dreg:$0x17] =	wrdreg s20  }
0x1d: {  	s25 =	sadd.s32 $0x1A400, s9;
	s19 =	simm.s32 $0x16000;
	[dreg:$0x18] =	wrdreg s22  }
0x1e: {  	s13 =	sshrl.u32 s13, $0x3;
	[dreg:$0x19] =	wrdreg s25;
	s26 =	sadd.s32 $0x1B800, s9  }
0x1f: {  	s14 =	sadd.s32 $0x1E000, s9;
	s15 =	smul.u32 $0x4E20, s3;
	s16 =	simm.s32 $0x1B180  }
0x20: {  	s17 =	simm.s32 $0x2;
	s18 =	simm.s32 $0x13880;
	s20 =	simm.s32 $0x18780  }
0x21: {  	s22 =	simm.s32 $0x18800;
	s25 =	simm.s32 $0x1C580;
	s21 =	sadd.s32 s10, s13  }
0x22: {  	v1 =	vimm.f32 $0.0e+00;
	v0 =	vmov s11;
	[dreg:$0x1a] =	wrdreg s26;
	s13 =	sadd.s32 $0x1CC00, s9;
	s26 =	simm.s32 $0x50  }
.LBB2_1:
0x23: {  	s0 =	simm.s32 $0x0;
	s10 =	simm.s32 $0x200  }
.LBB2_2:
0x24: {  	p1 =	sne.s32 s10, $0x4E00;
	[tilespmem:s0+$0x1B1F0] =	vst v1  }
0x25: {  	[tilespmem:s0+$0x1B180] =	vst v1  }
0x26: {  	[tilespmem:s0+$0x1B190] =	vst v1  }
.Ltmp0:
0x27: {  	[tilespmem:s0+$0x1B1A0] =	vst v1;
	(pc) =	sbr.rel @p1 .LBB2_2-.Ltmp0, $4  }
0x28: {  	[tilespmem:s0+$0x1B1B0] =	vst v1  }
0x29: {  	[tilespmem:s0+$0x1B1C0] =	vst v1  }
0x2a: {  	[tilespmem:s0+$0x1B1D0] =	vst v1  }
0x2b: {  	[tilespmem:s0+$0x1B1E0] =	vst v1;
	s0 =	sshra.s32 s10, $0x2;
	s10 =	sadd.s32 $0x200, s10  }
0x2c: {  	[tilespmem:s0+$0x1B1F0] =	vst v1  }
0x2d: {  	[tilespmem:s0+$0x1B180] =	vst v1  }
0x2e: {  	[tilespmem:s0+$0x1B190] =	vst v1  }
0x2f: {  	[tilespmem:s0+$0x1B1A0] =	vst v1  }
0x30: {  	[tilespmem:s0+$0x1B1B0] =	vst v1  }
0x31: {  	[tilespmem:s0+$0x1B1C0] =	vst v1  }
0x32: {  	[tilespmem:s0+$0x1B1D0] =	vst v1  }
0x33: {  	[tilespmem:s0+$0x1B1E0] =	vst v1;
	s0 =	simm.s32 $0x40;
	s10 =	simm.s32 $0x0  }
.LBB2_4:
0x34: {  	p1 =	sne.s32 s0, $0x9C00;
	[tilespmem:s10+$0x1C580] =	vst v1;
	s10 =	smov.u32 s0;
	s0 =	sadd.s32 $0x40, s0  }
.Ltmp1:
0x35: {  	(pc) =	sbr.rel @p1 .LBB2_4-.Ltmp1, $2  }
0x36: {  	_ =	sdelay $0x2  }
0x37: {  	s10 =	sshra.s32 s10, $0x2  }
.Ltmp2:
0x38: {  	(pc) =	sbr.rel @p0 .LBB2_7-.Ltmp2, $2  }
0x39: {  	_ =	sdelay $0x2  }
0x3a: {  	[tilespmem:s10+$0x1C580] =	vst v1  }
0x3b: {  	[spmem:s9] =	stream.linear.scatter [tilespmem:s16], [sflag:$0x2], $0x1400, $0x38;
	[tilespmem:$0x1ED00] =	vst v63  }
0x3c: {  	_ =	swait.ge [sflag:s17], $0x1400  }
0x3d: {  	[sflag:s17] =	ssyncset.done $0x0  }
0x3e: {  	s0 =	rddreg [dreg:$0x5];
	[sflag:s17] =	ssyncadd.s32 $0xFFFFEC00  }
0x3f: {  	[spmem:s0] =	stream.linear.scatter [tilespmem:s16], [sflag:$0x2], $0x1400, $0x38;
	[tilespmem:$0x1ED00] =	vst v63  }
0x40: {  	_ =	swait.ge [sflag:s17], $0x1400  }
0x41: {  	[sflag:s17] =	ssyncset.done $0x0  }
0x42: {  	s10 =	rddreg [dreg:$0x6];
	[sflag:s17] =	ssyncadd.s32 $0xFFFFEC00  }
0x43: {  	[spmem:s10] =	stream.linear.scatter [tilespmem:s16], [sflag:$0x2], $0x1400, $0x38;
	[tilespmem:$0x1ED00] =	vst v63  }
0x44: {  	_ =	swait.ge [sflag:s17], $0x1400  }
0x45: {  	[sflag:s17] =	ssyncset.done $0x0  }
0x46: {  	s11 =	rddreg [dreg:$0x7];
	[sflag:s17] =	ssyncadd.s32 $0xFFFFEC00  }
0x47: {  	[spmem:s11] =	stream.linear.scatter [tilespmem:s16], [sflag:$0x2], $0x1400, $0x38;
	[tilespmem:$0x1ED00] =	vst v63  }
0x48: {  	_ =	swait.ge [sflag:s17], $0x1400  }
0x49: {  	[sflag:s17] =	ssyncset.done $0x0  }
0x4a: {  	s12 =	rddreg [dreg:$0x8];
	[sflag:s17] =	ssyncadd.s32 $0xFFFFEC00  }
0x4b: {  	[spmem:s12] =	stream.linear.scatter [tilespmem:s16], [sflag:$0x2], $0x1400, $0x38;
	[tilespmem:$0x1ED00] =	vst v63  }
0x4c: {  	_ =	swait.ge [sflag:s17], $0x1400  }
0x4d: {  	[sflag:s17] =	ssyncset.done $0x0  }
0x4e: {  	s10 =	rddreg [dreg:$0x9];
	[sflag:s17] =	ssyncadd.s32 $0xFFFFEC00  }
0x4f: {  	[spmem:s10] =	stream.linear.scatter [tilespmem:s16], [sflag:$0x2], $0x1400, $0x38;
	[tilespmem:$0x1ED00] =	vst v63  }
0x50: {  	_ =	swait.ge [sflag:s17], $0x1400  }
0x51: {  	[sflag:s17] =	ssyncset.done $0x0  }
0x52: {  	s11 =	rddreg [dreg:$0xa];
	[sflag:s17] =	ssyncadd.s32 $0xFFFFEC00  }
0x53: {  	[spmem:s11] =	stream.linear.scatter [tilespmem:s16], [sflag:$0x2], $0x1400, $0x38;
	[tilespmem:$0x1ED00] =	vst v63  }
0x54: {  	_ =	swait.ge [sflag:s17], $0x1400  }
0x55: {  	[sflag:s17] =	ssyncset.done $0x0  }
0x56: {  	s12 =	rddreg [dreg:$0xb];
	[sflag:s17] =	ssyncadd.s32 $0xFFFFEC00  }
0x57: {  	[spmem:s12] =	stream.linear.scatter [tilespmem:s16], [sflag:$0x2], $0x1400, $0x38;
	[tilespmem:$0x1ED00] =	vst v63  }
0x58: {  	_ =	swait.ge [sflag:s17], $0x1400  }
0x59: {  	[sflag:s17] =	ssyncset.done $0x0  }
0x5a: {  	s10 =	rddreg [dreg:$0xc];
	[sflag:s17] =	ssyncadd.s32 $0xFFFFEC00  }
0x5b: {  	[spmem:s10] =	stream.linear.scatter [tilespmem:s16], [sflag:$0x2], $0x1400, $0x38;
	[tilespmem:$0x1ED00] =	vst v63  }
0x5c: {  	_ =	swait.ge [sflag:s17], $0x1400  }
0x5d: {  	[sflag:s17] =	ssyncset.done $0x0  }
0x5e: {  	s11 =	rddreg [dreg:$0xd];
	[sflag:s17] =	ssyncadd.s32 $0xFFFFEC00  }
0x5f: {  	[spmem:s11] =	stream.linear.scatter [tilespmem:s16], [sflag:$0x2], $0x1400, $0x38;
	[tilespmem:$0x1ED00] =	vst v63  }
0x60: {  	_ =	swait.ge [sflag:s17], $0x1400  }
0x61: {  	[sflag:s17] =	ssyncset.done $0x0  }
0x62: {  	s12 =	rddreg [dreg:$0xe];
	[sflag:s17] =	ssyncadd.s32 $0xFFFFEC00  }
0x63: {  	[spmem:s12] =	stream.linear.scatter [tilespmem:s16], [sflag:$0x2], $0x1400, $0x38;
	[tilespmem:$0x1ED00] =	vst v63  }
0x64: {  	_ =	swait.ge [sflag:s17], $0x1400  }
0x65: {  	[sflag:s17] =	ssyncset.done $0x0  }
0x66: {  	s10 =	rddreg [dreg:$0xf];
	[sflag:s17] =	ssyncadd.s32 $0xFFFFEC00  }
0x67: {  	[spmem:s10] =	stream.linear.scatter [tilespmem:s16], [sflag:$0x2], $0x1400, $0x38;
	[tilespmem:$0x1ED00] =	vst v63  }
0x68: {  	_ =	swait.ge [sflag:s17], $0x1400  }
0x69: {  	[sflag:s17] =	ssyncset.done $0x0  }
0x6a: {  	s11 =	rddreg [dreg:$0x10];
	[sflag:s17] =	ssyncadd.s32 $0xFFFFEC00  }
0x6b: {  	[spmem:s11] =	stream.linear.scatter [tilespmem:s16], [sflag:$0x2], $0x1400, $0x38;
	[tilespmem:$0x1ED00] =	vst v63  }
0x6c: {  	_ =	swait.ge [sflag:s17], $0x1400  }
0x6d: {  	[sflag:s17] =	ssyncset.done $0x0  }
0x6e: {  	s12 =	rddreg [dreg:$0x11];
	[sflag:s17] =	ssyncadd.s32 $0xFFFFEC00  }
0x6f: {  	[spmem:s12] =	stream.linear.scatter [tilespmem:s16], [sflag:$0x2], $0x1400, $0x38;
	[tilespmem:$0x1ED00] =	vst v63  }
0x70: {  	_ =	swait.ge [sflag:s17], $0x1400  }
0x71: {  	[sflag:s17] =	ssyncset.done $0x0  }
0x72: {  	s10 =	rddreg [dreg:$0x12];
	[sflag:s17] =	ssyncadd.s32 $0xFFFFEC00  }
0x73: {  	[spmem:s10] =	stream.linear.scatter [tilespmem:s16], [sflag:$0x2], $0x1400, $0x38;
	[tilespmem:$0x1ED00] =	vst v63  }
0x74: {  	_ =	swait.ge [sflag:s17], $0x1400  }
0x75: {  	[sflag:s17] =	ssyncset.done $0x0  }
0x76: {  	s11 =	rddreg [dreg:$0x13];
	[sflag:s17] =	ssyncadd.s32 $0xFFFFEC00  }
0x77: {  	[spmem:s11] =	stream.linear.scatter [tilespmem:s16], [sflag:$0x2], $0x1400, $0x38;
	[tilespmem:$0x1ED00] =	vst v63  }
0x78: {  	_ =	swait.ge [sflag:s17], $0x1400  }
0x79: {  	[sflag:s17] =	ssyncset.done $0x0  }
0x7a: {  	s12 =	rddreg [dreg:$0x14];
	[sflag:s17] =	ssyncadd.s32 $0xFFFFEC00  }
0x7b: {  	[spmem:s12] =	stream.linear.scatter [tilespmem:s16], [sflag:$0x2], $0x1400, $0x38;
	[tilespmem:$0x1ED00] =	vst v63  }
0x7c: {  	_ =	swait.ge [sflag:s17], $0x1400  }
0x7d: {  	[sflag:s17] =	ssyncset.done $0x0  }
0x7e: {  	s10 =	rddreg [dreg:$0x15];
	[sflag:s17] =	ssyncadd.s32 $0xFFFFEC00  }
0x7f: {  	[spmem:s10] =	stream.linear.scatter [tilespmem:s16], [sflag:$0x2], $0x1400, $0x38;
	[tilespmem:$0x1ED00] =	vst v63  }
0x80: {  	_ =	swait.ge [sflag:s17], $0x1400  }
0x81: {  	[sflag:s17] =	ssyncset.done $0x0  }
0x82: {  	s11 =	rddreg [dreg:$0x16];
	[sflag:s17] =	ssyncadd.s32 $0xFFFFEC00  }
0x83: {  	[spmem:s11] =	stream.linear.scatter [tilespmem:s16], [sflag:$0x2], $0x1400, $0x38;
	[tilespmem:$0x1ED00] =	vst v63  }
0x84: {  	_ =	swait.ge [sflag:s17], $0x1400  }
0x85: {  	[sflag:s17] =	ssyncset.done $0x0  }
0x86: {  	s12 =	rddreg [dreg:$0x17];
	[sflag:s17] =	ssyncadd.s32 $0xFFFFEC00  }
0x87: {  	[spmem:s12] =	stream.linear.scatter [tilespmem:s16], [sflag:$0x2], $0x1400, $0x38;
	[tilespmem:$0x1ED00] =	vst v63  }
0x88: {  	_ =	swait.ge [sflag:s17], $0x1400  }
0x89: {  	[sflag:s17] =	ssyncset.done $0x0  }
0x8a: {  	s10 =	rddreg [dreg:$0x18];
	[sflag:s17] =	ssyncadd.s32 $0xFFFFEC00  }
0x8b: {  	[spmem:s10] =	stream.linear.scatter [tilespmem:s16], [sflag:$0x2], $0x1400, $0x38;
	[tilespmem:$0x1ED00] =	vst v63  }
0x8c: {  	_ =	swait.ge [sflag:s17], $0x1400  }
0x8d: {  	[sflag:s17] =	ssyncset.done $0x0  }
0x8e: {  	s11 =	rddreg [dreg:$0x19];
	[sflag:s17] =	ssyncadd.s32 $0xFFFFEC00  }
0x8f: {  	[spmem:s11] =	stream.linear.scatter [tilespmem:s16], [sflag:$0x2], $0x1400, $0x38;
	[tilespmem:$0x1ED00] =	vst v63  }
0x90: {  	_ =	swait.ge [sflag:s17], $0x1400  }
0x91: {  	[sflag:s17] =	ssyncset.done $0x0  }
0x92: {  	s12 =	rddreg [dreg:$0x1a];
	[sflag:s17] =	ssyncadd.s32 $0xFFFFEC00  }
0x93: {  	[spmem:s12] =	stream.linear.scatter [tilespmem:s16], [sflag:$0x2], $0x1400, $0x38;
	[tilespmem:$0x1ED00] =	vst v63  }
0x94: {  	_ =	swait.ge [sflag:s17], $0x1400  }
0x95: {  	[sflag:s17] =	ssyncset.done $0x0  }
0x96: {  	[sflag:s17] =	ssyncadd.s32 $0xFFFFEC00  }
0x97: {  	[spmem:s13] =	stream.linear.scatter [tilespmem:s16], [sflag:$0x2], $0x1400, $0x38;
	[tilespmem:$0x1ED00] =	vst v63  }
0x98: {  	_ =	swait.ge [sflag:s17], $0x1400  }
0x99: {  	[sflag:s17] =	ssyncset.done $0x0  }
0x9a: {  	[sflag:s17] =	ssyncadd.s32 $0xFFFFEC00  }
0x9b: {  	[spmem:s14] =	stream.linear.scatter [tilespmem:s16], [sflag:$0x2], $0x1400, $0x38;
	[tilespmem:$0x1ED00] =	vst v63  }
0x9c: {  	_ =	swait.ge [sflag:s17], $0x1400  }
0x9d: {  	[sflag:s17] =	ssyncset.done $0x0  }
0x9e: {  	[sflag:s17] =	ssyncadd.s32 $0xFFFFEC00  }
.LBB2_7:
0x9f: {  	[tilespmem:s18], [sflag:$0x2] =	stream.linear.gather [hbm4b:s7+s31], $0x2780, $0x38;
	[tilespmem:$0x1ED00] =	vst v63  }
0xa0: {  	_ =	swait.ge [sflag:s17], $0x2780  }
0xa1: {  	[sflag:s17] =	ssyncset.done $0x0  }
0xa2: {  	[sflag:s17] =	ssyncadd.s32 $0xFFFFD880  }
0xa3: {  	[tilespmem:s19], [sflag:$0x2] =	stream.linear.gather [hbm4b:s8+s31], $0x2780, $0x38;
	[tilespmem:$0x1ED00] =	vst v63  }
0xa4: {  	_ =	swait.ge [sflag:s17], $0x2780  }
0xa5: {  	[sflag:s17] =	ssyncset.done $0x0  }
0xa6: {  	[sflag:s17] =	ssyncadd.s32 $0xFFFFD880  }
0xa7: {  	s0 =	simm.s32 $0x0;
	[bflag:$0x0] =	sbarrier.arrive $0xFFFF  }
.LBB2_8:
0xa8: {  	s10 =	smul.u32 $0x50, s0;
	_ =	sdelay $0x1  }
0xa9: {  	s10 =	sadd.s32 s15, s10  }
0xaa: {  	s10 =	sshrl.u32 s10, $0x3  }
0xab: {  	s11 =	sadd.s32 s5, s10  }
0xac: {  	[tilespmem:s20], [sflag:$0x2] =	stream.linear.gather [hbm4b:s11+s31], $0x50, $0x38;
	[tilespmem:$0x1ED00] =	vst v63  }
0xad: {  	_ =	swait.ge [sflag:s17], $0x50  }
0xae: {  	[sflag:s17] =	ssyncset.done $0x0  }
0xaf: {  	s10 =	sadd.s32 s6, s10;
	[sflag:s17] =	ssyncadd.s32 $0xFFFFFFB0  }
0xb0: {  	[tilespmem:s22], [sflag:$0x2] =	stream.linear.gather [hbm4b:s10+s31], $0x50, $0x38;
	[tilespmem:$0x1ED00] =	vst v63  }
0xb1: {  	_ =	swait.ge [sflag:s17], $0x50  }
0xb2: {  	[sflag:s17] =	ssyncset.done $0x0  }
0xb3: {  	[sflag:s17] =	ssyncadd.s32 $0xFFFFFFB0  }
0xb4: {  	v2 =	vld [tilespmem:$0x18780]  }
0xb5: {  	v3 =	vld [tilespmem:$0x18800];
	_ =	sdelay $0x6  }
0xb6: {  	v4 =	vld.idx.msk [tilespmem:v2+s18+$0x0], $0xffff  }
0xb7: {  	v5 =	vld.idx.msk [tilespmem:v3+s19+$0x0], $0xffff;
	_ =	sdelay $0x4  }
0xb8: {  	v4 =	vadd.f32 v5, v4;
	_ =	sdelay $0x1  }
0xb9: {  	v5 =	vmul.f32 $2.000000030e-01, v4  }
0xba: {  	vm0 =	vge.f32 v4, $0.0e+00  }
0xbb: {  	v4 =	vsel vm0, v4, v5  }
0xbc: {  	v4 =	vmul.f32 $1.442695020e+00, v4;
	_ =	sdelay $0x1  }
0xbd: {  	(erf) = vpow2.f32 v4;
	_ =	sdelay $0x7  }
0xbe: {  	v2 =	vadd.s32 v0, v2  }
0xbf: {  	[tilespmem:$0x18880] =	vst v2;
	v4 =	vpop (erf)  }
0xc0: {  	[tilespmem:$0x1B100] =	vst v4  }
0xc1: {  	[tilespmem:v3+s25+$0x0] =	vst.idx.add.f32.msk $0xffff, v4  }
0xc2: {  	v2 =	vld [tilespmem:$0x18790]  }
0xc3: {  	v3 =	vld [tilespmem:$0x18810];
	_ =	sdelay $0x6  }
0xc4: {  	v4 =	vld.idx.msk [tilespmem:v2+s18+$0x0], $0xffff  }
0xc5: {  	v5 =	vld.idx.msk [tilespmem:v3+s19+$0x0], $0xffff;
	_ =	sdelay $0x4  }
0xc6: {  	v4 =	vadd.f32 v5, v4;
	_ =	sdelay $0x1  }
0xc7: {  	v5 =	vmul.f32 $2.000000030e-01, v4  }
0xc8: {  	vm12 =	vge.f32 v4, $0.0e+00  }
0xc9: {  	v4 =	vsel vm12, v4, v5  }
0xca: {  	v4 =	vmul.f32 $1.442695020e+00, v4;
	_ =	sdelay $0x1  }
0xcb: {  	(erf) = vpow2.f32 v4;
	_ =	sdelay $0x7  }
0xcc: {  	v2 =	vadd.s32 v0, v2  }
0xcd: {  	[tilespmem:$0x18890] =	vst v2;
	v4 =	vpop (erf)  }
0xce: {  	[tilespmem:$0x1B110] =	vst v4  }
0xcf: {  	[tilespmem:v3+s25+$0x0] =	vst.idx.add.f32.msk $0xffff, v4  }
0xd0: {  	v2 =	vld [tilespmem:$0x187A0]  }
0xd1: {  	v3 =	vld [tilespmem:$0x18820];
	_ =	sdelay $0x6  }
0xd2: {  	v4 =	vld.idx.msk [tilespmem:v2+s18+$0x0], $0xffff  }
0xd3: {  	v5 =	vld.idx.msk [tilespmem:v3+s19+$0x0], $0xffff;
	_ =	sdelay $0x4  }
0xd4: {  	v4 =	vadd.f32 v5, v4;
	_ =	sdelay $0x1  }
0xd5: {  	v5 =	vmul.f32 $2.000000030e-01, v4  }
0xd6: {  	vm13 =	vge.f32 v4, $0.0e+00  }
0xd7: {  	v4 =	vsel vm13, v4, v5  }
0xd8: {  	v4 =	vmul.f32 $1.442695020e+00, v4;
	_ =	sdelay $0x1  }
0xd9: {  	(erf) = vpow2.f32 v4;
	_ =	sdelay $0x7  }
0xda: {  	v2 =	vadd.s32 v0, v2  }
0xdb: {  	[tilespmem:$0x188A0] =	vst v2;
	v4 =	vpop (erf)  }
0xdc: {  	[tilespmem:$0x1B120] =	vst v4  }
0xdd: {  	[tilespmem:v3+s25+$0x0] =	vst.idx.add.f32.msk $0xffff, v4  }
0xde: {  	v2 =	vld [tilespmem:$0x187B0]  }
0xdf: {  	v3 =	vld [tilespmem:$0x18830];
	_ =	sdelay $0x6  }
0xe0: {  	v4 =	vld.idx.msk [tilespmem:v2+s18+$0x0], $0xffff  }
0xe1: {  	v5 =	vld.idx.msk [tilespmem:v3+s19+$0x0], $0xffff;
	_ =	sdelay $0x4  }
0xe2: {  	v4 =	vadd.f32 v5, v4;
	_ =	sdelay $0x1  }
0xe3: {  	v5 =	vmul.f32 $2.000000030e-01, v4  }
0xe4: {  	vm14 =	vge.f32 v4, $0.0e+00  }
0xe5: {  	v4 =	vsel vm14, v4, v5  }
0xe6: {  	v4 =	vmul.f32 $1.442695020e+00, v4;
	_ =	sdelay $0x1  }
0xe7: {  	(erf) = vpow2.f32 v4;
	_ =	sdelay $0x7  }
0xe8: {  	v2 =	vadd.s32 v0, v2  }
0xe9: {  	[tilespmem:$0x188B0] =	vst v2;
	v4 =	vpop (erf)  }
0xea: {  	[tilespmem:$0x1B130] =	vst v4  }
0xeb: {  	[tilespmem:v3+s25+$0x0] =	vst.idx.add.f32.msk $0xffff, v4  }
0xec: {  	v2 =	vld [tilespmem:$0x187C0]  }
0xed: {  	v3 =	vld [tilespmem:$0x18840];
	_ =	sdelay $0x6  }
0xee: {  	v4 =	vld.idx.msk [tilespmem:v2+s18+$0x0], $0xffff  }
0xef: {  	v5 =	vld.idx.msk [tilespmem:v3+s19+$0x0], $0xffff;
	_ =	sdelay $0x4  }
0xf0: {  	v4 =	vadd.f32 v5, v4;
	_ =	sdelay $0x1  }
0xf1: {  	v5 =	vmul.f32 $2.000000030e-01, v4  }
0xf2: {  	vm15 =	vge.f32 v4, $0.0e+00  }
0xf3: {  	v4 =	vsel vm15, v4, v5  }
0xf4: {  	v4 =	vmul.f32 $1.442695020e+00, v4;
	_ =	sdelay $0x1  }
0xf5: {  	(erf) = vpow2.f32 v4;
	_ =	sdelay $0x7  }
0xf6: {  	v2 =	vadd.s32 v0, v2  }
0xf7: {  	[tilespmem:$0x188C0] =	vst v2;
	v4 =	vpop (erf)  }
0xf8: {  	[tilespmem:$0x1B140] =	vst v4  }
0xf9: {  	[tilespmem:v3+s25+$0x0] =	vst.idx.add.f32.msk $0xffff, v4  }
0xfa: {  	[tilespmem:s29], [sflag:$0x1] =	stream.indirect.gather [hbm4b:s1+s26], $0x80, s28, s26, $0xb8;
	[tilespmem:$0x1ED00] =	vst v63  }
0xfb: {  	_ =	swait.ge [sflag:s30], $0x2800  }
0xfc: {  	s11 =	simm.s32 $0x0;
	[sflag:s30] =	ssyncset.done $0x0  }
0xfd: {  	s12 =	simm.s32 $0x0;
	s10 =	sand.u32 $0x3FFFFFF0, s11;
	[sflag:s30] =	ssyncadd.s32 $0xFFFFD800  }
0xfe: {  	v2 =	vld [tilespmem:s10+$0x1B100];
	s10 =	sand.u32 $0x3FFFF800, s12  }
0xff: {  	v8 =	vld [tilespmem:s10+$0x189C0]  }
0x100: {  	v4 =	vld [tilespmem:s10+$0x18920]  }
0x101: {  	v5 =	vld [tilespmem:s10+$0x18930]  }
0x102: {  	v11 =	vld [tilespmem:s10+$0x18960]  }
0x103: {  	v12 =	vld [tilespmem:s10+$0x18970];
	v3 =	vbroadcast v2, $0x0  }
0x104: {  	v13 =	vld [tilespmem:s10+$0x18980]  }
0x105: {  	v14 =	vld [tilespmem:s10+$0x18990];
	v4 =	vmul.f32 v4, v3  }
0x106: {  	v15 =	vld [tilespmem:s10+$0x189A0];
	v5 =	vmul.f32 v5, v3  }
0x107: {  	v10 =	vld [tilespmem:s10+$0x189B0];
	v21 =	vbroadcast v2, $0x1;
	v20 =	vmul.f32 v11, v3;
	[tilespmem:s10+$0x18920] =	vst v4  }
0x108: {  	v9 =	vld [tilespmem:s10+$0x189D0];
	v12 =	vmul.f32 v12, v3;
	[tilespmem:s10+$0x18930] =	vst v5  }
0x109: {  	v7 =	vld [tilespmem:s10+$0x18E70];
	v13 =	vmul.f32 v13, v21;
	[tilespmem:s10+$0x18960] =	vst v20  }
0x10a: {  	v23 =	vld [tilespmem:s10+$0x189F0];
	v14 =	vmul.f32 v14, v21;
	[tilespmem:s10+$0x18970] =	vst v12  }
0x10b: {  	v24 =	vld [tilespmem:s10+$0x18A00];
	v15 =	vmul.f32 v15, v21;
	[tilespmem:s10+$0x18980] =	vst v13  }
0x10c: {  	v25 =	vld [tilespmem:s10+$0x18A10];
	v10 =	vmul.f32 v10, v21;
	[tilespmem:s10+$0x18990] =	vst v14  }
0x10d: {  	v22 =	vld [tilespmem:s10+$0x189E0];
	v8 =	vmul.f32 v8, v21;
	[tilespmem:s10+$0x189A0] =	vst v15  }
0x10e: {  	v26 =	vld [tilespmem:s10+$0x18A20];
	v16 =	vbroadcast v2, $0x2;
	v9 =	vmul.f32 v9, v21;
	[tilespmem:s10+$0x189B0] =	vst v10  }
0x10f: {  	v27 =	vld [tilespmem:s10+$0x18A30];
	v11 =	vmul.f32 v23, v21;
	[tilespmem:s10+$0x189C0] =	vst v8  }
0x110: {  	v28 =	vld [tilespmem:s10+$0x18A40];
	v6 =	vbroadcast v2, $0xA;
	v30 =	vmul.f32 v24, v16;
	[tilespmem:s10+$0x189D0] =	vst v9  }
0x111: {  	v29 =	vld [tilespmem:s10+$0x18A50];
	v32 =	vmul.f32 v25, v16;
	[tilespmem:s10+$0x189F0] =	vst v11  }
0x112: {  	v31 =	vld [tilespmem:s10+$0x18A60];
	v4 =	vmul.f32 v7, v6;
	[tilespmem:s10+$0x18A00] =	vst v30  }
0x113: {  	v33 =	vld [tilespmem:s10+$0x18A70];
	v12 =	vmul.f32 v22, v21;
	[tilespmem:s10+$0x18A10] =	vst v32  }
0x114: {  	v34 =	vld [tilespmem:s10+$0x18A80];
	v10 =	vmul.f32 v26, v16;
	[tilespmem:s10+$0x18E70] =	vst v4  }
0x115: {  	v35 =	vld [tilespmem:s10+$0x18A90];
	v8 =	vmul.f32 v27, v16;
	[tilespmem:s10+$0x189E0] =	vst v12  }
0x116: {  	v36 =	vld [tilespmem:s10+$0x18AA0];
	v9 =	vmul.f32 v28, v16;
	[tilespmem:s10+$0x18A20] =	vst v10  }
0x117: {  	v37 =	vld [tilespmem:s10+$0x18AB0];
	v39 =	vbroadcast v2, $0x3;
	v11 =	vmul.f32 v31, v16;
	[tilespmem:s10+$0x18A30] =	vst v8  }
0x118: {  	v38 =	vld [tilespmem:s10+$0x18AC0];
	v13 =	vmul.f32 v33, v16;
	[tilespmem:s10+$0x18A40] =	vst v9  }
0x119: {  	v40 =	vld [tilespmem:s10+$0x18AD0];
	v14 =	vmul.f32 v34, v39;
	[tilespmem:s10+$0x18A60] =	vst v11  }
0x11a: {  	v41 =	vld [tilespmem:s10+$0x18AE0];
	v12 =	vmul.f32 v29, v16;
	[tilespmem:s10+$0x18A70] =	vst v13  }
0x11b: {  	v42 =	vld [tilespmem:s10+$0x18AF0];
	v10 =	vmul.f32 v35, v39;
	[tilespmem:s10+$0x18A80] =	vst v14  }
0x11c: {  	v43 =	vld [tilespmem:s10+$0x18B00];
	v8 =	vmul.f32 v36, v39;
	[tilespmem:s10+$0x18A50] =	vst v12  }
0x11d: {  	v44 =	vld [tilespmem:s10+$0x18B10];
	v9 =	vmul.f32 v37, v39;
	[tilespmem:s10+$0x18A90] =	vst v10  }
0x11e: {  	v45 =	vld [tilespmem:s10+$0x18B20];
	v11 =	vmul.f32 v40, v39;
	[tilespmem:s10+$0x18AA0] =	vst v8  }
0x11f: {  	v46 =	vld [tilespmem:s10+$0x18B30];
	v13 =	vmul.f32 v41, v39;
	[tilespmem:s10+$0x18AB0] =	vst v9  }
0x120: {  	v47 =	vld [tilespmem:s10+$0x18B40];
	v48 =	vbroadcast v2, $0x4;
	v14 =	vmul.f32 v42, v39;
	[tilespmem:s10+$0x18AD0] =	vst v11  }
0x121: {  	v49 =	vld [tilespmem:s10+$0x18B50];
	v12 =	vmul.f32 v38, v39;
	[tilespmem:s10+$0x18AE0] =	vst v13  }
0x122: {  	v50 =	vld [tilespmem:s10+$0x18B60];
	v10 =	vmul.f32 v43, v48;
	[tilespmem:s10+$0x18AF0] =	vst v14  }
0x123: {  	v51 =	vld [tilespmem:s10+$0x18B70];
	v8 =	vmul.f32 v44, v48;
	[tilespmem:s10+$0x18AC0] =	vst v12  }
0x124: {  	v52 =	vld [tilespmem:s10+$0x18B80];
	v9 =	vmul.f32 v45, v48;
	[tilespmem:s10+$0x18B00] =	vst v10  }
0x125: {  	v53 =	vld [tilespmem:s10+$0x18B90];
	v11 =	vmul.f32 v47, v48;
	[tilespmem:s10+$0x18B10] =	vst v8  }
0x126: {  	v54 =	vld [tilespmem:s10+$0x18BA0];
	v13 =	vmul.f32 v49, v48;
	[tilespmem:s10+$0x18B20] =	vst v9  }
0x127: {  	v55 =	vld [tilespmem:s10+$0x18BB0];
	v14 =	vmul.f32 v50, v48;
	[tilespmem:s10+$0x18B40] =	vst v11  }
0x128: {  	v56 =	vld [tilespmem:s10+$0x18BC0];
	v57 =	vbroadcast v2, $0x5;
	v12 =	vmul.f32 v46, v48;
	[tilespmem:s10+$0x18B50] =	vst v13  }
0x129: {  	v58 =	vld [tilespmem:s10+$0x18BD0];
	v10 =	vmul.f32 v51, v48;
	[tilespmem:s10+$0x18B60] =	vst v14  }
0x12a: {  	v59 =	vld [tilespmem:s10+$0x18BE0];
	v8 =	vmul.f32 v52, v57;
	[tilespmem:s10+$0x18B30] =	vst v12  }
0x12b: {  	v60 =	vld [tilespmem:s10+$0x18BF0];
	v9 =	vmul.f32 v53, v57;
	[tilespmem:s10+$0x18B70] =	vst v10  }
0x12c: {  	v61 =	vld [tilespmem:s10+$0x18C00];
	v11 =	vmul.f32 v55, v57;
	[tilespmem:s10+$0x18B80] =	vst v8  }
0x12d: {  	v62 =	vld [tilespmem:s10+$0x18C10];
	v13 =	vmul.f32 v56, v57;
	[tilespmem:s10+$0x18B90] =	vst v9  }
0x12e: {  	v63 =	vld [tilespmem:s10+$0x18C20];
	v14 =	vmul.f32 v58, v57;
	[tilespmem:s10+$0x18BB0] =	vst v11  }
0x12f: {  	v20 =	vld [tilespmem:s10+$0x18C30];
	v12 =	vmul.f32 v54, v57;
	[tilespmem:s10+$0x18BC0] =	vst v13  }
0x130: {  	v21 =	vld [tilespmem:s10+$0x18C40];
	v22 =	vbroadcast v2, $0x6;
	v10 =	vmul.f32 v59, v57;
	[tilespmem:s10+$0x18BD0] =	vst v14  }
0x131: {  	v23 =	vld [tilespmem:s10+$0x18C50];
	v8 =	vmul.f32 v60, v57;
	[tilespmem:s10+$0x18BA0] =	vst v12  }
0x132: {  	v24 =	vld [tilespmem:s10+$0x18C60];
	v9 =	vmul.f32 v61, v22;
	[tilespmem:s10+$0x18BE0] =	vst v10  }
0x133: {  	v25 =	vld [tilespmem:s10+$0x18C70];
	v11 =	vmul.f32 v63, v22;
	[tilespmem:s10+$0x18BF0] =	vst v8  }
0x134: {  	v5 =	vld [tilespmem:s10+$0x18E80];
	v13 =	vmul.f32 v20, v22;
	[tilespmem:s10+$0x18C00] =	vst v9  }
0x135: {  	v27 =	vld [tilespmem:s10+$0x18C90];
	v14 =	vmul.f32 v21, v22;
	[tilespmem:s10+$0x18C20] =	vst v11  }
0x136: {  	v28 =	vld [tilespmem:s10+$0x18CA0];
	v12 =	vmul.f32 v62, v22;
	[tilespmem:s10+$0x18C30] =	vst v13  }
0x137: {  	v29 =	vld [tilespmem:s10+$0x18CB0];
	v10 =	vmul.f32 v23, v22;
	[tilespmem:s10+$0x18C40] =	vst v14  }
0x138: {  	v31 =	vbroadcast v2, $0x7;
	v53 =	vld [tilespmem:s10+$0x18E00];
	v8 =	vmul.f32 v24, v22;
	[tilespmem:s10+$0x18C10] =	vst v12  }
0x139: {  	v58 =	vld [tilespmem:s10+$0x18E50];
	v9 =	vmul.f32 v25, v22;
	[tilespmem:s10+$0x18C50] =	vst v10  }
0x13a: {  	v26 =	vld [tilespmem:s10+$0x18C80];
	v11 =	vmul.f32 v27, v31;
	[tilespmem:s10+$0x18C60] =	vst v8  }
0x13b: {  	v30 =	vld [tilespmem:s10+$0x18CC0];
	v13 =	vmul.f32 v28, v31;
	[tilespmem:s10+$0x18C70] =	vst v9  }
0x13c: {  	v32 =	vld [tilespmem:s10+$0x18CD0];
	v14 =	vmul.f32 v29, v31;
	[tilespmem:s10+$0x18C90] =	vst v11  }
0x13d: {  	v33 =	vld [tilespmem:s10+$0x18CE0];
	v59 =	vmul.f32 v53, v6;
	[tilespmem:s10+$0x18CA0] =	vst v13  }
0x13e: {  	v35 =	vld [tilespmem:s10+$0x18D00];
	v21 =	vmul.f32 v58, v6;
	[tilespmem:s10+$0x18CB0] =	vst v14  }
0x13f: {  	v36 =	vld [tilespmem:s10+$0x18D10];
	v12 =	vmul.f32 v26, v31;
	[tilespmem:s10+$0x18E00] =	vst v59  }
0x140: {  	v37 =	vld [tilespmem:s10+$0x18D20];
	v10 =	vmul.f32 v30, v31;
	[tilespmem:s10+$0x18E50] =	vst v21  }
0x141: {  	v7 =	vld [tilespmem:s10+$0x18E90];
	v40 =	vbroadcast v2, $0x8;
	v8 =	vmul.f32 v32, v31;
	[tilespmem:s10+$0x18C80] =	vst v12  }
0x142: {  	v34 =	vld [tilespmem:s10+$0x18CF0];
	v9 =	vmul.f32 v33, v31;
	[tilespmem:s10+$0x18CC0] =	vst v10  }
0x143: {  	v57 =	vld [tilespmem:s10+$0x18E40];
	v11 =	vmul.f32 v35, v40;
	[tilespmem:s10+$0x18CD0] =	vst v8  }
0x144: {  	v61 =	vld [tilespmem:s10+$0x18900];
	v24 =	vbroadcast v2, $0xB;
	v13 =	vmul.f32 v36, v40;
	[tilespmem:s10+$0x18CE0] =	vst v9  }
0x145: {  	v4 =	vld [tilespmem:s10+$0x190D0];
	v14 =	vmul.f32 v37, v40;
	[tilespmem:s10+$0x18D00] =	vst v11  }
0x146: {  	v38 =	vld [tilespmem:s10+$0x18D30];
	v5 =	vmul.f32 v5, v24;
	[tilespmem:s10+$0x18D10] =	vst v13  }
0x147: {  	v39 =	vld [tilespmem:s10+$0x18D40];
	v7 =	vmul.f32 v7, v24;
	[tilespmem:s10+$0x18D20] =	vst v14  }
0x148: {  	v41 =	vld [tilespmem:s10+$0x18D50];
	v19 =	vmul.f32 v57, v6;
	[tilespmem:s10+$0x18E80] =	vst v5  }
0x149: {  	v43 =	vld [tilespmem:s10+$0x18D70];
	v25 =	vmul.f32 v3, v61;
	[tilespmem:s10+$0x18E90] =	vst v7  }
0x14a: {  	v44 =	vld [tilespmem:s10+$0x18D80];
	v12 =	vmul.f32 v34, v31;
	[tilespmem:s10+$0x18E40] =	vst v19  }
0x14b: {  	v45 =	vld [tilespmem:s10+$0x18D90];
	v10 =	vmul.f32 v38, v40;
	[tilespmem:s10+$0x18900] =	vst v25  }
0x14c: {  	v27 =	vld [tilespmem:s10+$0x18ED0];
	v8 =	vmul.f32 v39, v40;
	[tilespmem:s10+$0x18CF0] =	vst v12  }
0x14d: {  	v49 =	vbroadcast v2, $0x9;
	v29 =	vld [tilespmem:s10+$0x18EF0];
	v9 =	vmul.f32 v41, v40;
	[tilespmem:s10+$0x18D30] =	vst v10  }
0x14e: {  	v42 =	vld [tilespmem:s10+$0x18D60];
	v11 =	vmul.f32 v43, v40;
	[tilespmem:s10+$0x18D40] =	vst v8  }
0x14f: {  	v46 =	vld [tilespmem:s10+$0x18DA0];
	v13 =	vmul.f32 v44, v49;
	[tilespmem:s10+$0x18D50] =	vst v9  }
0x150: {  	v47 =	vld [tilespmem:s10+$0x18DB0];
	v14 =	vmul.f32 v45, v49;
	[tilespmem:s10+$0x18D70] =	vst v11  }
0x151: {  	v48 =	vld [tilespmem:s10+$0x18DC0];
	v32 =	vmul.f32 v27, v24;
	[tilespmem:s10+$0x18D80] =	vst v13  }
0x152: {  	v51 =	vld [tilespmem:s10+$0x18DE0];
	v7 =	vmul.f32 v29, v24;
	[tilespmem:s10+$0x18D90] =	vst v14  }
0x153: {  	v52 =	vld [tilespmem:s10+$0x18DF0];
	v12 =	vmul.f32 v42, v40;
	[tilespmem:s10+$0x18ED0] =	vst v32  }
0x154: {  	v10 =	vmul.f32 v46, v49;
	[tilespmem:s10+$0x18EF0] =	vst v7  }
0x155: {  	v28 =	vld [tilespmem:s10+$0x18EE0];
	v8 =	vmul.f32 v47, v49;
	[tilespmem:s10+$0x18D60] =	vst v12  }
0x156: {  	v30 =	vld [tilespmem:s10+$0x18F00];
	v9 =	vmul.f32 v48, v49;
	[tilespmem:s10+$0x18DA0] =	vst v10  }
0x157: {  	v50 =	vld [tilespmem:s10+$0x18DD0];
	v5 =	vbroadcast v2, $0xF;
	v11 =	vmul.f32 v51, v49;
	[tilespmem:s10+$0x18DB0] =	vst v8  }
0x158: {  	v54 =	vld [tilespmem:s10+$0x18E10];
	v13 =	vmul.f32 v52, v49;
	[tilespmem:s10+$0x18DC0] =	vst v9  }
0x159: {  	v55 =	vld [tilespmem:s10+$0x18E20];
	v35 =	vbroadcast v2, $0xC;
	v4 =	vmul.f32 v4, v5;
	[tilespmem:s10+$0x18DE0] =	vst v11  }
0x15a: {  	v56 =	vld [tilespmem:s10+$0x18E30];
	v40 =	vmul.f32 v28, v24;
	[tilespmem:s10+$0x18DF0] =	vst v13  }
0x15b: {  	v60 =	vld [tilespmem:s10+$0x18E60];
	v16 =	vmul.f32 v30, v35;
	[tilespmem:s10+$0x190D0] =	vst v4  }
0x15c: {  	v62 =	vld [tilespmem:s10+$0x18910];
	v12 =	vmul.f32 v50, v49;
	[tilespmem:s10+$0x18EE0] =	vst v40  }
0x15d: {  	v63 =	vld [tilespmem:s10+$0x18940];
	v10 =	vmul.f32 v54, v6;
	[tilespmem:s10+$0x18F00] =	vst v16  }
0x15e: {  	v20 =	vld [tilespmem:s10+$0x18950];
	v8 =	vmul.f32 v55, v6;
	[tilespmem:s10+$0x18DD0] =	vst v12  }
0x15f: {  	v33 =	vld [tilespmem:s10+$0x18F30];
	v9 =	vmul.f32 v56, v6;
	[tilespmem:s10+$0x18E10] =	vst v10  }
0x160: {  	v61 =	vld [tilespmem:s10+$0x190F0];
	v6 =	vmul.f32 v60, v6;
	[tilespmem:s10+$0x18E20] =	vst v8  }
0x161: {  	v38 =	vld [tilespmem:s10+$0x18F70];
	v13 =	vmul.f32 v62, v3;
	[tilespmem:s10+$0x18E30] =	vst v9  }
0x162: {  	v22 =	vld [tilespmem:s10+$0x18EA0];
	v4 =	vmul.f32 v63, v3;
	[tilespmem:s10+$0x18E60] =	vst v6  }
0x163: {  	v23 =	vld [tilespmem:s10+$0x18EB0];
	v3 =	vmul.f32 v20, v3;
	[tilespmem:s10+$0x18910] =	vst v13  }
0x164: {  	v26 =	vld [tilespmem:s10+$0x18EC0];
	v62 =	vmul.f32 v33, v35;
	[tilespmem:s10+$0x18940] =	vst v4  }
0x165: {  	v31 =	vld [tilespmem:s10+$0x18F10];
	v63 =	vmul.f32 v61, v5;
	[tilespmem:s10+$0x18950] =	vst v3  }
0x166: {  	v34 =	vld [tilespmem:s10+$0x18F40];
	v16 =	vmul.f32 v38, v35;
	[tilespmem:s10+$0x18F30] =	vst v62  }
0x167: {  	v41 =	vld [tilespmem:s10+$0x18FA0];
	v8 =	vmul.f32 v22, v24;
	[tilespmem:s10+$0x190F0] =	vst v63  }
0x168: {  	v46 =	vld [tilespmem:s10+$0x18FE0];
	v9 =	vmul.f32 v23, v24;
	[tilespmem:s10+$0x18F70] =	vst v16  }
0x169: {  	v6 =	vmul.f32 v26, v24;
	v3 =	vld [tilespmem:s10+$0x18F90];
	[tilespmem:s10+$0x18EA0] =	vst v8  }
0x16a: {  	v36 =	vld [tilespmem:s10+$0x18F50];
	v44 =	vbroadcast v2, $0xD;
	v10 =	vmul.f32 v31, v35;
	[tilespmem:s10+$0x18EB0] =	vst v9  }
0x16b: {  	v37 =	vld [tilespmem:s10+$0x18F60];
	v13 =	vmul.f32 v34, v35;
	[tilespmem:s10+$0x18EC0] =	vst v6  }
0x16c: {  	v39 =	vld [tilespmem:s10+$0x18F80];
	v12 =	vmul.f32 v41, v44;
	[tilespmem:s10+$0x18F10] =	vst v10  }
0x16d: {  	v42 =	vld [tilespmem:s10+$0x18FB0];
	v51 =	vmul.f32 v46, v44;
	[tilespmem:s10+$0x18F40] =	vst v13  }
0x16e: {  	v48 =	vld [tilespmem:s10+$0x19010];
	[tilespmem:s10+$0x18FA0] =	vst v12;
	v3 =	vmul.f32 v3, v44  }
0x16f: {  	v49 =	vld [tilespmem:s10+$0x19020];
	v9 =	vmul.f32 v36, v35;
	[tilespmem:s10+$0x18FE0] =	vst v51  }
0x170: {  	v6 =	vmul.f32 v37, v35;
	[tilespmem:s10+$0x18F90] =	vst v3;
	v3 =	vld [tilespmem:s10+$0x19000]  }
0x171: {  	v2 =	vbroadcast v2, $0xE;
	v50 =	vld [tilespmem:s10+$0x19030];
	v10 =	vmul.f32 v39, v44;
	[tilespmem:s10+$0x18F50] =	vst v9  }
0x172: {  	v45 =	vld [tilespmem:s10+$0x18FD0];
	v13 =	vmul.f32 v42, v44;
	[tilespmem:s10+$0x18F60] =	vst v6  }
0x173: {  	v47 =	vld [tilespmem:s10+$0x18FF0];
	v12 =	vmul.f32 v48, v2;
	[tilespmem:s10+$0x18F80] =	vst v10  }
0x174: {  	v43 =	vld [tilespmem:s10+$0x18FC0];
	v11 =	vmul.f32 v49, v2;
	[tilespmem:s10+$0x18FB0] =	vst v13  }
0x175: {  	v55 =	vld [tilespmem:s10+$0x19080];
	[tilespmem:s10+$0x19010] =	vst v12;
	v3 =	vmul.f32 v3, v2  }
0x176: {  	v57 =	vld [tilespmem:s10+$0x190A0];
	v7 =	vmul.f32 v50, v2;
	[tilespmem:s10+$0x19020] =	vst v11  }
0x177: {  	v6 =	vmul.f32 v45, v44;
	[tilespmem:s10+$0x19000] =	vst v3;
	v3 =	vld [tilespmem:s10+$0x19070]  }
0x178: {  	v52 =	vld [tilespmem:s10+$0x19040];
	v10 =	vmul.f32 v47, v44;
	[tilespmem:s10+$0x19030] =	vst v7  }
0x179: {  	v56 =	vld [tilespmem:s10+$0x19090];
	v9 =	vmul.f32 v43, v44;
	[tilespmem:s10+$0x18FD0] =	vst v6  }
0x17a: {  	v54 =	vld [tilespmem:s10+$0x19060];
	v12 =	vmul.f32 v55, v5;
	[tilespmem:s10+$0x18FF0] =	vst v10  }
0x17b: {  	v58 =	vld [tilespmem:s10+$0x190B0];
	v7 =	vmul.f32 v57, v5;
	[tilespmem:s10+$0x18FC0] =	vst v9  }
0x17c: {  	v53 =	vld [tilespmem:s10+$0x19050];
	[tilespmem:s10+$0x19080] =	vst v12;
	v3 =	vmul.f32 v3, v2  }
0x17d: {  	v59 =	vld [tilespmem:s10+$0x190C0];
	v6 =	vmul.f32 v52, v2;
	[tilespmem:s10+$0x190A0] =	vst v7  }
0x17e: {  	v60 =	vld [tilespmem:s10+$0x190E0];
	[tilespmem:s10+$0x19070] =	vst v3;
	v3 =	vmul.f32 v56, v5  }
0x17f: {  	v10 =	vmul.f32 v54, v2;
	[tilespmem:s10+$0x19040] =	vst v6  }
0x180: {  	v4 =	vld [tilespmem:s10+$0x18F20];
	[tilespmem:s10+$0x19090] =	vst v3;
	v3 =	vmul.f32 v58, v5  }
0x181: {  	[tilespmem:s10+$0x19060] =	vst v10;
	v2 =	vmul.f32 v53, v2  }
0x182: {  	[tilespmem:s10+$0x190B0] =	vst v3;
	v3 =	vmul.f32 v59, v5  }
0x183: {  	[tilespmem:s10+$0x19050] =	vst v2;
	v5 =	vmul.f32 v60, v5  }
0x184: {  	[tilespmem:s10+$0x190C0] =	vst v3  }
0x185: {  	s11 =	simm.s32 $0x1;
	v3 =	vmul.f32 v4, v35;
	[tilespmem:s10+$0x190E0] =	vst v5  }
.LBB2_9:
0x186: {  	s12 =	sshll.u32 s11, $0x4  }
0x187: {  	p1 =	sne.s32 s11, $0x4;
	[tilespmem:s10+$0x18F20] =	vst v3;
	s10 =	smov.u32 s11;
	s11 =	sadd.s32 $0x1, s11  }
0x188: {  	s12 =	sand.u32 $0x3FFFFFF0, s12  }
0x189: {  	s10 =	sshll.u32 s10, $0xB;
	v2 =	vld [tilespmem:s12+$0x1B100]  }
0x18a: {  	s10 =	sand.u32 $0x3FFFF800, s10  }
0x18b: {  	v9 =	vld [tilespmem:s10+$0x189C0]  }
0x18c: {  	v10 =	vld [tilespmem:s10+$0x189D0]  }
0x18d: {  	v11 =	vld [tilespmem:s10+$0x189B0]  }
0x18e: {  	v3 =	vbroadcast v2, $0x0;
	v4 =	vld [tilespmem:s10+$0x18920];
	v8 =	vbroadcast v2, $0x4  }
0x18f: {  	v6 =	vld [tilespmem:s10+$0x18930]  }
0x190: {  	v7 =	vld [tilespmem:s10+$0x18E70]  }
0x191: {  	v12 =	vld [tilespmem:s10+$0x18960]  }
0x192: {  	v13 =	vld [tilespmem:s10+$0x18970]  }
0x193: {  	v5 =	vbroadcast v2, $0xA;
	v4 =	vmul.f32 v4, v3;
	v14 =	vld [tilespmem:s10+$0x18980]  }
0x194: {  	v6 =	vmul.f32 v6, v3;
	v15 =	vld [tilespmem:s10+$0x18990]  }
0x195: {  	[tilespmem:s10+$0x18920] =	vst v4;
	v16 =	vld [tilespmem:s10+$0x189A0];
	v4 =	vmul.f32 v7, v5  }
0x196: {  	[tilespmem:s10+$0x18930] =	vst v6;
	v7 =	vmul.f32 v12, v3;
	v12 =	vbroadcast v2, $0x1;
	v6 =	vld [tilespmem:s10+$0x18E80]  }
0x197: {  	v13 =	vmul.f32 v13, v3;
	[tilespmem:s10+$0x18E70] =	vst v4;
	v4 =	vld [tilespmem:s10+$0x190D0]  }
0x198: {  	[tilespmem:s10+$0x18960] =	vst v7;
	v14 =	vmul.f32 v14, v12;
	v7 =	vld [tilespmem:s10+$0x18E90]  }
0x199: {  	[tilespmem:s10+$0x18970] =	vst v13;
	v13 =	vmul.f32 v15, v12;
	v15 =	vld [tilespmem:s10+$0x189E0]  }
0x19a: {  	[tilespmem:s10+$0x18980] =	vst v14;
	v14 =	vmul.f32 v16, v12;
	v16 =	vld [tilespmem:s10+$0x189F0]  }
0x19b: {  	v11 =	vmul.f32 v11, v12;
	[tilespmem:s10+$0x18990] =	vst v13;
	v13 =	vld [tilespmem:s10+$0x18A00]  }
0x19c: {  	v9 =	vmul.f32 v9, v12;
	[tilespmem:s10+$0x189A0] =	vst v14;
	v14 =	vld [tilespmem:s10+$0x18A10]  }
0x19d: {  	v10 =	vmul.f32 v10, v12;
	[tilespmem:s10+$0x189B0] =	vst v11;
	v11 =	vld [tilespmem:s10+$0x18A20]  }
0x19e: {  	[tilespmem:s10+$0x189C0] =	vst v9;
	v9 =	vmul.f32 v15, v12;
	v15 =	vbroadcast v2, $0x2;
	v17 =	vld [tilespmem:s10+$0x18A30]  }
0x19f: {  	[tilespmem:s10+$0x189D0] =	vst v10;
	v10 =	vmul.f32 v16, v12;
	v12 =	vld [tilespmem:s10+$0x18A40]  }
0x1a0: {  	[tilespmem:s10+$0x189E0] =	vst v9;
	v9 =	vmul.f32 v13, v15;
	v13 =	vld [tilespmem:s10+$0x18A50]  }
0x1a1: {  	[tilespmem:s10+$0x189F0] =	vst v10;
	v10 =	vmul.f32 v14, v15;
	v14 =	vld [tilespmem:s10+$0x18A60]  }
0x1a2: {  	[tilespmem:s10+$0x18A00] =	vst v9;
	v9 =	vmul.f32 v11, v15;
	v11 =	vld [tilespmem:s10+$0x18A70]  }
0x1a3: {  	[tilespmem:s10+$0x18A10] =	vst v10;
	v10 =	vmul.f32 v17, v15;
	v16 =	vld [tilespmem:s10+$0x18A80]  }
0x1a4: {  	[tilespmem:s10+$0x18A20] =	vst v9;
	v9 =	vmul.f32 v12, v15;
	v12 =	vld [tilespmem:s10+$0x18A90]  }
0x1a5: {  	[tilespmem:s10+$0x18A30] =	vst v10;
	v10 =	vmul.f32 v13, v15;
	v13 =	vld [tilespmem:s10+$0x18AA0]  }
0x1a6: {  	[tilespmem:s10+$0x18A40] =	vst v9;
	v9 =	vmul.f32 v14, v15;
	v14 =	vbroadcast v2, $0x3;
	v17 =	vld [tilespmem:s10+$0x18AB0]  }
0x1a7: {  	[tilespmem:s10+$0x18A50] =	vst v10;
	v10 =	vmul.f32 v11, v15;
	v11 =	vld [tilespmem:s10+$0x18AC0]  }
0x1a8: {  	[tilespmem:s10+$0x18A60] =	vst v9;
	v9 =	vmul.f32 v16, v14;
	v15 =	vld [tilespmem:s10+$0x18AD0]  }
0x1a9: {  	[tilespmem:s10+$0x18A70] =	vst v10;
	v10 =	vmul.f32 v12, v14;
	v12 =	vld [tilespmem:s10+$0x18AE0]  }
0x1aa: {  	[tilespmem:s10+$0x18A80] =	vst v9;
	v9 =	vmul.f32 v13, v14;
	v13 =	vld [tilespmem:s10+$0x18AF0]  }
0x1ab: {  	[tilespmem:s10+$0x18A90] =	vst v10;
	v10 =	vmul.f32 v17, v14;
	v16 =	vld [tilespmem:s10+$0x18B00]  }
0x1ac: {  	[tilespmem:s10+$0x18AA0] =	vst v9;
	v9 =	vmul.f32 v11, v14;
	v11 =	vld [tilespmem:s10+$0x18B10]  }
0x1ad: {  	[tilespmem:s10+$0x18AB0] =	vst v10;
	v10 =	vmul.f32 v15, v14;
	v15 =	vld [tilespmem:s10+$0x18B20]  }
0x1ae: {  	[tilespmem:s10+$0x18AC0] =	vst v9;
	v9 =	vmul.f32 v12, v14;
	v12 =	vld [tilespmem:s10+$0x18B30]  }
0x1af: {  	[tilespmem:s10+$0x18AD0] =	vst v10;
	v10 =	vmul.f32 v13, v14;
	v13 =	vld [tilespmem:s10+$0x18B40]  }
0x1b0: {  	[tilespmem:s10+$0x18AE0] =	vst v9;
	v9 =	vmul.f32 v16, v8;
	v14 =	vld [tilespmem:s10+$0x18B50]  }
0x1b1: {  	[tilespmem:s10+$0x18AF0] =	vst v10;
	v10 =	vmul.f32 v11, v8;
	v11 =	vld [tilespmem:s10+$0x18B60]  }
0x1b2: {  	[tilespmem:s10+$0x18B00] =	vst v9;
	v9 =	vmul.f32 v15, v8;
	v15 =	vld [tilespmem:s10+$0x18B70]  }
0x1b3: {  	[tilespmem:s10+$0x18B10] =	vst v10;
	v10 =	vmul.f32 v12, v8;
	v12 =	vld [tilespmem:s10+$0x18B80]  }
0x1b4: {  	[tilespmem:s10+$0x18B20] =	vst v9;
	v9 =	vmul.f32 v13, v8;
	v13 =	vld [tilespmem:s10+$0x18B90]  }
0x1b5: {  	[tilespmem:s10+$0x18B30] =	vst v10;
	v10 =	vmul.f32 v14, v8;
	v14 =	vld [tilespmem:s10+$0x18BA0]  }
0x1b6: {  	[tilespmem:s10+$0x18B40] =	vst v9;
	v9 =	vmul.f32 v11, v8;
	v11 =	vbroadcast v2, $0x5;
	v16 =	vld [tilespmem:s10+$0x18BB0]  }
0x1b7: {  	[tilespmem:s10+$0x18B50] =	vst v10;
	v8 =	vmul.f32 v15, v8;
	v10 =	vld [tilespmem:s10+$0x18BC0]  }
0x1b8: {  	[tilespmem:s10+$0x18B60] =	vst v9;
	v9 =	vmul.f32 v12, v11;
	v12 =	vld [tilespmem:s10+$0x18BD0]  }
0x1b9: {  	[tilespmem:s10+$0x18B70] =	vst v8;
	v8 =	vmul.f32 v13, v11;
	v13 =	vld [tilespmem:s10+$0x18BE0]  }
0x1ba: {  	[tilespmem:s10+$0x18B80] =	vst v9;
	v9 =	vmul.f32 v14, v11;
	v14 =	vld [tilespmem:s10+$0x18BF0]  }
0x1bb: {  	[tilespmem:s10+$0x18B90] =	vst v8;
	v8 =	vmul.f32 v16, v11;
	v15 =	vld [tilespmem:s10+$0x18C00]  }
0x1bc: {  	[tilespmem:s10+$0x18BA0] =	vst v9;
	v9 =	vmul.f32 v10, v11;
	v10 =	vld [tilespmem:s10+$0x18C10]  }
0x1bd: {  	[tilespmem:s10+$0x18BB0] =	vst v8;
	v8 =	vmul.f32 v12, v11;
	v12 =	vld [tilespmem:s10+$0x18C20]  }
0x1be: {  	[tilespmem:s10+$0x18BC0] =	vst v9;
	v9 =	vmul.f32 v13, v11;
	v13 =	vbroadcast v2, $0x6;
	v16 =	vld [tilespmem:s10+$0x18C30]  }
0x1bf: {  	[tilespmem:s10+$0x18BD0] =	vst v8;
	v8 =	vmul.f32 v14, v11;
	v11 =	vld [tilespmem:s10+$0x18C40]  }
0x1c0: {  	[tilespmem:s10+$0x18BE0] =	vst v9;
	v9 =	vmul.f32 v15, v13;
	v14 =	vld [tilespmem:s10+$0x18C50]  }
0x1c1: {  	[tilespmem:s10+$0x18BF0] =	vst v8;
	v8 =	vmul.f32 v10, v13;
	v10 =	vld [tilespmem:s10+$0x18C60]  }
0x1c2: {  	[tilespmem:s10+$0x18C00] =	vst v9;
	v9 =	vmul.f32 v12, v13;
	v12 =	vld [tilespmem:s10+$0x18C70]  }
0x1c3: {  	[tilespmem:s10+$0x18C10] =	vst v8;
	v8 =	vmul.f32 v16, v13;
	v15 =	vld [tilespmem:s10+$0x18C80]  }
0x1c4: {  	[tilespmem:s10+$0x18C20] =	vst v9;
	v9 =	vmul.f32 v11, v13;
	v11 =	vld [tilespmem:s10+$0x18C90]  }
0x1c5: {  	[tilespmem:s10+$0x18C30] =	vst v8;
	v8 =	vmul.f32 v14, v13;
	v14 =	vld [tilespmem:s10+$0x18CA0]  }
0x1c6: {  	[tilespmem:s10+$0x18C40] =	vst v9;
	v9 =	vmul.f32 v10, v13;
	v10 =	vbroadcast v2, $0x7;
	v16 =	vld [tilespmem:s10+$0x18CB0]  }
0x1c7: {  	[tilespmem:s10+$0x18C50] =	vst v8;
	v8 =	vmul.f32 v12, v13;
	v12 =	vld [tilespmem:s10+$0x18CC0]  }
0x1c8: {  	[tilespmem:s10+$0x18C60] =	vst v9;
	v9 =	vmul.f32 v15, v10;
	v13 =	vld [tilespmem:s10+$0x18CD0]  }
0x1c9: {  	[tilespmem:s10+$0x18C70] =	vst v8;
	v8 =	vmul.f32 v11, v10;
	v11 =	vld [tilespmem:s10+$0x18CE0]  }
0x1ca: {  	[tilespmem:s10+$0x18C80] =	vst v9;
	v9 =	vmul.f32 v14, v10;
	v14 =	vld [tilespmem:s10+$0x18CF0]  }
0x1cb: {  	[tilespmem:s10+$0x18C90] =	vst v8;
	v8 =	vmul.f32 v16, v10;
	v15 =	vld [tilespmem:s10+$0x18D00]  }
0x1cc: {  	[tilespmem:s10+$0x18CA0] =	vst v9;
	v9 =	vmul.f32 v12, v10;
	v12 =	vld [tilespmem:s10+$0x18D10]  }
0x1cd: {  	[tilespmem:s10+$0x18CB0] =	vst v8;
	v8 =	vmul.f32 v13, v10;
	v13 =	vld [tilespmem:s10+$0x18D20]  }
0x1ce: {  	[tilespmem:s10+$0x18CC0] =	vst v9;
	v9 =	vmul.f32 v11, v10;
	v11 =	vbroadcast v2, $0x8;
	v16 =	vld [tilespmem:s10+$0x18D30]  }
0x1cf: {  	[tilespmem:s10+$0x18CD0] =	vst v8;
	v8 =	vmul.f32 v14, v10;
	v10 =	vld [tilespmem:s10+$0x18D40]  }
0x1d0: {  	[tilespmem:s10+$0x18CE0] =	vst v9;
	v9 =	vmul.f32 v15, v11;
	v14 =	vld [tilespmem:s10+$0x18D50]  }
0x1d1: {  	[tilespmem:s10+$0x18CF0] =	vst v8;
	v8 =	vmul.f32 v12, v11;
	v12 =	vld [tilespmem:s10+$0x18D60]  }
0x1d2: {  	[tilespmem:s10+$0x18D00] =	vst v9;
	v9 =	vmul.f32 v13, v11;
	v13 =	vld [tilespmem:s10+$0x18D70]  }
0x1d3: {  	[tilespmem:s10+$0x18D10] =	vst v8;
	v8 =	vmul.f32 v16, v11;
	v15 =	vld [tilespmem:s10+$0x18D80]  }
0x1d4: {  	[tilespmem:s10+$0x18D20] =	vst v9;
	v9 =	vmul.f32 v10, v11;
	v10 =	vld [tilespmem:s10+$0x18D90]  }
0x1d5: {  	[tilespmem:s10+$0x18D30] =	vst v8;
	v8 =	vmul.f32 v14, v11;
	v14 =	vld [tilespmem:s10+$0x18DA0]  }
0x1d6: {  	[tilespmem:s10+$0x18D40] =	vst v9;
	v9 =	vmul.f32 v12, v11;
	v12 =	vbroadcast v2, $0x9;
	v16 =	vld [tilespmem:s10+$0x18DB0]  }
0x1d7: {  	[tilespmem:s10+$0x18D50] =	vst v8;
	v8 =	vmul.f32 v13, v11;
	v11 =	vld [tilespmem:s10+$0x18DC0]  }
0x1d8: {  	[tilespmem:s10+$0x18D60] =	vst v9;
	v9 =	vmul.f32 v15, v12;
	v13 =	vld [tilespmem:s10+$0x18DD0]  }
0x1d9: {  	[tilespmem:s10+$0x18D70] =	vst v8;
	v8 =	vmul.f32 v10, v12;
	v10 =	vld [tilespmem:s10+$0x18DE0]  }
0x1da: {  	[tilespmem:s10+$0x18D80] =	vst v9;
	v9 =	vmul.f32 v14, v12;
	v14 =	vld [tilespmem:s10+$0x18DF0]  }
0x1db: {  	[tilespmem:s10+$0x18D90] =	vst v8;
	v8 =	vmul.f32 v16, v12;
	v15 =	vld [tilespmem:s10+$0x18E00]  }
0x1dc: {  	[tilespmem:s10+$0x18DA0] =	vst v9;
	v9 =	vmul.f32 v11, v12;
	v11 =	vld [tilespmem:s10+$0x18E10]  }
0x1dd: {  	[tilespmem:s10+$0x18DB0] =	vst v8;
	v8 =	vmul.f32 v13, v12;
	v13 =	vld [tilespmem:s10+$0x18E20]  }
0x1de: {  	[tilespmem:s10+$0x18DC0] =	vst v9;
	v9 =	vmul.f32 v10, v12;
	v10 =	vld [tilespmem:s10+$0x18E30]  }
0x1df: {  	[tilespmem:s10+$0x18DD0] =	vst v8;
	v8 =	vmul.f32 v14, v12;
	v12 =	vld [tilespmem:s10+$0x18E40]  }
0x1e0: {  	[tilespmem:s10+$0x18DE0] =	vst v9;
	v9 =	vmul.f32 v15, v5;
	v14 =	vld [tilespmem:s10+$0x18E50]  }
0x1e1: {  	[tilespmem:s10+$0x18DF0] =	vst v8;
	v8 =	vmul.f32 v11, v5;
	v11 =	vld [tilespmem:s10+$0x18E60]  }
0x1e2: {  	v15 =	vld [tilespmem:s10+$0x18900];
	[tilespmem:s10+$0x18E00] =	vst v9;
	v9 =	vmul.f32 v13, v5  }
0x1e3: {  	v13 =	vld [tilespmem:s10+$0x18910];
	[tilespmem:s10+$0x18E10] =	vst v8;
	v8 =	vmul.f32 v10, v5  }
0x1e4: {  	v10 =	vld [tilespmem:s10+$0x18940];
	[tilespmem:s10+$0x18E20] =	vst v9;
	v9 =	vmul.f32 v12, v5  }
0x1e5: {  	v12 =	vld [tilespmem:s10+$0x18950];
	[tilespmem:s10+$0x18E30] =	vst v8;
	v8 =	vmul.f32 v14, v5  }
0x1e6: {  	[tilespmem:s10+$0x18E40] =	vst v9;
	v9 =	vmul.f32 v11, v5;
	v11 =	vbroadcast v2, $0xB;
	v14 =	vld [tilespmem:s10+$0x18EA0]  }
0x1e7: {  	v5 =	vbroadcast v2, $0xF;
	v15 =	vmul.f32 v3, v15;
	[tilespmem:s10+$0x18E50] =	vst v8;
	v8 =	vld [tilespmem:s10+$0x18EB0]  }
0x1e8: {  	v13 =	vmul.f32 v13, v3;
	[tilespmem:s10+$0x18E60] =	vst v9;
	v6 =	vmul.f32 v6, v11;
	v9 =	vld [tilespmem:s10+$0x18EC0]  }
0x1e9: {  	v7 =	vmul.f32 v7, v11;
	[tilespmem:s10+$0x18900] =	vst v15;
	v10 =	vmul.f32 v10, v3;
	v15 =	vld [tilespmem:s10+$0x18ED0]  }
0x1ea: {  	v4 =	vmul.f32 v4, v5;
	v12 =	vmul.f32 v12, v3;
	[tilespmem:s10+$0x18E80] =	vst v6;
	v3 =	vld [tilespmem:s10+$0x18EE0]  }
0x1eb: {  	[tilespmem:s10+$0x18E90] =	vst v7;
	v6 =	vmul.f32 v14, v11;
	v7 =	vld [tilespmem:s10+$0x18EF0]  }
0x1ec: {  	v8 =	vmul.f32 v8, v11;
	v14 =	vld [tilespmem:s10+$0x18F00];
	[tilespmem:s10+$0x190D0] =	vst v4  }
0x1ed: {  	[tilespmem:s10+$0x18910] =	vst v13;
	v4 =	vmul.f32 v9, v11;
	v9 =	vld [tilespmem:s10+$0x18F10]  }
0x1ee: {  	[tilespmem:s10+$0x18940] =	vst v10;
	v10 =	vmul.f32 v15, v11;
	v13 =	vld [tilespmem:s10+$0x18F20]  }
0x1ef: {  	v15 =	vbroadcast v2, $0xC;
	[tilespmem:s10+$0x18EA0] =	vst v6;
	v6 =	vmul.f32 v3, v11;
	v16 =	vld [tilespmem:s10+$0x18F30]  }
0x1f0: {  	[tilespmem:s10+$0x18ED0] =	vst v10;
	v7 =	vmul.f32 v7, v11;
	v10 =	vld [tilespmem:s10+$0x18F40]  }
0x1f1: {  	[tilespmem:s10+$0x18EB0] =	vst v8;
	v3 =	vmul.f32 v14, v15;
	v8 =	vld [tilespmem:s10+$0x18F50]  }
0x1f2: {  	[tilespmem:s10+$0x18EC0] =	vst v4;
	v4 =	vmul.f32 v9, v15;
	v9 =	vld [tilespmem:s10+$0x18F60]  }
0x1f3: {  	[tilespmem:s10+$0x18F00] =	vst v3;
	v3 =	vmul.f32 v13, v15;
	v11 =	vld [tilespmem:s10+$0x18F70]  }
0x1f4: {  	[tilespmem:s10+$0x18F10] =	vst v4;
	v4 =	vld [tilespmem:s10+$0x18F80]  }
0x1f5: {  	[tilespmem:s10+$0x18950] =	vst v12;
	v10 =	vmul.f32 v10, v15;
	v12 =	vld [tilespmem:s10+$0x18F90]  }
0x1f6: {  	[tilespmem:s10+$0x18EE0] =	vst v6;
	v6 =	vmul.f32 v8, v15;
	v8 =	vld [tilespmem:s10+$0x18FA0]  }
0x1f7: {  	[tilespmem:s10+$0x18F40] =	vst v10;
	v9 =	vmul.f32 v9, v15;
	v10 =	vbroadcast v2, $0xD;
	v13 =	vld [tilespmem:s10+$0x18FB0]  }
0x1f8: {  	[tilespmem:s10+$0x18F50] =	vst v6;
	v6 =	vmul.f32 v11, v15;
	v11 =	vld [tilespmem:s10+$0x18FC0]  }
0x1f9: {  	[tilespmem:s10+$0x18F60] =	vst v9;
	v4 =	vmul.f32 v4, v10;
	v9 =	vld [tilespmem:s10+$0x18FD0]  }
0x1fa: {  	[tilespmem:s10+$0x18F70] =	vst v6;
	v6 =	vmul.f32 v12, v10;
	v12 =	vld [tilespmem:s10+$0x18FE0]  }
0x1fb: {  	[tilespmem:s10+$0x18F80] =	vst v4;
	v4 =	vmul.f32 v8, v10;
	v8 =	vld [tilespmem:s10+$0x18FF0]  }
0x1fc: {  	[tilespmem:s10+$0x18F90] =	vst v6;
	v6 =	vmul.f32 v13, v10;
	v13 =	vld [tilespmem:s10+$0x19000]  }
0x1fd: {  	[tilespmem:s10+$0x18FA0] =	vst v4;
	v4 =	vmul.f32 v11, v10;
	v11 =	vld [tilespmem:s10+$0x19010]  }
0x1fe: {  	[tilespmem:s10+$0x18FB0] =	vst v6;
	v6 =	vmul.f32 v9, v10;
	v9 =	vld [tilespmem:s10+$0x19020]  }
0x1ff: {  	v2 =	vbroadcast v2, $0xE;
	[tilespmem:s10+$0x18EF0] =	vst v7;
	v7 =	vmul.f32 v12, v10;
	v12 =	vld [tilespmem:s10+$0x19030]  }
0x200: {  	[tilespmem:s10+$0x18FD0] =	vst v6;
	v6 =	vmul.f32 v8, v10;
	v8 =	vld [tilespmem:s10+$0x19040]  }
0x201: {  	[tilespmem:s10+$0x18FE0] =	vst v7;
	v7 =	vmul.f32 v13, v2;
	v10 =	vld [tilespmem:s10+$0x19050]  }
0x202: {  	[tilespmem:s10+$0x18FF0] =	vst v6;
	v6 =	vmul.f32 v11, v2;
	v11 =	vld [tilespmem:s10+$0x19060]  }
0x203: {  	[tilespmem:s10+$0x19000] =	vst v7;
	v7 =	vmul.f32 v9, v2;
	v9 =	vld [tilespmem:s10+$0x19070]  }
0x204: {  	[tilespmem:s10+$0x19010] =	vst v6;
	v6 =	vmul.f32 v12, v2;
	v12 =	vld [tilespmem:s10+$0x19080]  }
0x205: {  	[tilespmem:s10+$0x19020] =	vst v7;
	v7 =	vmul.f32 v8, v2;
	v8 =	vld [tilespmem:s10+$0x19090]  }
0x206: {  	[tilespmem:s10+$0x19030] =	vst v6;
	v6 =	vmul.f32 v10, v2;
	v10 =	vld [tilespmem:s10+$0x190A0]  }
0x207: {  	[tilespmem:s10+$0x19040] =	vst v7;
	v7 =	vmul.f32 v11, v2;
	v11 =	vld [tilespmem:s10+$0x190B0]  }
0x208: {  	[tilespmem:s10+$0x18FC0] =	vst v4;
	v2 =	vmul.f32 v9, v2;
	v4 =	vld [tilespmem:s10+$0x190C0]  }
0x209: {  	[tilespmem:s10+$0x19060] =	vst v7;
	v7 =	vmul.f32 v12, v5;
	v9 =	vld [tilespmem:s10+$0x190E0]  }
0x20a: {  	[tilespmem:s10+$0x19070] =	vst v2;
	v2 =	vmul.f32 v8, v5;
	v8 =	vld [tilespmem:s10+$0x190F0]  }
0x20b: {  	[tilespmem:s10+$0x19080] =	vst v7;
	v7 =	vmul.f32 v10, v5  }
0x20c: {  	[tilespmem:s10+$0x19090] =	vst v2;
	v2 =	vmul.f32 v11, v5  }
0x20d: {  	v10 =	vmul.f32 v16, v15;
	[tilespmem:s10+$0x190A0] =	vst v7  }
0x20e: {  	[tilespmem:s10+$0x190B0] =	vst v2;
	v2 =	vmul.f32 v4, v5  }
.Ltmp3:
0x20f: {  	[tilespmem:s10+$0x18F30] =	vst v10;
	v4 =	vmul.f32 v8, v5;
	(pc) =	sbr.rel @p1 .LBB2_9-.Ltmp3, $4  }
0x210: {  	[tilespmem:s10+$0x190C0] =	vst v2  }
0x211: {  	v2 =	vmul.f32 v9, v5;
	[tilespmem:s10+$0x190F0] =	vst v4  }
0x212: {  	[tilespmem:s10+$0x19050] =	vst v6  }
0x213: {  	[tilespmem:s10+$0x190E0] =	vst v2  }
0x214: {  	s0 =	sadd.s32 $0x1, s0  }
0x215: {  	p1 =	sne.s32 s0, $0xFA  }
.Ltmp4:
0x216: {  	[tilespmem:s10+$0x18F20] =	vst v3;
	(pc) =	sbr.rel @p1 .LBB2_8-.Ltmp4, $4  }
0x217: {  	[spmem:s2] =	stream.indirect.scatter.add.f32 [tilespmem:s29], [sflag:$0x2], $0x80, s22, s26, $0xb8;
	[tilespmem:$0x1ED00] =	vst v63  }
0x218: {  	_ =	swait.ge [sflag:s17], $0x2800  }
0x219: {  	[sflag:s17] =	ssyncset.done $0x0  }
0x21a: {  	[sflag:s17] =	ssyncadd.s32 $0xFFFFD800  }
0x21b: {  	s0 =	sshll.u32 @!p0 s3, $0x6  }
0x21c: {  	[bflag:$0x0] =	sbarrier.arrive $0xFFFF;
	s10 =	sshrl.u32 @!p0 s9, $0x3;
	s0 =	sor.u32 @!p0 $0x1C02, s0  }
0x21d: {  	[hbm:s23], [sflag:s0] =	dma.local @!p0 [spmem:s10], $0x3E80  }
0x21e: {  	s0 =	simm.s32 @!p0 $0x2  }
0x21f: {  	s4 =	sadd.s32 $0x1, s4;
	_ =	swait.ge @!p0 [sflag:s0], $0x3E80  }
0x220: {  	s11 =	simm.s32 $0x80;
	p1 =	sne.s32 s4, s24;
	[sflag:s0] =	ssyncset.done @!p0 $0x0  }
.Ltmp5:
0x221: {  	s12 =	simm.s32 $0x400;
	[sflag:s0] =	ssyncadd.s32 @!p0 $0xFFFFC180;
	(pc) =	sbr.rel @p1 .LBB2_1-.Ltmp5, $4  }
0x222: {  	[hbm4b:s21+s11] =	stream.strided.scatter [tilespmem:s25], [sflag:$0x2], $0x2780, s12, s11, $0x38;
	[tilespmem:$0x1ED00] =	vst v63  }
0x223: {  	_ =	swait.ge [sflag:s17], $0x2780  }
0x224: {  	[sflag:s17] =	ssyncset.done $0x0  }
0x225: {  	[sflag:s17] =	ssyncadd.s32 $0xFFFFD880  }
0x226: {  	_ =	sfence.sel $0x180000  }
0x227: {  	[bflag:$0x0] =	sbarrier.arrive $0xFFFF  }
0x228: {  	_ =	strace $0x90000047  }
0x229: {  	[bflag:$0x2] =	sbarrier.arrive $0xFFFF  }
0x22a: {  	p0 =	sne.s32 s3, $0x0;
	s0 =	rddreg [dreg:$0x4]  }
0x22b: {  	s0 =	sadd.s32 @!p0 $0x100000, s0  }
0x22c: {  	[sflag:s0] =	ssyncadd.tile.s32 @!p0 $0x1;
	_ =	shalt  }
.Lfunc_end2:
_tile_overlayer_lowered:
.L_overlay_start_2:
0x22d: {  	(tag) =	ssettag $0x2  }
0x22e: {  	s0 =	rddreg [dreg:$0x0];
	s2 =	stileid.u32  }
0x22f: {  	s1 =	rddreg [dreg:$0x1];
	p0 =	sne.s32 s2, $0x0  }
0x230: {  	s3 =	rddreg [dreg:$0x2];
	[bflag:$0x3] =	sbarrier.arrive $0xFFFF;
	s2 =	simm.s32 @!p0 $0x1C02  }
0x231: {  	[timem:s3], [sflag:s2] =	dma.local @!p0 [hbm:s0], s1  }
0x232: {  	s0 =	simm.s32 @!p0 $0x2  }
0x233: {  	_ =	swait.ge @!p0 [sflag:s0], s1  }
0x234: {  	s1 =	ssub.s32 @!p0 $0x0, s1;
	[sflag:s0] =	ssyncset.done @!p0 $0x0  }
0x235: {  	[sflag:s0] =	ssyncadd.s32 @!p0 s1  }
0x236: {  	[bflag:$0x3] =	sbarrier.arrive $0xFFFF  }
0x237: {  	_ =	shalt  }

</sc_bundles>
